<compile_context>
chip_gen: v7x
topology: tpu7x:2x2x1
jax: 0.10.2.dev20260603
libtpu: 0.0.44.dev20260713+nightly
codegen_flags: <defaults>
</compile_context>

<pallas_src>
import functools

import jax
import jax.numpy as jnp
from jax import lax
from jax.experimental import pallas as pl
from jax.experimental.pallas import tpu as pltpu
from jax.experimental.pallas import tpu_sc as plsc

N_NODES_IN = 10000
N_EDGES_IN = 160000
N2 = 10240
E2 = 163840
CW = 256
NS = 100
NV = 16
EPS = 1e-8



def _vn3(x2):
    return jnp.sqrt(jnp.maximum(x2, EPS))


def _sca_ln(s, g, b):
    mu = jnp.mean(s, axis=-1, keepdims=True)
    var = jnp.mean((s - mu) ** 2, axis=-1, keepdims=True)
    return (s - mu) / jnp.sqrt(var + 1e-5) * g + b


def _vec_ln(v):
    ssq = jnp.maximum(v[0] ** 2 + v[1] ** 2 + v[2] ** 2, EPS)
    den = jnp.sqrt(jnp.mean(ssq, axis=-1, keepdims=True))
    return [vd / den for vd in v]


def _gvp_tail(vh, wv, gate):
    vo = [vhd @ wv for vhd in vh]
    if gate:
        g = jax.nn.sigmoid(_vn3(vo[0] ** 2 + vo[1] ** 2 + vo[2] ** 2))
        vo = [vod * g for vod in vo]
    return vo


def _store_packed(out_ref, s, v, tail):
    out_ref[:, 0:NS] = s
    for d in range(3):
        out_ref[:, NS + NV * d:NS + NV * (d + 1)] = v[d]
    out_ref[:, 148:CW] = tail



def _node_embed_body(hvs_ref, seq_ref, hvv_ref, lng_ref, lnb_ref, wh_ref,
                     ws1_ref, ws2_ref, ws3_ref, b_ref, wv_ref, out_ref):
    hvs = hvs_ref[...]
    seq = seq_ref[...]
    tot = 1286.0
    mu = (jnp.sum(hvs, 1, keepdims=True) + jnp.sum(seq, 1, keepdims=True)) / tot
    var = (jnp.sum((hvs - mu) ** 2, 1, keepdims=True)
           + jnp.sum((seq - mu) ** 2, 1, keepdims=True)) / tot
    sd = jnp.sqrt(var + 1e-5)
    g = lng_ref[...]
    b = lnb_ref[...]
    a = (hvs - mu) / sd * g[:, :6] + b[:, :6]
    q = (seq - mu) / sd * g[:, 6:] + b[:, 6:]
    v = [hvv_ref[:, 3 * d:3 * d + 3] for d in range(3)]
    v = _vec_ln(v)
    vh = [vd @ wh_ref[...] for vd in v]
    vn = _vn3(vh[0] ** 2 + vh[1] ** 2 + vh[2] ** 2)
    s = a @ ws1_ref[...] + q @ ws2_ref[...] + vn @ ws3_ref[...] + b_ref[...]
    wv = wv_ref[...]
    _store_packed(out_ref, s, [vh[d] @ wv for d in range(3)],
                  jnp.zeros((s.shape[0], CW - 148), jnp.float32))


def _edge_embed_body(hes_ref, hev_ref, lng_ref, lnb_ref, wh00_ref,
                     ws1_ref, ws2_ref, b_ref, wv00_ref, out_ref):
    s = _sca_ln(hes_ref[...], lng_ref[...], lnb_ref[...])
    hev = hev_ref[...]
    den = jnp.sqrt(jnp.maximum(
        hev[:, 0:1] ** 2 + hev[:, 1:2] ** 2 + hev[:, 2:3] ** 2, EPS))
    ev = hev / den
    vh = ev * wh00_ref[0, 0]
    vn = jnp.sqrt(jnp.maximum(
        vh[:, 0:1] ** 2 + vh[:, 1:2] ** 2 + vh[:, 2:3] ** 2, EPS))
    es = s @ ws1_ref[...] + vn * ws2_ref[...] + b_ref[...]
    out_ref[:, 0:32] = es
    out_ref[:, 32:35] = vh * wv00_ref[0, 0]
    out_ref[:, 35:64] = jnp.zeros((es.shape[0], 29), jnp.float32)


def _message_body(g_ref, ef_ref,
                  wha_ref, whm_ref, whb_ref, ws1_ref, ws2_ref, ws3_ref,
                  ws4_ref, b0_ref, wv0_ref,
                  wh1_ref, ws11_ref, ws12_ref, b1_ref, wv1_ref,
                  wh2_ref, ws21_ref, ws22_ref, b2_ref, wv2_ref,
                  out_ref):
    gsrc = g_ref[0]
    gdst = g_ref[1]
    ef = ef_ref[...]
    es = ef[:, 0:32]
    ssrc = gsrc[:, 0:NS]
    sdst = gdst[:, 0:NS]
    whm = whm_ref[...]
    vh = []
    for d in range(3):
        lo = NS + NV * d
        vh.append(gsrc[:, lo:lo + NV] @ wha_ref[...]
                  + ef[:, 32 + d:33 + d] * whm
                  + gdst[:, lo:lo + NV] @ whb_ref[...])
    vn = _vn3(vh[0] ** 2 + vh[1] ** 2 + vh[2] ** 2)
    s = (ssrc @ ws1_ref[...] + es @ ws2_ref[...] + sdst @ ws3_ref[...]
         + vn @ ws4_ref[...] + b0_ref[...])
    s = jax.nn.relu(s)
    vo = _gvp_tail(vh, wv0_ref[...], True)
    vh = [vod @ wh1_ref[...] for vod in vo]
    vn = _vn3(vh[0] ** 2 + vh[1] ** 2 + vh[2] ** 2)
    s = jax.nn.relu(s @ ws11_ref[...] + vn @ ws12_ref[...] + b1_ref[...])
    vo = _gvp_tail(vh, wv1_ref[...], True)
    vh = [vod @ wh2_ref[...] for vod in vo]
    vn = _vn3(vh[0] ** 2 + vh[1] ** 2 + vh[2] ** 2)
    s = s @ ws21_ref[...] + vn @ ws22_ref[...] + b2_ref[...]
    vo = _gvp_tail(vh, wv2_ref[...], False)
    bsz = s.shape[0]
    row = pl.program_id(0) * bsz + lax.broadcasted_iota(jnp.int32, (bsz, 1), 0)
    m = (row < N_EDGES_IN).astype(jnp.float32)
    tail = jnp.concatenate(
        [m, jnp.zeros((bsz, CW - 149), jnp.float32)], axis=1)
    _store_packed(out_ref, s * m, [vo[d] * m for d in range(3)], tail)


CB = 16


def _dedup_body(m_ref, d_ref, mo_ref, do_ref):
    iot = lax.broadcasted_iota(jnp.int32, (128, 128), 0)
    jot = lax.broadcasted_iota(jnp.int32, (128, 128), 1)
    for c in range(CB):
        d = d_ref[c:c + 1, :]
        dc = jnp.swapaxes(d, 0, 1)
        eq = dc == d
        prev = jnp.where(eq & (jot < iot), 1.0, 0.0)
        fo = jnp.sum(prev, axis=1, keepdims=True) == 0.0
        cmat = jnp.where(eq & fo, 1.0, 0.0)
        mo_ref[c * 128:(c + 1) * 128, :] = cmat @ m_ref[c * 128:(c + 1) * 128, :]
        do_ref[c:c + 1, :] = jnp.where(jnp.swapaxes(fo, 0, 1), d, N2)


def _node_update_body(t_ref, *refs):
    (a_refs, (n0g_ref, n0b_ref, f0wh_ref, f0ws1_ref, f0ws2_ref,
              f0b_ref, f0wv_ref, f1wh_ref, f1ws1_ref, f1ws2_ref,
              f1b_ref, f1wv_ref, n1g_ref, n1b_ref), out_ref) = (
        refs[:32], refs[32:-1], refs[-1])
    t = t_ref[...]
    agg = a_refs[0][0]
    for ar in a_refs[1:]:
        agg = agg + ar[0]
    cnt = jnp.maximum(agg[:, 148:149], 1.0)
    s = t[:, 0:NS] + agg[:, 0:NS] / cnt
    v = [t[:, NS + NV * d:NS + NV * (d + 1)]
         + agg[:, NS + NV * d:NS + NV * (d + 1)] / cnt for d in range(3)]
    s = _sca_ln(s, n0g_ref[...], n0b_ref[...])
    v = _vec_ln(v)
    vh = [vd @ f0wh_ref[...] for vd in v]
    vn = _vn3(vh[0] ** 2 + vh[1] ** 2 + vh[2] ** 2)
    fs = jax.nn.relu(s @ f0ws1_ref[...] + vn @ f0ws2_ref[...] + f0b_ref[...])
    fv = _gvp_tail(vh, f0wv_ref[...], True)
    vh = [fvd @ f1wh_ref[...] for fvd in fv]
    vn = _vn3(vh[0] ** 2 + vh[1] ** 2 + vh[2] ** 2)
    fs = fs @ f1ws1_ref[...] + vn @ f1ws2_ref[...] + f1b_ref[...]
    fv = _gvp_tail(vh, f1wv_ref[...], False)
    s = _sca_ln(s + fs, n1g_ref[...], n1b_ref[...])
    v = _vec_ln([v[d] + fv[d] for d in range(3)])
    _store_packed(out_ref, s, v,
                  jnp.zeros((s.shape[0], CW - 148), jnp.float32))


def _out_head_body(t_ref, lng_ref, lnb_ref, wh_ref, ws1_ref, ws2_ref, b_ref,
                   out_ref):
    t = t_ref[...]
    s = _sca_ln(t[:, 0:NS], lng_ref[...], lnb_ref[...])
    v = _vec_ln([t[:, NS + NV * d:NS + NV * (d + 1)] for d in range(3)])
    vh = [vd @ wh_ref[...] for vd in v]
    vn = _vn3(vh[0] ** 2 + vh[1] ** 2 + vh[2] ** 2)
    out_ref[...] = jax.nn.relu(
        s @ ws1_ref[...] + vn @ ws2_ref[...] + b_ref[...])


def _full_spec(a):
    return pl.BlockSpec(a.shape, lambda i: tuple(0 for _ in a.shape))


def _tc(body, grid, row_specs, weights, out_specs, out_shape, args):
    in_specs = row_specs + [_full_spec(w) for w in weights]
    return pl.pallas_call(
        body, grid=grid, in_specs=in_specs, out_specs=out_specs,
        out_shape=out_shape)(*args, *weights)



_MESH = dict(core_axis_name="c", subcore_axis_name="s")


def _sc_gather(table, idx):
    nidx = idx.shape[0]
    per_w = nidx // (32 * 128)

    @functools.partial(
        pl.kernel, mesh=plsc.VectorSubcoreMesh(**_MESH),
        out_type=jax.ShapeDtypeStruct((nidx, CW), jnp.float32),
        scratch_types=[pltpu.VMEM((128,), jnp.int32),
                       pltpu.VMEM((128, CW), jnp.float32),
                       pltpu.SemaphoreType.DMA],
    )
    def k(table_hbm, idx_hbm, out_hbm, idx_v, rows_v, sem):
        wid = lax.axis_index("s") * 2 + lax.axis_index("c")

        def body(j, carry):
            chunk = wid * per_w + j
            pltpu.sync_copy(idx_hbm.at[pl.ds(chunk * 128, 128)], idx_v)
            pltpu.async_copy(table_hbm.at[idx_v], rows_v, sem).wait()
            pltpu.sync_copy(rows_v, out_hbm.at[pl.ds(chunk * 128, 128)])
            return carry

        lax.fori_loop(0, per_w, body, 0)

    return k(table, idx)


def _sc_scatter(msgs, dst):
    nchunk = msgs.shape[0] // 128
    per_w = nchunk // 32
    zch = N2 // 128

    @functools.partial(
        pl.kernel, mesh=plsc.VectorSubcoreMesh(**_MESH),
        out_type=jax.ShapeDtypeStruct((32, N2 + 256, CW), jnp.float32),
        scratch_types=[pltpu.VMEM((128, CW), jnp.float32),
                       pltpu.VMEM((128, CW), jnp.float32),
                       pltpu.VMEM((128,), jnp.int32),
                       pltpu.SemaphoreType.DMA],
    )
    def k(m_hbm, d_hbm, out_hbm, buf, gbuf, idx_v, sem):
        cid = lax.axis_index("c")
        sid = lax.axis_index("s")
        wid = sid * 2 + cid
        zero16 = jnp.zeros((16,), jnp.float32)

        def zb(i, carry):
            buf[i // (CW // 16), pl.ds((i % (CW // 16)) * 16, 16)] = zero16
            return carry

        lax.fori_loop(0, 128 * (CW // 16), zb, 0)

        def zc(z, carry):
            pltpu.sync_copy(buf, out_hbm.at[wid].at[pl.ds(z * 128, 128)])
            return carry

        lax.fori_loop(0, zch, zc, 0)

        def body(j, carry):
            chunk = wid * per_w + j
            pltpu.sync_copy(d_hbm.at[pl.ds(chunk * 128, 128)], idx_v)
            pltpu.sync_copy(m_hbm.at[pl.ds(chunk * 128, 128)], buf)
            pltpu.async_copy(out_hbm.at[wid].at[idx_v], gbuf, sem).wait()

            def acc(i, carry2):
                r = i // (CW // 16)
                cc = (i % (CW // 16)) * 16
                buf[r, pl.ds(cc, 16)] = (buf[r, pl.ds(cc, 16)]
                                         + gbuf[r, pl.ds(cc, 16)])
                return carry2

            lax.fori_loop(0, 128 * (CW // 16), acc, 0)
            pltpu.sync_copy(buf, out_hbm.at[wid].at[idx_v])
            return carry

        lax.fori_loop(0, per_w, body, 0)

    return k(msgs, dst)



def _r2(x):
    return x.reshape(1, -1)


def _prep(params):
    P = {}
    g = params['Wv_gvp']
    P['ne'] = [_r2(params['Wv_ln']['g']), _r2(params['Wv_ln']['b']), g['wh'],
               g['ws']['w'][:6], g['ws']['w'][6:1286], g['ws']['w'][1286:],
               _r2(g['ws']['b']), g['wv']]
    e = params['We_gvp']
    P['ee'] = [_r2(params['We_ln']['g']), _r2(params['We_ln']['b']),
               e['wh'].reshape(1, 1), e['ws']['w'][:32], _r2(e['ws']['w'][32]),
               _r2(e['ws']['b']), e['wv'].reshape(1, 1)]
    o = params['Wout_gvp']
    P['out'] = [_r2(params['Wout_ln']['g']), _r2(params['Wout_ln']['b']),
                o['wh'], o['ws']['w'][:100], o['ws']['w'][100:],
                _r2(o['ws']['b'])]
    P['msg'] = []
    P['upd'] = []
    for lp in params['layers']:
        m0, m1, m2 = lp['conv']['m0'], lp['conv']['m1'], lp['conv']['m2']
        P['msg'].append([
            m0['wh'][0:16], _r2(m0['wh'][16]), m0['wh'][17:33],
            m0['ws']['w'][0:100], m0['ws']['w'][100:132],
            m0['ws']['w'][132:232], m0['ws']['w'][232:265],
            _r2(m0['ws']['b']), m0['wv'],
            m1['wh'], m1['ws']['w'][:100], m1['ws']['w'][100:],
            _r2(m1['ws']['b']), m1['wv'],
            m2['wh'], m2['ws']['w'][:100], m2['ws']['w'][100:],
            _r2(m2['ws']['b']), m2['wv'],
        ])
        P['upd'].append([
            _r2(lp['norm0']['g']), _r2(lp['norm0']['b']),
            lp['ff0']['wh'], lp['ff0']['ws']['w'][:100],
            lp['ff0']['ws']['w'][100:], _r2(lp['ff0']['ws']['b']),
            lp['ff0']['wv'],
            lp['ff1']['wh'], lp['ff1']['ws']['w'][:400],
            lp['ff1']['ws']['w'][400:], _r2(lp['ff1']['ws']['b']),
            lp['ff1']['wv'],
            _r2(lp['norm1']['g']), _r2(lp['norm1']['b']),
        ])
    return P



def kernel(h_V_s, h_V_v, edge_index, h_E_s, h_E_v, seq, params):
    P = _prep(params)
    n_pad = N2 - N_NODES_IN
    e_pad = E2 - N_EDGES_IN

    hvs = jnp.pad(h_V_s, ((0, n_pad), (0, 0)))
    seqp = jnp.pad(seq, ((0, n_pad), (0, 0)))
    hvv = jnp.pad(jnp.swapaxes(h_V_v, 1, 2).reshape(N_NODES_IN, 9),
                  ((0, n_pad), (0, 0)))
    hes = jnp.pad(h_E_s, ((0, e_pad), (0, 0)))
    hev = jnp.pad(h_E_v[:, 0, :], ((0, e_pad), (0, 0)))
    ei = jnp.pad(edge_index, ((0, 0), (0, e_pad)))
    idx = ei.reshape(2 * E2)
    dst2d = ei[1].reshape(E2 // 128, 128)

    BN = 1024
    gn = N2 // BN
    BE = 2048
    BM = 1280

    t = _tc(_node_embed_body, (gn,),
            [pl.BlockSpec((BN, 6), lambda i: (i, 0)),
             pl.BlockSpec((BN, 1280), lambda i: (i, 0)),
             pl.BlockSpec((BN, 9), lambda i: (i, 0))],
            P['ne'],
            pl.BlockSpec((BN, CW), lambda i: (i, 0)),
            jax.ShapeDtypeStruct((N2, CW), jnp.float32),
            [hvs, seqp, hvv])

    ef = _tc(_edge_embed_body, (E2 // BE,),
             [pl.BlockSpec((BE, 32), lambda i: (i, 0)),
              pl.BlockSpec((BE, 3), lambda i: (i, 0))],
             P['ee'],
             pl.BlockSpec((BE, 64), lambda i: (i, 0)),
             jax.ShapeDtypeStruct((E2, 64), jnp.float32),
             [hes, hev])

    for li in range(len(P['msg'])):
        gth = _sc_gather(t, idx).reshape(2, E2, CW)
        msgs = _tc(_message_body, (E2 // BM,),
                   [pl.BlockSpec((2, BM, CW), lambda i: (0, i, 0)),
                    pl.BlockSpec((BM, 64), lambda i: (i, 0))],
                   P['msg'][li],
                   pl.BlockSpec((BM, CW), lambda i: (i, 0)),
                   jax.ShapeDtypeStruct((E2, CW), jnp.float32),
                   [gth, ef])
        msgs2, dst2 = _tc(
            _dedup_body, (E2 // (CB * 128),),
            [pl.BlockSpec((CB * 128, CW), lambda i: (i, 0)),
             pl.BlockSpec((CB, 128), lambda i: (i, 0))],
            [],
            [pl.BlockSpec((CB * 128, CW), lambda i: (i, 0)),
             pl.BlockSpec((CB, 128), lambda i: (i, 0))],
            [jax.ShapeDtypeStruct((E2, CW), jnp.float32),
             jax.ShapeDtypeStruct((E2 // 128, 128), jnp.int32)],
            [msgs, dst2d])
        part = _sc_scatter(msgs2, dst2.reshape(E2))
        BU = 256
        t = _tc(_node_update_body, (N2 // BU,),
                [pl.BlockSpec((BU, CW), lambda i: (i, 0))]
                + [pl.BlockSpec((1, BU, CW),
                                functools.partial(lambda k, i: (k, i, 0), k))
                   for k in range(32)],
                P['upd'][li],
                pl.BlockSpec((BU, CW), lambda i: (i, 0)),
                jax.ShapeDtypeStruct((N2, CW), jnp.float32),
                [t] + [part] * 32)

    out = _tc(_out_head_body, (gn,),
              [pl.BlockSpec((BN, CW), lambda i: (i, 0))],
              P['out'],
              pl.BlockSpec((BN, NS), lambda i: (i, 0)),
              jax.ShapeDtypeStruct((N2, NS), jnp.float32),
              [t])
    return out[:N_NODES_IN]

# --- scband reference (transcript-rebuilt; emitter-appended) ---
"""Pipeline reference for scband-gvp-embedding-1477468750189 (READ-ONLY COPY).

The authoritative reference and input builder live on the scoring server;
editing this copy changes nothing except your own understanding.
"""

import jax, jax.numpy as jnp
import numpy as np

N_NODES = 10000
N_EDGES = 160000
NODE_IN = (6, 3)
SEQ_DIM = 1280
NODE_H = (100, 16)
EDGE_IN = (32, 1)
EDGE_H = (32, 1)
NUM_LAYERS = 3


def _norm_no_nan(x, axis=-1, keepdims=False, eps=1e-8, sqrt=True):
    out = jnp.maximum(jnp.sum(jnp.square(x), axis=axis, keepdims=keepdims), eps)
    return jnp.sqrt(out) if sqrt else out


def _lin_p(key, din, dout):
    k1, k2 = jax.random.split(key)
    return {'w': jax.random.normal(k1, (din, dout), jnp.float32) / np.sqrt(din),
            'b': jax.random.normal(k2, (dout,), jnp.float32) * 0.01}


def _gvp_p(key, si, vi, so, vo):
    ks = jax.random.split(key, 3)
    p = {}
    if vi:
        h = max(vi, vo)
        p['wh'] = jax.random.normal(ks[0], (vi, h), jnp.float32) / np.sqrt(vi)
        p['ws'] = _lin_p(ks[1], h + si, so)
        if vo:
            p['wv'] = jax.random.normal(ks[2], (h, vo), jnp.float32) / np.sqrt(h)
    else:
        p['ws'] = _lin_p(ks[1], si, so)
    return p


def _ln_p(dim):
    return {'g': jnp.ones((dim,), jnp.float32), 'b': jnp.zeros((dim,), jnp.float32)}


def _gvp(p, s, v, scalar_act, vector_act, vo):
    # Faithful port of gvp-pytorch GVP.forward (vector_gate=False)
    if 'wh' in p:
        vt = jnp.swapaxes(v, -1, -2)            # [n, 3, vi]
        vh = vt @ p['wh']                        # [n, 3, h]
        vn = _norm_no_nan(vh, axis=-2)           # [n, h]
        s = jnp.concatenate([s, vn], axis=-1) @ p['ws']['w'] + p['ws']['b']
        if vo:
            vout = jnp.swapaxes(vh @ p['wv'], -1, -2)   # [n, vo, 3]
            if vector_act is not None:
                vout = vout * vector_act(_norm_no_nan(vout, axis=-1, keepdims=True))
        else:
            vout = None
    else:
        s = s @ p['ws']['w'] + p['ws']['b']
        vout = jnp.zeros(s.shape[:-1] + (vo, 3), s.dtype) if vo else None
    if scalar_act is not None:
        s = scalar_act(s)
    return s, vout


def _layernorm(p, s, v):
    mu = jnp.mean(s, axis=-1, keepdims=True)
    var = jnp.mean(jnp.square(s - mu), axis=-1, keepdims=True)
    s = (s - mu) / jnp.sqrt(var + 1e-5) * p['g'] + p['b']
    if v is not None:
        vn = _norm_no_nan(v, axis=-1, keepdims=True, sqrt=False)
        vn = jnp.sqrt(jnp.mean(vn, axis=-2, keepdims=True))
        v = v / vn
    return s, v


def _gvp_conv(p, s, v, edge_index, es, ev, vo_node):
    # PyG MessagePassing flow source_to_target: j = edge_index[0], i = edge_index[1]
    src = edge_index[0]
    dst = edge_index[1]
    ms = jnp.concatenate([s[src], es, s[dst]], axis=-1)
    mv = jnp.concatenate([v[src], ev, v[dst]], axis=1)
    ms, mv = _gvp(p['m0'], ms, mv, jax.nn.relu, jax.nn.sigmoid, vo_node)
    ms, mv = _gvp(p['m1'], ms, mv, jax.nn.relu, jax.nn.sigmoid, vo_node)
    ms, mv = _gvp(p['m2'], ms, mv, None, None, vo_node)
    n = s.shape[0]
    agg_s = jax.ops.segment_sum(ms, dst, num_segments=n)
    agg_v = jax.ops.segment_sum(mv, dst, num_segments=n)
    cnt = jnp.maximum(jax.ops.segment_sum(jnp.ones((dst.shape[0],), s.dtype), dst, num_segments=n), 1.0)
    return agg_s / cnt[:, None], agg_v / cnt[:, None, None]


def _conv_layer(p, s, v, edge_index, es, ev):
    # GVPConvLayer: conv -> residual+LN -> ff -> residual+LN (dropout = identity in eval)
    dhs, dhv = _gvp_conv(p['conv'], s, v, edge_index, es, ev, NODE_H[1])
    s, v = _layernorm(p['norm0'], s + dhs, v + dhv)
    fs, fv = _gvp(p['ff0'], s, v, jax.nn.relu, jax.nn.sigmoid, 2 * NODE_H[1])
    fs, fv = _gvp(p['ff1'], fs, fv, None, None, NODE_H[1])
    s, v = _layernorm(p['norm1'], s + fs, v + fv)
    return s, v


def make_params(key):
    si = NODE_IN[0] + SEQ_DIM  # plm=True appends 1280-dim seq embedding
    ns, nv = NODE_H
    es_d, ev_d = EDGE_H
    ks = iter(jax.random.split(key, 64))
    params = {
        'Wv_ln': _ln_p(si),
        'Wv_gvp': _gvp_p(next(ks), si, NODE_IN[1], ns, nv),
        'We_ln': _ln_p(EDGE_IN[0]),
        'We_gvp': _gvp_p(next(ks), EDGE_IN[0], EDGE_IN[1], es_d, ev_d),
        'Wout_ln': _ln_p(ns),
        'Wout_gvp': _gvp_p(next(ks), ns, nv, ns, 0),
        'layers': [],
    }
    for _ in range(NUM_LAYERS):
        params['layers'].append({
            'conv': {
                'm0': _gvp_p(next(ks), 2 * ns + es_d, 2 * nv + ev_d, ns, nv),
                'm1': _gvp_p(next(ks), ns, nv, ns, nv),
                'm2': _gvp_p(next(ks), ns, nv, ns, nv),
            },
            'norm0': _ln_p(ns),
            'norm1': _ln_p(ns),
            'ff0': _gvp_p(next(ks), ns, nv, 4 * ns, 2 * nv),
            'ff1': _gvp_p(next(ks), 4 * ns, 2 * nv, ns, nv),
        })
    return params


def _forward(params, h_V_s, h_V_v, edge_index, h_E_s, h_E_v, seq):
    s = jnp.concatenate([h_V_s, seq], axis=-1)  # plm=True: seq used directly
    v = h_V_v
    s, v = _layernorm(params['Wv_ln'], s, v)
    s, v = _gvp(params['Wv_gvp'], s, v, None, None, NODE_H[1])
    es, ev = _layernorm(params['We_ln'], h_E_s, h_E_v)
    es, ev = _gvp(params['We_gvp'], es, ev, None, None, EDGE_H[1])
    for lp in params['layers']:
        s, v = _conv_layer(lp, s, v, edge_index, es, ev)
    s, v = _layernorm(params['Wout_ln'], s, v)
    out, _ = _gvp(params['Wout_gvp'], s, v, jax.nn.relu, jax.nn.sigmoid, 0)
    return out


def setup_inputs(seed: int = 0):
    key = jax.random.key(seed)
    k = jax.random.split(key, 8)
    return {
        'h_V_s': jax.random.normal(k[0], (N_NODES, NODE_IN[0]), jnp.float32),
        'h_V_v': jax.random.normal(k[1], (N_NODES, NODE_IN[1], 3), jnp.float32),
        'edge_index': jax.random.randint(k[2], (2, N_EDGES), 0, N_NODES, jnp.int32),
        'h_E_s': jax.random.normal(k[3], (N_EDGES, EDGE_IN[0]), jnp.float32),
        'h_E_v': jax.random.normal(k[4], (N_EDGES, EDGE_IN[1], 3), jnp.float32),
        'seq': jax.random.normal(k[5], (N_NODES, SEQ_DIM), jnp.float32),
        'params': make_params(k[6]),
    }


def reference(h_V_s, h_V_v, edge_index, h_E_s, h_E_v, seq, params):
    return _forward(params, h_V_s, h_V_v, edge_index, h_E_s, h_E_v, seq)

if __name__ == "__main__":
    import jax
    _d = setup_inputs()
    print(jax.jit(kernel)(*tuple(_d.values())))

</pallas_src>

<mosaic_0001>
#map = affine_map<(d0, d1) -> (0, 0)>
#map1 = affine_map<(d0, d1) -> (0)>
#map2 = affine_map<(d0, d1) -> (0, 0, 0)>
module attributes {stable_mosaic.version = 14 : i64} {
  func.func @k(%arg0: i32, %arg1: i32, %arg2: memref<163840x256xf32, #tpu.memory_space<hbm>>, %arg3: memref<163840xi32, #tpu.memory_space<hbm>>, %arg4: memref<32x10496x256xf32, #tpu.memory_space<hbm>>, %arg5: memref<128x256xf32, #tpu.memory_space<vmem>>, %arg6: memref<128x256xf32, #tpu.memory_space<vmem>>, %arg7: memref<128xi32, #tpu.memory_space<vmem>>, %arg8: memref<!tpu.dma_semaphore, #tpu.memory_space<semaphore_mem>>) attributes {dimension_semantics = [#tpu.dimension_semantics<core_parallel>, #tpu.dimension_semantics<subcore_parallel>], iteration_bounds = array<i64: 2, 16>, scalar_prefetch = 0 : i64, scratch_operands = 4 : i64, tpu.core_type = #tpu.core_type<sc_vector_subcore>, window_params = [{transform_indices = #map}, {transform_indices = #map1}, {transform_indices = #map2}]} {
    %mul3A = arith.constant 2 : i32
    %mul3A_0 = arith.muli %arg1, %mul3A : i32
    %add3A = arith.addi %mul3A_0, %arg0 : i32
    %broadcast_in_dim3A = arith.constant 0.000000e+00 : f32
    %broadcast_in_dim3A_1 = vector.broadcast %broadcast_in_dim3A : f32 to vector<16xf32>
    %scan3A = arith.constant 0 : i32
    %scan3A_2 = arith.constant 0 : i32
    %scan3A_3 = arith.constant 2048 : i32
    %scan3A_4 = arith.addi %scan3A_2, %scan3A_3 : i32
    %scan3A_5 = arith.constant 1 : i32
    scf.for %scan3A_19 = %scan3A_2 to %scan3A_4 step %scan3A_5  : i32 {
      %jit3A = arith.constant 16 : i32
      %div3A = arith.divsi %scan3A_19, %jit3A : i32
      %sign3A = arith.constant 0 : i32
      %sign3A_20 = arith.cmpi sgt, %scan3A_19, %sign3A : i32
      %sign3A_21 = arith.extui %sign3A_20 : i1 to i32
      %sign3A_22 = arith.constant 0 : i32
      %sign3A_23 = arith.cmpi slt, %scan3A_19, %sign3A_22 : i32
      %sign3A_24 = arith.extui %sign3A_23 : i1 to i32
      %sign3A_25 = arith.subi %sign3A_21, %sign3A_24 : i32
      %sign3A_26 = arith.constant 0 : i32
      %sign3A_27 = arith.cmpi sgt, %jit3A, %sign3A_26 : i32
      %sign3A_28 = arith.extui %sign3A_27 : i1 to i32
      %sign3A_29 = arith.constant 0 : i32
      %sign3A_30 = arith.cmpi slt, %jit3A, %sign3A_29 : i32
      %sign3A_31 = arith.extui %sign3A_30 : i1 to i32
      %sign3A_32 = arith.subi %sign3A_28, %sign3A_31 : i32
      %ne3A = arith.cmpi ne, %sign3A_25, %sign3A_32 : i32
      %rem3A = arith.remsi %scan3A_19, %jit3A : i32
      %ne3A_33 = arith.constant 0 : i32
      %ne3A_34 = arith.cmpi ne, %rem3A, %ne3A_33 : i32
      %and3A = arith.andi %ne3A, %ne3A_34 : i1
      %sub3A = arith.constant 1 : i32
      %sub3A_35 = arith.subi %div3A, %sub3A : i32
      %select_n3A = arith.select %and3A, %sub3A_35, %div3A : i32
      %jit3A_36 = arith.constant 16 : i32
      %eq3A = arith.constant 0 : i32
      %eq3A_37 = arith.cmpi eq, %jit3A_36, %eq3A : i32
      %jit3A_38 = arith.constant 1 : i32
      %select_n3A_39 = arith.select %eq3A_37, %jit3A_38, %jit3A_36 : i32
      %rem3A_40 = arith.remsi %scan3A_19, %select_n3A_39 : i32
      %ne3A_41 = arith.constant 0 : i32
      %ne3A_42 = arith.cmpi ne, %rem3A_40, %ne3A_41 : i32
      %lt3A = arith.constant 0 : i32
      %lt3A_43 = arith.cmpi slt, %rem3A_40, %lt3A : i32
      %lt3A_44 = arith.constant 0 : i32
      %lt3A_45 = arith.cmpi slt, %select_n3A_39, %lt3A_44 : i32
      %ne3A_46 = arith.xori %lt3A_43, %lt3A_45 : i1
      %and3A_47 = arith.andi %ne3A_46, %ne3A_42 : i1
      %add3A_48 = arith.addi %rem3A_40, %select_n3A_39 : i32
      %select_n3A_49 = arith.select %and3A_47, %add3A_48, %rem3A_40 : i32
      %mul3A_50 = arith.constant 16 : i32
      %mul3A_51 = arith.muli %select_n3A_49, %mul3A_50 : i32
      %swap3A = arith.index_cast %select_n3A : i32 to index
      %swap3A_52 = arith.index_cast %mul3A_51 : i32 to index
      %swap3A_53 = tpu.vector_load %arg5[%swap3A, %swap3A_52] {strides = array<i32>} : memref<128x256xf32, #tpu.memory_space<vmem>>, vector<1x16xf32>,
      %swap3A_54 = vector.shape_cast %swap3A_53 : vector<1x16xf32> to vector<16xf32>
      %swap3A_55 = vector.shape_cast %broadcast_in_dim3A_1 : vector<16xf32> to vector<1x16xf32>
      tpu.vector_store %arg5[%swap3A, %swap3A_52], %swap3A_55 {strides = array<i32>} : memref<128x256xf32, #tpu.memory_space<vmem>>, vector<1x16xf32>,
    }
    %scan3A_6 = arith.constant 2048 : i32
    %scan3A_7 = arith.constant 0 : i32
    %scan3A_8 = arith.constant 0 : i32
    %scan3A_9 = arith.constant 80 : i32
    %scan3A_10 = arith.addi %scan3A_8, %scan3A_9 : i32
    %scan3A_11 = arith.constant 1 : i32
    scf.for %scan3A_19 = %scan3A_8 to %scan3A_10 step %scan3A_11  : i32 {
      %mul3A_20 = arith.constant 128 : i32
      %mul3A_21 = arith.muli %scan3A_19, %mul3A_20 : i32
      "tpu.region"() ({
        %run_scoped3A = tpu.sem_alloc : memref<!tpu.dma_semaphore, #tpu.memory_space<semaphore_mem>>
        %dma_start3A = arith.constant 0 : i32
        %dma_start3A_22 = arith.constant 0 : i32
        %dma_start3A_23 = tpu.memref_slice %arg4[%add3A, %dma_start3A, %dma_start3A_22] : memref<32x10496x256xf32, #tpu.memory_space<hbm>> -> memref<1x10496x256xf32, #tpu.memory_space<hbm>>
        %dma_start3A_24 = tpu.memref_squeeze %dma_start3A_23 : memref<1x10496x256xf32, #tpu.memory_space<hbm>> -> memref<10496x256xf32, #tpu.memory_space<hbm>>
        %dma_start3A_25 = arith.constant 0 : i32
        %dma_start3A_26 = tpu.memref_slice %dma_start3A_24[%mul3A_21, %dma_start3A_25] : memref<10496x256xf32, #tpu.memory_space<hbm>> -> memref<128x256xf32, #tpu.memory_space<hbm>>
        %dma_start3A_27 = arith.constant 0 : i32
        %dma_start3A_28 = arith.constant 0 : i32
        %dma_start3A_29 = tpu.memref_slice %arg4[%add3A, %dma_start3A_27, %dma_start3A_28] : memref<32x10496x256xf32, #tpu.memory_space<hbm>> -> memref<1x10496x256xf32, #tpu.memory_space<hbm>>
        %dma_start3A_30 = tpu.memref_squeeze %dma_start3A_29 : memref<1x10496x256xf32, #tpu.memory_space<hbm>> -> memref<10496x256xf32, #tpu.memory_space<hbm>>
        %dma_start3A_31 = arith.constant 0 : i32
        %dma_start3A_32 = tpu.memref_slice %dma_start3A_30[%mul3A_21, %dma_start3A_31] : memref<10496x256xf32, #tpu.memory_space<hbm>> -> memref<128x256xf32, #tpu.memory_space<hbm>>
        tpu.enqueue_dma source(%arg5 : memref<128x256xf32, #tpu.memory_space<vmem>>) target(%dma_start3A_32 : memref<128x256xf32, #tpu.memory_space<hbm>>) target_semaphore(%run_scoped3A : memref<!tpu.dma_semaphore, #tpu.memory_space<semaphore_mem>>)
        %dma_wait3A = arith.constant 0 : i32
        %dma_wait3A_33 = arith.constant 0 : i32
        %dma_wait3A_34 = tpu.memref_slice %arg4[%add3A, %dma_wait3A, %dma_wait3A_33] : memref<32x10496x256xf32, #tpu.memory_space<hbm>> -> memref<1x10496x256xf32, #tpu.memory_space<hbm>>
        %dma_wait3A_35 = tpu.memref_squeeze %dma_wait3A_34 : memref<1x10496x256xf32, #tpu.memory_space<hbm>> -> memref<10496x256xf32, #tpu.memory_space<hbm>>
        %dma_wait3A_36 = arith.constant 0 : i32
        %dma_wait3A_37 = tpu.memref_slice %dma_wait3A_35[%mul3A_21, %dma_wait3A_36] : memref<10496x256xf32, #tpu.memory_space<hbm>> -> memref<128x256xf32, #tpu.memory_space<hbm>>
        %dma_wait3A_38 = arith.constant 0 : i32
        %dma_wait3A_39 = arith.constant 0 : i32
        %dma_wait3A_40 = tpu.memref_slice %arg4[%add3A, %dma_wait3A_38, %dma_wait3A_39] : memref<32x10496x256xf32, #tpu.memory_space<hbm>> -> memref<1x10496x256xf32, #tpu.memory_space<hbm>>
        %dma_wait3A_41 = tpu.memref_squeeze %dma_wait3A_40 : memref<1x10496x256xf32, #tpu.memory_space<hbm>> -> memref<10496x256xf32, #tpu.memory_space<hbm>>
        %dma_wait3A_42 = arith.constant 0 : i32
        %dma_wait3A_43 = tpu.memref_slice %dma_wait3A_41[%mul3A_21, %dma_wait3A_42] : memref<10496x256xf32, #tpu.memory_space<hbm>> -> memref<128x256xf32, #tpu.memory_space<hbm>>
        tpu.wait_dma2 semaphore(%run_scoped3A : memref<!tpu.dma_semaphore, #tpu.memory_space<semaphore_mem>>) src(%arg5 : memref<128x256xf32, #tpu.memory_space<vmem>>) dst(%dma_wait3A_43 : memref<128x256xf32, #tpu.memory_space<hbm>>)
        tpu.yield
      }) : () -> ()
    }
    %scan3A_12 = arith.constant 80 : i32
    %scan3A_13 = arith.constant 0 : i32
    %scan3A_14 = arith.constant 0 : i32
    %scan3A_15 = arith.constant 40 : i32
    %scan3A_16 = arith.addi %scan3A_14, %scan3A_15 : i32
    %scan3A_17 = arith.constant 1 : i32
    scf.for %scan3A_19 = %scan3A_14 to %scan3A_16 step %scan3A_17  : i32 {
      %mul3A_20 = arith.constant 40 : i32
      %mul3A_21 = arith.muli %add3A, %mul3A_20 : i32
      %add3A_22 = arith.addi %mul3A_21, %scan3A_19 : i32
      %mul3A_23 = arith.constant 128 : i32
      %mul3A_24 = arith.muli %add3A_22, %mul3A_23 : i32
      "tpu.region"() ({
        %run_scoped3A = tpu.sem_alloc : memref<!tpu.dma_semaphore, #tpu.memory_space<semaphore_mem>>
        %dma_start3A_45 = tpu.memref_slice %arg3[%mul3A_24] : memref<163840xi32, #tpu.memory_space<hbm>> -> memref<128xi32, #tpu.memory_space<hbm>>
        %dma_start3A_46 = tpu.memref_slice %arg3[%mul3A_24] : memref<163840xi32, #tpu.memory_space<hbm>> -> memref<128xi32, #tpu.memory_space<hbm>>
        tpu.enqueue_dma source(%dma_start3A_46 : memref<128xi32, #tpu.memory_space<hbm>>) target(%arg7 : memref<128xi32, #tpu.memory_space<vmem>>) target_semaphore(%run_scoped3A : memref<!tpu.dma_semaphore, #tpu.memory_space<semaphore_mem>>)
        %dma_wait3A_47 = tpu.memref_slice %arg3[%mul3A_24] : memref<163840xi32, #tpu.memory_space<hbm>> -> memref<128xi32, #tpu.memory_space<hbm>>
        %dma_wait3A_48 = tpu.memref_slice %arg3[%mul3A_24] : memref<163840xi32, #tpu.memory_space<hbm>> -> memref<128xi32, #tpu.memory_space<hbm>>
        tpu.wait_dma2 semaphore(%run_scoped3A : memref<!tpu.dma_semaphore, #tpu.memory_space<semaphore_mem>>) src(%dma_wait3A_48 : memref<128xi32, #tpu.memory_space<hbm>>) dst(%arg7 : memref<128xi32, #tpu.memory_space<vmem>>)
        tpu.yield
      }) : () -> ()
      %mul3A_25 = arith.constant 128 : i32
      %mul3A_26 = arith.muli %add3A_22, %mul3A_25 : i32
      "tpu.region"() ({
        %run_scoped3A = tpu.sem_alloc : memref<!tpu.dma_semaphore, #tpu.memory_space<semaphore_mem>>
        %dma_start3A_45 = arith.constant 0 : i32
        %dma_start3A_46 = tpu.memref_slice %arg2[%mul3A_26, %dma_start3A_45] : memref<163840x256xf32, #tpu.memory_space<hbm>> -> memref<128x256xf32, #tpu.memory_space<hbm>>
        %dma_start3A_47 = arith.constant 0 : i32
        %dma_start3A_48 = tpu.memref_slice %arg2[%mul3A_26, %dma_start3A_47] : memref<163840x256xf32, #tpu.memory_space<hbm>> -> memref<128x256xf32, #tpu.memory_space<hbm>>
        tpu.enqueue_dma source(%dma_start3A_48 : memref<128x256xf32, #tpu.memory_space<hbm>>) target(%arg5 : memref<128x256xf32, #tpu.memory_space<vmem>>) target_semaphore(%run_scoped3A : memref<!tpu.dma_semaphore, #tpu.memory_space<semaphore_mem>>)
        %dma_wait3A_49 = arith.constant 0 : i32
        %dma_wait3A_50 = tpu.memref_slice %arg2[%mul3A_26, %dma_wait3A_49] : memref<163840x256xf32, #tpu.memory_space<hbm>> -> memref<128x256xf32, #tpu.memory_space<hbm>>
        %dma_wait3A_51 = arith.constant 0 : i32
        %dma_wait3A_52 = tpu.memref_slice %arg2[%mul3A_26, %dma_wait3A_51] : memref<163840x256xf32, #tpu.memory_space<hbm>> -> memref<128x256xf32, #tpu.memory_space<hbm>>
        tpu.wait_dma2 semaphore(%run_scoped3A : memref<!tpu.dma_semaphore, #tpu.memory_space<semaphore_mem>>) src(%dma_wait3A_52 : memref<128x256xf32, #tpu.memory_space<hbm>>) dst(%arg5 : memref<128x256xf32, #tpu.memory_space<vmem>>)
        tpu.yield
      }) : () -> ()
      %dma_start3A = arith.constant 0 : i32
      %dma_start3A_27 = arith.constant 0 : i32
      %dma_start3A_28 = tpu.memref_slice %arg4[%add3A, %dma_start3A, %dma_start3A_27] : memref<32x10496x256xf32, #tpu.memory_space<hbm>> -> memref<1x10496x256xf32, #tpu.memory_space<hbm>>
      %dma_start3A_29 = tpu.memref_squeeze %dma_start3A_28 : memref<1x10496x256xf32, #tpu.memory_space<hbm>> -> memref<10496x256xf32, #tpu.memory_space<hbm>>
      %dma_start3A_30 = arith.constant 0 : i32
      %dma_start3A_31 = arith.constant 0 : i32
      %dma_start3A_32 = tpu.memref_slice %dma_start3A_29[%dma_start3A_30, %dma_start3A_31] : memref<10496x256xf32, #tpu.memory_space<hbm>> -> memref<10496x256xf32, #tpu.memory_space<hbm>>
      tpu.enqueue_indirect_dma source(%dma_start3A_32 : memref<10496x256xf32, #tpu.memory_space<hbm>>) target(%arg6 : memref<128x256xf32, #tpu.memory_space<vmem>>) offsets(%arg7 : memref<128xi32, #tpu.memory_space<vmem>>) semaphore(%arg8 : memref<!tpu.dma_semaphore, #tpu.memory_space<semaphore_mem>>)
      %dma_wait3A = arith.constant 0 : i32
      %dma_wait3A_33 = arith.constant 0 : i32
      %dma_wait3A_34 = tpu.memref_slice %arg4[%add3A, %dma_wait3A, %dma_wait3A_33] : memref<32x10496x256xf32, #tpu.memory_space<hbm>> -> memref<1x10496x256xf32, #tpu.memory_space<hbm>>
      %dma_wait3A_35 = tpu.memref_squeeze %dma_wait3A_34 : memref<1x10496x256xf32, #tpu.memory_space<hbm>> -> memref<10496x256xf32, #tpu.memory_space<hbm>>
      %dma_wait3A_36 = arith.constant 0 : i32
      %dma_wait3A_37 = arith.constant 0 : i32
      %dma_wait3A_38 = tpu.memref_slice %dma_wait3A_35[%dma_wait3A_36, %dma_wait3A_37] : memref<10496x256xf32, #tpu.memory_space<hbm>> -> memref<10496x256xf32, #tpu.memory_space<hbm>>
      tpu.wait_indirect_dma semaphore(%arg8 : memref<!tpu.dma_semaphore, #tpu.memory_space<semaphore_mem>>) src(%dma_wait3A_38 : memref<10496x256xf32, #tpu.memory_space<hbm>>) dst(%arg6 : memref<128x256xf32, #tpu.memory_space<vmem>>)
      %scan3A_39 = arith.constant 0 : i32
      %scan3A_40 = arith.constant 0 : i32
      %scan3A_41 = arith.constant 2048 : i32
      %scan3A_42 = arith.addi %scan3A_40, %scan3A_41 : i32
      %scan3A_43 = arith.constant 1 : i32
      scf.for %scan3A_45 = %scan3A_40 to %scan3A_42 step %scan3A_43  : i32 {
        %jit3A = arith.constant 16 : i32
        %div3A = arith.divsi %scan3A_45, %jit3A : i32
        %sign3A = arith.constant 0 : i32
        %sign3A_46 = arith.cmpi sgt, %scan3A_45, %sign3A : i32
        %sign3A_47 = arith.extui %sign3A_46 : i1 to i32
        %sign3A_48 = arith.constant 0 : i32
        %sign3A_49 = arith.cmpi slt, %scan3A_45, %sign3A_48 : i32
        %sign3A_50 = arith.extui %sign3A_49 : i1 to i32
        %sign3A_51 = arith.subi %sign3A_47, %sign3A_50 : i32
        %sign3A_52 = arith.constant 0 : i32
        %sign3A_53 = arith.cmpi sgt, %jit3A, %sign3A_52 : i32
        %sign3A_54 = arith.extui %sign3A_53 : i1 to i32
        %sign3A_55 = arith.constant 0 : i32
        %sign3A_56 = arith.cmpi slt, %jit3A, %sign3A_55 : i32
        %sign3A_57 = arith.extui %sign3A_56 : i1 to i32
        %sign3A_58 = arith.subi %sign3A_54, %sign3A_57 : i32
        %ne3A = arith.cmpi ne, %sign3A_51, %sign3A_58 : i32
        %rem3A = arith.remsi %scan3A_45, %jit3A : i32
        %ne3A_59 = arith.constant 0 : i32
        %ne3A_60 = arith.cmpi ne, %rem3A, %ne3A_59 : i32
        %and3A = arith.andi %ne3A, %ne3A_60 : i1
        %sub3A = arith.constant 1 : i32
        %sub3A_61 = arith.subi %div3A, %sub3A : i32
        %select_n3A = arith.select %and3A, %sub3A_61, %div3A : i32
        %jit3A_62 = arith.constant 16 : i32
        %eq3A = arith.constant 0 : i32
        %eq3A_63 = arith.cmpi eq, %jit3A_62, %eq3A : i32
        %jit3A_64 = arith.constant 1 : i32
        %select_n3A_65 = arith.select %eq3A_63, %jit3A_64, %jit3A_62 : i32
        %rem3A_66 = arith.remsi %scan3A_45, %select_n3A_65 : i32
        %ne3A_67 = arith.constant 0 : i32
        %ne3A_68 = arith.cmpi ne, %rem3A_66, %ne3A_67 : i32
        %lt3A = arith.constant 0 : i32
        %lt3A_69 = arith.cmpi slt, %rem3A_66, %lt3A : i32
        %lt3A_70 = arith.constant 0 : i32
        %lt3A_71 = arith.cmpi slt, %select_n3A_65, %lt3A_70 : i32
        %ne3A_72 = arith.xori %lt3A_69, %lt3A_71 : i1
        %and3A_73 = arith.andi %ne3A_72, %ne3A_68 : i1
        %add3A_74 = arith.addi %rem3A_66, %select_n3A_65 : i32
        %select_n3A_75 = arith.select %and3A_73, %add3A_74, %rem3A_66 : i32
        %mul3A_76 = arith.constant 16 : i32
        %mul3A_77 = arith.muli %select_n3A_75, %mul3A_76 : i32
        %get3A = arith.index_cast %select_n3A : i32 to index
        %get3A_78 = arith.index_cast %mul3A_77 : i32 to index
        %get3A_79 = tpu.vector_load %arg5[%get3A, %get3A_78] {strides = array<i32>} : memref<128x256xf32, #tpu.memory_space<vmem>>, vector<1x16xf32>,
        %get3A_80 = vector.shape_cast %get3A_79 : vector<1x16xf32> to vector<16xf32>
        %get3A_81 = arith.index_cast %select_n3A : i32 to index
        %get3A_82 = arith.index_cast %mul3A_77 : i32 to index
        %get3A_83 = tpu.vector_load %arg6[%get3A_81, %get3A_82] {strides = array<i32>} : memref<128x256xf32, #tpu.memory_space<vmem>>, vector<1x16xf32>,
        %get3A_84 = vector.shape_cast %get3A_83 : vector<1x16xf32> to vector<16xf32>
        %add3A_85 = arith.addf %get3A_80, %get3A_84 : vector<16xf32>
        %swap3A = arith.index_cast %select_n3A : i32 to index
        %swap3A_86 = arith.index_cast %mul3A_77 : i32 to index
        %swap3A_87 = tpu.vector_load %arg5[%swap3A, %swap3A_86] {strides = array<i32>} : memref<128x256xf32, #tpu.memory_space<vmem>>, vector<1x16xf32>,
        %swap3A_88 = vector.shape_cast %swap3A_87 : vector<1x16xf32> to vector<16xf32>
        %swap3A_89 = vector.shape_cast %add3A_85 : vector<16xf32> to vector<1x16xf32>
        tpu.vector_store %arg5[%swap3A, %swap3A_86], %swap3A_89 {strides = array<i32>} : memref<128x256xf32, #tpu.memory_space<vmem>>, vector<1x16xf32>,
      }
      %scan3A_44 = arith.constant 2048 : i32
      "tpu.region"() ({
        %run_scoped3A = tpu.sem_alloc : memref<!tpu.dma_semaphore, #tpu.memory_space<semaphore_mem>>
        %dma_start3A_45 = arith.constant 0 : i32
        %dma_start3A_46 = arith.constant 0 : i32
        %dma_start3A_47 = tpu.memref_slice %arg4[%add3A, %dma_start3A_45, %dma_start3A_46] : memref<32x10496x256xf32, #tpu.memory_space<hbm>> -> memref<1x10496x256xf32, #tpu.memory_space<hbm>>
        %dma_start3A_48 = tpu.memref_squeeze %dma_start3A_47 : memref<1x10496x256xf32, #tpu.memory_space<hbm>> -> memref<10496x256xf32, #tpu.memory_space<hbm>>
        %dma_start3A_49 = arith.constant 0 : i32
        %dma_start3A_50 = arith.constant 0 : i32
        %dma_start3A_51 = tpu.memref_slice %dma_start3A_48[%dma_start3A_49, %dma_start3A_50] : memref<10496x256xf32, #tpu.memory_space<hbm>> -> memref<10496x256xf32, #tpu.memory_space<hbm>>
        tpu.enqueue_indirect_dma source(%arg5 : memref<128x256xf32, #tpu.memory_space<vmem>>) target(%dma_start3A_51 : memref<10496x256xf32, #tpu.memory_space<hbm>>) offsets(%arg7 : memref<128xi32, #tpu.memory_space<vmem>>) semaphore(%run_scoped3A : memref<!tpu.dma_semaphore, #tpu.memory_space<semaphore_mem>>)
        %dma_wait3A_52 = arith.constant 0 : i32
        %dma_wait3A_53 = arith.constant 0 : i32
        %dma_wait3A_54 = tpu.memref_slice %arg4[%add3A, %dma_wait3A_52, %dma_wait3A_53] : memref<32x10496x256xf32, #tpu.memory_space<hbm>> -> memref<1x10496x256xf32, #tpu.memory_space<hbm>>
        %dma_wait3A_55 = tpu.memref_squeeze %dma_wait3A_54 : memref<1x10496x256xf32, #tpu.memory_space<hbm>> -> memref<10496x256xf32, #tpu.memory_space<hbm>>
        %dma_wait3A_56 = arith.constant 0 : i32
        %dma_wait3A_57 = arith.constant 0 : i32
        %dma_wait3A_58 = tpu.memref_slice %dma_wait3A_55[%dma_wait3A_56, %dma_wait3A_57] : memref<10496x256xf32, #tpu.memory_space<hbm>> -> memref<10496x256xf32, #tpu.memory_space<hbm>>
        tpu.wait_indirect_dma semaphore(%run_scoped3A : memref<!tpu.dma_semaphore, #tpu.memory_space<semaphore_mem>>) src(%arg5 : memref<128x256xf32, #tpu.memory_space<vmem>>) dst(%dma_wait3A_58 : memref<10496x256xf32, #tpu.memory_space<hbm>>)
        tpu.yield
      }) : () -> ()
    }
    %scan3A_18 = arith.constant 40 : i32
    return
  }
}

#map = affine_map<(d0, d1) -> (0, 0)>
#map1 = affine_map<(d0, d1) -> (0)>
module attributes {stable_mosaic.version = 14 : i64} {
  func.func @k(%arg0: i32, %arg1: i32, %arg2: memref<10240x256xf32, #tpu.memory_space<hbm>>, %arg3: memref<327680xi32, #tpu.memory_space<hbm>>, %arg4: memref<327680x256xf32, #tpu.memory_space<hbm>>, %arg5: memref<128xi32, #tpu.memory_space<vmem>>, %arg6: memref<128x256xf32, #tpu.memory_space<vmem>>, %arg7: memref<!tpu.dma_semaphore, #tpu.memory_space<semaphore_mem>>) attributes {dimension_semantics = [#tpu.dimension_semantics<core_parallel>, #tpu.dimension_semantics<subcore_parallel>], iteration_bounds = array<i64: 2, 16>, scalar_prefetch = 0 : i64, scratch_operands = 3 : i64, tpu.core_type = #tpu.core_type<sc_vector_subcore>, window_params = [{transform_indices = #map}, {transform_indices = #map1}, {transform_indices = #map}]} {
    %mul3A = arith.constant 2 : i32
    %mul3A_0 = arith.muli %arg1, %mul3A : i32
    %add3A = arith.addi %mul3A_0, %arg0 : i32
    %scan3A = arith.constant 0 : i32
    %scan3A_1 = arith.constant 0 : i32
    %scan3A_2 = arith.constant 80 : i32
    %scan3A_3 = arith.addi %scan3A_1, %scan3A_2 : i32
    %scan3A_4 = arith.constant 1 : i32
    scf.for %scan3A_6 = %scan3A_1 to %scan3A_3 step %scan3A_4  : i32 {
      %mul3A_7 = arith.constant 80 : i32
      %mul3A_8 = arith.muli %add3A, %mul3A_7 : i32
      %add3A_9 = arith.addi %mul3A_8, %scan3A_6 : i32
      %mul3A_10 = arith.constant 128 : i32
      %mul3A_11 = arith.muli %add3A_9, %mul3A_10 : i32
      "tpu.region"() ({
        %run_scoped3A = tpu.sem_alloc : memref<!tpu.dma_semaphore, #tpu.memory_space<semaphore_mem>>
        %dma_start3A_18 = tpu.memref_slice %arg3[%mul3A_11] : memref<327680xi32, #tpu.memory_space<hbm>> -> memref<128xi32, #tpu.memory_space<hbm>>
        %dma_start3A_19 = tpu.memref_slice %arg3[%mul3A_11] : memref<327680xi32, #tpu.memory_space<hbm>> -> memref<128xi32, #tpu.memory_space<hbm>>
        tpu.enqueue_dma source(%dma_start3A_19 : memref<128xi32, #tpu.memory_space<hbm>>) target(%arg5 : memref<128xi32, #tpu.memory_space<vmem>>) target_semaphore(%run_scoped3A : memref<!tpu.dma_semaphore, #tpu.memory_space<semaphore_mem>>)
        %dma_wait3A_20 = tpu.memref_slice %arg3[%mul3A_11] : memref<327680xi32, #tpu.memory_space<hbm>> -> memref<128xi32, #tpu.memory_space<hbm>>
        %dma_wait3A_21 = tpu.memref_slice %arg3[%mul3A_11] : memref<327680xi32, #tpu.memory_space<hbm>> -> memref<128xi32, #tpu.memory_space<hbm>>
        tpu.wait_dma2 semaphore(%run_scoped3A : memref<!tpu.dma_semaphore, #tpu.memory_space<semaphore_mem>>) src(%dma_wait3A_21 : memref<128xi32, #tpu.memory_space<hbm>>) dst(%arg5 : memref<128xi32, #tpu.memory_space<vmem>>)
        tpu.yield
      }) : () -> ()
      %dma_start3A = arith.constant 0 : i32
      %dma_start3A_12 = arith.constant 0 : i32
      %dma_start3A_13 = tpu.memref_slice %arg2[%dma_start3A, %dma_start3A_12] : memref<10240x256xf32, #tpu.memory_space<hbm>> -> memref<10240x256xf32, #tpu.memory_space<hbm>>
      tpu.enqueue_indirect_dma source(%dma_start3A_13 : memref<10240x256xf32, #tpu.memory_space<hbm>>) target(%arg6 : memref<128x256xf32, #tpu.memory_space<vmem>>) offsets(%arg5 : memref<128xi32, #tpu.memory_space<vmem>>) semaphore(%arg7 : memref<!tpu.dma_semaphore, #tpu.memory_space<semaphore_mem>>)
      %dma_wait3A = arith.constant 0 : i32
      %dma_wait3A_14 = arith.constant 0 : i32
      %dma_wait3A_15 = tpu.memref_slice %arg2[%dma_wait3A, %dma_wait3A_14] : memref<10240x256xf32, #tpu.memory_space<hbm>> -> memref<10240x256xf32, #tpu.memory_space<hbm>>
      tpu.wait_indirect_dma semaphore(%arg7 : memref<!tpu.dma_semaphore, #tpu.memory_space<semaphore_mem>>) src(%dma_wait3A_15 : memref<10240x256xf32, #tpu.memory_space<hbm>>) dst(%arg6 : memref<128x256xf32, #tpu.memory_space<vmem>>)
      %mul3A_16 = arith.constant 128 : i32
      %mul3A_17 = arith.muli %add3A_9, %mul3A_16 : i32
      "tpu.region"() ({
        %run_scoped3A = tpu.sem_alloc : memref<!tpu.dma_semaphore, #tpu.memory_space<semaphore_mem>>
        %dma_start3A_18 = arith.constant 0 : i32
        %dma_start3A_19 = tpu.memref_slice %arg4[%mul3A_17, %dma_start3A_18] : memref<327680x256xf32, #tpu.memory_space<hbm>> -> memref<128x256xf32, #tpu.memory_space<hbm>>
        %dma_start3A_20 = arith.constant 0 : i32
        %dma_start3A_21 = tpu.memref_slice %arg4[%mul3A_17, %dma_start3A_20] : memref<327680x256xf32, #tpu.memory_space<hbm>> -> memref<128x256xf32, #tpu.memory_space<hbm>>
        tpu.enqueue_dma source(%arg6 : memref<128x256xf32, #tpu.memory_space<vmem>>) target(%dma_start3A_21 : memref<128x256xf32, #tpu.memory_space<hbm>>) target_semaphore(%run_scoped3A : memref<!tpu.dma_semaphore, #tpu.memory_space<semaphore_mem>>)
        %dma_wait3A_22 = arith.constant 0 : i32
        %dma_wait3A_23 = tpu.memref_slice %arg4[%mul3A_17, %dma_wait3A_22] : memref<327680x256xf32, #tpu.memory_space<hbm>> -> memref<128x256xf32, #tpu.memory_space<hbm>>
        %dma_wait3A_24 = arith.constant 0 : i32
        %dma_wait3A_25 = tpu.memref_slice %arg4[%mul3A_17, %dma_wait3A_24] : memref<327680x256xf32, #tpu.memory_space<hbm>> -> memref<128x256xf32, #tpu.memory_space<hbm>>
        tpu.wait_dma2 semaphore(%run_scoped3A : memref<!tpu.dma_semaphore, #tpu.memory_space<semaphore_mem>>) src(%arg6 : memref<128x256xf32, #tpu.memory_space<vmem>>) dst(%dma_wait3A_25 : memref<128x256xf32, #tpu.memory_space<hbm>>)
        tpu.yield
      }) : () -> ()
    }
    %scan3A_5 = arith.constant 80 : i32
    return
  }
}

#map = affine_map<(d0, d1) -> (0, 0)>
#map1 = affine_map<(d0, d1) -> (0)>
module attributes {stable_mosaic.version = 14 : i64} {
  func.func @k(%arg0: i32, %arg1: i32, %arg2: memref<10240x256xf32, #tpu.memory_space<hbm>>, %arg3: memref<327680xi32, #tpu.memory_space<hbm>>, %arg4: memref<327680x256xf32, #tpu.memory_space<hbm>>, %arg5: memref<128xi32, #tpu.memory_space<vmem>>, %arg6: memref<128x256xf32, #tpu.memory_space<vmem>>, %arg7: memref<!tpu.dma_semaphore, #tpu.memory_space<semaphore_mem>>) attributes {dimension_semantics = [#tpu.dimension_semantics<core_parallel>, #tpu.dimension_semantics<subcore_parallel>], iteration_bounds = array<i64: 2, 16>, scalar_prefetch = 0 : i64, scratch_operands = 3 : i64, tpu.core_type = #tpu.core_type<sc_vector_subcore>, window_params = [{transform_indices = #map}, {transform_indices = #map1}, {transform_indices = #map}]} {
    %mul3A = arith.constant 2 : i32
    %mul3A_0 = arith.muli %arg1, %mul3A : i32
    %add3A = arith.addi %mul3A_0, %arg0 : i32
    %scan3A = arith.constant 0 : i32
    %scan3A_1 = arith.constant 0 : i32
    %scan3A_2 = arith.constant 80 : i32
    %scan3A_3 = arith.addi %scan3A_1, %scan3A_2 : i32
    %scan3A_4 = arith.constant 1 : i32
    scf.for %scan3A_6 = %scan3A_1 to %scan3A_3 step %scan3A_4  : i32 {
      %mul3A_7 = arith.constant 80 : i32
      %mul3A_8 = arith.muli %add3A, %mul3A_7 : i32
      %add3A_9 = arith.addi %mul3A_8, %scan3A_6 : i32
      %mul3A_10 = arith.constant 128 : i32
      %mul3A_11 = arith.muli %add3A_9, %mul3A_10 : i32
      "tpu.region"() ({
        %run_scoped3A = tpu.sem_alloc : memref<!tpu.dma_semaphore, #tpu.memory_space<semaphore_mem>>
        %dma_start3A_18 = tpu.memref_slice %arg3[%mul3A_11] : memref<327680xi32, #tpu.memory_space<hbm>> -> memref<128xi32, #tpu.memory_space<hbm>>
        %dma_start3A_19 = tpu.memref_slice %arg3[%mul3A_11] : memref<327680xi32, #tpu.memory_space<hbm>> -> memref<128xi32, #tpu.memory_space<hbm>>
        tpu.enqueue_dma source(%dma_start3A_19 : memref<128xi32, #tpu.memory_space<hbm>>) target(%arg5 : memref<128xi32, #tpu.memory_space<vmem>>) target_semaphore(%run_scoped3A : memref<!tpu.dma_semaphore, #tpu.memory_space<semaphore_mem>>)
        %dma_wait3A_20 = tpu.memref_slice %arg3[%mul3A_11] : memref<327680xi32, #tpu.memory_space<hbm>> -> memref<128xi32, #tpu.memory_space<hbm>>
        %dma_wait3A_21 = tpu.memref_slice %arg3[%mul3A_11] : memref<327680xi32, #tpu.memory_space<hbm>> -> memref<128xi32, #tpu.memory_space<hbm>>
        tpu.wait_dma2 semaphore(%run_scoped3A : memref<!tpu.dma_semaphore, #tpu.memory_space<semaphore_mem>>) src(%dma_wait3A_21 : memref<128xi32, #tpu.memory_space<hbm>>) dst(%arg5 : memref<128xi32, #tpu.memory_space<vmem>>)
        tpu.yield
      }) : () -> ()
      %dma_start3A = arith.constant 0 : i32
      %dma_start3A_12 = arith.constant 0 : i32
      %dma_start3A_13 = tpu.memref_slice %arg2[%dma_start3A, %dma_start3A_12] : memref<10240x256xf32, #tpu.memory_space<hbm>> -> memref<10240x256xf32, #tpu.memory_space<hbm>>
      tpu.enqueue_indirect_dma source(%dma_start3A_13 : memref<10240x256xf32, #tpu.memory_space<hbm>>) target(%arg6 : memref<128x256xf32, #tpu.memory_space<vmem>>) offsets(%arg5 : memref<128xi32, #tpu.memory_space<vmem>>) semaphore(%arg7 : memref<!tpu.dma_semaphore, #tpu.memory_space<semaphore_mem>>)
      %dma_wait3A = arith.constant 0 : i32
      %dma_wait3A_14 = arith.constant 0 : i32
      %dma_wait3A_15 = tpu.memref_slice %arg2[%dma_wait3A, %dma_wait3A_14] : memref<10240x256xf32, #tpu.memory_space<hbm>> -> memref<10240x256xf32, #tpu.memory_space<hbm>>
      tpu.wait_indirect_dma semaphore(%arg7 : memref<!tpu.dma_semaphore, #tpu.memory_space<semaphore_mem>>) src(%dma_wait3A_15 : memref<10240x256xf32, #tpu.memory_space<hbm>>) dst(%arg6 : memref<128x256xf32, #tpu.memory_space<vmem>>)
      %mul3A_16 = arith.constant 128 : i32
      %mul3A_17 = arith.muli %add3A_9, %mul3A_16 : i32
      "tpu.region"() ({
        %run_scoped3A = tpu.sem_alloc : memref<!tpu.dma_semaphore, #tpu.memory_space<semaphore_mem>>
        %dma_start3A_18 = arith.constant 0 : i32
        %dma_start3A_19 = tpu.memref_slice %arg4[%mul3A_17, %dma_start3A_18] : memref<327680x256xf32, #tpu.memory_space<hbm>> -> memref<128x256xf32, #tpu.memory_space<hbm>>
        %dma_start3A_20 = arith.constant 0 : i32
        %dma_start3A_21 = tpu.memref_slice %arg4[%mul3A_17, %dma_start3A_20] : memref<327680x256xf32, #tpu.memory_space<hbm>> -> memref<128x256xf32, #tpu.memory_space<hbm>>
        tpu.enqueue_dma source(%arg6 : memref<128x256xf32, #tpu.memory_space<vmem>>) target(%dma_start3A_21 : memref<128x256xf32, #tpu.memory_space<hbm>>) target_semaphore(%run_scoped3A : memref<!tpu.dma_semaphore, #tpu.memory_space<semaphore_mem>>)
        %dma_wait3A_22 = arith.constant 0 : i32
        %dma_wait3A_23 = tpu.memref_slice %arg4[%mul3A_17, %dma_wait3A_22] : memref<327680x256xf32, #tpu.memory_space<hbm>> -> memref<128x256xf32, #tpu.memory_space<hbm>>
        %dma_wait3A_24 = arith.constant 0 : i32
        %dma_wait3A_25 = tpu.memref_slice %arg4[%mul3A_17, %dma_wait3A_24] : memref<327680x256xf32, #tpu.memory_space<hbm>> -> memref<128x256xf32, #tpu.memory_space<hbm>>
        tpu.wait_dma2 semaphore(%run_scoped3A : memref<!tpu.dma_semaphore, #tpu.memory_space<semaphore_mem>>) src(%arg6 : memref<128x256xf32, #tpu.memory_space<vmem>>) dst(%dma_wait3A_25 : memref<128x256xf32, #tpu.memory_space<hbm>>)
        tpu.yield
      }) : () -> ()
    }
    %scan3A_5 = arith.constant 80 : i32
    return
  }
}

#map = affine_map<(d0, d1) -> (0, 0)>
#map1 = affine_map<(d0, d1) -> (0)>
module attributes {stable_mosaic.version = 14 : i64} {
  func.func @k(%arg0: i32, %arg1: i32, %arg2: memref<10240x256xf32, #tpu.memory_space<hbm>>, %arg3: memref<327680xi32, #tpu.memory_space<hbm>>, %arg4: memref<327680x256xf32, #tpu.memory_space<hbm>>, %arg5: memref<128xi32, #tpu.memory_space<vmem>>, %arg6: memref<128x256xf32, #tpu.memory_space<vmem>>, %arg7: memref<!tpu.dma_semaphore, #tpu.memory_space<semaphore_mem>>) attributes {dimension_semantics = [#tpu.dimension_semantics<core_parallel>, #tpu.dimension_semantics<subcore_parallel>], iteration_bounds = array<i64: 2, 16>, scalar_prefetch = 0 : i64, scratch_operands = 3 : i64, tpu.core_type = #tpu.core_type<sc_vector_subcore>, window_params = [{transform_indices = #map}, {transform_indices = #map1}, {transform_indices = #map}]} {
    %mul3A = arith.constant 2 : i32
    %mul3A_0 = arith.muli %arg1, %mul3A : i32
    %add3A = arith.addi %mul3A_0, %arg0 : i32
    %scan3A = arith.constant 0 : i32
    %scan3A_1 = arith.constant 0 : i32
    %scan3A_2 = arith.constant 80 : i32
    %scan3A_3 = arith.addi %scan3A_1, %scan3A_2 : i32
    %scan3A_4 = arith.constant 1 : i32
    scf.for %scan3A_6 = %scan3A_1 to %scan3A_3 step %scan3A_4  : i32 {
      %mul3A_7 = arith.constant 80 : i32
      %mul3A_8 = arith.muli %add3A, %mul3A_7 : i32
      %add3A_9 = arith.addi %mul3A_8, %scan3A_6 : i32
      %mul3A_10 = arith.constant 128 : i32
      %mul3A_11 = arith.muli %add3A_9, %mul3A_10 : i32
      "tpu.region"() ({
        %run_scoped3A = tpu.sem_alloc : memref<!tpu.dma_semaphore, #tpu.memory_space<semaphore_mem>>
        %dma_start3A_18 = tpu.memref_slice %arg3[%mul3A_11] : memref<327680xi32, #tpu.memory_space<hbm>> -> memref<128xi32, #tpu.memory_space<hbm>>
        %dma_start3A_19 = tpu.memref_slice %arg3[%mul3A_11] : memref<327680xi32, #tpu.memory_space<hbm>> -> memref<128xi32, #tpu.memory_space<hbm>>
        tpu.enqueue_dma source(%dma_start3A_19 : memref<128xi32, #tpu.memory_space<hbm>>) target(%arg5 : memref<128xi32, #tpu.memory_space<vmem>>) target_semaphore(%run_scoped3A : memref<!tpu.dma_semaphore, #tpu.memory_space<semaphore_mem>>)
        %dma_wait3A_20 = tpu.memref_slice %arg3[%mul3A_11] : memref<327680xi32, #tpu.memory_space<hbm>> -> memref<128xi32, #tpu.memory_space<hbm>>
        %dma_wait3A_21 = tpu.memref_slice %arg3[%mul3A_11] : memref<327680xi32, #tpu.memory_space<hbm>> -> memref<128xi32, #tpu.memory_space<hbm>>
        tpu.wait_dma2 semaphore(%run_scoped3A : memref<!tpu.dma_semaphore, #tpu.memory_space<semaphore_mem>>) src(%dma_wait3A_21 : memref<128xi32, #tpu.memory_space<hbm>>) dst(%arg5 : memref<128xi32, #tpu.memory_space<vmem>>)
        tpu.yield
      }) : () -> ()
      %dma_start3A = arith.constant 0 : i32
      %dma_start3A_12 = arith.constant 0 : i32
      %dma_start3A_13 = tpu.memref_slice %arg2[%dma_start3A, %dma_start3A_12] : memref<10240x256xf32, #tpu.memory_space<hbm>> -> memref<10240x256xf32, #tpu.memory_space<hbm>>
      tpu.enqueue_indirect_dma source(%dma_start3A_13 : memref<10240x256xf32, #tpu.memory_space<hbm>>) target(%arg6 : memref<128x256xf32, #tpu.memory_space<vmem>>) offsets(%arg5 : memref<128xi32, #tpu.memory_space<vmem>>) semaphore(%arg7 : memref<!tpu.dma_semaphore, #tpu.memory_space<semaphore_mem>>)
      %dma_wait3A = arith.constant 0 : i32
      %dma_wait3A_14 = arith.constant 0 : i32
      %dma_wait3A_15 = tpu.memref_slice %arg2[%dma_wait3A, %dma_wait3A_14] : memref<10240x256xf32, #tpu.memory_space<hbm>> -> memref<10240x256xf32, #tpu.memory_space<hbm>>
      tpu.wait_indirect_dma semaphore(%arg7 : memref<!tpu.dma_semaphore, #tpu.memory_space<semaphore_mem>>) src(%dma_wait3A_15 : memref<10240x256xf32, #tpu.memory_space<hbm>>) dst(%arg6 : memref<128x256xf32, #tpu.memory_space<vmem>>)
      %mul3A_16 = arith.constant 128 : i32
      %mul3A_17 = arith.muli %add3A_9, %mul3A_16 : i32
      "tpu.region"() ({
        %run_scoped3A = tpu.sem_alloc : memref<!tpu.dma_semaphore, #tpu.memory_space<semaphore_mem>>
        %dma_start3A_18 = arith.constant 0 : i32
        %dma_start3A_19 = tpu.memref_slice %arg4[%mul3A_17, %dma_start3A_18] : memref<327680x256xf32, #tpu.memory_space<hbm>> -> memref<128x256xf32, #tpu.memory_space<hbm>>
        %dma_start3A_20 = arith.constant 0 : i32
        %dma_start3A_21 = tpu.memref_slice %arg4[%mul3A_17, %dma_start3A_20] : memref<327680x256xf32, #tpu.memory_space<hbm>> -> memref<128x256xf32, #tpu.memory_space<hbm>>
        tpu.enqueue_dma source(%arg6 : memref<128x256xf32, #tpu.memory_space<vmem>>) target(%dma_start3A_21 : memref<128x256xf32, #tpu.memory_space<hbm>>) target_semaphore(%run_scoped3A : memref<!tpu.dma_semaphore, #tpu.memory_space<semaphore_mem>>)
        %dma_wait3A_22 = arith.constant 0 : i32
        %dma_wait3A_23 = tpu.memref_slice %arg4[%mul3A_17, %dma_wait3A_22] : memref<327680x256xf32, #tpu.memory_space<hbm>> -> memref<128x256xf32, #tpu.memory_space<hbm>>
        %dma_wait3A_24 = arith.constant 0 : i32
        %dma_wait3A_25 = tpu.memref_slice %arg4[%mul3A_17, %dma_wait3A_24] : memref<327680x256xf32, #tpu.memory_space<hbm>> -> memref<128x256xf32, #tpu.memory_space<hbm>>
        tpu.wait_dma2 semaphore(%run_scoped3A : memref<!tpu.dma_semaphore, #tpu.memory_space<semaphore_mem>>) src(%arg6 : memref<128x256xf32, #tpu.memory_space<vmem>>) dst(%dma_wait3A_25 : memref<128x256xf32, #tpu.memory_space<hbm>>)
        tpu.yield
      }) : () -> ()
    }
    %scan3A_5 = arith.constant 80 : i32
    return
  }
}

#map = affine_map<(d0, d1) -> (0, 0)>
#map1 = affine_map<(d0, d1) -> (0)>
#map2 = affine_map<(d0, d1) -> (0, 0, 0)>
module attributes {stable_mosaic.version = 14 : i64} {
  func.func @k(%arg0: i32, %arg1: i32, %arg2: memref<163840x256xf32, #tpu.memory_space<hbm>>, %arg3: memref<163840xi32, #tpu.memory_space<hbm>>, %arg4: memref<32x10496x256xf32, #tpu.memory_space<hbm>>, %arg5: memref<128x256xf32, #tpu.memory_space<vmem>>, %arg6: memref<128x256xf32, #tpu.memory_space<vmem>>, %arg7: memref<128xi32, #tpu.memory_space<vmem>>, %arg8: memref<!tpu.dma_semaphore, #tpu.memory_space<semaphore_mem>>) attributes {dimension_semantics = [#tpu.dimension_semantics<core_parallel>, #tpu.dimension_semantics<subcore_parallel>], iteration_bounds = array<i64: 2, 16>, scalar_prefetch = 0 : i64, scratch_operands = 4 : i64, tpu.core_type = #tpu.core_type<sc_vector_subcore>, window_params = [{transform_indices = #map}, {transform_indices = #map1}, {transform_indices = #map2}]} {
    %mul3A = arith.constant 2 : i32
    %mul3A_0 = arith.muli %arg1, %mul3A : i32
    %add3A = arith.addi %mul3A_0, %arg0 : i32
    %broadcast_in_dim3A = arith.constant 0.000000e+00 : f32
    %broadcast_in_dim3A_1 = vector.broadcast %broadcast_in_dim3A : f32 to vector<16xf32>
    %scan3A = arith.constant 0 : i32
    %scan3A_2 = arith.constant 0 : i32
    %scan3A_3 = arith.constant 2048 : i32
    %scan3A_4 = arith.addi %scan3A_2, %scan3A_3 : i32
    %scan3A_5 = arith.constant 1 : i32
    scf.for %scan3A_19 = %scan3A_2 to %scan3A_4 step %scan3A_5  : i32 {
      %jit3A = arith.constant 16 : i32
      %div3A = arith.divsi %scan3A_19, %jit3A : i32
      %sign3A = arith.constant 0 : i32
      %sign3A_20 = arith.cmpi sgt, %scan3A_19, %sign3A : i32
      %sign3A_21 = arith.extui %sign3A_20 : i1 to i32
      %sign3A_22 = arith.constant 0 : i32
      %sign3A_23 = arith.cmpi slt, %scan3A_19, %sign3A_22 : i32
      %sign3A_24 = arith.extui %sign3A_23 : i1 to i32
      %sign3A_25 = arith.subi %sign3A_21, %sign3A_24 : i32
      %sign3A_26 = arith.constant 0 : i32
      %sign3A_27 = arith.cmpi sgt, %jit3A, %sign3A_26 : i32
      %sign3A_28 = arith.extui %sign3A_27 : i1 to i32
      %sign3A_29 = arith.constant 0 : i32
      %sign3A_30 = arith.cmpi slt, %jit3A, %sign3A_29 : i32
      %sign3A_31 = arith.extui %sign3A_30 : i1 to i32
      %sign3A_32 = arith.subi %sign3A_28, %sign3A_31 : i32
      %ne3A = arith.cmpi ne, %sign3A_25, %sign3A_32 : i32
      %rem3A = arith.remsi %scan3A_19, %jit3A : i32
      %ne3A_33 = arith.constant 0 : i32
      %ne3A_34 = arith.cmpi ne, %rem3A, %ne3A_33 : i32
      %and3A = arith.andi %ne3A, %ne3A_34 : i1
      %sub3A = arith.constant 1 : i32
      %sub3A_35 = arith.subi %div3A, %sub3A : i32
      %select_n3A = arith.select %and3A, %sub3A_35, %div3A : i32
      %jit3A_36 = arith.constant 16 : i32
      %eq3A = arith.constant 0 : i32
      %eq3A_37 = arith.cmpi eq, %jit3A_36, %eq3A : i32
      %jit3A_38 = arith.constant 1 : i32
      %select_n3A_39 = arith.select %eq3A_37, %jit3A_38, %jit3A_36 : i32
      %rem3A_40 = arith.remsi %scan3A_19, %select_n3A_39 : i32
      %ne3A_41 = arith.constant 0 : i32
      %ne3A_42 = arith.cmpi ne, %rem3A_40, %ne3A_41 : i32
      %lt3A = arith.constant 0 : i32
      %lt3A_43 = arith.cmpi slt, %rem3A_40, %lt3A : i32
      %lt3A_44 = arith.constant 0 : i32
      %lt3A_45 = arith.cmpi slt, %select_n3A_39, %lt3A_44 : i32
      %ne3A_46 = arith.xori %lt3A_43, %lt3A_45 : i1
      %and3A_47 = arith.andi %ne3A_46, %ne3A_42 : i1
      %add3A_48 = arith.addi %rem3A_40, %select_n3A_39 : i32
      %select_n3A_49 = arith.select %and3A_47, %add3A_48, %rem3A_40 : i32
      %mul3A_50 = arith.constant 16 : i32
      %mul3A_51 = arith.muli %select_n3A_49, %mul3A_50 : i32
      %swap3A = arith.index_cast %select_n3A : i32 to index
      %swap3A_52 = arith.index_cast %mul3A_51 : i32 to index
      %swap3A_53 = tpu.vector_load %arg5[%swap3A, %swap3A_52] {strides = array<i32>} : memref<128x256xf32, #tpu.memory_space<vmem>>, vector<1x16xf32>,
      %swap3A_54 = vector.shape_cast %swap3A_53 : vector<1x16xf32> to vector<16xf32>
      %swap3A_55 = vector.shape_cast %broadcast_in_dim3A_1 : vector<16xf32> to vector<1x16xf32>
      tpu.vector_store %arg5[%swap3A, %swap3A_52], %swap3A_55 {strides = array<i32>} : memref<128x256xf32, #tpu.memory_space<vmem>>, vector<1x16xf32>,
    }
    %scan3A_6 = arith.constant 2048 : i32
    %scan3A_7 = arith.constant 0 : i32
    %scan3A_8 = arith.constant 0 : i32
    %scan3A_9 = arith.constant 80 : i32
    %scan3A_10 = arith.addi %scan3A_8, %scan3A_9 : i32
    %scan3A_11 = arith.constant 1 : i32
    scf.for %scan3A_19 = %scan3A_8 to %scan3A_10 step %scan3A_11  : i32 {
      %mul3A_20 = arith.constant 128 : i32
      %mul3A_21 = arith.muli %scan3A_19, %mul3A_20 : i32
      "tpu.region"() ({
        %run_scoped3A = tpu.sem_alloc : memref<!tpu.dma_semaphore, #tpu.memory_space<semaphore_mem>>
        %dma_start3A = arith.constant 0 : i32
        %dma_start3A_22 = arith.constant 0 : i32
        %dma_start3A_23 = tpu.memref_slice %arg4[%add3A, %dma_start3A, %dma_start3A_22] : memref<32x10496x256xf32, #tpu.memory_space<hbm>> -> memref<1x10496x256xf32, #tpu.memory_space<hbm>>
        %dma_start3A_24 = tpu.memref_squeeze %dma_start3A_23 : memref<1x10496x256xf32, #tpu.memory_space<hbm>> -> memref<10496x256xf32, #tpu.memory_space<hbm>>
        %dma_start3A_25 = arith.constant 0 : i32
        %dma_start3A_26 = tpu.memref_slice %dma_start3A_24[%mul3A_21, %dma_start3A_25] : memref<10496x256xf32, #tpu.memory_space<hbm>> -> memref<128x256xf32, #tpu.memory_space<hbm>>
        %dma_start3A_27 = arith.constant 0 : i32
        %dma_start3A_28 = arith.constant 0 : i32
        %dma_start3A_29 = tpu.memref_slice %arg4[%add3A, %dma_start3A_27, %dma_start3A_28] : memref<32x10496x256xf32, #tpu.memory_space<hbm>> -> memref<1x10496x256xf32, #tpu.memory_space<hbm>>
        %dma_start3A_30 = tpu.memref_squeeze %dma_start3A_29 : memref<1x10496x256xf32, #tpu.memory_space<hbm>> -> memref<10496x256xf32, #tpu.memory_space<hbm>>
        %dma_start3A_31 = arith.constant 0 : i32
        %dma_start3A_32 = tpu.memref_slice %dma_start3A_30[%mul3A_21, %dma_start3A_31] : memref<10496x256xf32, #tpu.memory_space<hbm>> -> memref<128x256xf32, #tpu.memory_space<hbm>>
        tpu.enqueue_dma source(%arg5 : memref<128x256xf32, #tpu.memory_space<vmem>>) target(%dma_start3A_32 : memref<128x256xf32, #tpu.memory_space<hbm>>) target_semaphore(%run_scoped3A : memref<!tpu.dma_semaphore, #tpu.memory_space<semaphore_mem>>)
        %dma_wait3A = arith.constant 0 : i32
        %dma_wait3A_33 = arith.constant 0 : i32
        %dma_wait3A_34 = tpu.memref_slice %arg4[%add3A, %dma_wait3A, %dma_wait3A_33] : memref<32x10496x256xf32, #tpu.memory_space<hbm>> -> memref<1x10496x256xf32, #tpu.memory_space<hbm>>
        %dma_wait3A_35 = tpu.memref_squeeze %dma_wait3A_34 : memref<1x10496x256xf32, #tpu.memory_space<hbm>> -> memref<10496x256xf32, #tpu.memory_space<hbm>>
        %dma_wait3A_36 = arith.constant 0 : i32
        %dma_wait3A_37 = tpu.memref_slice %dma_wait3A_35[%mul3A_21, %dma_wait3A_36] : memref<10496x256xf32, #tpu.memory_space<hbm>> -> memref<128x256xf32, #tpu.memory_space<hbm>>
        %dma_wait3A_38 = arith.constant 0 : i32
        %dma_wait3A_39 = arith.constant 0 : i32
        %dma_wait3A_40 = tpu.memref_slice %arg4[%add3A, %dma_wait3A_38, %dma_wait3A_39] : memref<32x10496x256xf32, #tpu.memory_space<hbm>> -> memref<1x10496x256xf32, #tpu.memory_space<hbm>>
        %dma_wait3A_41 = tpu.memref_squeeze %dma_wait3A_40 : memref<1x10496x256xf32, #tpu.memory_space<hbm>> -> memref<10496x256xf32, #tpu.memory_space<hbm>>
        %dma_wait3A_42 = arith.constant 0 : i32
        %dma_wait3A_43 = tpu.memref_slice %dma_wait3A_41[%mul3A_21, %dma_wait3A_42] : memref<10496x256xf32, #tpu.memory_space<hbm>> -> memref<128x256xf32, #tpu.memory_space<hbm>>
        tpu.wait_dma2 semaphore(%run_scoped3A : memref<!tpu.dma_semaphore, #tpu.memory_space<semaphore_mem>>) src(%arg5 : memref<128x256xf32, #tpu.memory_space<vmem>>) dst(%dma_wait3A_43 : memref<128x256xf32, #tpu.memory_space<hbm>>)
        tpu.yield
      }) : () -> ()
    }
    %scan3A_12 = arith.constant 80 : i32
    %scan3A_13 = arith.constant 0 : i32
    %scan3A_14 = arith.constant 0 : i32
    %scan3A_15 = arith.constant 40 : i32
    %scan3A_16 = arith.addi %scan3A_14, %scan3A_15 : i32
    %scan3A_17 = arith.constant 1 : i32
    scf.for %scan3A_19 = %scan3A_14 to %scan3A_16 step %scan3A_17  : i32 {
      %mul3A_20 = arith.constant 40 : i32
      %mul3A_21 = arith.muli %add3A, %mul3A_20 : i32
      %add3A_22 = arith.addi %mul3A_21, %scan3A_19 : i32
      %mul3A_23 = arith.constant 128 : i32
      %mul3A_24 = arith.muli %add3A_22, %mul3A_23 : i32
      "tpu.region"() ({
        %run_scoped3A = tpu.sem_alloc : memref<!tpu.dma_semaphore, #tpu.memory_space<semaphore_mem>>
        %dma_start3A_45 = tpu.memref_slice %arg3[%mul3A_24] : memref<163840xi32, #tpu.memory_space<hbm>> -> memref<128xi32, #tpu.memory_space<hbm>>
        %dma_start3A_46 = tpu.memref_slice %arg3[%mul3A_24] : memref<163840xi32, #tpu.memory_space<hbm>> -> memref<128xi32, #tpu.memory_space<hbm>>
        tpu.enqueue_dma source(%dma_start3A_46 : memref<128xi32, #tpu.memory_space<hbm>>) target(%arg7 : memref<128xi32, #tpu.memory_space<vmem>>) target_semaphore(%run_scoped3A : memref<!tpu.dma_semaphore, #tpu.memory_space<semaphore_mem>>)
        %dma_wait3A_47 = tpu.memref_slice %arg3[%mul3A_24] : memref<163840xi32, #tpu.memory_space<hbm>> -> memref<128xi32, #tpu.memory_space<hbm>>
        %dma_wait3A_48 = tpu.memref_slice %arg3[%mul3A_24] : memref<163840xi32, #tpu.memory_space<hbm>> -> memref<128xi32, #tpu.memory_space<hbm>>
        tpu.wait_dma2 semaphore(%run_scoped3A : memref<!tpu.dma_semaphore, #tpu.memory_space<semaphore_mem>>) src(%dma_wait3A_48 : memref<128xi32, #tpu.memory_space<hbm>>) dst(%arg7 : memref<128xi32, #tpu.memory_space<vmem>>)
        tpu.yield
      }) : () -> ()
      %mul3A_25 = arith.constant 128 : i32
      %mul3A_26 = arith.muli %add3A_22, %mul3A_25 : i32
      "tpu.region"() ({
        %run_scoped3A = tpu.sem_alloc : memref<!tpu.dma_semaphore, #tpu.memory_space<semaphore_mem>>
        %dma_start3A_45 = arith.constant 0 : i32
        %dma_start3A_46 = tpu.memref_slice %arg2[%mul3A_26, %dma_start3A_45] : memref<163840x256xf32, #tpu.memory_space<hbm>> -> memref<128x256xf32, #tpu.memory_space<hbm>>
        %dma_start3A_47 = arith.constant 0 : i32
        %dma_start3A_48 = tpu.memref_slice %arg2[%mul3A_26, %dma_start3A_47] : memref<163840x256xf32, #tpu.memory_space<hbm>> -> memref<128x256xf32, #tpu.memory_space<hbm>>
        tpu.enqueue_dma source(%dma_start3A_48 : memref<128x256xf32, #tpu.memory_space<hbm>>) target(%arg5 : memref<128x256xf32, #tpu.memory_space<vmem>>) target_semaphore(%run_scoped3A : memref<!tpu.dma_semaphore, #tpu.memory_space<semaphore_mem>>)
        %dma_wait3A_49 = arith.constant 0 : i32
        %dma_wait3A_50 = tpu.memref_slice %arg2[%mul3A_26, %dma_wait3A_49] : memref<163840x256xf32, #tpu.memory_space<hbm>> -> memref<128x256xf32, #tpu.memory_space<hbm>>
        %dma_wait3A_51 = arith.constant 0 : i32
        %dma_wait3A_52 = tpu.memref_slice %arg2[%mul3A_26, %dma_wait3A_51] : memref<163840x256xf32, #tpu.memory_space<hbm>> -> memref<128x256xf32, #tpu.memory_space<hbm>>
        tpu.wait_dma2 semaphore(%run_scoped3A : memref<!tpu.dma_semaphore, #tpu.memory_space<semaphore_mem>>) src(%dma_wait3A_52 : memref<128x256xf32, #tpu.memory_space<hbm>>) dst(%arg5 : memref<128x256xf32, #tpu.memory_space<vmem>>)
        tpu.yield
      }) : () -> ()
      %dma_start3A = arith.constant 0 : i32
      %dma_start3A_27 = arith.constant 0 : i32
      %dma_start3A_28 = tpu.memref_slice %arg4[%add3A, %dma_start3A, %dma_start3A_27] : memref<32x10496x256xf32, #tpu.memory_space<hbm>> -> memref<1x10496x256xf32, #tpu.memory_space<hbm>>
      %dma_start3A_29 = tpu.memref_squeeze %dma_start3A_28 : memref<1x10496x256xf32, #tpu.memory_space<hbm>> -> memref<10496x256xf32, #tpu.memory_space<hbm>>
      %dma_start3A_30 = arith.constant 0 : i32
      %dma_start3A_31 = arith.constant 0 : i32
      %dma_start3A_32 = tpu.memref_slice %dma_start3A_29[%dma_start3A_30, %dma_start3A_31] : memref<10496x256xf32, #tpu.memory_space<hbm>> -> memref<10496x256xf32, #tpu.memory_space<hbm>>
      tpu.enqueue_indirect_dma source(%dma_start3A_32 : memref<10496x256xf32, #tpu.memory_space<hbm>>) target(%arg6 : memref<128x256xf32, #tpu.memory_space<vmem>>) offsets(%arg7 : memref<128xi32, #tpu.memory_space<vmem>>) semaphore(%arg8 : memref<!tpu.dma_semaphore, #tpu.memory_space<semaphore_mem>>)
      %dma_wait3A = arith.constant 0 : i32
      %dma_wait3A_33 = arith.constant 0 : i32
      %dma_wait3A_34 = tpu.memref_slice %arg4[%add3A, %dma_wait3A, %dma_wait3A_33] : memref<32x10496x256xf32, #tpu.memory_space<hbm>> -> memref<1x10496x256xf32, #tpu.memory_space<hbm>>
      %dma_wait3A_35 = tpu.memref_squeeze %dma_wait3A_34 : memref<1x10496x256xf32, #tpu.memory_space<hbm>> -> memref<10496x256xf32, #tpu.memory_space<hbm>>
      %dma_wait3A_36 = arith.constant 0 : i32
      %dma_wait3A_37 = arith.constant 0 : i32
      %dma_wait3A_38 = tpu.memref_slice %dma_wait3A_35[%dma_wait3A_36, %dma_wait3A_37] : memref<10496x256xf32, #tpu.memory_space<hbm>> -> memref<10496x256xf32, #tpu.memory_space<hbm>>
      tpu.wait_indirect_dma semaphore(%arg8 : memref<!tpu.dma_semaphore, #tpu.memory_space<semaphore_mem>>) src(%dma_wait3A_38 : memref<10496x256xf32, #tpu.memory_space<hbm>>) dst(%arg6 : memref<128x256xf32, #tpu.memory_space<vmem>>)
      %scan3A_39 = arith.constant 0 : i32
      %scan3A_40 = arith.constant 0 : i32
      %scan3A_41 = arith.constant 2048 : i32
      %scan3A_42 = arith.addi %scan3A_40, %scan3A_41 : i32
      %scan3A_43 = arith.constant 1 : i32
      scf.for %scan3A_45 = %scan3A_40 to %scan3A_42 step %scan3A_43  : i32 {
        %jit3A = arith.constant 16 : i32
        %div3A = arith.divsi %scan3A_45, %jit3A : i32
        %sign3A = arith.constant 0 : i32
        %sign3A_46 = arith.cmpi sgt, %scan3A_45, %sign3A : i32
        %sign3A_47 = arith.extui %sign3A_46 : i1 to i32
        %sign3A_48 = arith.constant 0 : i32
        %sign3A_49 = arith.cmpi slt, %scan3A_45, %sign3A_48 : i32
        %sign3A_50 = arith.extui %sign3A_49 : i1 to i32
        %sign3A_51 = arith.subi %sign3A_47, %sign3A_50 : i32
        %sign3A_52 = arith.constant 0 : i32
        %sign3A_53 = arith.cmpi sgt, %jit3A, %sign3A_52 : i32
        %sign3A_54 = arith.extui %sign3A_53 : i1 to i32
        %sign3A_55 = arith.constant 0 : i32
        %sign3A_56 = arith.cmpi slt, %jit3A, %sign3A_55 : i32
        %sign3A_57 = arith.extui %sign3A_56 : i1 to i32
        %sign3A_58 = arith.subi %sign3A_54, %sign3A_57 : i32
        %ne3A = arith.cmpi ne, %sign3A_51, %sign3A_58 : i32
        %rem3A = arith.remsi %scan3A_45, %jit3A : i32
        %ne3A_59 = arith.constant 0 : i32
        %ne3A_60 = arith.cmpi ne, %rem3A, %ne3A_59 : i32
        %and3A = arith.andi %ne3A, %ne3A_60 : i1
        %sub3A = arith.constant 1 : i32
        %sub3A_61 = arith.subi %div3A, %sub3A : i32
        %select_n3A = arith.select %and3A, %sub3A_61, %div3A : i32
        %jit3A_62 = arith.constant 16 : i32
        %eq3A = arith.constant 0 : i32
        %eq3A_63 = arith.cmpi eq, %jit3A_62, %eq3A : i32
        %jit3A_64 = arith.constant 1 : i32
        %select_n3A_65 = arith.select %eq3A_63, %jit3A_64, %jit3A_62 : i32
        %rem3A_66 = arith.remsi %scan3A_45, %select_n3A_65 : i32
        %ne3A_67 = arith.constant 0 : i32
        %ne3A_68 = arith.cmpi ne, %rem3A_66, %ne3A_67 : i32
        %lt3A = arith.constant 0 : i32
        %lt3A_69 = arith.cmpi slt, %rem3A_66, %lt3A : i32
        %lt3A_70 = arith.constant 0 : i32
        %lt3A_71 = arith.cmpi slt, %select_n3A_65, %lt3A_70 : i32
        %ne3A_72 = arith.xori %lt3A_69, %lt3A_71 : i1
        %and3A_73 = arith.andi %ne3A_72, %ne3A_68 : i1
        %add3A_74 = arith.addi %rem3A_66, %select_n3A_65 : i32
        %select_n3A_75 = arith.select %and3A_73, %add3A_74, %rem3A_66 : i32
        %mul3A_76 = arith.constant 16 : i32
        %mul3A_77 = arith.muli %select_n3A_75, %mul3A_76 : i32
        %get3A = arith.index_cast %select_n3A : i32 to index
        %get3A_78 = arith.index_cast %mul3A_77 : i32 to index
        %get3A_79 = tpu.vector_load %arg5[%get3A, %get3A_78] {strides = array<i32>} : memref<128x256xf32, #tpu.memory_space<vmem>>, vector<1x16xf32>,
        %get3A_80 = vector.shape_cast %get3A_79 : vector<1x16xf32> to vector<16xf32>
        %get3A_81 = arith.index_cast %select_n3A : i32 to index
        %get3A_82 = arith.index_cast %mul3A_77 : i32 to index
        %get3A_83 = tpu.vector_load %arg6[%get3A_81, %get3A_82] {strides = array<i32>} : memref<128x256xf32, #tpu.memory_space<vmem>>, vector<1x16xf32>,
        %get3A_84 = vector.shape_cast %get3A_83 : vector<1x16xf32> to vector<16xf32>
        %add3A_85 = arith.addf %get3A_80, %get3A_84 : vector<16xf32>
        %swap3A = arith.index_cast %select_n3A : i32 to index
        %swap3A_86 = arith.index_cast %mul3A_77 : i32 to index
        %swap3A_87 = tpu.vector_load %arg5[%swap3A, %swap3A_86] {strides = array<i32>} : memref<128x256xf32, #tpu.memory_space<vmem>>, vector<1x16xf32>,
        %swap3A_88 = vector.shape_cast %swap3A_87 : vector<1x16xf32> to vector<16xf32>
        %swap3A_89 = vector.shape_cast %add3A_85 : vector<16xf32> to vector<1x16xf32>
        tpu.vector_store %arg5[%swap3A, %swap3A_86], %swap3A_89 {strides = array<i32>} : memref<128x256xf32, #tpu.memory_space<vmem>>, vector<1x16xf32>,
      }
      %scan3A_44 = arith.constant 2048 : i32
      "tpu.region"() ({
        %run_scoped3A = tpu.sem_alloc : memref<!tpu.dma_semaphore, #tpu.memory_space<semaphore_mem>>
        %dma_start3A_45 = arith.constant 0 : i32
        %dma_start3A_46 = arith.constant 0 : i32
        %dma_start3A_47 = tpu.memref_slice %arg4[%add3A, %dma_start3A_45, %dma_start3A_46] : memref<32x10496x256xf32, #tpu.memory_space<hbm>> -> memref<1x10496x256xf32, #tpu.memory_space<hbm>>
        %dma_start3A_48 = tpu.memref_squeeze %dma_start3A_47 : memref<1x10496x256xf32, #tpu.memory_space<hbm>> -> memref<10496x256xf32, #tpu.memory_space<hbm>>
        %dma_start3A_49 = arith.constant 0 : i32
        %dma_start3A_50 = arith.constant 0 : i32
        %dma_start3A_51 = tpu.memref_slice %dma_start3A_48[%dma_start3A_49, %dma_start3A_50] : memref<10496x256xf32, #tpu.memory_space<hbm>> -> memref<10496x256xf32, #tpu.memory_space<hbm>>
        tpu.enqueue_indirect_dma source(%arg5 : memref<128x256xf32, #tpu.memory_space<vmem>>) target(%dma_start3A_51 : memref<10496x256xf32, #tpu.memory_space<hbm>>) offsets(%arg7 : memref<128xi32, #tpu.memory_space<vmem>>) semaphore(%run_scoped3A : memref<!tpu.dma_semaphore, #tpu.memory_space<semaphore_mem>>)
        %dma_wait3A_52 = arith.constant 0 : i32
        %dma_wait3A_53 = arith.constant 0 : i32
        %dma_wait3A_54 = tpu.memref_slice %arg4[%add3A, %dma_wait3A_52, %dma_wait3A_53] : memref<32x10496x256xf32, #tpu.memory_space<hbm>> -> memref<1x10496x256xf32, #tpu.memory_space<hbm>>
        %dma_wait3A_55 = tpu.memref_squeeze %dma_wait3A_54 : memref<1x10496x256xf32, #tpu.memory_space<hbm>> -> memref<10496x256xf32, #tpu.memory_space<hbm>>
        %dma_wait3A_56 = arith.constant 0 : i32
        %dma_wait3A_57 = arith.constant 0 : i32
        %dma_wait3A_58 = tpu.memref_slice %dma_wait3A_55[%dma_wait3A_56, %dma_wait3A_57] : memref<10496x256xf32, #tpu.memory_space<hbm>> -> memref<10496x256xf32, #tpu.memory_space<hbm>>
        tpu.wait_indirect_dma semaphore(%run_scoped3A : memref<!tpu.dma_semaphore, #tpu.memory_space<semaphore_mem>>) src(%arg5 : memref<128x256xf32, #tpu.memory_space<vmem>>) dst(%dma_wait3A_58 : memref<10496x256xf32, #tpu.memory_space<hbm>>)
        tpu.yield
      }) : () -> ()
    }
    %scan3A_18 = arith.constant 40 : i32
    return
  }
}

#map = affine_map<(d0, d1) -> (0, 0)>
#map1 = affine_map<(d0, d1) -> (0)>
#map2 = affine_map<(d0, d1) -> (0, 0, 0)>
module attributes {stable_mosaic.version = 14 : i64} {
  func.func @k(%arg0: i32, %arg1: i32, %arg2: memref<163840x256xf32, #tpu.memory_space<hbm>>, %arg3: memref<163840xi32, #tpu.memory_space<hbm>>, %arg4: memref<32x10496x256xf32, #tpu.memory_space<hbm>>, %arg5: memref<128x256xf32, #tpu.memory_space<vmem>>, %arg6: memref<128x256xf32, #tpu.memory_space<vmem>>, %arg7: memref<128xi32, #tpu.memory_space<vmem>>, %arg8: memref<!tpu.dma_semaphore, #tpu.memory_space<semaphore_mem>>) attributes {dimension_semantics = [#tpu.dimension_semantics<core_parallel>, #tpu.dimension_semantics<subcore_parallel>], iteration_bounds = array<i64: 2, 16>, scalar_prefetch = 0 : i64, scratch_operands = 4 : i64, tpu.core_type = #tpu.core_type<sc_vector_subcore>, window_params = [{transform_indices = #map}, {transform_indices = #map1}, {transform_indices = #map2}]} {
    %mul3A = arith.constant 2 : i32
    %mul3A_0 = arith.muli %arg1, %mul3A : i32
    %add3A = arith.addi %mul3A_0, %arg0 : i32
    %broadcast_in_dim3A = arith.constant 0.000000e+00 : f32
    %broadcast_in_dim3A_1 = vector.broadcast %broadcast_in_dim3A : f32 to vector<16xf32>
    %scan3A = arith.constant 0 : i32
    %scan3A_2 = arith.constant 0 : i32
    %scan3A_3 = arith.constant 2048 : i32
    %scan3A_4 = arith.addi %scan3A_2, %scan3A_3 : i32
    %scan3A_5 = arith.constant 1 : i32
    scf.for %scan3A_19 = %scan3A_2 to %scan3A_4 step %scan3A_5  : i32 {
      %jit3A = arith.constant 16 : i32
      %div3A = arith.divsi %scan3A_19, %jit3A : i32
      %sign3A = arith.constant 0 : i32
      %sign3A_20 = arith.cmpi sgt, %scan3A_19, %sign3A : i32
      %sign3A_21 = arith.extui %sign3A_20 : i1 to i32
      %sign3A_22 = arith.constant 0 : i32
      %sign3A_23 = arith.cmpi slt, %scan3A_19, %sign3A_22 : i32
      %sign3A_24 = arith.extui %sign3A_23 : i1 to i32
      %sign3A_25 = arith.subi %sign3A_21, %sign3A_24 : i32
      %sign3A_26 = arith.constant 0 : i32
      %sign3A_27 = arith.cmpi sgt, %jit3A, %sign3A_26 : i32
      %sign3A_28 = arith.extui %sign3A_27 : i1 to i32
      %sign3A_29 = arith.constant 0 : i32
      %sign3A_30 = arith.cmpi slt, %jit3A, %sign3A_29 : i32
      %sign3A_31 = arith.extui %sign3A_30 : i1 to i32
      %sign3A_32 = arith.subi %sign3A_28, %sign3A_31 : i32
      %ne3A = arith.cmpi ne, %sign3A_25, %sign3A_32 : i32
      %rem3A = arith.remsi %scan3A_19, %jit3A : i32
      %ne3A_33 = arith.constant 0 : i32
      %ne3A_34 = arith.cmpi ne, %rem3A, %ne3A_33 : i32
      %and3A = arith.andi %ne3A, %ne3A_34 : i1
      %sub3A = arith.constant 1 : i32
      %sub3A_35 = arith.subi %div3A, %sub3A : i32
      %select_n3A = arith.select %and3A, %sub3A_35, %div3A : i32
      %jit3A_36 = arith.constant 16 : i32
      %eq3A = arith.constant 0 : i32
      %eq3A_37 = arith.cmpi eq, %jit3A_36, %eq3A : i32
      %jit3A_38 = arith.constant 1 : i32
      %select_n3A_39 = arith.select %eq3A_37, %jit3A_38, %jit3A_36 : i32
      %rem3A_40 = arith.remsi %scan3A_19, %select_n3A_39 : i32
      %ne3A_41 = arith.constant 0 : i32
      %ne3A_42 = arith.cmpi ne, %rem3A_40, %ne3A_41 : i32
      %lt3A = arith.constant 0 : i32
      %lt3A_43 = arith.cmpi slt, %rem3A_40, %lt3A : i32
      %lt3A_44 = arith.constant 0 : i32
      %lt3A_45 = arith.cmpi slt, %select_n3A_39, %lt3A_44 : i32
      %ne3A_46 = arith.xori %lt3A_43, %lt3A_45 : i1
      %and3A_47 = arith.andi %ne3A_46, %ne3A_42 : i1
      %add3A_48 = arith.addi %rem3A_40, %select_n3A_39 : i32
      %select_n3A_49 = arith.select %and3A_47, %add3A_48, %rem3A_40 : i32
      %mul3A_50 = arith.constant 16 : i32
      %mul3A_51 = arith.muli %select_n3A_49, %mul3A_50 : i32
      %swap3A = arith.index_cast %select_n3A : i32 to index
      %swap3A_52 = arith.index_cast %mul3A_51 : i32 to index
      %swap3A_53 = tpu.vector_load %arg5[%swap3A, %swap3A_52] {strides = array<i32>} : memref<128x256xf32, #tpu.memory_space<vmem>>, vector<1x16xf32>,
      %swap3A_54 = vector.shape_cast %swap3A_53 : vector<1x16xf32> to vector<16xf32>
      %swap3A_55 = vector.shape_cast %broadcast_in_dim3A_1 : vector<16xf32> to vector<1x16xf32>
      tpu.vector_store %arg5[%swap3A, %swap3A_52], %swap3A_55 {strides = array<i32>} : memref<128x256xf32, #tpu.memory_space<vmem>>, vector<1x16xf32>,
    }
    %scan3A_6 = arith.constant 2048 : i32
    %scan3A_7 = arith.constant 0 : i32
    %scan3A_8 = arith.constant 0 : i32
    %scan3A_9 = arith.constant 80 : i32
    %scan3A_10 = arith.addi %scan3A_8, %scan3A_9 : i32
    %scan3A_11 = arith.constant 1 : i32
    scf.for %scan3A_19 = %scan3A_8 to %scan3A_10 step %scan3A_11  : i32 {
      %mul3A_20 = arith.constant 128 : i32
      %mul3A_21 = arith.muli %scan3A_19, %mul3A_20 : i32
      "tpu.region"() ({
        %run_scoped3A = tpu.sem_alloc : memref<!tpu.dma_semaphore, #tpu.memory_space<semaphore_mem>>
        %dma_start3A = arith.constant 0 : i32
        %dma_start3A_22 = arith.constant 0 : i32
        %dma_start3A_23 = tpu.memref_slice %arg4[%add3A, %dma_start3A, %dma_start3A_22] : memref<32x10496x256xf32, #tpu.memory_space<hbm>> -> memref<1x10496x256xf32, #tpu.memory_space<hbm>>
        %dma_start3A_24 = tpu.memref_squeeze %dma_start3A_23 : memref<1x10496x256xf32, #tpu.memory_space<hbm>> -> memref<10496x256xf32, #tpu.memory_space<hbm>>
        %dma_start3A_25 = arith.constant 0 : i32
        %dma_start3A_26 = tpu.memref_slice %dma_start3A_24[%mul3A_21, %dma_start3A_25] : memref<10496x256xf32, #tpu.memory_space<hbm>> -> memref<128x256xf32, #tpu.memory_space<hbm>>
        %dma_start3A_27 = arith.constant 0 : i32
        %dma_start3A_28 = arith.constant 0 : i32
        %dma_start3A_29 = tpu.memref_slice %arg4[%add3A, %dma_start3A_27, %dma_start3A_28] : memref<32x10496x256xf32, #tpu.memory_space<hbm>> -> memref<1x10496x256xf32, #tpu.memory_space<hbm>>
        %dma_start3A_30 = tpu.memref_squeeze %dma_start3A_29 : memref<1x10496x256xf32, #tpu.memory_space<hbm>> -> memref<10496x256xf32, #tpu.memory_space<hbm>>
        %dma_start3A_31 = arith.constant 0 : i32
        %dma_start3A_32 = tpu.memref_slice %dma_start3A_30[%mul3A_21, %dma_start3A_31] : memref<10496x256xf32, #tpu.memory_space<hbm>> -> memref<128x256xf32, #tpu.memory_space<hbm>>
        tpu.enqueue_dma source(%arg5 : memref<128x256xf32, #tpu.memory_space<vmem>>) target(%dma_start3A_32 : memref<128x256xf32, #tpu.memory_space<hbm>>) target_semaphore(%run_scoped3A : memref<!tpu.dma_semaphore, #tpu.memory_space<semaphore_mem>>)
        %dma_wait3A = arith.constant 0 : i32
        %dma_wait3A_33 = arith.constant 0 : i32
        %dma_wait3A_34 = tpu.memref_slice %arg4[%add3A, %dma_wait3A, %dma_wait3A_33] : memref<32x10496x256xf32, #tpu.memory_space<hbm>> -> memref<1x10496x256xf32, #tpu.memory_space<hbm>>
        %dma_wait3A_35 = tpu.memref_squeeze %dma_wait3A_34 : memref<1x10496x256xf32, #tpu.memory_space<hbm>> -> memref<10496x256xf32, #tpu.memory_space<hbm>>
        %dma_wait3A_36 = arith.constant 0 : i32
        %dma_wait3A_37 = tpu.memref_slice %dma_wait3A_35[%mul3A_21, %dma_wait3A_36] : memref<10496x256xf32, #tpu.memory_space<hbm>> -> memref<128x256xf32, #tpu.memory_space<hbm>>
        %dma_wait3A_38 = arith.constant 0 : i32
        %dma_wait3A_39 = arith.constant 0 : i32
        %dma_wait3A_40 = tpu.memref_slice %arg4[%add3A, %dma_wait3A_38, %dma_wait3A_39] : memref<32x10496x256xf32, #tpu.memory_space<hbm>> -> memref<1x10496x256xf32, #tpu.memory_space<hbm>>
        %dma_wait3A_41 = tpu.memref_squeeze %dma_wait3A_40 : memref<1x10496x256xf32, #tpu.memory_space<hbm>> -> memref<10496x256xf32, #tpu.memory_space<hbm>>
        %dma_wait3A_42 = arith.constant 0 : i32
        %dma_wait3A_43 = tpu.memref_slice %dma_wait3A_41[%mul3A_21, %dma_wait3A_42] : memref<10496x256xf32, #tpu.memory_space<hbm>> -> memref<128x256xf32, #tpu.memory_space<hbm>>
        tpu.wait_dma2 semaphore(%run_scoped3A : memref<!tpu.dma_semaphore, #tpu.memory_space<semaphore_mem>>) src(%arg5 : memref<128x256xf32, #tpu.memory_space<vmem>>) dst(%dma_wait3A_43 : memref<128x256xf32, #tpu.memory_space<hbm>>)
        tpu.yield
      }) : () -> ()
    }
    %scan3A_12 = arith.constant 80 : i32
    %scan3A_13 = arith.constant 0 : i32
    %scan3A_14 = arith.constant 0 : i32
    %scan3A_15 = arith.constant 40 : i32
    %scan3A_16 = arith.addi %scan3A_14, %scan3A_15 : i32
    %scan3A_17 = arith.constant 1 : i32
    scf.for %scan3A_19 = %scan3A_14 to %scan3A_16 step %scan3A_17  : i32 {
      %mul3A_20 = arith.constant 40 : i32
      %mul3A_21 = arith.muli %add3A, %mul3A_20 : i32
      %add3A_22 = arith.addi %mul3A_21, %scan3A_19 : i32
      %mul3A_23 = arith.constant 128 : i32
      %mul3A_24 = arith.muli %add3A_22, %mul3A_23 : i32
      "tpu.region"() ({
        %run_scoped3A = tpu.sem_alloc : memref<!tpu.dma_semaphore, #tpu.memory_space<semaphore_mem>>
        %dma_start3A_45 = tpu.memref_slice %arg3[%mul3A_24] : memref<163840xi32, #tpu.memory_space<hbm>> -> memref<128xi32, #tpu.memory_space<hbm>>
        %dma_start3A_46 = tpu.memref_slice %arg3[%mul3A_24] : memref<163840xi32, #tpu.memory_space<hbm>> -> memref<128xi32, #tpu.memory_space<hbm>>
        tpu.enqueue_dma source(%dma_start3A_46 : memref<128xi32, #tpu.memory_space<hbm>>) target(%arg7 : memref<128xi32, #tpu.memory_space<vmem>>) target_semaphore(%run_scoped3A : memref<!tpu.dma_semaphore, #tpu.memory_space<semaphore_mem>>)
        %dma_wait3A_47 = tpu.memref_slice %arg3[%mul3A_24] : memref<163840xi32, #tpu.memory_space<hbm>> -> memref<128xi32, #tpu.memory_space<hbm>>
        %dma_wait3A_48 = tpu.memref_slice %arg3[%mul3A_24] : memref<163840xi32, #tpu.memory_space<hbm>> -> memref<128xi32, #tpu.memory_space<hbm>>
        tpu.wait_dma2 semaphore(%run_scoped3A : memref<!tpu.dma_semaphore, #tpu.memory_space<semaphore_mem>>) src(%dma_wait3A_48 : memref<128xi32, #tpu.memory_space<hbm>>) dst(%arg7 : memref<128xi32, #tpu.memory_space<vmem>>)
        tpu.yield
      }) : () -> ()
      %mul3A_25 = arith.constant 128 : i32
      %mul3A_26 = arith.muli %add3A_22, %mul3A_25 : i32
      "tpu.region"() ({
        %run_scoped3A = tpu.sem_alloc : memref<!tpu.dma_semaphore, #tpu.memory_space<semaphore_mem>>
        %dma_start3A_45 = arith.constant 0 : i32
        %dma_start3A_46 = tpu.memref_slice %arg2[%mul3A_26, %dma_start3A_45] : memref<163840x256xf32, #tpu.memory_space<hbm>> -> memref<128x256xf32, #tpu.memory_space<hbm>>
        %dma_start3A_47 = arith.constant 0 : i32
        %dma_start3A_48 = tpu.memref_slice %arg2[%mul3A_26, %dma_start3A_47] : memref<163840x256xf32, #tpu.memory_space<hbm>> -> memref<128x256xf32, #tpu.memory_space<hbm>>
        tpu.enqueue_dma source(%dma_start3A_48 : memref<128x256xf32, #tpu.memory_space<hbm>>) target(%arg5 : memref<128x256xf32, #tpu.memory_space<vmem>>) target_semaphore(%run_scoped3A : memref<!tpu.dma_semaphore, #tpu.memory_space<semaphore_mem>>)
        %dma_wait3A_49 = arith.constant 0 : i32
        %dma_wait3A_50 = tpu.memref_slice %arg2[%mul3A_26, %dma_wait3A_49] : memref<163840x256xf32, #tpu.memory_space<hbm>> -> memref<128x256xf32, #tpu.memory_space<hbm>>
        %dma_wait3A_51 = arith.constant 0 : i32
        %dma_wait3A_52 = tpu.memref_slice %arg2[%mul3A_26, %dma_wait3A_51] : memref<163840x256xf32, #tpu.memory_space<hbm>> -> memref<128x256xf32, #tpu.memory_space<hbm>>
        tpu.wait_dma2 semaphore(%run_scoped3A : memref<!tpu.dma_semaphore, #tpu.memory_space<semaphore_mem>>) src(%dma_wait3A_52 : memref<128x256xf32, #tpu.memory_space<hbm>>) dst(%arg5 : memref<128x256xf32, #tpu.memory_space<vmem>>)
        tpu.yield
      }) : () -> ()
      %dma_start3A = arith.constant 0 : i32
      %dma_start3A_27 = arith.constant 0 : i32
      %dma_start3A_28 = tpu.memref_slice %arg4[%add3A, %dma_start3A, %dma_start3A_27] : memref<32x10496x256xf32, #tpu.memory_space<hbm>> -> memref<1x10496x256xf32, #tpu.memory_space<hbm>>
      %dma_start3A_29 = tpu.memref_squeeze %dma_start3A_28 : memref<1x10496x256xf32, #tpu.memory_space<hbm>> -> memref<10496x256xf32, #tpu.memory_space<hbm>>
      %dma_start3A_30 = arith.constant 0 : i32
      %dma_start3A_31 = arith.constant 0 : i32
      %dma_start3A_32 = tpu.memref_slice %dma_start3A_29[%dma_start3A_30, %dma_start3A_31] : memref<10496x256xf32, #tpu.memory_space<hbm>> -> memref<10496x256xf32, #tpu.memory_space<hbm>>
      tpu.enqueue_indirect_dma source(%dma_start3A_32 : memref<10496x256xf32, #tpu.memory_space<hbm>>) target(%arg6 : memref<128x256xf32, #tpu.memory_space<vmem>>) offsets(%arg7 : memref<128xi32, #tpu.memory_space<vmem>>) semaphore(%arg8 : memref<!tpu.dma_semaphore, #tpu.memory_space<semaphore_mem>>)
      %dma_wait3A = arith.constant 0 : i32
      %dma_wait3A_33 = arith.constant 0 : i32
      %dma_wait3A_34 = tpu.memref_slice %arg4[%add3A, %dma_wait3A, %dma_wait3A_33] : memref<32x10496x256xf32, #tpu.memory_space<hbm>> -> memref<1x10496x256xf32, #tpu.memory_space<hbm>>
      %dma_wait3A_35 = tpu.memref_squeeze %dma_wait3A_34 : memref<1x10496x256xf32, #tpu.memory_space<hbm>> -> memref<10496x256xf32, #tpu.memory_space<hbm>>
      %dma_wait3A_36 = arith.constant 0 : i32
      %dma_wait3A_37 = arith.constant 0 : i32
      %dma_wait3A_38 = tpu.memref_slice %dma_wait3A_35[%dma_wait3A_36, %dma_wait3A_37] : memref<10496x256xf32, #tpu.memory_space<hbm>> -> memref<10496x256xf32, #tpu.memory_space<hbm>>
      tpu.wait_indirect_dma semaphore(%arg8 : memref<!tpu.dma_semaphore, #tpu.memory_space<semaphore_mem>>) src(%dma_wait3A_38 : memref<10496x256xf32, #tpu.memory_space<hbm>>) dst(%arg6 : memref<128x256xf32, #tpu.memory_space<vmem>>)
      %scan3A_39 = arith.constant 0 : i32
      %scan3A_40 = arith.constant 0 : i32
      %scan3A_41 = arith.constant 2048 : i32
      %scan3A_42 = arith.addi %scan3A_40, %scan3A_41 : i32
      %scan3A_43 = arith.constant 1 : i32
      scf.for %scan3A_45 = %scan3A_40 to %scan3A_42 step %scan3A_43  : i32 {
        %jit3A = arith.constant 16 : i32
        %div3A = arith.divsi %scan3A_45, %jit3A : i32
        %sign3A = arith.constant 0 : i32
        %sign3A_46 = arith.cmpi sgt, %scan3A_45, %sign3A : i32
        %sign3A_47 = arith.extui %sign3A_46 : i1 to i32
        %sign3A_48 = arith.constant 0 : i32
        %sign3A_49 = arith.cmpi slt, %scan3A_45, %sign3A_48 : i32
        %sign3A_50 = arith.extui %sign3A_49 : i1 to i32
        %sign3A_51 = arith.subi %sign3A_47, %sign3A_50 : i32
        %sign3A_52 = arith.constant 0 : i32
        %sign3A_53 = arith.cmpi sgt, %jit3A, %sign3A_52 : i32
        %sign3A_54 = arith.extui %sign3A_53 : i1 to i32
        %sign3A_55 = arith.constant 0 : i32
        %sign3A_56 = arith.cmpi slt, %jit3A, %sign3A_55 : i32
        %sign3A_57 = arith.extui %sign3A_56 : i1 to i32
        %sign3A_58 = arith.subi %sign3A_54, %sign3A_57 : i32
        %ne3A = arith.cmpi ne, %sign3A_51, %sign3A_58 : i32
        %rem3A = arith.remsi %scan3A_45, %jit3A : i32
        %ne3A_59 = arith.constant 0 : i32
        %ne3A_60 = arith.cmpi ne, %rem3A, %ne3A_59 : i32
        %and3A = arith.andi %ne3A, %ne3A_60 : i1
        %sub3A = arith.constant 1 : i32
        %sub3A_61 = arith.subi %div3A, %sub3A : i32
        %select_n3A = arith.select %and3A, %sub3A_61, %div3A : i32
        %jit3A_62 = arith.constant 16 : i32
        %eq3A = arith.constant 0 : i32
        %eq3A_63 = arith.cmpi eq, %jit3A_62, %eq3A : i32
        %jit3A_64 = arith.constant 1 : i32
        %select_n3A_65 = arith.select %eq3A_63, %jit3A_64, %jit3A_62 : i32
        %rem3A_66 = arith.remsi %scan3A_45, %select_n3A_65 : i32
        %ne3A_67 = arith.constant 0 : i32
        %ne3A_68 = arith.cmpi ne, %rem3A_66, %ne3A_67 : i32
        %lt3A = arith.constant 0 : i32
        %lt3A_69 = arith.cmpi slt, %rem3A_66, %lt3A : i32
        %lt3A_70 = arith.constant 0 : i32
        %lt3A_71 = arith.cmpi slt, %select_n3A_65, %lt3A_70 : i32
        %ne3A_72 = arith.xori %lt3A_69, %lt3A_71 : i1
        %and3A_73 = arith.andi %ne3A_72, %ne3A_68 : i1
        %add3A_74 = arith.addi %rem3A_66, %select_n3A_65 : i32
        %select_n3A_75 = arith.select %and3A_73, %add3A_74, %rem3A_66 : i32
        %mul3A_76 = arith.constant 16 : i32
        %mul3A_77 = arith.muli %select_n3A_75, %mul3A_76 : i32
        %get3A = arith.index_cast %select_n3A : i32 to index
        %get3A_78 = arith.index_cast %mul3A_77 : i32 to index
        %get3A_79 = tpu.vector_load %arg5[%get3A, %get3A_78] {strides = array<i32>} : memref<128x256xf32, #tpu.memory_space<vmem>>, vector<1x16xf32>,
        %get3A_80 = vector.shape_cast %get3A_79 : vector<1x16xf32> to vector<16xf32>
        %get3A_81 = arith.index_cast %select_n3A : i32 to index
        %get3A_82 = arith.index_cast %mul3A_77 : i32 to index
        %get3A_83 = tpu.vector_load %arg6[%get3A_81, %get3A_82] {strides = array<i32>} : memref<128x256xf32, #tpu.memory_space<vmem>>, vector<1x16xf32>,
        %get3A_84 = vector.shape_cast %get3A_83 : vector<1x16xf32> to vector<16xf32>
        %add3A_85 = arith.addf %get3A_80, %get3A_84 : vector<16xf32>
        %swap3A = arith.index_cast %select_n3A : i32 to index
        %swap3A_86 = arith.index_cast %mul3A_77 : i32 to index
        %swap3A_87 = tpu.vector_load %arg5[%swap3A, %swap3A_86] {strides = array<i32>} : memref<128x256xf32, #tpu.memory_space<vmem>>, vector<1x16xf32>,
        %swap3A_88 = vector.shape_cast %swap3A_87 : vector<1x16xf32> to vector<16xf32>
        %swap3A_89 = vector.shape_cast %add3A_85 : vector<16xf32> to vector<1x16xf32>
        tpu.vector_store %arg5[%swap3A, %swap3A_86], %swap3A_89 {strides = array<i32>} : memref<128x256xf32, #tpu.memory_space<vmem>>, vector<1x16xf32>,
      }
      %scan3A_44 = arith.constant 2048 : i32
      "tpu.region"() ({
        %run_scoped3A = tpu.sem_alloc : memref<!tpu.dma_semaphore, #tpu.memory_space<semaphore_mem>>
        %dma_start3A_45 = arith.constant 0 : i32
        %dma_start3A_46 = arith.constant 0 : i32
        %dma_start3A_47 = tpu.memref_slice %arg4[%add3A, %dma_start3A_45, %dma_start3A_46] : memref<32x10496x256xf32, #tpu.memory_space<hbm>> -> memref<1x10496x256xf32, #tpu.memory_space<hbm>>
        %dma_start3A_48 = tpu.memref_squeeze %dma_start3A_47 : memref<1x10496x256xf32, #tpu.memory_space<hbm>> -> memref<10496x256xf32, #tpu.memory_space<hbm>>
        %dma_start3A_49 = arith.constant 0 : i32
        %dma_start3A_50 = arith.constant 0 : i32
        %dma_start3A_51 = tpu.memref_slice %dma_start3A_48[%dma_start3A_49, %dma_start3A_50] : memref<10496x256xf32, #tpu.memory_space<hbm>> -> memref<10496x256xf32, #tpu.memory_space<hbm>>
        tpu.enqueue_indirect_dma source(%arg5 : memref<128x256xf32, #tpu.memory_space<vmem>>) target(%dma_start3A_51 : memref<10496x256xf32, #tpu.memory_space<hbm>>) offsets(%arg7 : memref<128xi32, #tpu.memory_space<vmem>>) semaphore(%run_scoped3A : memref<!tpu.dma_semaphore, #tpu.memory_space<semaphore_mem>>)
        %dma_wait3A_52 = arith.constant 0 : i32
        %dma_wait3A_53 = arith.constant 0 : i32
        %dma_wait3A_54 = tpu.memref_slice %arg4[%add3A, %dma_wait3A_52, %dma_wait3A_53] : memref<32x10496x256xf32, #tpu.memory_space<hbm>> -> memref<1x10496x256xf32, #tpu.memory_space<hbm>>
        %dma_wait3A_55 = tpu.memref_squeeze %dma_wait3A_54 : memref<1x10496x256xf32, #tpu.memory_space<hbm>> -> memref<10496x256xf32, #tpu.memory_space<hbm>>
        %dma_wait3A_56 = arith.constant 0 : i32
        %dma_wait3A_57 = arith.constant 0 : i32
        %dma_wait3A_58 = tpu.memref_slice %dma_wait3A_55[%dma_wait3A_56, %dma_wait3A_57] : memref<10496x256xf32, #tpu.memory_space<hbm>> -> memref<10496x256xf32, #tpu.memory_space<hbm>>
        tpu.wait_indirect_dma semaphore(%run_scoped3A : memref<!tpu.dma_semaphore, #tpu.memory_space<semaphore_mem>>) src(%arg5 : memref<128x256xf32, #tpu.memory_space<vmem>>) dst(%dma_wait3A_58 : memref<10496x256xf32, #tpu.memory_space<hbm>>)
        tpu.yield
      }) : () -> ()
    }
    %scan3A_18 = arith.constant 40 : i32
    return
  }
}

module attributes {stable_mosaic.version = 14 : i64} {
  func.func @_node_embed_body(%arg0: i32, %arg1: memref<1024x6xf32, #tpu.memory_space<vmem>>, %arg2: memref<1024x1280xf32, #tpu.memory_space<vmem>>, %arg3: memref<1024x9xf32, #tpu.memory_space<vmem>>, %arg4: memref<1x1286xf32, #tpu.memory_space<vmem>>, %arg5: memref<1x1286xf32, #tpu.memory_space<vmem>>, %arg6: memref<3x16xf32, #tpu.memory_space<vmem>>, %arg7: memref<6x100xf32, #tpu.memory_space<vmem>>, %arg8: memref<1280x100xf32, #tpu.memory_space<vmem>>, %arg9: memref<16x100xf32, #tpu.memory_space<vmem>>, %arg10: memref<1x100xf32, #tpu.memory_space<vmem>>, %arg11: memref<16x16xf32, #tpu.memory_space<vmem>>, %arg12: memref<1024x256xf32, #tpu.memory_space<vmem>>) attributes {dimension_semantics = [#tpu.dimension_semantics<arbitrary>], iteration_bounds = array<i64: 10>, scalar_prefetch = 0 : i64, scratch_operands = 0 : i64, tpu.core_type = #tpu.core_type<tc>, window_params = [{transform_indices = @transform_0, window_bounds = array<i64: 1024, 6>}, {transform_indices = @transform_1, window_bounds = array<i64: 1024, 1280>}, {transform_indices = @transform_2, window_bounds = array<i64: 1024, 9>}, {pipeline_mode = #tpu.pipeline_mode<synchronous>, transform_indices = @transform_3, window_bounds = array<i64: 1, 1286>}, {pipeline_mode = #tpu.pipeline_mode<synchronous>, transform_indices = @transform_4, window_bounds = array<i64: 1, 1286>}, {pipeline_mode = #tpu.pipeline_mode<synchronous>, transform_indices = @transform_5, window_bounds = array<i64: 3, 16>}, {pipeline_mode = #tpu.pipeline_mode<synchronous>, transform_indices = @transform_6, window_bounds = array<i64: 6, 100>}, {pipeline_mode = #tpu.pipeline_mode<synchronous>, transform_indices = @transform_7, window_bounds = array<i64: 1280, 100>}, {pipeline_mode = #tpu.pipeline_mode<synchronous>, transform_indices = @transform_8, window_bounds = array<i64: 16, 100>}, {pipeline_mode = #tpu.pipeline_mode<synchronous>, transform_indices = @transform_9, window_bounds = array<i64: 1, 100>}, {pipeline_mode = #tpu.pipeline_mode<synchronous>, transform_indices = @transform_10, window_bounds = array<i64: 16, 16>}, {transform_indices = @transform_11, window_bounds = array<i64: 1024, 256>}]} {
    %get3A = arith.constant 0 : index
    %get3A_0 = arith.constant 0 : index
    %get3A_1 = vector.load %arg1[%get3A, %get3A_0] : memref<1024x6xf32, #tpu.memory_space<vmem>>, vector<1024x6xf32>
    %get3A_2 = arith.constant 0 : index
    %get3A_3 = arith.constant 0 : index
    %get3A_4 = vector.load %arg2[%get3A_2, %get3A_3] : memref<1024x1280xf32, #tpu.memory_space<vmem>>, vector<1024x1280xf32>
    %reduce_sum3A = arith.constant dense<0.000000e+00> : vector<1024xf32>
    %reduce_sum3A_5 = vector.multi_reduction <add>, %get3A_1, %reduce_sum3A [1] : vector<1024x6xf32> to vector<1024xf32>
    %broadcast_in_dim3A = vector.shape_cast %reduce_sum3A_5 : vector<1024xf32> to vector<1024x1xf32>
    %reduce_sum3A_6 = arith.constant dense<0.000000e+00> : vector<1024xf32>
    %reduce_sum3A_7 = vector.multi_reduction <add>, %get3A_4, %reduce_sum3A_6 [1] : vector<1024x1280xf32> to vector<1024xf32>
    %broadcast_in_dim3A_8 = vector.shape_cast %reduce_sum3A_7 : vector<1024xf32> to vector<1024x1xf32>
    %add3A = arith.addf %broadcast_in_dim3A, %broadcast_in_dim3A_8 : vector<1024x1xf32>
    %div3A = arith.constant 1.286000e+03 : f32
    %div3A_9 = vector.broadcast %div3A : f32 to vector<1024x1xf32>
    %div3A_10 = arith.divf %add3A, %div3A_9 : vector<1024x1xf32>
    %sub3A = vector.broadcast %div3A_10 : vector<1024x1xf32> to vector<1024x6xf32>
    %sub3A_11 = arith.subf %get3A_1, %sub3A : vector<1024x6xf32>
    %integer_pow3A = arith.mulf %sub3A_11, %sub3A_11 : vector<1024x6xf32>
    %reduce_sum3A_12 = arith.constant dense<0.000000e+00> : vector<1024xf32>
    %reduce_sum3A_13 = vector.multi_reduction <add>, %integer_pow3A, %reduce_sum3A_12 [1] : vector<1024x6xf32> to vector<1024xf32>
    %broadcast_in_dim3A_14 = vector.shape_cast %reduce_sum3A_13 : vector<1024xf32> to vector<1024x1xf32>
    %sub3A_15 = vector.broadcast %div3A_10 : vector<1024x1xf32> to vector<1024x1280xf32>
    %sub3A_16 = arith.subf %get3A_4, %sub3A_15 : vector<1024x1280xf32>
    %integer_pow3A_17 = arith.mulf %sub3A_16, %sub3A_16 : vector<1024x1280xf32>
    %reduce_sum3A_18 = arith.constant dense<0.000000e+00> : vector<1024xf32>
    %reduce_sum3A_19 = vector.multi_reduction <add>, %integer_pow3A_17, %reduce_sum3A_18 [1] : vector<1024x1280xf32> to vector<1024xf32>
    %broadcast_in_dim3A_20 = vector.shape_cast %reduce_sum3A_19 : vector<1024xf32> to vector<1024x1xf32>
    %add3A_21 = arith.addf %broadcast_in_dim3A_14, %broadcast_in_dim3A_20 : vector<1024x1xf32>
    %div3A_22 = arith.constant 1.286000e+03 : f32
    %div3A_23 = vector.broadcast %div3A_22 : f32 to vector<1024x1xf32>
    %div3A_24 = arith.divf %add3A_21, %div3A_23 : vector<1024x1xf32>
    %add3A_25 = arith.constant 9.99999974E-6 : f32
    %add3A_26 = vector.broadcast %add3A_25 : f32 to vector<1024x1xf32>
    %add3A_27 = arith.addf %div3A_24, %add3A_26 : vector<1024x1xf32>
    %sqrt3A = math.sqrt %add3A_27 : vector<1024x1xf32>
    %get3A_28 = arith.constant 0 : index
    %get3A_29 = arith.constant 0 : index
    %get3A_30 = vector.load %arg4[%get3A_28, %get3A_29] : memref<1x1286xf32, #tpu.memory_space<vmem>>, vector<1x1286xf32>
    %get3A_31 = arith.constant 0 : index
    %get3A_32 = arith.constant 0 : index
    %get3A_33 = vector.load %arg5[%get3A_31, %get3A_32] : memref<1x1286xf32, #tpu.memory_space<vmem>>, vector<1x1286xf32>
    %sub3A_34 = vector.broadcast %div3A_10 : vector<1024x1xf32> to vector<1024x6xf32>
    %sub3A_35 = arith.subf %get3A_1, %sub3A_34 : vector<1024x6xf32>
    %div3A_36 = vector.broadcast %sqrt3A : vector<1024x1xf32> to vector<1024x6xf32>
    %div3A_37 = arith.divf %sub3A_35, %div3A_36 : vector<1024x6xf32>
    %slice3A = vector.extract_strided_slice %get3A_30 {offsets = [0, 0], sizes = [1, 6], strides = [1, 1]} : vector<1x1286xf32> to vector<1x6xf32>
    %mul3A = vector.broadcast %slice3A : vector<1x6xf32> to vector<1024x6xf32>
    %mul3A_38 = arith.mulf %div3A_37, %mul3A : vector<1024x6xf32>
    %slice3A_39 = vector.extract_strided_slice %get3A_33 {offsets = [0, 0], sizes = [1, 6], strides = [1, 1]} : vector<1x1286xf32> to vector<1x6xf32>
    %add3A_40 = vector.broadcast %slice3A_39 : vector<1x6xf32> to vector<1024x6xf32>
    %add3A_41 = arith.addf %mul3A_38, %add3A_40 : vector<1024x6xf32>
    %sub3A_42 = vector.broadcast %div3A_10 : vector<1024x1xf32> to vector<1024x1280xf32>
    %sub3A_43 = arith.subf %get3A_4, %sub3A_42 : vector<1024x1280xf32>
    %div3A_44 = vector.broadcast %sqrt3A : vector<1024x1xf32> to vector<1024x1280xf32>
    %div3A_45 = arith.divf %sub3A_43, %div3A_44 : vector<1024x1280xf32>
    %slice3A_46 = vector.extract_strided_slice %get3A_30 {offsets = [0, 6], sizes = [1, 1280], strides = [1, 1]} : vector<1x1286xf32> to vector<1x1280xf32>
    %mul3A_47 = vector.broadcast %slice3A_46 : vector<1x1280xf32> to vector<1024x1280xf32>
    %mul3A_48 = arith.mulf %div3A_45, %mul3A_47 : vector<1024x1280xf32>
    %slice3A_49 = vector.extract_strided_slice %get3A_33 {offsets = [0, 6], sizes = [1, 1280], strides = [1, 1]} : vector<1x1286xf32> to vector<1x1280xf32>
    %add3A_50 = vector.broadcast %slice3A_49 : vector<1x1280xf32> to vector<1024x1280xf32>
    %add3A_51 = arith.addf %mul3A_48, %add3A_50 : vector<1024x1280xf32>
    %get3A_52 = arith.constant 0 : index
    %get3A_53 = arith.constant 0 : index
    %get3A_54 = vector.load %arg3[%get3A_52, %get3A_53] : memref<1024x9xf32, #tpu.memory_space<vmem>>, vector<1024x3xf32>
    %get3A_55 = arith.constant 0 : index
    %get3A_56 = arith.constant 3 : index
    %get3A_57 = vector.load %arg3[%get3A_55, %get3A_56] : memref<1024x9xf32, #tpu.memory_space<vmem>>, vector<1024x3xf32>
    %get3A_58 = arith.constant 0 : index
    %get3A_59 = arith.constant 6 : index
    %get3A_60 = vector.load %arg3[%get3A_58, %get3A_59] : memref<1024x9xf32, #tpu.memory_space<vmem>>, vector<1024x3xf32>
    %integer_pow3A_61 = arith.mulf %get3A_54, %get3A_54 : vector<1024x3xf32>
    %integer_pow3A_62 = arith.mulf %get3A_57, %get3A_57 : vector<1024x3xf32>
    %add3A_63 = arith.addf %integer_pow3A_61, %integer_pow3A_62 : vector<1024x3xf32>
    %integer_pow3A_64 = arith.mulf %get3A_60, %get3A_60 : vector<1024x3xf32>
    %add3A_65 = arith.addf %add3A_63, %integer_pow3A_64 : vector<1024x3xf32>
    %max3A = arith.constant 9.99999993E-9 : f32
    %max3A_66 = vector.broadcast %max3A : f32 to vector<1024x3xf32>
    %max3A_67 = arith.maximumf %add3A_65, %max3A_66 : vector<1024x3xf32>
    %reduce_sum3A_68 = arith.constant dense<0.000000e+00> : vector<1024xf32>
    %reduce_sum3A_69 = vector.multi_reduction <add>, %max3A_67, %reduce_sum3A_68 [1] : vector<1024x3xf32> to vector<1024xf32>
    %broadcast_in_dim3A_70 = vector.shape_cast %reduce_sum3A_69 : vector<1024xf32> to vector<1024x1xf32>
    %div3A_71 = arith.constant 3.000000e+00 : f32
    %div3A_72 = vector.broadcast %div3A_71 : f32 to vector<1024x1xf32>
    %div3A_73 = arith.divf %broadcast_in_dim3A_70, %div3A_72 : vector<1024x1xf32>
    %sqrt3A_74 = math.sqrt %div3A_73 : vector<1024x1xf32>
    %div3A_75 = vector.broadcast %sqrt3A_74 : vector<1024x1xf32> to vector<1024x3xf32>
    %div3A_76 = arith.divf %get3A_54, %div3A_75 : vector<1024x3xf32>
    %div3A_77 = vector.broadcast %sqrt3A_74 : vector<1024x1xf32> to vector<1024x3xf32>
    %div3A_78 = arith.divf %get3A_57, %div3A_77 : vector<1024x3xf32>
    %div3A_79 = vector.broadcast %sqrt3A_74 : vector<1024x1xf32> to vector<1024x3xf32>
    %div3A_80 = arith.divf %get3A_60, %div3A_79 : vector<1024x3xf32>
    %get3A_81 = arith.constant 0 : index
    %get3A_82 = arith.constant 0 : index
    %get3A_83 = vector.load %arg6[%get3A_81, %get3A_82] : memref<3x16xf32, #tpu.memory_space<vmem>>, vector<3x16xf32>
    %dot_general3A = arith.constant dense<0.000000e+00> : vector<1024x16xf32>
    %dot_general3A_84 = tpu.matmul %div3A_76, %get3A_83, %dot_general3A {dimension_numbers = #tpu.dot_dimension_numbers<[1], [0], [0], [1], [0, 0, 1, 1], [], []>, transpose_lhs_hint = false} : vector<1024x3xf32>, vector<3x16xf32>, vector<1024x16xf32> -> vector<1024x16xf32>
    %get3A_85 = arith.constant 0 : index
    %get3A_86 = arith.constant 0 : index
    %get3A_87 = vector.load %arg6[%get3A_85, %get3A_86] : memref<3x16xf32, #tpu.memory_space<vmem>>, vector<3x16xf32>
    %dot_general3A_88 = arith.constant dense<0.000000e+00> : vector<1024x16xf32>
    %dot_general3A_89 = tpu.matmul %div3A_78, %get3A_87, %dot_general3A_88 {dimension_numbers = #tpu.dot_dimension_numbers<[1], [0], [0], [1], [0, 0, 1, 1], [], []>, transpose_lhs_hint = false} : vector<1024x3xf32>, vector<3x16xf32>, vector<1024x16xf32> -> vector<1024x16xf32>
    %get3A_90 = arith.constant 0 : index
    %get3A_91 = arith.constant 0 : index
    %get3A_92 = vector.load %arg6[%get3A_90, %get3A_91] : memref<3x16xf32, #tpu.memory_space<vmem>>, vector<3x16xf32>
    %dot_general3A_93 = arith.constant dense<0.000000e+00> : vector<1024x16xf32>
    %dot_general3A_94 = tpu.matmul %div3A_80, %get3A_92, %dot_general3A_93 {dimension_numbers = #tpu.dot_dimension_numbers<[1], [0], [0], [1], [0, 0, 1, 1], [], []>, transpose_lhs_hint = false} : vector<1024x3xf32>, vector<3x16xf32>, vector<1024x16xf32> -> vector<1024x16xf32>
    %integer_pow3A_95 = arith.mulf %dot_general3A_84, %dot_general3A_84 : vector<1024x16xf32>
    %integer_pow3A_96 = arith.mulf %dot_general3A_89, %dot_general3A_89 : vector<1024x16xf32>
    %add3A_97 = arith.addf %integer_pow3A_95, %integer_pow3A_96 : vector<1024x16xf32>
    %integer_pow3A_98 = arith.mulf %dot_general3A_94, %dot_general3A_94 : vector<1024x16xf32>
    %add3A_99 = arith.addf %add3A_97, %integer_pow3A_98 : vector<1024x16xf32>
    %max3A_100 = arith.constant 9.99999993E-9 : f32
    %max3A_101 = vector.broadcast %max3A_100 : f32 to vector<1024x16xf32>
    %max3A_102 = arith.maximumf %add3A_99, %max3A_101 : vector<1024x16xf32>
    %sqrt3A_103 = math.sqrt %max3A_102 : vector<1024x16xf32>
    %get3A_104 = arith.constant 0 : index
    %get3A_105 = arith.constant 0 : index
    %get3A_106 = vector.load %arg7[%get3A_104, %get3A_105] : memref<6x100xf32, #tpu.memory_space<vmem>>, vector<6x100xf32>
    %dot_general3A_107 = arith.constant dense<0.000000e+00> : vector<1024x100xf32>
    %dot_general3A_108 = tpu.matmul %add3A_41, %get3A_106, %dot_general3A_107 {dimension_numbers = #tpu.dot_dimension_numbers<[1], [0], [0], [1], [0, 0, 1, 1], [], []>, transpose_lhs_hint = false} : vector<1024x6xf32>, vector<6x100xf32>, vector<1024x100xf32> -> vector<1024x100xf32>
    %get3A_109 = arith.constant 0 : index
    %get3A_110 = arith.constant 0 : index
    %get3A_111 = vector.load %arg8[%get3A_109, %get3A_110] : memref<1280x100xf32, #tpu.memory_space<vmem>>, vector<1280x100xf32>
    %dot_general3A_112 = arith.constant dense<0.000000e+00> : vector<1024x100xf32>
    %dot_general3A_113 = tpu.matmul %add3A_51, %get3A_111, %dot_general3A_112 {dimension_numbers = #tpu.dot_dimension_numbers<[1], [0], [0], [1], [0, 0, 1, 1], [], []>, transpose_lhs_hint = false} : vector<1024x1280xf32>, vector<1280x100xf32>, vector<1024x100xf32> -> vector<1024x100xf32>
    %add3A_114 = arith.addf %dot_general3A_108, %dot_general3A_113 : vector<1024x100xf32>
    %get3A_115 = arith.constant 0 : index
    %get3A_116 = arith.constant 0 : index
    %get3A_117 = vector.load %arg9[%get3A_115, %get3A_116] : memref<16x100xf32, #tpu.memory_space<vmem>>, vector<16x100xf32>
    %dot_general3A_118 = arith.constant dense<0.000000e+00> : vector<1024x100xf32>
    %dot_general3A_119 = tpu.matmul %sqrt3A_103, %get3A_117, %dot_general3A_118 {dimension_numbers = #tpu.dot_dimension_numbers<[1], [0], [0], [1], [0, 0, 1, 1], [], []>, transpose_lhs_hint = false} : vector<1024x16xf32>, vector<16x100xf32>, vector<1024x100xf32> -> vector<1024x100xf32>
    %add3A_120 = arith.addf %add3A_114, %dot_general3A_119 : vector<1024x100xf32>
    %get3A_121 = arith.constant 0 : index
    %get3A_122 = arith.constant 0 : index
    %get3A_123 = vector.load %arg10[%get3A_121, %get3A_122] : memref<1x100xf32, #tpu.memory_space<vmem>>, vector<1x100xf32>
    %add3A_124 = vector.broadcast %get3A_123 : vector<1x100xf32> to vector<1024x100xf32>
    %add3A_125 = arith.addf %add3A_120, %add3A_124 : vector<1024x100xf32>
    %get3A_126 = arith.constant 0 : index
    %get3A_127 = arith.constant 0 : index
    %get3A_128 = vector.load %arg11[%get3A_126, %get3A_127] : memref<16x16xf32, #tpu.memory_space<vmem>>, vector<16x16xf32>
    %dot_general3A_129 = arith.constant dense<0.000000e+00> : vector<1024x16xf32>
    %dot_general3A_130 = tpu.matmul %dot_general3A_84, %get3A_128, %dot_general3A_129 {dimension_numbers = #tpu.dot_dimension_numbers<[1], [0], [0], [1], [0, 0, 1, 1], [], []>, transpose_lhs_hint = false} : vector<1024x16xf32>, vector<16x16xf32>, vector<1024x16xf32> -> vector<1024x16xf32>
    %dot_general3A_131 = arith.constant dense<0.000000e+00> : vector<1024x16xf32>
    %dot_general3A_132 = tpu.matmul %dot_general3A_89, %get3A_128, %dot_general3A_131 {dimension_numbers = #tpu.dot_dimension_numbers<[1], [0], [0], [1], [0, 0, 1, 1], [], []>, transpose_lhs_hint = false} : vector<1024x16xf32>, vector<16x16xf32>, vector<1024x16xf32> -> vector<1024x16xf32>
    %dot_general3A_133 = arith.constant dense<0.000000e+00> : vector<1024x16xf32>
    %dot_general3A_134 = tpu.matmul %dot_general3A_94, %get3A_128, %dot_general3A_133 {dimension_numbers = #tpu.dot_dimension_numbers<[1], [0], [0], [1], [0, 0, 1, 1], [], []>, transpose_lhs_hint = false} : vector<1024x16xf32>, vector<16x16xf32>, vector<1024x16xf32> -> vector<1024x16xf32>
    %broadcast_in_dim3A_135 = arith.constant 0.000000e+00 : f32
    %broadcast_in_dim3A_136 = vector.broadcast %broadcast_in_dim3A_135 : f32 to vector<1024x108xf32>
    %swap3A = arith.constant 0 : index
    %swap3A_137 = arith.constant 0 : index
    %swap3A_138 = vector.load %arg12[%swap3A, %swap3A_137] : memref<1024x256xf32, #tpu.memory_space<vmem>>, vector<1024x100xf32>
    tpu.vector_store %arg12[%swap3A, %swap3A_137], %add3A_125 {strides = array<i32>} : memref<1024x256xf32, #tpu.memory_space<vmem>>, vector<1024x100xf32>,
    %swap3A_139 = arith.constant 0 : index
    %swap3A_140 = arith.constant 100 : index
    %swap3A_141 = vector.load %arg12[%swap3A_139, %swap3A_140] : memref<1024x256xf32, #tpu.memory_space<vmem>>, vector<1024x16xf32>
    tpu.vector_store %arg12[%swap3A_139, %swap3A_140], %dot_general3A_130 {strides = array<i32>} : memref<1024x256xf32, #tpu.memory_space<vmem>>, vector<1024x16xf32>,
    %swap3A_142 = arith.constant 0 : index
    %swap3A_143 = arith.constant 116 : index
    %swap3A_144 = vector.load %arg12[%swap3A_142, %swap3A_143] : memref<1024x256xf32, #tpu.memory_space<vmem>>, vector<1024x16xf32>
    tpu.vector_store %arg12[%swap3A_142, %swap3A_143], %dot_general3A_132 {strides = array<i32>} : memref<1024x256xf32, #tpu.memory_space<vmem>>, vector<1024x16xf32>,
    %swap3A_145 = arith.constant 0 : index
    %swap3A_146 = arith.constant 132 : index
    %swap3A_147 = vector.load %arg12[%swap3A_145, %swap3A_146] : memref<1024x256xf32, #tpu.memory_space<vmem>>, vector<1024x16xf32>
    tpu.vector_store %arg12[%swap3A_145, %swap3A_146], %dot_general3A_134 {strides = array<i32>} : memref<1024x256xf32, #tpu.memory_space<vmem>>, vector<1024x16xf32>,
    %swap3A_148 = arith.constant 0 : index
    %swap3A_149 = arith.constant 148 : index
    %swap3A_150 = vector.load %arg12[%swap3A_148, %swap3A_149] : memref<1024x256xf32, #tpu.memory_space<vmem>>, vector<1024x108xf32>
    tpu.vector_store %arg12[%swap3A_148, %swap3A_149], %broadcast_in_dim3A_136 {strides = array<i32>} : memref<1024x256xf32, #tpu.memory_space<vmem>>, vector<1024x108xf32>,
    return
  }
  func.func @transform_0(%arg0: i32) -> (i32, i32) {
    %c0_i32 = arith.constant 0 : i32
    %c0_i32_0 = arith.constant 0 : i32
    return %arg0, %c0_i32 : i32, i32
  }
  func.func @transform_1(%arg0: i32) -> (i32, i32) {
    %c0_i32 = arith.constant 0 : i32
    %c0_i32_0 = arith.constant 0 : i32
    return %arg0, %c0_i32 : i32, i32
  }
  func.func @transform_2(%arg0: i32) -> (i32, i32) {
    %c0_i32 = arith.constant 0 : i32
    %c0_i32_0 = arith.constant 0 : i32
    return %arg0, %c0_i32 : i32, i32
  }
  func.func @transform_3(%arg0: i32) -> (i32, i32) {
    %c0_i32 = arith.constant 0 : i32
    %c0_i32_0 = arith.constant 0 : i32
    %c0_i32_1 = arith.constant 0 : i32
    return %c0_i32, %c0_i32_0 : i32, i32
  }
  func.func @transform_4(%arg0: i32) -> (i32, i32) {
    %c0_i32 = arith.constant 0 : i32
    %c0_i32_0 = arith.constant 0 : i32
    %c0_i32_1 = arith.constant 0 : i32
    return %c0_i32, %c0_i32_0 : i32, i32
  }
  func.func @transform_5(%arg0: i32) -> (i32, i32) {
    %c0_i32 = arith.constant 0 : i32
    %c0_i32_0 = arith.constant 0 : i32
    %c0_i32_1 = arith.constant 0 : i32
    return %c0_i32, %c0_i32_0 : i32, i32
  }
  func.func @transform_6(%arg0: i32) -> (i32, i32) {
    %c0_i32 = arith.constant 0 : i32
    %c0_i32_0 = arith.constant 0 : i32
    %c0_i32_1 = arith.constant 0 : i32
    return %c0_i32, %c0_i32_0 : i32, i32
  }
  func.func @transform_7(%arg0: i32) -> (i32, i32) {
    %c0_i32 = arith.constant 0 : i32
    %c0_i32_0 = arith.constant 0 : i32
    %c0_i32_1 = arith.constant 0 : i32
    return %c0_i32, %c0_i32_0 : i32, i32
  }
  func.func @transform_8(%arg0: i32) -> (i32, i32) {
    %c0_i32 = arith.constant 0 : i32
    %c0_i32_0 = arith.constant 0 : i32
    %c0_i32_1 = arith.constant 0 : i32
    return %c0_i32, %c0_i32_0 : i32, i32
  }
  func.func @transform_9(%arg0: i32) -> (i32, i32) {
    %c0_i32 = arith.constant 0 : i32
    %c0_i32_0 = arith.constant 0 : i32
    %c0_i32_1 = arith.constant 0 : i32
    return %c0_i32, %c0_i32_0 : i32, i32
  }
  func.func @transform_10(%arg0: i32) -> (i32, i32) {
    %c0_i32 = arith.constant 0 : i32
    %c0_i32_0 = arith.constant 0 : i32
    %c0_i32_1 = arith.constant 0 : i32
    return %c0_i32, %c0_i32_0 : i32, i32
  }
  func.func @transform_11(%arg0: i32) -> (i32, i32) {
    %c0_i32 = arith.constant 0 : i32
    %c0_i32_0 = arith.constant 0 : i32
    return %arg0, %c0_i32 : i32, i32
  }
}

module attributes {stable_mosaic.version = 14 : i64} {
  func.func @_edge_embed_body(%arg0: i32, %arg1: memref<2048x32xf32, #tpu.memory_space<vmem>>, %arg2: memref<2048x3xf32, #tpu.memory_space<vmem>>, %arg3: memref<1x32xf32, #tpu.memory_space<vmem>>, %arg4: memref<1x32xf32, #tpu.memory_space<vmem>>, %arg5: memref<1x1xf32, #tpu.memory_space<vmem>>, %arg6: memref<32x32xf32, #tpu.memory_space<vmem>>, %arg7: memref<1x32xf32, #tpu.memory_space<vmem>>, %arg8: memref<1x32xf32, #tpu.memory_space<vmem>>, %arg9: memref<1x1xf32, #tpu.memory_space<vmem>>, %arg10: memref<2048x64xf32, #tpu.memory_space<vmem>>) attributes {dimension_semantics = [#tpu.dimension_semantics<arbitrary>], iteration_bounds = array<i64: 80>, scalar_prefetch = 0 : i64, scratch_operands = 0 : i64, tpu.core_type = #tpu.core_type<tc>, window_params = [{transform_indices = @transform_0, window_bounds = array<i64: 2048, 32>}, {transform_indices = @transform_1, window_bounds = array<i64: 2048, 3>}, {pipeline_mode = #tpu.pipeline_mode<synchronous>, transform_indices = @transform_2, window_bounds = array<i64: 1, 32>}, {pipeline_mode = #tpu.pipeline_mode<synchronous>, transform_indices = @transform_3, window_bounds = array<i64: 1, 32>}, {pipeline_mode = #tpu.pipeline_mode<synchronous>, transform_indices = @transform_4, window_bounds = array<i64: 1, 1>}, {pipeline_mode = #tpu.pipeline_mode<synchronous>, transform_indices = @transform_5, window_bounds = array<i64: 32, 32>}, {pipeline_mode = #tpu.pipeline_mode<synchronous>, transform_indices = @transform_6, window_bounds = array<i64: 1, 32>}, {pipeline_mode = #tpu.pipeline_mode<synchronous>, transform_indices = @transform_7, window_bounds = array<i64: 1, 32>}, {pipeline_mode = #tpu.pipeline_mode<synchronous>, transform_indices = @transform_8, window_bounds = array<i64: 1, 1>}, {transform_indices = @transform_9, window_bounds = array<i64: 2048, 64>}]} {
    %get3A = arith.constant 0 : index
    %get3A_0 = arith.constant 0 : index
    %get3A_1 = vector.load %arg1[%get3A, %get3A_0] : memref<2048x32xf32, #tpu.memory_space<vmem>>, vector<2048x32xf32>
    %get3A_2 = arith.constant 0 : index
    %get3A_3 = arith.constant 0 : index
    %get3A_4 = vector.load %arg3[%get3A_2, %get3A_3] : memref<1x32xf32, #tpu.memory_space<vmem>>, vector<1x32xf32>
    %get3A_5 = arith.constant 0 : index
    %get3A_6 = arith.constant 0 : index
    %get3A_7 = vector.load %arg4[%get3A_5, %get3A_6] : memref<1x32xf32, #tpu.memory_space<vmem>>, vector<1x32xf32>
    %reduce_sum3A = arith.constant dense<0.000000e+00> : vector<2048xf32>
    %reduce_sum3A_8 = vector.multi_reduction <add>, %get3A_1, %reduce_sum3A [1] : vector<2048x32xf32> to vector<2048xf32>
    %broadcast_in_dim3A = vector.shape_cast %reduce_sum3A_8 : vector<2048xf32> to vector<2048x1xf32>
    %div3A = arith.constant 3.200000e+01 : f32
    %div3A_9 = vector.broadcast %div3A : f32 to vector<2048x1xf32>
    %div3A_10 = arith.divf %broadcast_in_dim3A, %div3A_9 : vector<2048x1xf32>
    %sub3A = vector.broadcast %div3A_10 : vector<2048x1xf32> to vector<2048x32xf32>
    %sub3A_11 = arith.subf %get3A_1, %sub3A : vector<2048x32xf32>
    %integer_pow3A = arith.mulf %sub3A_11, %sub3A_11 : vector<2048x32xf32>
    %reduce_sum3A_12 = arith.constant dense<0.000000e+00> : vector<2048xf32>
    %reduce_sum3A_13 = vector.multi_reduction <add>, %integer_pow3A, %reduce_sum3A_12 [1] : vector<2048x32xf32> to vector<2048xf32>
    %broadcast_in_dim3A_14 = vector.shape_cast %reduce_sum3A_13 : vector<2048xf32> to vector<2048x1xf32>
    %div3A_15 = arith.constant 3.200000e+01 : f32
    %div3A_16 = vector.broadcast %div3A_15 : f32 to vector<2048x1xf32>
    %div3A_17 = arith.divf %broadcast_in_dim3A_14, %div3A_16 : vector<2048x1xf32>
    %sub3A_18 = vector.broadcast %div3A_10 : vector<2048x1xf32> to vector<2048x32xf32>
    %sub3A_19 = arith.subf %get3A_1, %sub3A_18 : vector<2048x32xf32>
    %add3A = arith.constant 9.99999974E-6 : f32
    %add3A_20 = vector.broadcast %add3A : f32 to vector<2048x1xf32>
    %add3A_21 = arith.addf %div3A_17, %add3A_20 : vector<2048x1xf32>
    %sqrt3A = math.sqrt %add3A_21 : vector<2048x1xf32>
    %div3A_22 = vector.broadcast %sqrt3A : vector<2048x1xf32> to vector<2048x32xf32>
    %div3A_23 = arith.divf %sub3A_19, %div3A_22 : vector<2048x32xf32>
    %mul3A = vector.broadcast %get3A_4 : vector<1x32xf32> to vector<2048x32xf32>
    %mul3A_24 = arith.mulf %div3A_23, %mul3A : vector<2048x32xf32>
    %add3A_25 = vector.broadcast %get3A_7 : vector<1x32xf32> to vector<2048x32xf32>
    %add3A_26 = arith.addf %mul3A_24, %add3A_25 : vector<2048x32xf32>
    %get3A_27 = arith.constant 0 : index
    %get3A_28 = arith.constant 0 : index
    %get3A_29 = vector.load %arg2[%get3A_27, %get3A_28] : memref<2048x3xf32, #tpu.memory_space<vmem>>, vector<2048x3xf32>
    %slice3A = vector.extract_strided_slice %get3A_29 {offsets = [0, 0], sizes = [2048, 1], strides = [1, 1]} : vector<2048x3xf32> to vector<2048x1xf32>
    %integer_pow3A_30 = arith.mulf %slice3A, %slice3A : vector<2048x1xf32>
    %slice3A_31 = vector.extract_strided_slice %get3A_29 {offsets = [0, 1], sizes = [2048, 1], strides = [1, 1]} : vector<2048x3xf32> to vector<2048x1xf32>
    %integer_pow3A_32 = arith.mulf %slice3A_31, %slice3A_31 : vector<2048x1xf32>
    %add3A_33 = arith.addf %integer_pow3A_30, %integer_pow3A_32 : vector<2048x1xf32>
    %slice3A_34 = vector.extract_strided_slice %get3A_29 {offsets = [0, 2], sizes = [2048, 1], strides = [1, 1]} : vector<2048x3xf32> to vector<2048x1xf32>
    %integer_pow3A_35 = arith.mulf %slice3A_34, %slice3A_34 : vector<2048x1xf32>
    %add3A_36 = arith.addf %add3A_33, %integer_pow3A_35 : vector<2048x1xf32>
    %max3A = arith.constant 9.99999993E-9 : f32
    %max3A_37 = vector.broadcast %max3A : f32 to vector<2048x1xf32>
    %max3A_38 = arith.maximumf %add3A_36, %max3A_37 : vector<2048x1xf32>
    %sqrt3A_39 = math.sqrt %max3A_38 : vector<2048x1xf32>
    %div3A_40 = vector.broadcast %sqrt3A_39 : vector<2048x1xf32> to vector<2048x3xf32>
    %div3A_41 = arith.divf %get3A_29, %div3A_40 : vector<2048x3xf32>
    %get3A_42 = arith.constant 0 : index
    %get3A_43 = arith.constant 0 : index
    %get3A_44 = vector.load %arg5[%get3A_42, %get3A_43] : memref<1x1xf32, #tpu.memory_space<vmem>>, vector<1x1xf32>
    %get3A_45 = vector.extract %get3A_44[0, 0] : f32 from vector<1x1xf32>
    %mul3A_46 = vector.broadcast %get3A_45 : f32 to vector<2048x3xf32>
    %mul3A_47 = arith.mulf %div3A_41, %mul3A_46 : vector<2048x3xf32>
    %slice3A_48 = vector.extract_strided_slice %mul3A_47 {offsets = [0, 0], sizes = [2048, 1], strides = [1, 1]} : vector<2048x3xf32> to vector<2048x1xf32>
    %integer_pow3A_49 = arith.mulf %slice3A_48, %slice3A_48 : vector<2048x1xf32>
    %slice3A_50 = vector.extract_strided_slice %mul3A_47 {offsets = [0, 1], sizes = [2048, 1], strides = [1, 1]} : vector<2048x3xf32> to vector<2048x1xf32>
    %integer_pow3A_51 = arith.mulf %slice3A_50, %slice3A_50 : vector<2048x1xf32>
    %add3A_52 = arith.addf %integer_pow3A_49, %integer_pow3A_51 : vector<2048x1xf32>
    %slice3A_53 = vector.extract_strided_slice %mul3A_47 {offsets = [0, 2], sizes = [2048, 1], strides = [1, 1]} : vector<2048x3xf32> to vector<2048x1xf32>
    %integer_pow3A_54 = arith.mulf %slice3A_53, %slice3A_53 : vector<2048x1xf32>
    %add3A_55 = arith.addf %add3A_52, %integer_pow3A_54 : vector<2048x1xf32>
    %max3A_56 = arith.constant 9.99999993E-9 : f32
    %max3A_57 = vector.broadcast %max3A_56 : f32 to vector<2048x1xf32>
    %max3A_58 = arith.maximumf %add3A_55, %max3A_57 : vector<2048x1xf32>
    %sqrt3A_59 = math.sqrt %max3A_58 : vector<2048x1xf32>
    %get3A_60 = arith.constant 0 : index
    %get3A_61 = arith.constant 0 : index
    %get3A_62 = vector.load %arg6[%get3A_60, %get3A_61] : memref<32x32xf32, #tpu.memory_space<vmem>>, vector<32x32xf32>
    %dot_general3A = arith.constant dense<0.000000e+00> : vector<2048x32xf32>
    %dot_general3A_63 = tpu.matmul %add3A_26, %get3A_62, %dot_general3A {dimension_numbers = #tpu.dot_dimension_numbers<[1], [0], [0], [1], [0, 0, 1, 1], [], []>, transpose_lhs_hint = false} : vector<2048x32xf32>, vector<32x32xf32>, vector<2048x32xf32> -> vector<2048x32xf32>
    %get3A_64 = arith.constant 0 : index
    %get3A_65 = arith.constant 0 : index
    %get3A_66 = vector.load %arg7[%get3A_64, %get3A_65] : memref<1x32xf32, #tpu.memory_space<vmem>>, vector<1x32xf32>
    %mul3A_67 = vector.broadcast %sqrt3A_59 : vector<2048x1xf32> to vector<2048x32xf32>
    %mul3A_68 = vector.broadcast %get3A_66 : vector<1x32xf32> to vector<2048x32xf32>
    %mul3A_69 = arith.mulf %mul3A_67, %mul3A_68 : vector<2048x32xf32>
    %add3A_70 = arith.addf %dot_general3A_63, %mul3A_69 : vector<2048x32xf32>
    %get3A_71 = arith.constant 0 : index
    %get3A_72 = arith.constant 0 : index
    %get3A_73 = vector.load %arg8[%get3A_71, %get3A_72] : memref<1x32xf32, #tpu.memory_space<vmem>>, vector<1x32xf32>
    %add3A_74 = vector.broadcast %get3A_73 : vector<1x32xf32> to vector<2048x32xf32>
    %add3A_75 = arith.addf %add3A_70, %add3A_74 : vector<2048x32xf32>
    %swap3A = arith.constant 0 : index
    %swap3A_76 = arith.constant 0 : index
    %swap3A_77 = vector.load %arg10[%swap3A, %swap3A_76] : memref<2048x64xf32, #tpu.memory_space<vmem>>, vector<2048x32xf32>
    tpu.vector_store %arg10[%swap3A, %swap3A_76], %add3A_75 {strides = array<i32>} : memref<2048x64xf32, #tpu.memory_space<vmem>>, vector<2048x32xf32>,
    %get3A_78 = arith.constant 0 : index
    %get3A_79 = arith.constant 0 : index
    %get3A_80 = vector.load %arg9[%get3A_78, %get3A_79] : memref<1x1xf32, #tpu.memory_space<vmem>>, vector<1x1xf32>
    %get3A_81 = vector.extract %get3A_80[0, 0] : f32 from vector<1x1xf32>
    %mul3A_82 = vector.broadcast %get3A_81 : f32 to vector<2048x3xf32>
    %mul3A_83 = arith.mulf %mul3A_47, %mul3A_82 : vector<2048x3xf32>
    %swap3A_84 = arith.constant 0 : index
    %swap3A_85 = arith.constant 32 : index
    %swap3A_86 = vector.load %arg10[%swap3A_84, %swap3A_85] : memref<2048x64xf32, #tpu.memory_space<vmem>>, vector<2048x3xf32>
    tpu.vector_store %arg10[%swap3A_84, %swap3A_85], %mul3A_83 {strides = array<i32>} : memref<2048x64xf32, #tpu.memory_space<vmem>>, vector<2048x3xf32>,
    %broadcast_in_dim3A_87 = arith.constant 0.000000e+00 : f32
    %broadcast_in_dim3A_88 = vector.broadcast %broadcast_in_dim3A_87 : f32 to vector<2048x29xf32>
    %swap3A_89 = arith.constant 0 : index
    %swap3A_90 = arith.constant 35 : index
    %swap3A_91 = vector.load %arg10[%swap3A_89, %swap3A_90] : memref<2048x64xf32, #tpu.memory_space<vmem>>, vector<2048x29xf32>
    tpu.vector_store %arg10[%swap3A_89, %swap3A_90], %broadcast_in_dim3A_88 {strides = array<i32>} : memref<2048x64xf32, #tpu.memory_space<vmem>>, vector<2048x29xf32>,
    return
  }
  func.func @transform_0(%arg0: i32) -> (i32, i32) {
    %c0_i32 = arith.constant 0 : i32
    %c0_i32_0 = arith.constant 0 : i32
    return %arg0, %c0_i32 : i32, i32
  }
  func.func @transform_1(%arg0: i32) -> (i32, i32) {
    %c0_i32 = arith.constant 0 : i32
    %c0_i32_0 = arith.constant 0 : i32
    return %arg0, %c0_i32 : i32, i32
  }
  func.func @transform_2(%arg0: i32) -> (i32, i32) {
    %c0_i32 = arith.constant 0 : i32
    %c0_i32_0 = arith.constant 0 : i32
    %c0_i32_1 = arith.constant 0 : i32
    return %c0_i32, %c0_i32_0 : i32, i32
  }
  func.func @transform_3(%arg0: i32) -> (i32, i32) {
    %c0_i32 = arith.constant 0 : i32
    %c0_i32_0 = arith.constant 0 : i32
    %c0_i32_1 = arith.constant 0 : i32
    return %c0_i32, %c0_i32_0 : i32, i32
  }
  func.func @transform_4(%arg0: i32) -> (i32, i32) {
    %c0_i32 = arith.constant 0 : i32
    %c0_i32_0 = arith.constant 0 : i32
    %c0_i32_1 = arith.constant 0 : i32
    return %c0_i32, %c0_i32_0 : i32, i32
  }
  func.func @transform_5(%arg0: i32) -> (i32, i32) {
    %c0_i32 = arith.constant 0 : i32
    %c0_i32_0 = arith.constant 0 : i32
    %c0_i32_1 = arith.constant 0 : i32
    return %c0_i32, %c0_i32_0 : i32, i32
  }
  func.func @transform_6(%arg0: i32) -> (i32, i32) {
    %c0_i32 = arith.constant 0 : i32
    %c0_i32_0 = arith.constant 0 : i32
    %c0_i32_1 = arith.constant 0 : i32
    return %c0_i32, %c0_i32_0 : i32, i32
  }
  func.func @transform_7(%arg0: i32) -> (i32, i32) {
    %c0_i32 = arith.constant 0 : i32
    %c0_i32_0 = arith.constant 0 : i32
    %c0_i32_1 = arith.constant 0 : i32
    return %c0_i32, %c0_i32_0 : i32, i32
  }
  func.func @transform_8(%arg0: i32) -> (i32, i32) {
    %c0_i32 = arith.constant 0 : i32
    %c0_i32_0 = arith.constant 0 : i32
    %c0_i32_1 = arith.constant 0 : i32
    return %c0_i32, %c0_i32_0 : i32, i32
  }
  func.func @transform_9(%arg0: i32) -> (i32, i32) {
    %c0_i32 = arith.constant 0 : i32
    %c0_i32_0 = arith.constant 0 : i32
    return %arg0, %c0_i32 : i32, i32
  }
}

module attributes {stable_mosaic.version = 14 : i64} {
  func.func @_message_body(%arg0: i32, %arg1: memref<2x1280x256xf32, #tpu.memory_space<vmem>>, %arg2: memref<1280x64xf32, #tpu.memory_space<vmem>>, %arg3: memref<16x33xf32, #tpu.memory_space<vmem>>, %arg4: memref<1x33xf32, #tpu.memory_space<vmem>>, %arg5: memref<16x33xf32, #tpu.memory_space<vmem>>, %arg6: memref<100x100xf32, #tpu.memory_space<vmem>>, %arg7: memref<32x100xf32, #tpu.memory_space<vmem>>, %arg8: memref<100x100xf32, #tpu.memory_space<vmem>>, %arg9: memref<33x100xf32, #tpu.memory_space<vmem>>, %arg10: memref<1x100xf32, #tpu.memory_space<vmem>>, %arg11: memref<33x16xf32, #tpu.memory_space<vmem>>, %arg12: memref<16x16xf32, #tpu.memory_space<vmem>>, %arg13: memref<100x100xf32, #tpu.memory_space<vmem>>, %arg14: memref<16x100xf32, #tpu.memory_space<vmem>>, %arg15: memref<1x100xf32, #tpu.memory_space<vmem>>, %arg16: memref<16x16xf32, #tpu.memory_space<vmem>>, %arg17: memref<16x16xf32, #tpu.memory_space<vmem>>, %arg18: memref<100x100xf32, #tpu.memory_space<vmem>>, %arg19: memref<16x100xf32, #tpu.memory_space<vmem>>, %arg20: memref<1x100xf32, #tpu.memory_space<vmem>>, %arg21: memref<16x16xf32, #tpu.memory_space<vmem>>, %arg22: memref<1280x256xf32, #tpu.memory_space<vmem>>) attributes {dimension_semantics = [#tpu.dimension_semantics<arbitrary>], iteration_bounds = array<i64: 128>, scalar_prefetch = 0 : i64, scratch_operands = 0 : i64, tpu.core_type = #tpu.core_type<tc>, window_params = [{transform_indices = @transform_0, window_bounds = array<i64: 2, 1280, 256>}, {transform_indices = @transform_1, window_bounds = array<i64: 1280, 64>}, {pipeline_mode = #tpu.pipeline_mode<synchronous>, transform_indices = @transform_2, window_bounds = array<i64: 16, 33>}, {pipeline_mode = #tpu.pipeline_mode<synchronous>, transform_indices = @transform_3, window_bounds = array<i64: 1, 33>}, {pipeline_mode = #tpu.pipeline_mode<synchronous>, transform_indices = @transform_4, window_bounds = array<i64: 16, 33>}, {pipeline_mode = #tpu.pipeline_mode<synchronous>, transform_indices = @transform_5, window_bounds = array<i64: 100, 100>}, {pipeline_mode = #tpu.pipeline_mode<synchronous>, transform_indices = @transform_6, window_bounds = array<i64: 32, 100>}, {pipeline_mode = #tpu.pipeline_mode<synchronous>, transform_indices = @transform_7, window_bounds = array<i64: 100, 100>}, {pipeline_mode = #tpu.pipeline_mode<synchronous>, transform_indices = @transform_8, window_bounds = array<i64: 33, 100>}, {pipeline_mode = #tpu.pipeline_mode<synchronous>, transform_indices = @transform_9, window_bounds = array<i64: 1, 100>}, {pipeline_mode = #tpu.pipeline_mode<synchronous>, transform_indices = @transform_10, window_bounds = array<i64: 33, 16>}, {pipeline_mode = #tpu.pipeline_mode<synchronous>, transform_indices = @transform_11, window_bounds = array<i64: 16, 16>}, {pipeline_mode = #tpu.pipeline_mode<synchronous>, transform_indices = @transform_12, window_bounds = array<i64: 100, 100>}, {pipeline_mode = #tpu.pipeline_mode<synchronous>, transform_indices = @transform_13, window_bounds = array<i64: 16, 100>}, {pipeline_mode = #tpu.pipeline_mode<synchronous>, transform_indices = @transform_14, window_bounds = array<i64: 1, 100>}, {pipeline_mode = #tpu.pipeline_mode<synchronous>, transform_indices = @transform_15, window_bounds = array<i64: 16, 16>}, {pipeline_mode = #tpu.pipeline_mode<synchronous>, transform_indices = @transform_16, window_bounds = array<i64: 16, 16>}, {pipeline_mode = #tpu.pipeline_mode<synchronous>, transform_indices = @transform_17, window_bounds = array<i64: 100, 100>}, {pipeline_mode = #tpu.pipeline_mode<synchronous>, transform_indices = @transform_18, window_bounds = array<i64: 16, 100>}, {pipeline_mode = #tpu.pipeline_mode<synchronous>, transform_indices = @transform_19, window_bounds = array<i64: 1, 100>}, {pipeline_mode = #tpu.pipeline_mode<synchronous>, transform_indices = @transform_20, window_bounds = array<i64: 16, 16>}, {transform_indices = @transform_21, window_bounds = array<i64: 1280, 256>}]} {
    %get3A = arith.constant 0 : index
    %get3A_0 = arith.constant 0 : index
    %get3A_1 = arith.constant 0 : index
    %get3A_2 = vector.load %arg1[%get3A, %get3A_0, %get3A_1] : memref<2x1280x256xf32, #tpu.memory_space<vmem>>, vector<1x1280x256xf32>
    %get3A_3 = vector.shape_cast %get3A_2 : vector<1x1280x256xf32> to vector<1280x256xf32>
    %get3A_4 = arith.constant 1 : index
    %get3A_5 = arith.constant 0 : index
    %get3A_6 = arith.constant 0 : index
    %get3A_7 = vector.load %arg1[%get3A_4, %get3A_5, %get3A_6] : memref<2x1280x256xf32, #tpu.memory_space<vmem>>, vector<1x1280x256xf32>
    %get3A_8 = vector.shape_cast %get3A_7 : vector<1x1280x256xf32> to vector<1280x256xf32>
    %get3A_9 = arith.constant 0 : index
    %get3A_10 = arith.constant 0 : index
    %get3A_11 = vector.load %arg2[%get3A_9, %get3A_10] : memref<1280x64xf32, #tpu.memory_space<vmem>>, vector<1280x64xf32>
    %slice3A = vector.extract_strided_slice %get3A_11 {offsets = [0, 0], sizes = [1280, 32], strides = [1, 1]} : vector<1280x64xf32> to vector<1280x32xf32>
    %slice3A_12 = vector.extract_strided_slice %get3A_3 {offsets = [0, 0], sizes = [1280, 100], strides = [1, 1]} : vector<1280x256xf32> to vector<1280x100xf32>
    %slice3A_13 = vector.extract_strided_slice %get3A_8 {offsets = [0, 0], sizes = [1280, 100], strides = [1, 1]} : vector<1280x256xf32> to vector<1280x100xf32>
    %get3A_14 = arith.constant 0 : index
    %get3A_15 = arith.constant 0 : index
    %get3A_16 = vector.load %arg4[%get3A_14, %get3A_15] : memref<1x33xf32, #tpu.memory_space<vmem>>, vector<1x33xf32>
    %slice3A_17 = vector.extract_strided_slice %get3A_3 {offsets = [0, 100], sizes = [1280, 16], strides = [1, 1]} : vector<1280x256xf32> to vector<1280x16xf32>
    %get3A_18 = arith.constant 0 : index
    %get3A_19 = arith.constant 0 : index
    %get3A_20 = vector.load %arg3[%get3A_18, %get3A_19] : memref<16x33xf32, #tpu.memory_space<vmem>>, vector<16x33xf32>
    %dot_general3A = arith.constant dense<0.000000e+00> : vector<1280x33xf32>
    %dot_general3A_21 = tpu.matmul %slice3A_17, %get3A_20, %dot_general3A {dimension_numbers = #tpu.dot_dimension_numbers<[1], [0], [0], [1], [0, 0, 1, 1], [], []>, transpose_lhs_hint = false} : vector<1280x16xf32>, vector<16x33xf32>, vector<1280x33xf32> -> vector<1280x33xf32>
    %slice3A_22 = vector.extract_strided_slice %get3A_11 {offsets = [0, 32], sizes = [1280, 1], strides = [1, 1]} : vector<1280x64xf32> to vector<1280x1xf32>
    %mul3A = vector.broadcast %slice3A_22 : vector<1280x1xf32> to vector<1280x33xf32>
    %mul3A_23 = vector.broadcast %get3A_16 : vector<1x33xf32> to vector<1280x33xf32>
    %mul3A_24 = arith.mulf %mul3A, %mul3A_23 : vector<1280x33xf32>
    %add3A = arith.addf %dot_general3A_21, %mul3A_24 : vector<1280x33xf32>
    %slice3A_25 = vector.extract_strided_slice %get3A_8 {offsets = [0, 100], sizes = [1280, 16], strides = [1, 1]} : vector<1280x256xf32> to vector<1280x16xf32>
    %get3A_26 = arith.constant 0 : index
    %get3A_27 = arith.constant 0 : index
    %get3A_28 = vector.load %arg5[%get3A_26, %get3A_27] : memref<16x33xf32, #tpu.memory_space<vmem>>, vector<16x33xf32>
    %dot_general3A_29 = arith.constant dense<0.000000e+00> : vector<1280x33xf32>
    %dot_general3A_30 = tpu.matmul %slice3A_25, %get3A_28, %dot_general3A_29 {dimension_numbers = #tpu.dot_dimension_numbers<[1], [0], [0], [1], [0, 0, 1, 1], [], []>, transpose_lhs_hint = false} : vector<1280x16xf32>, vector<16x33xf32>, vector<1280x33xf32> -> vector<1280x33xf32>
    %add3A_31 = arith.addf %add3A, %dot_general3A_30 : vector<1280x33xf32>
    %slice3A_32 = vector.extract_strided_slice %get3A_3 {offsets = [0, 116], sizes = [1280, 16], strides = [1, 1]} : vector<1280x256xf32> to vector<1280x16xf32>
    %get3A_33 = arith.constant 0 : index
    %get3A_34 = arith.constant 0 : index
    %get3A_35 = vector.load %arg3[%get3A_33, %get3A_34] : memref<16x33xf32, #tpu.memory_space<vmem>>, vector<16x33xf32>
    %dot_general3A_36 = arith.constant dense<0.000000e+00> : vector<1280x33xf32>
    %dot_general3A_37 = tpu.matmul %slice3A_32, %get3A_35, %dot_general3A_36 {dimension_numbers = #tpu.dot_dimension_numbers<[1], [0], [0], [1], [0, 0, 1, 1], [], []>, transpose_lhs_hint = false} : vector<1280x16xf32>, vector<16x33xf32>, vector<1280x33xf32> -> vector<1280x33xf32>
    %slice3A_38 = vector.extract_strided_slice %get3A_11 {offsets = [0, 33], sizes = [1280, 1], strides = [1, 1]} : vector<1280x64xf32> to vector<1280x1xf32>
    %mul3A_39 = vector.broadcast %slice3A_38 : vector<1280x1xf32> to vector<1280x33xf32>
    %mul3A_40 = vector.broadcast %get3A_16 : vector<1x33xf32> to vector<1280x33xf32>
    %mul3A_41 = arith.mulf %mul3A_39, %mul3A_40 : vector<1280x33xf32>
    %add3A_42 = arith.addf %dot_general3A_37, %mul3A_41 : vector<1280x33xf32>
    %slice3A_43 = vector.extract_strided_slice %get3A_8 {offsets = [0, 116], sizes = [1280, 16], strides = [1, 1]} : vector<1280x256xf32> to vector<1280x16xf32>
    %get3A_44 = arith.constant 0 : index
    %get3A_45 = arith.constant 0 : index
    %get3A_46 = vector.load %arg5[%get3A_44, %get3A_45] : memref<16x33xf32, #tpu.memory_space<vmem>>, vector<16x33xf32>
    %dot_general3A_47 = arith.constant dense<0.000000e+00> : vector<1280x33xf32>
    %dot_general3A_48 = tpu.matmul %slice3A_43, %get3A_46, %dot_general3A_47 {dimension_numbers = #tpu.dot_dimension_numbers<[1], [0], [0], [1], [0, 0, 1, 1], [], []>, transpose_lhs_hint = false} : vector<1280x16xf32>, vector<16x33xf32>, vector<1280x33xf32> -> vector<1280x33xf32>
    %add3A_49 = arith.addf %add3A_42, %dot_general3A_48 : vector<1280x33xf32>
    %slice3A_50 = vector.extract_strided_slice %get3A_3 {offsets = [0, 132], sizes = [1280, 16], strides = [1, 1]} : vector<1280x256xf32> to vector<1280x16xf32>
    %get3A_51 = arith.constant 0 : index
    %get3A_52 = arith.constant 0 : index
    %get3A_53 = vector.load %arg3[%get3A_51, %get3A_52] : memref<16x33xf32, #tpu.memory_space<vmem>>, vector<16x33xf32>
    %dot_general3A_54 = arith.constant dense<0.000000e+00> : vector<1280x33xf32>
    %dot_general3A_55 = tpu.matmul %slice3A_50, %get3A_53, %dot_general3A_54 {dimension_numbers = #tpu.dot_dimension_numbers<[1], [0], [0], [1], [0, 0, 1, 1], [], []>, transpose_lhs_hint = false} : vector<1280x16xf32>, vector<16x33xf32>, vector<1280x33xf32> -> vector<1280x33xf32>
    %slice3A_56 = vector.extract_strided_slice %get3A_11 {offsets = [0, 34], sizes = [1280, 1], strides = [1, 1]} : vector<1280x64xf32> to vector<1280x1xf32>
    %mul3A_57 = vector.broadcast %slice3A_56 : vector<1280x1xf32> to vector<1280x33xf32>
    %mul3A_58 = vector.broadcast %get3A_16 : vector<1x33xf32> to vector<1280x33xf32>
    %mul3A_59 = arith.mulf %mul3A_57, %mul3A_58 : vector<1280x33xf32>
    %add3A_60 = arith.addf %dot_general3A_55, %mul3A_59 : vector<1280x33xf32>
    %slice3A_61 = vector.extract_strided_slice %get3A_8 {offsets = [0, 132], sizes = [1280, 16], strides = [1, 1]} : vector<1280x256xf32> to vector<1280x16xf32>
    %get3A_62 = arith.constant 0 : index
    %get3A_63 = arith.constant 0 : index
    %get3A_64 = vector.load %arg5[%get3A_62, %get3A_63] : memref<16x33xf32, #tpu.memory_space<vmem>>, vector<16x33xf32>
    %dot_general3A_65 = arith.constant dense<0.000000e+00> : vector<1280x33xf32>
    %dot_general3A_66 = tpu.matmul %slice3A_61, %get3A_64, %dot_general3A_65 {dimension_numbers = #tpu.dot_dimension_numbers<[1], [0], [0], [1], [0, 0, 1, 1], [], []>, transpose_lhs_hint = false} : vector<1280x16xf32>, vector<16x33xf32>, vector<1280x33xf32> -> vector<1280x33xf32>
    %add3A_67 = arith.addf %add3A_60, %dot_general3A_66 : vector<1280x33xf32>
    %integer_pow3A = arith.mulf %add3A_31, %add3A_31 : vector<1280x33xf32>
    %integer_pow3A_68 = arith.mulf %add3A_49, %add3A_49 : vector<1280x33xf32>
    %add3A_69 = arith.addf %integer_pow3A, %integer_pow3A_68 : vector<1280x33xf32>
    %integer_pow3A_70 = arith.mulf %add3A_67, %add3A_67 : vector<1280x33xf32>
    %add3A_71 = arith.addf %add3A_69, %integer_pow3A_70 : vector<1280x33xf32>
    %max3A = arith.constant 9.99999993E-9 : f32
    %max3A_72 = vector.broadcast %max3A : f32 to vector<1280x33xf32>
    %max3A_73 = arith.maximumf %add3A_71, %max3A_72 : vector<1280x33xf32>
    %sqrt3A = math.sqrt %max3A_73 : vector<1280x33xf32>
    %get3A_74 = arith.constant 0 : index
    %get3A_75 = arith.constant 0 : index
    %get3A_76 = vector.load %arg6[%get3A_74, %get3A_75] : memref<100x100xf32, #tpu.memory_space<vmem>>, vector<100x100xf32>
    %dot_general3A_77 = arith.constant dense<0.000000e+00> : vector<1280x100xf32>
    %dot_general3A_78 = tpu.matmul %slice3A_12, %get3A_76, %dot_general3A_77 {dimension_numbers = #tpu.dot_dimension_numbers<[1], [0], [0], [1], [0, 0, 1, 1], [], []>, transpose_lhs_hint = false} : vector<1280x100xf32>, vector<100x100xf32>, vector<1280x100xf32> -> vector<1280x100xf32>
    %get3A_79 = arith.constant 0 : index
    %get3A_80 = arith.constant 0 : index
    %get3A_81 = vector.load %arg7[%get3A_79, %get3A_80] : memref<32x100xf32, #tpu.memory_space<vmem>>, vector<32x100xf32>
    %dot_general3A_82 = arith.constant dense<0.000000e+00> : vector<1280x100xf32>
    %dot_general3A_83 = tpu.matmul %slice3A, %get3A_81, %dot_general3A_82 {dimension_numbers = #tpu.dot_dimension_numbers<[1], [0], [0], [1], [0, 0, 1, 1], [], []>, transpose_lhs_hint = false} : vector<1280x32xf32>, vector<32x100xf32>, vector<1280x100xf32> -> vector<1280x100xf32>
    %add3A_84 = arith.addf %dot_general3A_78, %dot_general3A_83 : vector<1280x100xf32>
    %get3A_85 = arith.constant 0 : index
    %get3A_86 = arith.constant 0 : index
    %get3A_87 = vector.load %arg8[%get3A_85, %get3A_86] : memref<100x100xf32, #tpu.memory_space<vmem>>, vector<100x100xf32>
    %dot_general3A_88 = arith.constant dense<0.000000e+00> : vector<1280x100xf32>
    %dot_general3A_89 = tpu.matmul %slice3A_13, %get3A_87, %dot_general3A_88 {dimension_numbers = #tpu.dot_dimension_numbers<[1], [0], [0], [1], [0, 0, 1, 1], [], []>, transpose_lhs_hint = false} : vector<1280x100xf32>, vector<100x100xf32>, vector<1280x100xf32> -> vector<1280x100xf32>
    %add3A_90 = arith.addf %add3A_84, %dot_general3A_89 : vector<1280x100xf32>
    %get3A_91 = arith.constant 0 : index
    %get3A_92 = arith.constant 0 : index
    %get3A_93 = vector.load %arg9[%get3A_91, %get3A_92] : memref<33x100xf32, #tpu.memory_space<vmem>>, vector<33x100xf32>
    %dot_general3A_94 = arith.constant dense<0.000000e+00> : vector<1280x100xf32>
    %dot_general3A_95 = tpu.matmul %sqrt3A, %get3A_93, %dot_general3A_94 {dimension_numbers = #tpu.dot_dimension_numbers<[1], [0], [0], [1], [0, 0, 1, 1], [], []>, transpose_lhs_hint = false} : vector<1280x33xf32>, vector<33x100xf32>, vector<1280x100xf32> -> vector<1280x100xf32>
    %add3A_96 = arith.addf %add3A_90, %dot_general3A_95 : vector<1280x100xf32>
    %get3A_97 = arith.constant 0 : index
    %get3A_98 = arith.constant 0 : index
    %get3A_99 = vector.load %arg10[%get3A_97, %get3A_98] : memref<1x100xf32, #tpu.memory_space<vmem>>, vector<1x100xf32>
    %add3A_100 = vector.broadcast %get3A_99 : vector<1x100xf32> to vector<1280x100xf32>
    %add3A_101 = arith.addf %add3A_96, %add3A_100 : vector<1280x100xf32>
    %max3A_102 = arith.constant 0.000000e+00 : f32
    %max3A_103 = vector.broadcast %max3A_102 : f32 to vector<1280x100xf32>
    %max3A_104 = arith.maximumf %add3A_101, %max3A_103 : vector<1280x100xf32>
    %get3A_105 = arith.constant 0 : index
    %get3A_106 = arith.constant 0 : index
    %get3A_107 = vector.load %arg11[%get3A_105, %get3A_106] : memref<33x16xf32, #tpu.memory_space<vmem>>, vector<33x16xf32>
    %dot_general3A_108 = arith.constant dense<0.000000e+00> : vector<1280x16xf32>
    %dot_general3A_109 = tpu.matmul %add3A_31, %get3A_107, %dot_general3A_108 {dimension_numbers = #tpu.dot_dimension_numbers<[1], [0], [0], [1], [0, 0, 1, 1], [], []>, transpose_lhs_hint = false} : vector<1280x33xf32>, vector<33x16xf32>, vector<1280x16xf32> -> vector<1280x16xf32>
    %dot_general3A_110 = arith.constant dense<0.000000e+00> : vector<1280x16xf32>
    %dot_general3A_111 = tpu.matmul %add3A_49, %get3A_107, %dot_general3A_110 {dimension_numbers = #tpu.dot_dimension_numbers<[1], [0], [0], [1], [0, 0, 1, 1], [], []>, transpose_lhs_hint = false} : vector<1280x33xf32>, vector<33x16xf32>, vector<1280x16xf32> -> vector<1280x16xf32>
    %dot_general3A_112 = arith.constant dense<0.000000e+00> : vector<1280x16xf32>
    %dot_general3A_113 = tpu.matmul %add3A_67, %get3A_107, %dot_general3A_112 {dimension_numbers = #tpu.dot_dimension_numbers<[1], [0], [0], [1], [0, 0, 1, 1], [], []>, transpose_lhs_hint = false} : vector<1280x33xf32>, vector<33x16xf32>, vector<1280x16xf32> -> vector<1280x16xf32>
    %integer_pow3A_114 = arith.mulf %dot_general3A_109, %dot_general3A_109 : vector<1280x16xf32>
    %integer_pow3A_115 = arith.mulf %dot_general3A_111, %dot_general3A_111 : vector<1280x16xf32>
    %add3A_116 = arith.addf %integer_pow3A_114, %integer_pow3A_115 : vector<1280x16xf32>
    %integer_pow3A_117 = arith.mulf %dot_general3A_113, %dot_general3A_113 : vector<1280x16xf32>
    %add3A_118 = arith.addf %add3A_116, %integer_pow3A_117 : vector<1280x16xf32>
    %max3A_119 = arith.constant 9.99999993E-9 : f32
    %max3A_120 = vector.broadcast %max3A_119 : f32 to vector<1280x16xf32>
    %max3A_121 = arith.maximumf %add3A_118, %max3A_120 : vector<1280x16xf32>
    %sqrt3A_122 = math.sqrt %max3A_121 : vector<1280x16xf32>
    %logistic3A = arith.negf %sqrt3A_122 : vector<1280x16xf32>
    %logistic3A_123 = math.exp %logistic3A : vector<1280x16xf32>
    %logistic3A_124 = arith.constant 1.000000e+00 : f32
    %logistic3A_125 = vector.broadcast %logistic3A_124 : f32 to vector<1280x16xf32>
    %logistic3A_126 = arith.addf %logistic3A_125, %logistic3A_123 : vector<1280x16xf32>
    %logistic3A_127 = arith.divf %logistic3A_125, %logistic3A_126 : vector<1280x16xf32>
    %mul3A_128 = arith.mulf %dot_general3A_109, %logistic3A_127 : vector<1280x16xf32>
    %mul3A_129 = arith.mulf %dot_general3A_111, %logistic3A_127 : vector<1280x16xf32>
    %mul3A_130 = arith.mulf %dot_general3A_113, %logistic3A_127 : vector<1280x16xf32>
    %get3A_131 = arith.constant 0 : index
    %get3A_132 = arith.constant 0 : index
    %get3A_133 = vector.load %arg12[%get3A_131, %get3A_132] : memref<16x16xf32, #tpu.memory_space<vmem>>, vector<16x16xf32>
    %dot_general3A_134 = arith.constant dense<0.000000e+00> : vector<1280x16xf32>
    %dot_general3A_135 = tpu.matmul %mul3A_128, %get3A_133, %dot_general3A_134 {dimension_numbers = #tpu.dot_dimension_numbers<[1], [0], [0], [1], [0, 0, 1, 1], [], []>, transpose_lhs_hint = false} : vector<1280x16xf32>, vector<16x16xf32>, vector<1280x16xf32> -> vector<1280x16xf32>
    %get3A_136 = arith.constant 0 : index
    %get3A_137 = arith.constant 0 : index
    %get3A_138 = vector.load %arg12[%get3A_136, %get3A_137] : memref<16x16xf32, #tpu.memory_space<vmem>>, vector<16x16xf32>
    %dot_general3A_139 = arith.constant dense<0.000000e+00> : vector<1280x16xf32>
    %dot_general3A_140 = tpu.matmul %mul3A_129, %get3A_138, %dot_general3A_139 {dimension_numbers = #tpu.dot_dimension_numbers<[1], [0], [0], [1], [0, 0, 1, 1], [], []>, transpose_lhs_hint = false} : vector<1280x16xf32>, vector<16x16xf32>, vector<1280x16xf32> -> vector<1280x16xf32>
    %get3A_141 = arith.constant 0 : index
    %get3A_142 = arith.constant 0 : index
    %get3A_143 = vector.load %arg12[%get3A_141, %get3A_142] : memref<16x16xf32, #tpu.memory_space<vmem>>, vector<16x16xf32>
    %dot_general3A_144 = arith.constant dense<0.000000e+00> : vector<1280x16xf32>
    %dot_general3A_145 = tpu.matmul %mul3A_130, %get3A_143, %dot_general3A_144 {dimension_numbers = #tpu.dot_dimension_numbers<[1], [0], [0], [1], [0, 0, 1, 1], [], []>, transpose_lhs_hint = false} : vector<1280x16xf32>, vector<16x16xf32>, vector<1280x16xf32> -> vector<1280x16xf32>
    %integer_pow3A_146 = arith.mulf %dot_general3A_135, %dot_general3A_135 : vector<1280x16xf32>
    %integer_pow3A_147 = arith.mulf %dot_general3A_140, %dot_general3A_140 : vector<1280x16xf32>
    %add3A_148 = arith.addf %integer_pow3A_146, %integer_pow3A_147 : vector<1280x16xf32>
    %integer_pow3A_149 = arith.mulf %dot_general3A_145, %dot_general3A_145 : vector<1280x16xf32>
    %add3A_150 = arith.addf %add3A_148, %integer_pow3A_149 : vector<1280x16xf32>
    %max3A_151 = arith.constant 9.99999993E-9 : f32
    %max3A_152 = vector.broadcast %max3A_151 : f32 to vector<1280x16xf32>
    %max3A_153 = arith.maximumf %add3A_150, %max3A_152 : vector<1280x16xf32>
    %sqrt3A_154 = math.sqrt %max3A_153 : vector<1280x16xf32>
    %get3A_155 = arith.constant 0 : index
    %get3A_156 = arith.constant 0 : index
    %get3A_157 = vector.load %arg13[%get3A_155, %get3A_156] : memref<100x100xf32, #tpu.memory_space<vmem>>, vector<100x100xf32>
    %dot_general3A_158 = arith.constant dense<0.000000e+00> : vector<1280x100xf32>
    %dot_general3A_159 = tpu.matmul %max3A_104, %get3A_157, %dot_general3A_158 {dimension_numbers = #tpu.dot_dimension_numbers<[1], [0], [0], [1], [0, 0, 1, 1], [], []>, transpose_lhs_hint = false} : vector<1280x100xf32>, vector<100x100xf32>, vector<1280x100xf32> -> vector<1280x100xf32>
    %get3A_160 = arith.constant 0 : index
    %get3A_161 = arith.constant 0 : index
    %get3A_162 = vector.load %arg14[%get3A_160, %get3A_161] : memref<16x100xf32, #tpu.memory_space<vmem>>, vector<16x100xf32>
    %dot_general3A_163 = arith.constant dense<0.000000e+00> : vector<1280x100xf32>
    %dot_general3A_164 = tpu.matmul %sqrt3A_154, %get3A_162, %dot_general3A_163 {dimension_numbers = #tpu.dot_dimension_numbers<[1], [0], [0], [1], [0, 0, 1, 1], [], []>, transpose_lhs_hint = false} : vector<1280x16xf32>, vector<16x100xf32>, vector<1280x100xf32> -> vector<1280x100xf32>
    %add3A_165 = arith.addf %dot_general3A_159, %dot_general3A_164 : vector<1280x100xf32>
    %get3A_166 = arith.constant 0 : index
    %get3A_167 = arith.constant 0 : index
    %get3A_168 = vector.load %arg15[%get3A_166, %get3A_167] : memref<1x100xf32, #tpu.memory_space<vmem>>, vector<1x100xf32>
    %add3A_169 = vector.broadcast %get3A_168 : vector<1x100xf32> to vector<1280x100xf32>
    %add3A_170 = arith.addf %add3A_165, %add3A_169 : vector<1280x100xf32>
    %max3A_171 = arith.constant 0.000000e+00 : f32
    %max3A_172 = vector.broadcast %max3A_171 : f32 to vector<1280x100xf32>
    %max3A_173 = arith.maximumf %add3A_170, %max3A_172 : vector<1280x100xf32>
    %get3A_174 = arith.constant 0 : index
    %get3A_175 = arith.constant 0 : index
    %get3A_176 = vector.load %arg16[%get3A_174, %get3A_175] : memref<16x16xf32, #tpu.memory_space<vmem>>, vector<16x16xf32>
    %dot_general3A_177 = arith.constant dense<0.000000e+00> : vector<1280x16xf32>
    %dot_general3A_178 = tpu.matmul %dot_general3A_135, %get3A_176, %dot_general3A_177 {dimension_numbers = #tpu.dot_dimension_numbers<[1], [0], [0], [1], [0, 0, 1, 1], [], []>, transpose_lhs_hint = false} : vector<1280x16xf32>, vector<16x16xf32>, vector<1280x16xf32> -> vector<1280x16xf32>
    %dot_general3A_179 = arith.constant dense<0.000000e+00> : vector<1280x16xf32>
    %dot_general3A_180 = tpu.matmul %dot_general3A_140, %get3A_176, %dot_general3A_179 {dimension_numbers = #tpu.dot_dimension_numbers<[1], [0], [0], [1], [0, 0, 1, 1], [], []>, transpose_lhs_hint = false} : vector<1280x16xf32>, vector<16x16xf32>, vector<1280x16xf32> -> vector<1280x16xf32>
    %dot_general3A_181 = arith.constant dense<0.000000e+00> : vector<1280x16xf32>
    %dot_general3A_182 = tpu.matmul %dot_general3A_145, %get3A_176, %dot_general3A_181 {dimension_numbers = #tpu.dot_dimension_numbers<[1], [0], [0], [1], [0, 0, 1, 1], [], []>, transpose_lhs_hint = false} : vector<1280x16xf32>, vector<16x16xf32>, vector<1280x16xf32> -> vector<1280x16xf32>
    %integer_pow3A_183 = arith.mulf %dot_general3A_178, %dot_general3A_178 : vector<1280x16xf32>
    %integer_pow3A_184 = arith.mulf %dot_general3A_180, %dot_general3A_180 : vector<1280x16xf32>
    %add3A_185 = arith.addf %integer_pow3A_183, %integer_pow3A_184 : vector<1280x16xf32>
    %integer_pow3A_186 = arith.mulf %dot_general3A_182, %dot_general3A_182 : vector<1280x16xf32>
    %add3A_187 = arith.addf %add3A_185, %integer_pow3A_186 : vector<1280x16xf32>
    %max3A_188 = arith.constant 9.99999993E-9 : f32
    %max3A_189 = vector.broadcast %max3A_188 : f32 to vector<1280x16xf32>
    %max3A_190 = arith.maximumf %add3A_187, %max3A_189 : vector<1280x16xf32>
    %sqrt3A_191 = math.sqrt %max3A_190 : vector<1280x16xf32>
    %logistic3A_192 = arith.negf %sqrt3A_191 : vector<1280x16xf32>
    %logistic3A_193 = math.exp %logistic3A_192 : vector<1280x16xf32>
    %logistic3A_194 = arith.constant 1.000000e+00 : f32
    %logistic3A_195 = vector.broadcast %logistic3A_194 : f32 to vector<1280x16xf32>
    %logistic3A_196 = arith.addf %logistic3A_195, %logistic3A_193 : vector<1280x16xf32>
    %logistic3A_197 = arith.divf %logistic3A_195, %logistic3A_196 : vector<1280x16xf32>
    %mul3A_198 = arith.mulf %dot_general3A_178, %logistic3A_197 : vector<1280x16xf32>
    %mul3A_199 = arith.mulf %dot_general3A_180, %logistic3A_197 : vector<1280x16xf32>
    %mul3A_200 = arith.mulf %dot_general3A_182, %logistic3A_197 : vector<1280x16xf32>
    %get3A_201 = arith.constant 0 : index
    %get3A_202 = arith.constant 0 : index
    %get3A_203 = vector.load %arg17[%get3A_201, %get3A_202] : memref<16x16xf32, #tpu.memory_space<vmem>>, vector<16x16xf32>
    %dot_general3A_204 = arith.constant dense<0.000000e+00> : vector<1280x16xf32>
    %dot_general3A_205 = tpu.matmul %mul3A_198, %get3A_203, %dot_general3A_204 {dimension_numbers = #tpu.dot_dimension_numbers<[1], [0], [0], [1], [0, 0, 1, 1], [], []>, transpose_lhs_hint = false} : vector<1280x16xf32>, vector<16x16xf32>, vector<1280x16xf32> -> vector<1280x16xf32>
    %get3A_206 = arith.constant 0 : index
    %get3A_207 = arith.constant 0 : index
    %get3A_208 = vector.load %arg17[%get3A_206, %get3A_207] : memref<16x16xf32, #tpu.memory_space<vmem>>, vector<16x16xf32>
    %dot_general3A_209 = arith.constant dense<0.000000e+00> : vector<1280x16xf32>
    %dot_general3A_210 = tpu.matmul %mul3A_199, %get3A_208, %dot_general3A_209 {dimension_numbers = #tpu.dot_dimension_numbers<[1], [0], [0], [1], [0, 0, 1, 1], [], []>, transpose_lhs_hint = false} : vector<1280x16xf32>, vector<16x16xf32>, vector<1280x16xf32> -> vector<1280x16xf32>
    %get3A_211 = arith.constant 0 : index
    %get3A_212 = arith.constant 0 : index
    %get3A_213 = vector.load %arg17[%get3A_211, %get3A_212] : memref<16x16xf32, #tpu.memory_space<vmem>>, vector<16x16xf32>
    %dot_general3A_214 = arith.constant dense<0.000000e+00> : vector<1280x16xf32>
    %dot_general3A_215 = tpu.matmul %mul3A_200, %get3A_213, %dot_general3A_214 {dimension_numbers = #tpu.dot_dimension_numbers<[1], [0], [0], [1], [0, 0, 1, 1], [], []>, transpose_lhs_hint = false} : vector<1280x16xf32>, vector<16x16xf32>, vector<1280x16xf32> -> vector<1280x16xf32>
    %integer_pow3A_216 = arith.mulf %dot_general3A_205, %dot_general3A_205 : vector<1280x16xf32>
    %integer_pow3A_217 = arith.mulf %dot_general3A_210, %dot_general3A_210 : vector<1280x16xf32>
    %add3A_218 = arith.addf %integer_pow3A_216, %integer_pow3A_217 : vector<1280x16xf32>
    %integer_pow3A_219 = arith.mulf %dot_general3A_215, %dot_general3A_215 : vector<1280x16xf32>
    %add3A_220 = arith.addf %add3A_218, %integer_pow3A_219 : vector<1280x16xf32>
    %max3A_221 = arith.constant 9.99999993E-9 : f32
    %max3A_222 = vector.broadcast %max3A_221 : f32 to vector<1280x16xf32>
    %max3A_223 = arith.maximumf %add3A_220, %max3A_222 : vector<1280x16xf32>
    %sqrt3A_224 = math.sqrt %max3A_223 : vector<1280x16xf32>
    %get3A_225 = arith.constant 0 : index
    %get3A_226 = arith.constant 0 : index
    %get3A_227 = vector.load %arg18[%get3A_225, %get3A_226] : memref<100x100xf32, #tpu.memory_space<vmem>>, vector<100x100xf32>
    %dot_general3A_228 = arith.constant dense<0.000000e+00> : vector<1280x100xf32>
    %dot_general3A_229 = tpu.matmul %max3A_173, %get3A_227, %dot_general3A_228 {dimension_numbers = #tpu.dot_dimension_numbers<[1], [0], [0], [1], [0, 0, 1, 1], [], []>, transpose_lhs_hint = false} : vector<1280x100xf32>, vector<100x100xf32>, vector<1280x100xf32> -> vector<1280x100xf32>
    %get3A_230 = arith.constant 0 : index
    %get3A_231 = arith.constant 0 : index
    %get3A_232 = vector.load %arg19[%get3A_230, %get3A_231] : memref<16x100xf32, #tpu.memory_space<vmem>>, vector<16x100xf32>
    %dot_general3A_233 = arith.constant dense<0.000000e+00> : vector<1280x100xf32>
    %dot_general3A_234 = tpu.matmul %sqrt3A_224, %get3A_232, %dot_general3A_233 {dimension_numbers = #tpu.dot_dimension_numbers<[1], [0], [0], [1], [0, 0, 1, 1], [], []>, transpose_lhs_hint = false} : vector<1280x16xf32>, vector<16x100xf32>, vector<1280x100xf32> -> vector<1280x100xf32>
    %add3A_235 = arith.addf %dot_general3A_229, %dot_general3A_234 : vector<1280x100xf32>
    %get3A_236 = arith.constant 0 : index
    %get3A_237 = arith.constant 0 : index
    %get3A_238 = vector.load %arg20[%get3A_236, %get3A_237] : memref<1x100xf32, #tpu.memory_space<vmem>>, vector<1x100xf32>
    %add3A_239 = vector.broadcast %get3A_238 : vector<1x100xf32> to vector<1280x100xf32>
    %add3A_240 = arith.addf %add3A_235, %add3A_239 : vector<1280x100xf32>
    %get3A_241 = arith.constant 0 : index
    %get3A_242 = arith.constant 0 : index
    %get3A_243 = vector.load %arg21[%get3A_241, %get3A_242] : memref<16x16xf32, #tpu.memory_space<vmem>>, vector<16x16xf32>
    %dot_general3A_244 = arith.constant dense<0.000000e+00> : vector<1280x16xf32>
    %dot_general3A_245 = tpu.matmul %dot_general3A_205, %get3A_243, %dot_general3A_244 {dimension_numbers = #tpu.dot_dimension_numbers<[1], [0], [0], [1], [0, 0, 1, 1], [], []>, transpose_lhs_hint = false} : vector<1280x16xf32>, vector<16x16xf32>, vector<1280x16xf32> -> vector<1280x16xf32>
    %dot_general3A_246 = arith.constant dense<0.000000e+00> : vector<1280x16xf32>
    %dot_general3A_247 = tpu.matmul %dot_general3A_210, %get3A_243, %dot_general3A_246 {dimension_numbers = #tpu.dot_dimension_numbers<[1], [0], [0], [1], [0, 0, 1, 1], [], []>, transpose_lhs_hint = false} : vector<1280x16xf32>, vector<16x16xf32>, vector<1280x16xf32> -> vector<1280x16xf32>
    %dot_general3A_248 = arith.constant dense<0.000000e+00> : vector<1280x16xf32>
    %dot_general3A_249 = tpu.matmul %dot_general3A_215, %get3A_243, %dot_general3A_248 {dimension_numbers = #tpu.dot_dimension_numbers<[1], [0], [0], [1], [0, 0, 1, 1], [], []>, transpose_lhs_hint = false} : vector<1280x16xf32>, vector<16x16xf32>, vector<1280x16xf32> -> vector<1280x16xf32>
    %mul3A_250 = arith.constant 1280 : i32
    %mul3A_251 = arith.muli %arg0, %mul3A_250 : i32
    %iota3A = tpu.iota {dimensions = array<i32: 0>} : vector<1280x1xi32>
    %add3A_252 = vector.broadcast %mul3A_251 : i32 to vector<1280x1xi32>
    %add3A_253 = arith.addi %add3A_252, %iota3A : vector<1280x1xi32>
    %lt3A = arith.constant 160000 : i32
    %lt3A_254 = vector.broadcast %lt3A : i32 to vector<1280x1xi32>
    %lt3A_255 = arith.cmpi slt, %add3A_253, %lt3A_254 : vector<1280x1xi32>
    %convert_element_type3A = arith.extui %lt3A_255 : vector<1280x1xi1> to vector<1280x1xi32>
    %convert_element_type3A_256 = arith.sitofp %convert_element_type3A : vector<1280x1xi32> to vector<1280x1xf32>
    %broadcast_in_dim3A = arith.constant 0.000000e+00 : f32
    %broadcast_in_dim3A_257 = vector.broadcast %broadcast_in_dim3A : f32 to vector<1280x107xf32>
    %concatenate3A = tpu.concatenate %convert_element_type3A_256, %broadcast_in_dim3A_257 in 1 : vector<1280x1xf32>, vector<1280x107xf32> -> vector<1280x108xf32>
    %mul3A_258 = vector.broadcast %convert_element_type3A_256 : vector<1280x1xf32> to vector<1280x100xf32>
    %mul3A_259 = arith.mulf %add3A_240, %mul3A_258 : vector<1280x100xf32>
    %mul3A_260 = vector.broadcast %convert_element_type3A_256 : vector<1280x1xf32> to vector<1280x16xf32>
    %mul3A_261 = arith.mulf %dot_general3A_245, %mul3A_260 : vector<1280x16xf32>
    %mul3A_262 = vector.broadcast %convert_element_type3A_256 : vector<1280x1xf32> to vector<1280x16xf32>
    %mul3A_263 = arith.mulf %dot_general3A_247, %mul3A_262 : vector<1280x16xf32>
    %mul3A_264 = vector.broadcast %convert_element_type3A_256 : vector<1280x1xf32> to vector<1280x16xf32>
    %mul3A_265 = arith.mulf %dot_general3A_249, %mul3A_264 : vector<1280x16xf32>
    %swap3A = arith.constant 0 : index
    %swap3A_266 = arith.constant 0 : index
    %swap3A_267 = vector.load %arg22[%swap3A, %swap3A_266] : memref<1280x256xf32, #tpu.memory_space<vmem>>, vector<1280x100xf32>
    tpu.vector_store %arg22[%swap3A, %swap3A_266], %mul3A_259 {strides = array<i32>} : memref<1280x256xf32, #tpu.memory_space<vmem>>, vector<1280x100xf32>,
    %swap3A_268 = arith.constant 0 : index
    %swap3A_269 = arith.constant 100 : index
    %swap3A_270 = vector.load %arg22[%swap3A_268, %swap3A_269] : memref<1280x256xf32, #tpu.memory_space<vmem>>, vector<1280x16xf32>
    tpu.vector_store %arg22[%swap3A_268, %swap3A_269], %mul3A_261 {strides = array<i32>} : memref<1280x256xf32, #tpu.memory_space<vmem>>, vector<1280x16xf32>,
    %swap3A_271 = arith.constant 0 : index
    %swap3A_272 = arith.constant 116 : index
    %swap3A_273 = vector.load %arg22[%swap3A_271, %swap3A_272] : memref<1280x256xf32, #tpu.memory_space<vmem>>, vector<1280x16xf32>
    tpu.vector_store %arg22[%swap3A_271, %swap3A_272], %mul3A_263 {strides = array<i32>} : memref<1280x256xf32, #tpu.memory_space<vmem>>, vector<1280x16xf32>,
    %swap3A_274 = arith.constant 0 : index
    %swap3A_275 = arith.constant 132 : index
    %swap3A_276 = vector.load %arg22[%swap3A_274, %swap3A_275] : memref<1280x256xf32, #tpu.memory_space<vmem>>, vector<1280x16xf32>
    tpu.vector_store %arg22[%swap3A_274, %swap3A_275], %mul3A_265 {strides = array<i32>} : memref<1280x256xf32, #tpu.memory_space<vmem>>, vector<1280x16xf32>,
    %swap3A_277 = arith.constant 0 : index
    %swap3A_278 = arith.constant 148 : index
    %swap3A_279 = vector.load %arg22[%swap3A_277, %swap3A_278] : memref<1280x256xf32, #tpu.memory_space<vmem>>, vector<1280x108xf32>
    tpu.vector_store %arg22[%swap3A_277, %swap3A_278], %concatenate3A {strides = array<i32>} : memref<1280x256xf32, #tpu.memory_space<vmem>>, vector<1280x108xf32>,
    return
  }
  func.func @transform_0(%arg0: i32) -> (i32, i32, i32) {
    %c0_i32 = arith.constant 0 : i32
    %c0_i32_0 = arith.constant 0 : i32
    %c0_i32_1 = arith.constant 0 : i32
    return %c0_i32, %arg0, %c0_i32_0 : i32, i32, i32
  }
  func.func @transform_1(%arg0: i32) -> (i32, i32) {
    %c0_i32 = arith.constant 0 : i32
    %c0_i32_0 = arith.constant 0 : i32
    return %arg0, %c0_i32 : i32, i32
  }
  func.func @transform_2(%arg0: i32) -> (i32, i32) {
    %c0_i32 = arith.constant 0 : i32
    %c0_i32_0 = arith.constant 0 : i32
    %c0_i32_1 = arith.constant 0 : i32
    return %c0_i32, %c0_i32_0 : i32, i32
  }
  func.func @transform_3(%arg0: i32) -> (i32, i32) {
    %c0_i32 = arith.constant 0 : i32
    %c0_i32_0 = arith.constant 0 : i32
    %c0_i32_1 = arith.constant 0 : i32
    return %c0_i32, %c0_i32_0 : i32, i32
  }
  func.func @transform_4(%arg0: i32) -> (i32, i32) {
    %c0_i32 = arith.constant 0 : i32
    %c0_i32_0 = arith.constant 0 : i32
    %c0_i32_1 = arith.constant 0 : i32
    return %c0_i32, %c0_i32_0 : i32, i32
  }
  func.func @transform_5(%arg0: i32) -> (i32, i32) {
    %c0_i32 = arith.constant 0 : i32
    %c0_i32_0 = arith.constant 0 : i32
    %c0_i32_1 = arith.constant 0 : i32
    return %c0_i32, %c0_i32_0 : i32, i32
  }
  func.func @transform_6(%arg0: i32) -> (i32, i32) {
    %c0_i32 = arith.constant 0 : i32
    %c0_i32_0 = arith.constant 0 : i32
    %c0_i32_1 = arith.constant 0 : i32
    return %c0_i32, %c0_i32_0 : i32, i32
  }
  func.func @transform_7(%arg0: i32) -> (i32, i32) {
    %c0_i32 = arith.constant 0 : i32
    %c0_i32_0 = arith.constant 0 : i32
    %c0_i32_1 = arith.constant 0 : i32
    return %c0_i32, %c0_i32_0 : i32, i32
  }
  func.func @transform_8(%arg0: i32) -> (i32, i32) {
    %c0_i32 = arith.constant 0 : i32
    %c0_i32_0 = arith.constant 0 : i32
    %c0_i32_1 = arith.constant 0 : i32
    return %c0_i32, %c0_i32_0 : i32, i32
  }
  func.func @transform_9(%arg0: i32) -> (i32, i32) {
    %c0_i32 = arith.constant 0 : i32
    %c0_i32_0 = arith.constant 0 : i32
    %c0_i32_1 = arith.constant 0 : i32
    return %c0_i32, %c0_i32_0 : i32, i32
  }
  func.func @transform_10(%arg0: i32) -> (i32, i32) {
    %c0_i32 = arith.constant 0 : i32
    %c0_i32_0 = arith.constant 0 : i32
    %c0_i32_1 = arith.constant 0 : i32
    return %c0_i32, %c0_i32_0 : i32, i32
  }
  func.func @transform_11(%arg0: i32) -> (i32, i32) {
    %c0_i32 = arith.constant 0 : i32
    %c0_i32_0 = arith.constant 0 : i32
    %c0_i32_1 = arith.constant 0 : i32
    return %c0_i32, %c0_i32_0 : i32, i32
  }
  func.func @transform_12(%arg0: i32) -> (i32, i32) {
    %c0_i32 = arith.constant 0 : i32
    %c0_i32_0 = arith.constant 0 : i32
    %c0_i32_1 = arith.constant 0 : i32
    return %c0_i32, %c0_i32_0 : i32, i32
  }
  func.func @transform_13(%arg0: i32) -> (i32, i32) {
    %c0_i32 = arith.constant 0 : i32
    %c0_i32_0 = arith.constant 0 : i32
    %c0_i32_1 = arith.constant 0 : i32
    return %c0_i32, %c0_i32_0 : i32, i32
  }
  func.func @transform_14(%arg0: i32) -> (i32, i32) {
    %c0_i32 = arith.constant 0 : i32
    %c0_i32_0 = arith.constant 0 : i32
    %c0_i32_1 = arith.constant 0 : i32
    return %c0_i32, %c0_i32_0 : i32, i32
  }
  func.func @transform_15(%arg0: i32) -> (i32, i32) {
    %c0_i32 = arith.constant 0 : i32
    %c0_i32_0 = arith.constant 0 : i32
    %c0_i32_1 = arith.constant 0 : i32
    return %c0_i32, %c0_i32_0 : i32, i32
  }
  func.func @transform_16(%arg0: i32) -> (i32, i32) {
    %c0_i32 = arith.constant 0 : i32
    %c0_i32_0 = arith.constant 0 : i32
    %c0_i32_1 = arith.constant 0 : i32
    return %c0_i32, %c0_i32_0 : i32, i32
  }
  func.func @transform_17(%arg0: i32) -> (i32, i32) {
    %c0_i32 = arith.constant 0 : i32
    %c0_i32_0 = arith.constant 0 : i32
    %c0_i32_1 = arith.constant 0 : i32
    return %c0_i32, %c0_i32_0 : i32, i32
  }
  func.func @transform_18(%arg0: i32) -> (i32, i32) {
    %c0_i32 = arith.constant 0 : i32
    %c0_i32_0 = arith.constant 0 : i32
    %c0_i32_1 = arith.constant 0 : i32
    return %c0_i32, %c0_i32_0 : i32, i32
  }
  func.func @transform_19(%arg0: i32) -> (i32, i32) {
    %c0_i32 = arith.constant 0 : i32
    %c0_i32_0 = arith.constant 0 : i32
    %c0_i32_1 = arith.constant 0 : i32
    return %c0_i32, %c0_i32_0 : i32, i32
  }
  func.func @transform_20(%arg0: i32) -> (i32, i32) {
    %c0_i32 = arith.constant 0 : i32
    %c0_i32_0 = arith.constant 0 : i32
    %c0_i32_1 = arith.constant 0 : i32
    return %c0_i32, %c0_i32_0 : i32, i32
  }
  func.func @transform_21(%arg0: i32) -> (i32, i32) {
    %c0_i32 = arith.constant 0 : i32
    %c0_i32_0 = arith.constant 0 : i32
    return %arg0, %c0_i32 : i32, i32
  }
}

module attributes {stable_mosaic.version = 14 : i64} {
  func.func @_dedup_body(%arg0: i32, %arg1: memref<2048x256xf32, #tpu.memory_space<vmem>>, %arg2: memref<16x128xi32, #tpu.memory_space<vmem>>, %arg3: memref<2048x256xf32, #tpu.memory_space<vmem>>, %arg4: memref<16x128xi32, #tpu.memory_space<vmem>>) attributes {dimension_semantics = [#tpu.dimension_semantics<arbitrary>], iteration_bounds = array<i64: 80>, scalar_prefetch = 0 : i64, scratch_operands = 0 : i64, tpu.core_type = #tpu.core_type<tc>, window_params = [{transform_indices = @transform_0, window_bounds = array<i64: 2048, 256>}, {transform_indices = @transform_1, window_bounds = array<i64: 16, 128>}, {transform_indices = @transform_2, window_bounds = array<i64: 2048, 256>}, {transform_indices = @transform_3, window_bounds = array<i64: 16, 128>}]} {
    %iota3A = tpu.iota {dimensions = array<i32: 0>} : vector<128x128xi32>
    %iota3A_0 = tpu.iota {dimensions = array<i32: 1>} : vector<128x128xi32>
    %get3A = arith.constant 0 : index
    %get3A_1 = arith.constant 0 : index
    %get3A_2 = vector.load %arg2[%get3A, %get3A_1] : memref<16x128xi32, #tpu.memory_space<vmem>>, vector<1x128xi32>
    %transpose3A = tpu.transpose %get3A_2, [1, 0] : vector<1x128xi32> -> vector<128x1xi32>
    %eq3A = vector.broadcast %transpose3A : vector<128x1xi32> to vector<128x128xi32>
    %eq3A_3 = vector.broadcast %get3A_2 : vector<1x128xi32> to vector<128x128xi32>
    %eq3A_4 = arith.cmpi eq, %eq3A, %eq3A_3 : vector<128x128xi32>
    %lt3A = arith.cmpi slt, %iota3A_0, %iota3A : vector<128x128xi32>
    %and3A = arith.andi %eq3A_4, %lt3A : vector<128x128xi1>
    %jit3A = arith.constant 1.000000e+00 : f32
    %jit3A_5 = arith.constant 0.000000e+00 : f32
    %broadcast_in_dim3A = vector.broadcast %jit3A : f32 to vector<128x128xf32>
    %broadcast_in_dim3A_6 = vector.broadcast %jit3A_5 : f32 to vector<128x128xf32>
    %select_n3A = arith.select %and3A, %broadcast_in_dim3A, %broadcast_in_dim3A_6 : vector<128x128xi1>, vector<128x128xf32>
    %reduce_sum3A = arith.constant dense<0.000000e+00> : vector<128xf32>
    %reduce_sum3A_7 = vector.multi_reduction <add>, %select_n3A, %reduce_sum3A [1] : vector<128x128xf32> to vector<128xf32>
    %broadcast_in_dim3A_8 = vector.shape_cast %reduce_sum3A_7 : vector<128xf32> to vector<128x1xf32>
    %eq3A_9 = arith.constant 0.000000e+00 : f32
    %eq3A_10 = vector.broadcast %eq3A_9 : f32 to vector<128x1xf32>
    %eq3A_11 = arith.cmpf oeq, %broadcast_in_dim3A_8, %eq3A_10 : vector<128x1xf32>
    %and3A_12 = vector.broadcast %eq3A_11 : vector<128x1xi1> to vector<128x128xi1>
    %and3A_13 = arith.andi %eq3A_4, %and3A_12 : vector<128x128xi1>
    %jit3A_14 = arith.constant 1.000000e+00 : f32
    %jit3A_15 = arith.constant 0.000000e+00 : f32
    %broadcast_in_dim3A_16 = vector.broadcast %jit3A_14 : f32 to vector<128x128xf32>
    %broadcast_in_dim3A_17 = vector.broadcast %jit3A_15 : f32 to vector<128x128xf32>
    %select_n3A_18 = arith.select %and3A_13, %broadcast_in_dim3A_16, %broadcast_in_dim3A_17 : vector<128x128xi1>, vector<128x128xf32>
    %get3A_19 = arith.constant 0 : index
    %get3A_20 = arith.constant 0 : index
    %get3A_21 = vector.load %arg1[%get3A_19, %get3A_20] : memref<2048x256xf32, #tpu.memory_space<vmem>>, vector<128x256xf32>
    %dot_general3A = arith.constant dense<0.000000e+00> : vector<128x256xf32>
    %dot_general3A_22 = tpu.matmul %select_n3A_18, %get3A_21, %dot_general3A {dimension_numbers = #tpu.dot_dimension_numbers<[1], [0], [0], [1], [0, 0, 1, 1], [], []>, transpose_lhs_hint = false} : vector<128x128xf32>, vector<128x256xf32>, vector<128x256xf32> -> vector<128x256xf32>
    %swap3A = arith.constant 0 : index
    %swap3A_23 = arith.constant 0 : index
    %swap3A_24 = vector.load %arg3[%swap3A, %swap3A_23] : memref<2048x256xf32, #tpu.memory_space<vmem>>, vector<128x256xf32>
    tpu.vector_store %arg3[%swap3A, %swap3A_23], %dot_general3A_22 {strides = array<i32>} : memref<2048x256xf32, #tpu.memory_space<vmem>>, vector<128x256xf32>,
    %transpose3A_25 = tpu.transpose %eq3A_11, [1, 0] : vector<128x1xi1> -> vector<1x128xi1>
    %jit3A_26 = arith.constant 10240 : i32
    %broadcast_in_dim3A_27 = vector.broadcast %jit3A_26 : i32 to vector<1x128xi32>
    %select_n3A_28 = arith.select %transpose3A_25, %get3A_2, %broadcast_in_dim3A_27 : vector<1x128xi1>, vector<1x128xi32>
    %swap3A_29 = arith.constant 0 : index
    %swap3A_30 = arith.constant 0 : index
    %swap3A_31 = vector.load %arg4[%swap3A_29, %swap3A_30] : memref<16x128xi32, #tpu.memory_space<vmem>>, vector<1x128xi32>
    tpu.vector_store %arg4[%swap3A_29, %swap3A_30], %select_n3A_28 {strides = array<i32>} : memref<16x128xi32, #tpu.memory_space<vmem>>, vector<1x128xi32>,
    %get3A_32 = arith.constant 1 : index
    %get3A_33 = arith.constant 0 : index
    %get3A_34 = vector.load %arg2[%get3A_32, %get3A_33] : memref<16x128xi32, #tpu.memory_space<vmem>>, vector<1x128xi32>
    %transpose3A_35 = tpu.transpose %get3A_34, [1, 0] : vector<1x128xi32> -> vector<128x1xi32>
    %eq3A_36 = vector.broadcast %transpose3A_35 : vector<128x1xi32> to vector<128x128xi32>
    %eq3A_37 = vector.broadcast %get3A_34 : vector<1x128xi32> to vector<128x128xi32>
    %eq3A_38 = arith.cmpi eq, %eq3A_36, %eq3A_37 : vector<128x128xi32>
    %lt3A_39 = arith.cmpi slt, %iota3A_0, %iota3A : vector<128x128xi32>
    %and3A_40 = arith.andi %eq3A_38, %lt3A_39 : vector<128x128xi1>
    %jit3A_41 = arith.constant 1.000000e+00 : f32
    %jit3A_42 = arith.constant 0.000000e+00 : f32
    %broadcast_in_dim3A_43 = vector.broadcast %jit3A_41 : f32 to vector<128x128xf32>
    %broadcast_in_dim3A_44 = vector.broadcast %jit3A_42 : f32 to vector<128x128xf32>
    %select_n3A_45 = arith.select %and3A_40, %broadcast_in_dim3A_43, %broadcast_in_dim3A_44 : vector<128x128xi1>, vector<128x128xf32>
    %reduce_sum3A_46 = arith.constant dense<0.000000e+00> : vector<128xf32>
    %reduce_sum3A_47 = vector.multi_reduction <add>, %select_n3A_45, %reduce_sum3A_46 [1] : vector<128x128xf32> to vector<128xf32>
    %broadcast_in_dim3A_48 = vector.shape_cast %reduce_sum3A_47 : vector<128xf32> to vector<128x1xf32>
    %eq3A_49 = arith.constant 0.000000e+00 : f32
    %eq3A_50 = vector.broadcast %eq3A_49 : f32 to vector<128x1xf32>
    %eq3A_51 = arith.cmpf oeq, %broadcast_in_dim3A_48, %eq3A_50 : vector<128x1xf32>
    %and3A_52 = vector.broadcast %eq3A_51 : vector<128x1xi1> to vector<128x128xi1>
    %and3A_53 = arith.andi %eq3A_38, %and3A_52 : vector<128x128xi1>
    %jit3A_54 = arith.constant 1.000000e+00 : f32
    %jit3A_55 = arith.constant 0.000000e+00 : f32
    %broadcast_in_dim3A_56 = vector.broadcast %jit3A_54 : f32 to vector<128x128xf32>
    %broadcast_in_dim3A_57 = vector.broadcast %jit3A_55 : f32 to vector<128x128xf32>
    %select_n3A_58 = arith.select %and3A_53, %broadcast_in_dim3A_56, %broadcast_in_dim3A_57 : vector<128x128xi1>, vector<128x128xf32>
    %get3A_59 = arith.constant 128 : index
    %get3A_60 = arith.constant 0 : index
    %get3A_61 = vector.load %arg1[%get3A_59, %get3A_60] : memref<2048x256xf32, #tpu.memory_space<vmem>>, vector<128x256xf32>
    %dot_general3A_62 = arith.constant dense<0.000000e+00> : vector<128x256xf32>
    %dot_general3A_63 = tpu.matmul %select_n3A_58, %get3A_61, %dot_general3A_62 {dimension_numbers = #tpu.dot_dimension_numbers<[1], [0], [0], [1], [0, 0, 1, 1], [], []>, transpose_lhs_hint = false} : vector<128x128xf32>, vector<128x256xf32>, vector<128x256xf32> -> vector<128x256xf32>
    %swap3A_64 = arith.constant 128 : index
    %swap3A_65 = arith.constant 0 : index
    %swap3A_66 = vector.load %arg3[%swap3A_64, %swap3A_65] : memref<2048x256xf32, #tpu.memory_space<vmem>>, vector<128x256xf32>
    tpu.vector_store %arg3[%swap3A_64, %swap3A_65], %dot_general3A_63 {strides = array<i32>} : memref<2048x256xf32, #tpu.memory_space<vmem>>, vector<128x256xf32>,
    %transpose3A_67 = tpu.transpose %eq3A_51, [1, 0] : vector<128x1xi1> -> vector<1x128xi1>
    %jit3A_68 = arith.constant 10240 : i32
    %broadcast_in_dim3A_69 = vector.broadcast %jit3A_68 : i32 to vector<1x128xi32>
    %select_n3A_70 = arith.select %transpose3A_67, %get3A_34, %broadcast_in_dim3A_69 : vector<1x128xi1>, vector<1x128xi32>
    %swap3A_71 = arith.constant 1 : index
    %swap3A_72 = arith.constant 0 : index
    %swap3A_73 = vector.load %arg4[%swap3A_71, %swap3A_72] : memref<16x128xi32, #tpu.memory_space<vmem>>, vector<1x128xi32>
    tpu.vector_store %arg4[%swap3A_71, %swap3A_72], %select_n3A_70 {strides = array<i32>} : memref<16x128xi32, #tpu.memory_space<vmem>>, vector<1x128xi32>,
    %get3A_74 = arith.constant 2 : index
    %get3A_75 = arith.constant 0 : index
    %get3A_76 = vector.load %arg2[%get3A_74, %get3A_75] : memref<16x128xi32, #tpu.memory_space<vmem>>, vector<1x128xi32>
    %transpose3A_77 = tpu.transpose %get3A_76, [1, 0] : vector<1x128xi32> -> vector<128x1xi32>
    %eq3A_78 = vector.broadcast %transpose3A_77 : vector<128x1xi32> to vector<128x128xi32>
    %eq3A_79 = vector.broadcast %get3A_76 : vector<1x128xi32> to vector<128x128xi32>
    %eq3A_80 = arith.cmpi eq, %eq3A_78, %eq3A_79 : vector<128x128xi32>
    %lt3A_81 = arith.cmpi slt, %iota3A_0, %iota3A : vector<128x128xi32>
    %and3A_82 = arith.andi %eq3A_80, %lt3A_81 : vector<128x128xi1>
    %jit3A_83 = arith.constant 1.000000e+00 : f32
    %jit3A_84 = arith.constant 0.000000e+00 : f32
    %broadcast_in_dim3A_85 = vector.broadcast %jit3A_83 : f32 to vector<128x128xf32>
    %broadcast_in_dim3A_86 = vector.broadcast %jit3A_84 : f32 to vector<128x128xf32>
    %select_n3A_87 = arith.select %and3A_82, %broadcast_in_dim3A_85, %broadcast_in_dim3A_86 : vector<128x128xi1>, vector<128x128xf32>
    %reduce_sum3A_88 = arith.constant dense<0.000000e+00> : vector<128xf32>
    %reduce_sum3A_89 = vector.multi_reduction <add>, %select_n3A_87, %reduce_sum3A_88 [1] : vector<128x128xf32> to vector<128xf32>
    %broadcast_in_dim3A_90 = vector.shape_cast %reduce_sum3A_89 : vector<128xf32> to vector<128x1xf32>
    %eq3A_91 = arith.constant 0.000000e+00 : f32
    %eq3A_92 = vector.broadcast %eq3A_91 : f32 to vector<128x1xf32>
    %eq3A_93 = arith.cmpf oeq, %broadcast_in_dim3A_90, %eq3A_92 : vector<128x1xf32>
    %and3A_94 = vector.broadcast %eq3A_93 : vector<128x1xi1> to vector<128x128xi1>
    %and3A_95 = arith.andi %eq3A_80, %and3A_94 : vector<128x128xi1>
    %jit3A_96 = arith.constant 1.000000e+00 : f32
    %jit3A_97 = arith.constant 0.000000e+00 : f32
    %broadcast_in_dim3A_98 = vector.broadcast %jit3A_96 : f32 to vector<128x128xf32>
    %broadcast_in_dim3A_99 = vector.broadcast %jit3A_97 : f32 to vector<128x128xf32>
    %select_n3A_100 = arith.select %and3A_95, %broadcast_in_dim3A_98, %broadcast_in_dim3A_99 : vector<128x128xi1>, vector<128x128xf32>
    %get3A_101 = arith.constant 256 : index
    %get3A_102 = arith.constant 0 : index
    %get3A_103 = vector.load %arg1[%get3A_101, %get3A_102] : memref<2048x256xf32, #tpu.memory_space<vmem>>, vector<128x256xf32>
    %dot_general3A_104 = arith.constant dense<0.000000e+00> : vector<128x256xf32>
    %dot_general3A_105 = tpu.matmul %select_n3A_100, %get3A_103, %dot_general3A_104 {dimension_numbers = #tpu.dot_dimension_numbers<[1], [0], [0], [1], [0, 0, 1, 1], [], []>, transpose_lhs_hint = false} : vector<128x128xf32>, vector<128x256xf32>, vector<128x256xf32> -> vector<128x256xf32>
    %swap3A_106 = arith.constant 256 : index
    %swap3A_107 = arith.constant 0 : index
    %swap3A_108 = vector.load %arg3[%swap3A_106, %swap3A_107] : memref<2048x256xf32, #tpu.memory_space<vmem>>, vector<128x256xf32>
    tpu.vector_store %arg3[%swap3A_106, %swap3A_107], %dot_general3A_105 {strides = array<i32>} : memref<2048x256xf32, #tpu.memory_space<vmem>>, vector<128x256xf32>,
    %transpose3A_109 = tpu.transpose %eq3A_93, [1, 0] : vector<128x1xi1> -> vector<1x128xi1>
    %jit3A_110 = arith.constant 10240 : i32
    %broadcast_in_dim3A_111 = vector.broadcast %jit3A_110 : i32 to vector<1x128xi32>
    %select_n3A_112 = arith.select %transpose3A_109, %get3A_76, %broadcast_in_dim3A_111 : vector<1x128xi1>, vector<1x128xi32>
    %swap3A_113 = arith.constant 2 : index
    %swap3A_114 = arith.constant 0 : index
    %swap3A_115 = vector.load %arg4[%swap3A_113, %swap3A_114] : memref<16x128xi32, #tpu.memory_space<vmem>>, vector<1x128xi32>
    tpu.vector_store %arg4[%swap3A_113, %swap3A_114], %select_n3A_112 {strides = array<i32>} : memref<16x128xi32, #tpu.memory_space<vmem>>, vector<1x128xi32>,
    %get3A_116 = arith.constant 3 : index
    %get3A_117 = arith.constant 0 : index
    %get3A_118 = vector.load %arg2[%get3A_116, %get3A_117] : memref<16x128xi32, #tpu.memory_space<vmem>>, vector<1x128xi32>
    %transpose3A_119 = tpu.transpose %get3A_118, [1, 0] : vector<1x128xi32> -> vector<128x1xi32>
    %eq3A_120 = vector.broadcast %transpose3A_119 : vector<128x1xi32> to vector<128x128xi32>
    %eq3A_121 = vector.broadcast %get3A_118 : vector<1x128xi32> to vector<128x128xi32>
    %eq3A_122 = arith.cmpi eq, %eq3A_120, %eq3A_121 : vector<128x128xi32>
    %lt3A_123 = arith.cmpi slt, %iota3A_0, %iota3A : vector<128x128xi32>
    %and3A_124 = arith.andi %eq3A_122, %lt3A_123 : vector<128x128xi1>
    %jit3A_125 = arith.constant 1.000000e+00 : f32
    %jit3A_126 = arith.constant 0.000000e+00 : f32
    %broadcast_in_dim3A_127 = vector.broadcast %jit3A_125 : f32 to vector<128x128xf32>
    %broadcast_in_dim3A_128 = vector.broadcast %jit3A_126 : f32 to vector<128x128xf32>
    %select_n3A_129 = arith.select %and3A_124, %broadcast_in_dim3A_127, %broadcast_in_dim3A_128 : vector<128x128xi1>, vector<128x128xf32>
    %reduce_sum3A_130 = arith.constant dense<0.000000e+00> : vector<128xf32>
    %reduce_sum3A_131 = vector.multi_reduction <add>, %select_n3A_129, %reduce_sum3A_130 [1] : vector<128x128xf32> to vector<128xf32>
    %broadcast_in_dim3A_132 = vector.shape_cast %reduce_sum3A_131 : vector<128xf32> to vector<128x1xf32>
    %eq3A_133 = arith.constant 0.000000e+00 : f32
    %eq3A_134 = vector.broadcast %eq3A_133 : f32 to vector<128x1xf32>
    %eq3A_135 = arith.cmpf oeq, %broadcast_in_dim3A_132, %eq3A_134 : vector<128x1xf32>
    %and3A_136 = vector.broadcast %eq3A_135 : vector<128x1xi1> to vector<128x128xi1>
    %and3A_137 = arith.andi %eq3A_122, %and3A_136 : vector<128x128xi1>
    %jit3A_138 = arith.constant 1.000000e+00 : f32
    %jit3A_139 = arith.constant 0.000000e+00 : f32
    %broadcast_in_dim3A_140 = vector.broadcast %jit3A_138 : f32 to vector<128x128xf32>
    %broadcast_in_dim3A_141 = vector.broadcast %jit3A_139 : f32 to vector<128x128xf32>
    %select_n3A_142 = arith.select %and3A_137, %broadcast_in_dim3A_140, %broadcast_in_dim3A_141 : vector<128x128xi1>, vector<128x128xf32>
    %get3A_143 = arith.constant 384 : index
    %get3A_144 = arith.constant 0 : index
    %get3A_145 = vector.load %arg1[%get3A_143, %get3A_144] : memref<2048x256xf32, #tpu.memory_space<vmem>>, vector<128x256xf32>
    %dot_general3A_146 = arith.constant dense<0.000000e+00> : vector<128x256xf32>
    %dot_general3A_147 = tpu.matmul %select_n3A_142, %get3A_145, %dot_general3A_146 {dimension_numbers = #tpu.dot_dimension_numbers<[1], [0], [0], [1], [0, 0, 1, 1], [], []>, transpose_lhs_hint = false} : vector<128x128xf32>, vector<128x256xf32>, vector<128x256xf32> -> vector<128x256xf32>
    %swap3A_148 = arith.constant 384 : index
    %swap3A_149 = arith.constant 0 : index
    %swap3A_150 = vector.load %arg3[%swap3A_148, %swap3A_149] : memref<2048x256xf32, #tpu.memory_space<vmem>>, vector<128x256xf32>
    tpu.vector_store %arg3[%swap3A_148, %swap3A_149], %dot_general3A_147 {strides = array<i32>} : memref<2048x256xf32, #tpu.memory_space<vmem>>, vector<128x256xf32>,
    %transpose3A_151 = tpu.transpose %eq3A_135, [1, 0] : vector<128x1xi1> -> vector<1x128xi1>
    %jit3A_152 = arith.constant 10240 : i32
    %broadcast_in_dim3A_153 = vector.broadcast %jit3A_152 : i32 to vector<1x128xi32>
    %select_n3A_154 = arith.select %transpose3A_151, %get3A_118, %broadcast_in_dim3A_153 : vector<1x128xi1>, vector<1x128xi32>
    %swap3A_155 = arith.constant 3 : index
    %swap3A_156 = arith.constant 0 : index
    %swap3A_157 = vector.load %arg4[%swap3A_155, %swap3A_156] : memref<16x128xi32, #tpu.memory_space<vmem>>, vector<1x128xi32>
    tpu.vector_store %arg4[%swap3A_155, %swap3A_156], %select_n3A_154 {strides = array<i32>} : memref<16x128xi32, #tpu.memory_space<vmem>>, vector<1x128xi32>,
    %get3A_158 = arith.constant 4 : index
    %get3A_159 = arith.constant 0 : index
    %get3A_160 = vector.load %arg2[%get3A_158, %get3A_159] : memref<16x128xi32, #tpu.memory_space<vmem>>, vector<1x128xi32>
    %transpose3A_161 = tpu.transpose %get3A_160, [1, 0] : vector<1x128xi32> -> vector<128x1xi32>
    %eq3A_162 = vector.broadcast %transpose3A_161 : vector<128x1xi32> to vector<128x128xi32>
    %eq3A_163 = vector.broadcast %get3A_160 : vector<1x128xi32> to vector<128x128xi32>
    %eq3A_164 = arith.cmpi eq, %eq3A_162, %eq3A_163 : vector<128x128xi32>
    %lt3A_165 = arith.cmpi slt, %iota3A_0, %iota3A : vector<128x128xi32>
    %and3A_166 = arith.andi %eq3A_164, %lt3A_165 : vector<128x128xi1>
    %jit3A_167 = arith.constant 1.000000e+00 : f32
    %jit3A_168 = arith.constant 0.000000e+00 : f32
    %broadcast_in_dim3A_169 = vector.broadcast %jit3A_167 : f32 to vector<128x128xf32>
    %broadcast_in_dim3A_170 = vector.broadcast %jit3A_168 : f32 to vector<128x128xf32>
    %select_n3A_171 = arith.select %and3A_166, %broadcast_in_dim3A_169, %broadcast_in_dim3A_170 : vector<128x128xi1>, vector<128x128xf32>
    %reduce_sum3A_172 = arith.constant dense<0.000000e+00> : vector<128xf32>
    %reduce_sum3A_173 = vector.multi_reduction <add>, %select_n3A_171, %reduce_sum3A_172 [1] : vector<128x128xf32> to vector<128xf32>
    %broadcast_in_dim3A_174 = vector.shape_cast %reduce_sum3A_173 : vector<128xf32> to vector<128x1xf32>
    %eq3A_175 = arith.constant 0.000000e+00 : f32
    %eq3A_176 = vector.broadcast %eq3A_175 : f32 to vector<128x1xf32>
    %eq3A_177 = arith.cmpf oeq, %broadcast_in_dim3A_174, %eq3A_176 : vector<128x1xf32>
    %and3A_178 = vector.broadcast %eq3A_177 : vector<128x1xi1> to vector<128x128xi1>
    %and3A_179 = arith.andi %eq3A_164, %and3A_178 : vector<128x128xi1>
    %jit3A_180 = arith.constant 1.000000e+00 : f32
    %jit3A_181 = arith.constant 0.000000e+00 : f32
    %broadcast_in_dim3A_182 = vector.broadcast %jit3A_180 : f32 to vector<128x128xf32>
    %broadcast_in_dim3A_183 = vector.broadcast %jit3A_181 : f32 to vector<128x128xf32>
    %select_n3A_184 = arith.select %and3A_179, %broadcast_in_dim3A_182, %broadcast_in_dim3A_183 : vector<128x128xi1>, vector<128x128xf32>
    %get3A_185 = arith.constant 512 : index
    %get3A_186 = arith.constant 0 : index
    %get3A_187 = vector.load %arg1[%get3A_185, %get3A_186] : memref<2048x256xf32, #tpu.memory_space<vmem>>, vector<128x256xf32>
    %dot_general3A_188 = arith.constant dense<0.000000e+00> : vector<128x256xf32>
    %dot_general3A_189 = tpu.matmul %select_n3A_184, %get3A_187, %dot_general3A_188 {dimension_numbers = #tpu.dot_dimension_numbers<[1], [0], [0], [1], [0, 0, 1, 1], [], []>, transpose_lhs_hint = false} : vector<128x128xf32>, vector<128x256xf32>, vector<128x256xf32> -> vector<128x256xf32>
    %swap3A_190 = arith.constant 512 : index
    %swap3A_191 = arith.constant 0 : index
    %swap3A_192 = vector.load %arg3[%swap3A_190, %swap3A_191] : memref<2048x256xf32, #tpu.memory_space<vmem>>, vector<128x256xf32>
    tpu.vector_store %arg3[%swap3A_190, %swap3A_191], %dot_general3A_189 {strides = array<i32>} : memref<2048x256xf32, #tpu.memory_space<vmem>>, vector<128x256xf32>,
    %transpose3A_193 = tpu.transpose %eq3A_177, [1, 0] : vector<128x1xi1> -> vector<1x128xi1>
    %jit3A_194 = arith.constant 10240 : i32
    %broadcast_in_dim3A_195 = vector.broadcast %jit3A_194 : i32 to vector<1x128xi32>
    %select_n3A_196 = arith.select %transpose3A_193, %get3A_160, %broadcast_in_dim3A_195 : vector<1x128xi1>, vector<1x128xi32>
    %swap3A_197 = arith.constant 4 : index
    %swap3A_198 = arith.constant 0 : index
    %swap3A_199 = vector.load %arg4[%swap3A_197, %swap3A_198] : memref<16x128xi32, #tpu.memory_space<vmem>>, vector<1x128xi32>
    tpu.vector_store %arg4[%swap3A_197, %swap3A_198], %select_n3A_196 {strides = array<i32>} : memref<16x128xi32, #tpu.memory_space<vmem>>, vector<1x128xi32>,
    %get3A_200 = arith.constant 5 : index
    %get3A_201 = arith.constant 0 : index
    %get3A_202 = vector.load %arg2[%get3A_200, %get3A_201] : memref<16x128xi32, #tpu.memory_space<vmem>>, vector<1x128xi32>
    %transpose3A_203 = tpu.transpose %get3A_202, [1, 0] : vector<1x128xi32> -> vector<128x1xi32>
    %eq3A_204 = vector.broadcast %transpose3A_203 : vector<128x1xi32> to vector<128x128xi32>
    %eq3A_205 = vector.broadcast %get3A_202 : vector<1x128xi32> to vector<128x128xi32>
    %eq3A_206 = arith.cmpi eq, %eq3A_204, %eq3A_205 : vector<128x128xi32>
    %lt3A_207 = arith.cmpi slt, %iota3A_0, %iota3A : vector<128x128xi32>
    %and3A_208 = arith.andi %eq3A_206, %lt3A_207 : vector<128x128xi1>
    %jit3A_209 = arith.constant 1.000000e+00 : f32
    %jit3A_210 = arith.constant 0.000000e+00 : f32
    %broadcast_in_dim3A_211 = vector.broadcast %jit3A_209 : f32 to vector<128x128xf32>
    %broadcast_in_dim3A_212 = vector.broadcast %jit3A_210 : f32 to vector<128x128xf32>
    %select_n3A_213 = arith.select %and3A_208, %broadcast_in_dim3A_211, %broadcast_in_dim3A_212 : vector<128x128xi1>, vector<128x128xf32>
    %reduce_sum3A_214 = arith.constant dense<0.000000e+00> : vector<128xf32>
    %reduce_sum3A_215 = vector.multi_reduction <add>, %select_n3A_213, %reduce_sum3A_214 [1] : vector<128x128xf32> to vector<128xf32>
    %broadcast_in_dim3A_216 = vector.shape_cast %reduce_sum3A_215 : vector<128xf32> to vector<128x1xf32>
    %eq3A_217 = arith.constant 0.000000e+00 : f32
    %eq3A_218 = vector.broadcast %eq3A_217 : f32 to vector<128x1xf32>
    %eq3A_219 = arith.cmpf oeq, %broadcast_in_dim3A_216, %eq3A_218 : vector<128x1xf32>
    %and3A_220 = vector.broadcast %eq3A_219 : vector<128x1xi1> to vector<128x128xi1>
    %and3A_221 = arith.andi %eq3A_206, %and3A_220 : vector<128x128xi1>
    %jit3A_222 = arith.constant 1.000000e+00 : f32
    %jit3A_223 = arith.constant 0.000000e+00 : f32
    %broadcast_in_dim3A_224 = vector.broadcast %jit3A_222 : f32 to vector<128x128xf32>
    %broadcast_in_dim3A_225 = vector.broadcast %jit3A_223 : f32 to vector<128x128xf32>
    %select_n3A_226 = arith.select %and3A_221, %broadcast_in_dim3A_224, %broadcast_in_dim3A_225 : vector<128x128xi1>, vector<128x128xf32>
    %get3A_227 = arith.constant 640 : index
    %get3A_228 = arith.constant 0 : index
    %get3A_229 = vector.load %arg1[%get3A_227, %get3A_228] : memref<2048x256xf32, #tpu.memory_space<vmem>>, vector<128x256xf32>
    %dot_general3A_230 = arith.constant dense<0.000000e+00> : vector<128x256xf32>
    %dot_general3A_231 = tpu.matmul %select_n3A_226, %get3A_229, %dot_general3A_230 {dimension_numbers = #tpu.dot_dimension_numbers<[1], [0], [0], [1], [0, 0, 1, 1], [], []>, transpose_lhs_hint = false} : vector<128x128xf32>, vector<128x256xf32>, vector<128x256xf32> -> vector<128x256xf32>
    %swap3A_232 = arith.constant 640 : index
    %swap3A_233 = arith.constant 0 : index
    %swap3A_234 = vector.load %arg3[%swap3A_232, %swap3A_233] : memref<2048x256xf32, #tpu.memory_space<vmem>>, vector<128x256xf32>
    tpu.vector_store %arg3[%swap3A_232, %swap3A_233], %dot_general3A_231 {strides = array<i32>} : memref<2048x256xf32, #tpu.memory_space<vmem>>, vector<128x256xf32>,
    %transpose3A_235 = tpu.transpose %eq3A_219, [1, 0] : vector<128x1xi1> -> vector<1x128xi1>
    %jit3A_236 = arith.constant 10240 : i32
    %broadcast_in_dim3A_237 = vector.broadcast %jit3A_236 : i32 to vector<1x128xi32>
    %select_n3A_238 = arith.select %transpose3A_235, %get3A_202, %broadcast_in_dim3A_237 : vector<1x128xi1>, vector<1x128xi32>
    %swap3A_239 = arith.constant 5 : index
    %swap3A_240 = arith.constant 0 : index
    %swap3A_241 = vector.load %arg4[%swap3A_239, %swap3A_240] : memref<16x128xi32, #tpu.memory_space<vmem>>, vector<1x128xi32>
    tpu.vector_store %arg4[%swap3A_239, %swap3A_240], %select_n3A_238 {strides = array<i32>} : memref<16x128xi32, #tpu.memory_space<vmem>>, vector<1x128xi32>,
    %get3A_242 = arith.constant 6 : index
    %get3A_243 = arith.constant 0 : index
    %get3A_244 = vector.load %arg2[%get3A_242, %get3A_243] : memref<16x128xi32, #tpu.memory_space<vmem>>, vector<1x128xi32>
    %transpose3A_245 = tpu.transpose %get3A_244, [1, 0] : vector<1x128xi32> -> vector<128x1xi32>
    %eq3A_246 = vector.broadcast %transpose3A_245 : vector<128x1xi32> to vector<128x128xi32>
    %eq3A_247 = vector.broadcast %get3A_244 : vector<1x128xi32> to vector<128x128xi32>
    %eq3A_248 = arith.cmpi eq, %eq3A_246, %eq3A_247 : vector<128x128xi32>
    %lt3A_249 = arith.cmpi slt, %iota3A_0, %iota3A : vector<128x128xi32>
    %and3A_250 = arith.andi %eq3A_248, %lt3A_249 : vector<128x128xi1>
    %jit3A_251 = arith.constant 1.000000e+00 : f32
    %jit3A_252 = arith.constant 0.000000e+00 : f32
    %broadcast_in_dim3A_253 = vector.broadcast %jit3A_251 : f32 to vector<128x128xf32>
    %broadcast_in_dim3A_254 = vector.broadcast %jit3A_252 : f32 to vector<128x128xf32>
    %select_n3A_255 = arith.select %and3A_250, %broadcast_in_dim3A_253, %broadcast_in_dim3A_254 : vector<128x128xi1>, vector<128x128xf32>
    %reduce_sum3A_256 = arith.constant dense<0.000000e+00> : vector<128xf32>
    %reduce_sum3A_257 = vector.multi_reduction <add>, %select_n3A_255, %reduce_sum3A_256 [1] : vector<128x128xf32> to vector<128xf32>
    %broadcast_in_dim3A_258 = vector.shape_cast %reduce_sum3A_257 : vector<128xf32> to vector<128x1xf32>
    %eq3A_259 = arith.constant 0.000000e+00 : f32
    %eq3A_260 = vector.broadcast %eq3A_259 : f32 to vector<128x1xf32>
    %eq3A_261 = arith.cmpf oeq, %broadcast_in_dim3A_258, %eq3A_260 : vector<128x1xf32>
    %and3A_262 = vector.broadcast %eq3A_261 : vector<128x1xi1> to vector<128x128xi1>
    %and3A_263 = arith.andi %eq3A_248, %and3A_262 : vector<128x128xi1>
    %jit3A_264 = arith.constant 1.000000e+00 : f32
    %jit3A_265 = arith.constant 0.000000e+00 : f32
    %broadcast_in_dim3A_266 = vector.broadcast %jit3A_264 : f32 to vector<128x128xf32>
    %broadcast_in_dim3A_267 = vector.broadcast %jit3A_265 : f32 to vector<128x128xf32>
    %select_n3A_268 = arith.select %and3A_263, %broadcast_in_dim3A_266, %broadcast_in_dim3A_267 : vector<128x128xi1>, vector<128x128xf32>
    %get3A_269 = arith.constant 768 : index
    %get3A_270 = arith.constant 0 : index
    %get3A_271 = vector.load %arg1[%get3A_269, %get3A_270] : memref<2048x256xf32, #tpu.memory_space<vmem>>, vector<128x256xf32>
    %dot_general3A_272 = arith.constant dense<0.000000e+00> : vector<128x256xf32>
    %dot_general3A_273 = tpu.matmul %select_n3A_268, %get3A_271, %dot_general3A_272 {dimension_numbers = #tpu.dot_dimension_numbers<[1], [0], [0], [1], [0, 0, 1, 1], [], []>, transpose_lhs_hint = false} : vector<128x128xf32>, vector<128x256xf32>, vector<128x256xf32> -> vector<128x256xf32>
    %swap3A_274 = arith.constant 768 : index
    %swap3A_275 = arith.constant 0 : index
    %swap3A_276 = vector.load %arg3[%swap3A_274, %swap3A_275] : memref<2048x256xf32, #tpu.memory_space<vmem>>, vector<128x256xf32>
    tpu.vector_store %arg3[%swap3A_274, %swap3A_275], %dot_general3A_273 {strides = array<i32>} : memref<2048x256xf32, #tpu.memory_space<vmem>>, vector<128x256xf32>,
    %transpose3A_277 = tpu.transpose %eq3A_261, [1, 0] : vector<128x1xi1> -> vector<1x128xi1>
    %jit3A_278 = arith.constant 10240 : i32
    %broadcast_in_dim3A_279 = vector.broadcast %jit3A_278 : i32 to vector<1x128xi32>
    %select_n3A_280 = arith.select %transpose3A_277, %get3A_244, %broadcast_in_dim3A_279 : vector<1x128xi1>, vector<1x128xi32>
    %swap3A_281 = arith.constant 6 : index
    %swap3A_282 = arith.constant 0 : index
    %swap3A_283 = vector.load %arg4[%swap3A_281, %swap3A_282] : memref<16x128xi32, #tpu.memory_space<vmem>>, vector<1x128xi32>
    tpu.vector_store %arg4[%swap3A_281, %swap3A_282], %select_n3A_280 {strides = array<i32>} : memref<16x128xi32, #tpu.memory_space<vmem>>, vector<1x128xi32>,
    %get3A_284 = arith.constant 7 : index
    %get3A_285 = arith.constant 0 : index
    %get3A_286 = vector.load %arg2[%get3A_284, %get3A_285] : memref<16x128xi32, #tpu.memory_space<vmem>>, vector<1x128xi32>
    %transpose3A_287 = tpu.transpose %get3A_286, [1, 0] : vector<1x128xi32> -> vector<128x1xi32>
    %eq3A_288 = vector.broadcast %transpose3A_287 : vector<128x1xi32> to vector<128x128xi32>
    %eq3A_289 = vector.broadcast %get3A_286 : vector<1x128xi32> to vector<128x128xi32>
    %eq3A_290 = arith.cmpi eq, %eq3A_288, %eq3A_289 : vector<128x128xi32>
    %lt3A_291 = arith.cmpi slt, %iota3A_0, %iota3A : vector<128x128xi32>
    %and3A_292 = arith.andi %eq3A_290, %lt3A_291 : vector<128x128xi1>
    %jit3A_293 = arith.constant 1.000000e+00 : f32
    %jit3A_294 = arith.constant 0.000000e+00 : f32
    %broadcast_in_dim3A_295 = vector.broadcast %jit3A_293 : f32 to vector<128x128xf32>
    %broadcast_in_dim3A_296 = vector.broadcast %jit3A_294 : f32 to vector<128x128xf32>
    %select_n3A_297 = arith.select %and3A_292, %broadcast_in_dim3A_295, %broadcast_in_dim3A_296 : vector<128x128xi1>, vector<128x128xf32>
    %reduce_sum3A_298 = arith.constant dense<0.000000e+00> : vector<128xf32>
    %reduce_sum3A_299 = vector.multi_reduction <add>, %select_n3A_297, %reduce_sum3A_298 [1] : vector<128x128xf32> to vector<128xf32>
    %broadcast_in_dim3A_300 = vector.shape_cast %reduce_sum3A_299 : vector<128xf32> to vector<128x1xf32>
    %eq3A_301 = arith.constant 0.000000e+00 : f32
    %eq3A_302 = vector.broadcast %eq3A_301 : f32 to vector<128x1xf32>
    %eq3A_303 = arith.cmpf oeq, %broadcast_in_dim3A_300, %eq3A_302 : vector<128x1xf32>
    %and3A_304 = vector.broadcast %eq3A_303 : vector<128x1xi1> to vector<128x128xi1>
    %and3A_305 = arith.andi %eq3A_290, %and3A_304 : vector<128x128xi1>
    %jit3A_306 = arith.constant 1.000000e+00 : f32
    %jit3A_307 = arith.constant 0.000000e+00 : f32
    %broadcast_in_dim3A_308 = vector.broadcast %jit3A_306 : f32 to vector<128x128xf32>
    %broadcast_in_dim3A_309 = vector.broadcast %jit3A_307 : f32 to vector<128x128xf32>
    %select_n3A_310 = arith.select %and3A_305, %broadcast_in_dim3A_308, %broadcast_in_dim3A_309 : vector<128x128xi1>, vector<128x128xf32>
    %get3A_311 = arith.constant 896 : index
    %get3A_312 = arith.constant 0 : index
    %get3A_313 = vector.load %arg1[%get3A_311, %get3A_312] : memref<2048x256xf32, #tpu.memory_space<vmem>>, vector<128x256xf32>
    %dot_general3A_314 = arith.constant dense<0.000000e+00> : vector<128x256xf32>
    %dot_general3A_315 = tpu.matmul %select_n3A_310, %get3A_313, %dot_general3A_314 {dimension_numbers = #tpu.dot_dimension_numbers<[1], [0], [0], [1], [0, 0, 1, 1], [], []>, transpose_lhs_hint = false} : vector<128x128xf32>, vector<128x256xf32>, vector<128x256xf32> -> vector<128x256xf32>
    %swap3A_316 = arith.constant 896 : index
    %swap3A_317 = arith.constant 0 : index
    %swap3A_318 = vector.load %arg3[%swap3A_316, %swap3A_317] : memref<2048x256xf32, #tpu.memory_space<vmem>>, vector<128x256xf32>
    tpu.vector_store %arg3[%swap3A_316, %swap3A_317], %dot_general3A_315 {strides = array<i32>} : memref<2048x256xf32, #tpu.memory_space<vmem>>, vector<128x256xf32>,
    %transpose3A_319 = tpu.transpose %eq3A_303, [1, 0] : vector<128x1xi1> -> vector<1x128xi1>
    %jit3A_320 = arith.constant 10240 : i32
    %broadcast_in_dim3A_321 = vector.broadcast %jit3A_320 : i32 to vector<1x128xi32>
    %select_n3A_322 = arith.select %transpose3A_319, %get3A_286, %broadcast_in_dim3A_321 : vector<1x128xi1>, vector<1x128xi32>
    %swap3A_323 = arith.constant 7 : index
    %swap3A_324 = arith.constant 0 : index
    %swap3A_325 = vector.load %arg4[%swap3A_323, %swap3A_324] : memref<16x128xi32, #tpu.memory_space<vmem>>, vector<1x128xi32>
    tpu.vector_store %arg4[%swap3A_323, %swap3A_324], %select_n3A_322 {strides = array<i32>} : memref<16x128xi32, #tpu.memory_space<vmem>>, vector<1x128xi32>,
    %get3A_326 = arith.constant 8 : index
    %get3A_327 = arith.constant 0 : index
    %get3A_328 = vector.load %arg2[%get3A_326, %get3A_327] : memref<16x128xi32, #tpu.memory_space<vmem>>, vector<1x128xi32>
    %transpose3A_329 = tpu.transpose %get3A_328, [1, 0] : vector<1x128xi32> -> vector<128x1xi32>
    %eq3A_330 = vector.broadcast %transpose3A_329 : vector<128x1xi32> to vector<128x128xi32>
    %eq3A_331 = vector.broadcast %get3A_328 : vector<1x128xi32> to vector<128x128xi32>
    %eq3A_332 = arith.cmpi eq, %eq3A_330, %eq3A_331 : vector<128x128xi32>
    %lt3A_333 = arith.cmpi slt, %iota3A_0, %iota3A : vector<128x128xi32>
    %and3A_334 = arith.andi %eq3A_332, %lt3A_333 : vector<128x128xi1>
    %jit3A_335 = arith.constant 1.000000e+00 : f32
    %jit3A_336 = arith.constant 0.000000e+00 : f32
    %broadcast_in_dim3A_337 = vector.broadcast %jit3A_335 : f32 to vector<128x128xf32>
    %broadcast_in_dim3A_338 = vector.broadcast %jit3A_336 : f32 to vector<128x128xf32>
    %select_n3A_339 = arith.select %and3A_334, %broadcast_in_dim3A_337, %broadcast_in_dim3A_338 : vector<128x128xi1>, vector<128x128xf32>
    %reduce_sum3A_340 = arith.constant dense<0.000000e+00> : vector<128xf32>
    %reduce_sum3A_341 = vector.multi_reduction <add>, %select_n3A_339, %reduce_sum3A_340 [1] : vector<128x128xf32> to vector<128xf32>
    %broadcast_in_dim3A_342 = vector.shape_cast %reduce_sum3A_341 : vector<128xf32> to vector<128x1xf32>
    %eq3A_343 = arith.constant 0.000000e+00 : f32
    %eq3A_344 = vector.broadcast %eq3A_343 : f32 to vector<128x1xf32>
    %eq3A_345 = arith.cmpf oeq, %broadcast_in_dim3A_342, %eq3A_344 : vector<128x1xf32>
    %and3A_346 = vector.broadcast %eq3A_345 : vector<128x1xi1> to vector<128x128xi1>
    %and3A_347 = arith.andi %eq3A_332, %and3A_346 : vector<128x128xi1>
    %jit3A_348 = arith.constant 1.000000e+00 : f32
    %jit3A_349 = arith.constant 0.000000e+00 : f32
    %broadcast_in_dim3A_350 = vector.broadcast %jit3A_348 : f32 to vector<128x128xf32>
    %broadcast_in_dim3A_351 = vector.broadcast %jit3A_349 : f32 to vector<128x128xf32>
    %select_n3A_352 = arith.select %and3A_347, %broadcast_in_dim3A_350, %broadcast_in_dim3A_351 : vector<128x128xi1>, vector<128x128xf32>
    %get3A_353 = arith.constant 1024 : index
    %get3A_354 = arith.constant 0 : index
    %get3A_355 = vector.load %arg1[%get3A_353, %get3A_354] : memref<2048x256xf32, #tpu.memory_space<vmem>>, vector<128x256xf32>
    %dot_general3A_356 = arith.constant dense<0.000000e+00> : vector<128x256xf32>
    %dot_general3A_357 = tpu.matmul %select_n3A_352, %get3A_355, %dot_general3A_356 {dimension_numbers = #tpu.dot_dimension_numbers<[1], [0], [0], [1], [0, 0, 1, 1], [], []>, transpose_lhs_hint = false} : vector<128x128xf32>, vector<128x256xf32>, vector<128x256xf32> -> vector<128x256xf32>
    %swap3A_358 = arith.constant 1024 : index
    %swap3A_359 = arith.constant 0 : index
    %swap3A_360 = vector.load %arg3[%swap3A_358, %swap3A_359] : memref<2048x256xf32, #tpu.memory_space<vmem>>, vector<128x256xf32>
    tpu.vector_store %arg3[%swap3A_358, %swap3A_359], %dot_general3A_357 {strides = array<i32>} : memref<2048x256xf32, #tpu.memory_space<vmem>>, vector<128x256xf32>,
    %transpose3A_361 = tpu.transpose %eq3A_345, [1, 0] : vector<128x1xi1> -> vector<1x128xi1>
    %jit3A_362 = arith.constant 10240 : i32
    %broadcast_in_dim3A_363 = vector.broadcast %jit3A_362 : i32 to vector<1x128xi32>
    %select_n3A_364 = arith.select %transpose3A_361, %get3A_328, %broadcast_in_dim3A_363 : vector<1x128xi1>, vector<1x128xi32>
    %swap3A_365 = arith.constant 8 : index
    %swap3A_366 = arith.constant 0 : index
    %swap3A_367 = vector.load %arg4[%swap3A_365, %swap3A_366] : memref<16x128xi32, #tpu.memory_space<vmem>>, vector<1x128xi32>
    tpu.vector_store %arg4[%swap3A_365, %swap3A_366], %select_n3A_364 {strides = array<i32>} : memref<16x128xi32, #tpu.memory_space<vmem>>, vector<1x128xi32>,
    %get3A_368 = arith.constant 9 : index
    %get3A_369 = arith.constant 0 : index
    %get3A_370 = vector.load %arg2[%get3A_368, %get3A_369] : memref<16x128xi32, #tpu.memory_space<vmem>>, vector<1x128xi32>
    %transpose3A_371 = tpu.transpose %get3A_370, [1, 0] : vector<1x128xi32> -> vector<128x1xi32>
    %eq3A_372 = vector.broadcast %transpose3A_371 : vector<128x1xi32> to vector<128x128xi32>
    %eq3A_373 = vector.broadcast %get3A_370 : vector<1x128xi32> to vector<128x128xi32>
    %eq3A_374 = arith.cmpi eq, %eq3A_372, %eq3A_373 : vector<128x128xi32>
    %lt3A_375 = arith.cmpi slt, %iota3A_0, %iota3A : vector<128x128xi32>
    %and3A_376 = arith.andi %eq3A_374, %lt3A_375 : vector<128x128xi1>
    %jit3A_377 = arith.constant 1.000000e+00 : f32
    %jit3A_378 = arith.constant 0.000000e+00 : f32
    %broadcast_in_dim3A_379 = vector.broadcast %jit3A_377 : f32 to vector<128x128xf32>
    %broadcast_in_dim3A_380 = vector.broadcast %jit3A_378 : f32 to vector<128x128xf32>
    %select_n3A_381 = arith.select %and3A_376, %broadcast_in_dim3A_379, %broadcast_in_dim3A_380 : vector<128x128xi1>, vector<128x128xf32>
    %reduce_sum3A_382 = arith.constant dense<0.000000e+00> : vector<128xf32>
    %reduce_sum3A_383 = vector.multi_reduction <add>, %select_n3A_381, %reduce_sum3A_382 [1] : vector<128x128xf32> to vector<128xf32>
    %broadcast_in_dim3A_384 = vector.shape_cast %reduce_sum3A_383 : vector<128xf32> to vector<128x1xf32>
    %eq3A_385 = arith.constant 0.000000e+00 : f32
    %eq3A_386 = vector.broadcast %eq3A_385 : f32 to vector<128x1xf32>
    %eq3A_387 = arith.cmpf oeq, %broadcast_in_dim3A_384, %eq3A_386 : vector<128x1xf32>
    %and3A_388 = vector.broadcast %eq3A_387 : vector<128x1xi1> to vector<128x128xi1>
    %and3A_389 = arith.andi %eq3A_374, %and3A_388 : vector<128x128xi1>
    %jit3A_390 = arith.constant 1.000000e+00 : f32
    %jit3A_391 = arith.constant 0.000000e+00 : f32
    %broadcast_in_dim3A_392 = vector.broadcast %jit3A_390 : f32 to vector<128x128xf32>
    %broadcast_in_dim3A_393 = vector.broadcast %jit3A_391 : f32 to vector<128x128xf32>
    %select_n3A_394 = arith.select %and3A_389, %broadcast_in_dim3A_392, %broadcast_in_dim3A_393 : vector<128x128xi1>, vector<128x128xf32>
    %get3A_395 = arith.constant 1152 : index
    %get3A_396 = arith.constant 0 : index
    %get3A_397 = vector.load %arg1[%get3A_395, %get3A_396] : memref<2048x256xf32, #tpu.memory_space<vmem>>, vector<128x256xf32>
    %dot_general3A_398 = arith.constant dense<0.000000e+00> : vector<128x256xf32>
    %dot_general3A_399 = tpu.matmul %select_n3A_394, %get3A_397, %dot_general3A_398 {dimension_numbers = #tpu.dot_dimension_numbers<[1], [0], [0], [1], [0, 0, 1, 1], [], []>, transpose_lhs_hint = false} : vector<128x128xf32>, vector<128x256xf32>, vector<128x256xf32> -> vector<128x256xf32>
    %swap3A_400 = arith.constant 1152 : index
    %swap3A_401 = arith.constant 0 : index
    %swap3A_402 = vector.load %arg3[%swap3A_400, %swap3A_401] : memref<2048x256xf32, #tpu.memory_space<vmem>>, vector<128x256xf32>
    tpu.vector_store %arg3[%swap3A_400, %swap3A_401], %dot_general3A_399 {strides = array<i32>} : memref<2048x256xf32, #tpu.memory_space<vmem>>, vector<128x256xf32>,
    %transpose3A_403 = tpu.transpose %eq3A_387, [1, 0] : vector<128x1xi1> -> vector<1x128xi1>
    %jit3A_404 = arith.constant 10240 : i32
    %broadcast_in_dim3A_405 = vector.broadcast %jit3A_404 : i32 to vector<1x128xi32>
    %select_n3A_406 = arith.select %transpose3A_403, %get3A_370, %broadcast_in_dim3A_405 : vector<1x128xi1>, vector<1x128xi32>
    %swap3A_407 = arith.constant 9 : index
    %swap3A_408 = arith.constant 0 : index
    %swap3A_409 = vector.load %arg4[%swap3A_407, %swap3A_408] : memref<16x128xi32, #tpu.memory_space<vmem>>, vector<1x128xi32>
    tpu.vector_store %arg4[%swap3A_407, %swap3A_408], %select_n3A_406 {strides = array<i32>} : memref<16x128xi32, #tpu.memory_space<vmem>>, vector<1x128xi32>,
    %get3A_410 = arith.constant 10 : index
    %get3A_411 = arith.constant 0 : index
    %get3A_412 = vector.load %arg2[%get3A_410, %get3A_411] : memref<16x128xi32, #tpu.memory_space<vmem>>, vector<1x128xi32>
    %transpose3A_413 = tpu.transpose %get3A_412, [1, 0] : vector<1x128xi32> -> vector<128x1xi32>
    %eq3A_414 = vector.broadcast %transpose3A_413 : vector<128x1xi32> to vector<128x128xi32>
    %eq3A_415 = vector.broadcast %get3A_412 : vector<1x128xi32> to vector<128x128xi32>
    %eq3A_416 = arith.cmpi eq, %eq3A_414, %eq3A_415 : vector<128x128xi32>
    %lt3A_417 = arith.cmpi slt, %iota3A_0, %iota3A : vector<128x128xi32>
    %and3A_418 = arith.andi %eq3A_416, %lt3A_417 : vector<128x128xi1>
    %jit3A_419 = arith.constant 1.000000e+00 : f32
    %jit3A_420 = arith.constant 0.000000e+00 : f32
    %broadcast_in_dim3A_421 = vector.broadcast %jit3A_419 : f32 to vector<128x128xf32>
    %broadcast_in_dim3A_422 = vector.broadcast %jit3A_420 : f32 to vector<128x128xf32>
    %select_n3A_423 = arith.select %and3A_418, %broadcast_in_dim3A_421, %broadcast_in_dim3A_422 : vector<128x128xi1>, vector<128x128xf32>
    %reduce_sum3A_424 = arith.constant dense<0.000000e+00> : vector<128xf32>
    %reduce_sum3A_425 = vector.multi_reduction <add>, %select_n3A_423, %reduce_sum3A_424 [1] : vector<128x128xf32> to vector<128xf32>
    %broadcast_in_dim3A_426 = vector.shape_cast %reduce_sum3A_425 : vector<128xf32> to vector<128x1xf32>
    %eq3A_427 = arith.constant 0.000000e+00 : f32
    %eq3A_428 = vector.broadcast %eq3A_427 : f32 to vector<128x1xf32>
    %eq3A_429 = arith.cmpf oeq, %broadcast_in_dim3A_426, %eq3A_428 : vector<128x1xf32>
    %and3A_430 = vector.broadcast %eq3A_429 : vector<128x1xi1> to vector<128x128xi1>
    %and3A_431 = arith.andi %eq3A_416, %and3A_430 : vector<128x128xi1>
    %jit3A_432 = arith.constant 1.000000e+00 : f32
    %jit3A_433 = arith.constant 0.000000e+00 : f32
    %broadcast_in_dim3A_434 = vector.broadcast %jit3A_432 : f32 to vector<128x128xf32>
    %broadcast_in_dim3A_435 = vector.broadcast %jit3A_433 : f32 to vector<128x128xf32>
    %select_n3A_436 = arith.select %and3A_431, %broadcast_in_dim3A_434, %broadcast_in_dim3A_435 : vector<128x128xi1>, vector<128x128xf32>
    %get3A_437 = arith.constant 1280 : index
    %get3A_438 = arith.constant 0 : index
    %get3A_439 = vector.load %arg1[%get3A_437, %get3A_438] : memref<2048x256xf32, #tpu.memory_space<vmem>>, vector<128x256xf32>
    %dot_general3A_440 = arith.constant dense<0.000000e+00> : vector<128x256xf32>
    %dot_general3A_441 = tpu.matmul %select_n3A_436, %get3A_439, %dot_general3A_440 {dimension_numbers = #tpu.dot_dimension_numbers<[1], [0], [0], [1], [0, 0, 1, 1], [], []>, transpose_lhs_hint = false} : vector<128x128xf32>, vector<128x256xf32>, vector<128x256xf32> -> vector<128x256xf32>
    %swap3A_442 = arith.constant 1280 : index
    %swap3A_443 = arith.constant 0 : index
    %swap3A_444 = vector.load %arg3[%swap3A_442, %swap3A_443] : memref<2048x256xf32, #tpu.memory_space<vmem>>, vector<128x256xf32>
    tpu.vector_store %arg3[%swap3A_442, %swap3A_443], %dot_general3A_441 {strides = array<i32>} : memref<2048x256xf32, #tpu.memory_space<vmem>>, vector<128x256xf32>,
    %transpose3A_445 = tpu.transpose %eq3A_429, [1, 0] : vector<128x1xi1> -> vector<1x128xi1>
    %jit3A_446 = arith.constant 10240 : i32
    %broadcast_in_dim3A_447 = vector.broadcast %jit3A_446 : i32 to vector<1x128xi32>
    %select_n3A_448 = arith.select %transpose3A_445, %get3A_412, %broadcast_in_dim3A_447 : vector<1x128xi1>, vector<1x128xi32>
    %swap3A_449 = arith.constant 10 : index
    %swap3A_450 = arith.constant 0 : index
    %swap3A_451 = vector.load %arg4[%swap3A_449, %swap3A_450] : memref<16x128xi32, #tpu.memory_space<vmem>>, vector<1x128xi32>
    tpu.vector_store %arg4[%swap3A_449, %swap3A_450], %select_n3A_448 {strides = array<i32>} : memref<16x128xi32, #tpu.memory_space<vmem>>, vector<1x128xi32>,
    %get3A_452 = arith.constant 11 : index
    %get3A_453 = arith.constant 0 : index
    %get3A_454 = vector.load %arg2[%get3A_452, %get3A_453] : memref<16x128xi32, #tpu.memory_space<vmem>>, vector<1x128xi32>
    %transpose3A_455 = tpu.transpose %get3A_454, [1, 0] : vector<1x128xi32> -> vector<128x1xi32>
    %eq3A_456 = vector.broadcast %transpose3A_455 : vector<128x1xi32> to vector<128x128xi32>
    %eq3A_457 = vector.broadcast %get3A_454 : vector<1x128xi32> to vector<128x128xi32>
    %eq3A_458 = arith.cmpi eq, %eq3A_456, %eq3A_457 : vector<128x128xi32>
    %lt3A_459 = arith.cmpi slt, %iota3A_0, %iota3A : vector<128x128xi32>
    %and3A_460 = arith.andi %eq3A_458, %lt3A_459 : vector<128x128xi1>
    %jit3A_461 = arith.constant 1.000000e+00 : f32
    %jit3A_462 = arith.constant 0.000000e+00 : f32
    %broadcast_in_dim3A_463 = vector.broadcast %jit3A_461 : f32 to vector<128x128xf32>
    %broadcast_in_dim3A_464 = vector.broadcast %jit3A_462 : f32 to vector<128x128xf32>
    %select_n3A_465 = arith.select %and3A_460, %broadcast_in_dim3A_463, %broadcast_in_dim3A_464 : vector<128x128xi1>, vector<128x128xf32>
    %reduce_sum3A_466 = arith.constant dense<0.000000e+00> : vector<128xf32>
    %reduce_sum3A_467 = vector.multi_reduction <add>, %select_n3A_465, %reduce_sum3A_466 [1] : vector<128x128xf32> to vector<128xf32>
    %broadcast_in_dim3A_468 = vector.shape_cast %reduce_sum3A_467 : vector<128xf32> to vector<128x1xf32>
    %eq3A_469 = arith.constant 0.000000e+00 : f32
    %eq3A_470 = vector.broadcast %eq3A_469 : f32 to vector<128x1xf32>
    %eq3A_471 = arith.cmpf oeq, %broadcast_in_dim3A_468, %eq3A_470 : vector<128x1xf32>
    %and3A_472 = vector.broadcast %eq3A_471 : vector<128x1xi1> to vector<128x128xi1>
    %and3A_473 = arith.andi %eq3A_458, %and3A_472 : vector<128x128xi1>
    %jit3A_474 = arith.constant 1.000000e+00 : f32
    %jit3A_475 = arith.constant 0.000000e+00 : f32
    %broadcast_in_dim3A_476 = vector.broadcast %jit3A_474 : f32 to vector<128x128xf32>
    %broadcast_in_dim3A_477 = vector.broadcast %jit3A_475 : f32 to vector<128x128xf32>
    %select_n3A_478 = arith.select %and3A_473, %broadcast_in_dim3A_476, %broadcast_in_dim3A_477 : vector<128x128xi1>, vector<128x128xf32>
    %get3A_479 = arith.constant 1408 : index
    %get3A_480 = arith.constant 0 : index
    %get3A_481 = vector.load %arg1[%get3A_479, %get3A_480] : memref<2048x256xf32, #tpu.memory_space<vmem>>, vector<128x256xf32>
    %dot_general3A_482 = arith.constant dense<0.000000e+00> : vector<128x256xf32>
    %dot_general3A_483 = tpu.matmul %select_n3A_478, %get3A_481, %dot_general3A_482 {dimension_numbers = #tpu.dot_dimension_numbers<[1], [0], [0], [1], [0, 0, 1, 1], [], []>, transpose_lhs_hint = false} : vector<128x128xf32>, vector<128x256xf32>, vector<128x256xf32> -> vector<128x256xf32>
    %swap3A_484 = arith.constant 1408 : index
    %swap3A_485 = arith.constant 0 : index
    %swap3A_486 = vector.load %arg3[%swap3A_484, %swap3A_485] : memref<2048x256xf32, #tpu.memory_space<vmem>>, vector<128x256xf32>
    tpu.vector_store %arg3[%swap3A_484, %swap3A_485], %dot_general3A_483 {strides = array<i32>} : memref<2048x256xf32, #tpu.memory_space<vmem>>, vector<128x256xf32>,
    %transpose3A_487 = tpu.transpose %eq3A_471, [1, 0] : vector<128x1xi1> -> vector<1x128xi1>
    %jit3A_488 = arith.constant 10240 : i32
    %broadcast_in_dim3A_489 = vector.broadcast %jit3A_488 : i32 to vector<1x128xi32>
    %select_n3A_490 = arith.select %transpose3A_487, %get3A_454, %broadcast_in_dim3A_489 : vector<1x128xi1>, vector<1x128xi32>
    %swap3A_491 = arith.constant 11 : index
    %swap3A_492 = arith.constant 0 : index
    %swap3A_493 = vector.load %arg4[%swap3A_491, %swap3A_492] : memref<16x128xi32, #tpu.memory_space<vmem>>, vector<1x128xi32>
    tpu.vector_store %arg4[%swap3A_491, %swap3A_492], %select_n3A_490 {strides = array<i32>} : memref<16x128xi32, #tpu.memory_space<vmem>>, vector<1x128xi32>,
    %get3A_494 = arith.constant 12 : index
    %get3A_495 = arith.constant 0 : index
    %get3A_496 = vector.load %arg2[%get3A_494, %get3A_495] : memref<16x128xi32, #tpu.memory_space<vmem>>, vector<1x128xi32>
    %transpose3A_497 = tpu.transpose %get3A_496, [1, 0] : vector<1x128xi32> -> vector<128x1xi32>
    %eq3A_498 = vector.broadcast %transpose3A_497 : vector<128x1xi32> to vector<128x128xi32>
    %eq3A_499 = vector.broadcast %get3A_496 : vector<1x128xi32> to vector<128x128xi32>
    %eq3A_500 = arith.cmpi eq, %eq3A_498, %eq3A_499 : vector<128x128xi32>
    %lt3A_501 = arith.cmpi slt, %iota3A_0, %iota3A : vector<128x128xi32>
    %and3A_502 = arith.andi %eq3A_500, %lt3A_501 : vector<128x128xi1>
    %jit3A_503 = arith.constant 1.000000e+00 : f32
    %jit3A_504 = arith.constant 0.000000e+00 : f32
    %broadcast_in_dim3A_505 = vector.broadcast %jit3A_503 : f32 to vector<128x128xf32>
    %broadcast_in_dim3A_506 = vector.broadcast %jit3A_504 : f32 to vector<128x128xf32>
    %select_n3A_507 = arith.select %and3A_502, %broadcast_in_dim3A_505, %broadcast_in_dim3A_506 : vector<128x128xi1>, vector<128x128xf32>
    %reduce_sum3A_508 = arith.constant dense<0.000000e+00> : vector<128xf32>
    %reduce_sum3A_509 = vector.multi_reduction <add>, %select_n3A_507, %reduce_sum3A_508 [1] : vector<128x128xf32> to vector<128xf32>
    %broadcast_in_dim3A_510 = vector.shape_cast %reduce_sum3A_509 : vector<128xf32> to vector<128x1xf32>
    %eq3A_511 = arith.constant 0.000000e+00 : f32
    %eq3A_512 = vector.broadcast %eq3A_511 : f32 to vector<128x1xf32>
    %eq3A_513 = arith.cmpf oeq, %broadcast_in_dim3A_510, %eq3A_512 : vector<128x1xf32>
    %and3A_514 = vector.broadcast %eq3A_513 : vector<128x1xi1> to vector<128x128xi1>
    %and3A_515 = arith.andi %eq3A_500, %and3A_514 : vector<128x128xi1>
    %jit3A_516 = arith.constant 1.000000e+00 : f32
    %jit3A_517 = arith.constant 0.000000e+00 : f32
    %broadcast_in_dim3A_518 = vector.broadcast %jit3A_516 : f32 to vector<128x128xf32>
    %broadcast_in_dim3A_519 = vector.broadcast %jit3A_517 : f32 to vector<128x128xf32>
    %select_n3A_520 = arith.select %and3A_515, %broadcast_in_dim3A_518, %broadcast_in_dim3A_519 : vector<128x128xi1>, vector<128x128xf32>
    %get3A_521 = arith.constant 1536 : index
    %get3A_522 = arith.constant 0 : index
    %get3A_523 = vector.load %arg1[%get3A_521, %get3A_522] : memref<2048x256xf32, #tpu.memory_space<vmem>>, vector<128x256xf32>
    %dot_general3A_524 = arith.constant dense<0.000000e+00> : vector<128x256xf32>
    %dot_general3A_525 = tpu.matmul %select_n3A_520, %get3A_523, %dot_general3A_524 {dimension_numbers = #tpu.dot_dimension_numbers<[1], [0], [0], [1], [0, 0, 1, 1], [], []>, transpose_lhs_hint = false} : vector<128x128xf32>, vector<128x256xf32>, vector<128x256xf32> -> vector<128x256xf32>
    %swap3A_526 = arith.constant 1536 : index
    %swap3A_527 = arith.constant 0 : index
    %swap3A_528 = vector.load %arg3[%swap3A_526, %swap3A_527] : memref<2048x256xf32, #tpu.memory_space<vmem>>, vector<128x256xf32>
    tpu.vector_store %arg3[%swap3A_526, %swap3A_527], %dot_general3A_525 {strides = array<i32>} : memref<2048x256xf32, #tpu.memory_space<vmem>>, vector<128x256xf32>,
    %transpose3A_529 = tpu.transpose %eq3A_513, [1, 0] : vector<128x1xi1> -> vector<1x128xi1>
    %jit3A_530 = arith.constant 10240 : i32
    %broadcast_in_dim3A_531 = vector.broadcast %jit3A_530 : i32 to vector<1x128xi32>
    %select_n3A_532 = arith.select %transpose3A_529, %get3A_496, %broadcast_in_dim3A_531 : vector<1x128xi1>, vector<1x128xi32>
    %swap3A_533 = arith.constant 12 : index
    %swap3A_534 = arith.constant 0 : index
    %swap3A_535 = vector.load %arg4[%swap3A_533, %swap3A_534] : memref<16x128xi32, #tpu.memory_space<vmem>>, vector<1x128xi32>
    tpu.vector_store %arg4[%swap3A_533, %swap3A_534], %select_n3A_532 {strides = array<i32>} : memref<16x128xi32, #tpu.memory_space<vmem>>, vector<1x128xi32>,
    %get3A_536 = arith.constant 13 : index
    %get3A_537 = arith.constant 0 : index
    %get3A_538 = vector.load %arg2[%get3A_536, %get3A_537] : memref<16x128xi32, #tpu.memory_space<vmem>>, vector<1x128xi32>
    %transpose3A_539 = tpu.transpose %get3A_538, [1, 0] : vector<1x128xi32> -> vector<128x1xi32>
    %eq3A_540 = vector.broadcast %transpose3A_539 : vector<128x1xi32> to vector<128x128xi32>
    %eq3A_541 = vector.broadcast %get3A_538 : vector<1x128xi32> to vector<128x128xi32>
    %eq3A_542 = arith.cmpi eq, %eq3A_540, %eq3A_541 : vector<128x128xi32>
    %lt3A_543 = arith.cmpi slt, %iota3A_0, %iota3A : vector<128x128xi32>
    %and3A_544 = arith.andi %eq3A_542, %lt3A_543 : vector<128x128xi1>
    %jit3A_545 = arith.constant 1.000000e+00 : f32
    %jit3A_546 = arith.constant 0.000000e+00 : f32
    %broadcast_in_dim3A_547 = vector.broadcast %jit3A_545 : f32 to vector<128x128xf32>
    %broadcast_in_dim3A_548 = vector.broadcast %jit3A_546 : f32 to vector<128x128xf32>
    %select_n3A_549 = arith.select %and3A_544, %broadcast_in_dim3A_547, %broadcast_in_dim3A_548 : vector<128x128xi1>, vector<128x128xf32>
    %reduce_sum3A_550 = arith.constant dense<0.000000e+00> : vector<128xf32>
    %reduce_sum3A_551 = vector.multi_reduction <add>, %select_n3A_549, %reduce_sum3A_550 [1] : vector<128x128xf32> to vector<128xf32>
    %broadcast_in_dim3A_552 = vector.shape_cast %reduce_sum3A_551 : vector<128xf32> to vector<128x1xf32>
    %eq3A_553 = arith.constant 0.000000e+00 : f32
    %eq3A_554 = vector.broadcast %eq3A_553 : f32 to vector<128x1xf32>
    %eq3A_555 = arith.cmpf oeq, %broadcast_in_dim3A_552, %eq3A_554 : vector<128x1xf32>
    %and3A_556 = vector.broadcast %eq3A_555 : vector<128x1xi1> to vector<128x128xi1>
    %and3A_557 = arith.andi %eq3A_542, %and3A_556 : vector<128x128xi1>
    %jit3A_558 = arith.constant 1.000000e+00 : f32
    %jit3A_559 = arith.constant 0.000000e+00 : f32
    %broadcast_in_dim3A_560 = vector.broadcast %jit3A_558 : f32 to vector<128x128xf32>
    %broadcast_in_dim3A_561 = vector.broadcast %jit3A_559 : f32 to vector<128x128xf32>
    %select_n3A_562 = arith.select %and3A_557, %broadcast_in_dim3A_560, %broadcast_in_dim3A_561 : vector<128x128xi1>, vector<128x128xf32>
    %get3A_563 = arith.constant 1664 : index
    %get3A_564 = arith.constant 0 : index
    %get3A_565 = vector.load %arg1[%get3A_563, %get3A_564] : memref<2048x256xf32, #tpu.memory_space<vmem>>, vector<128x256xf32>
    %dot_general3A_566 = arith.constant dense<0.000000e+00> : vector<128x256xf32>
    %dot_general3A_567 = tpu.matmul %select_n3A_562, %get3A_565, %dot_general3A_566 {dimension_numbers = #tpu.dot_dimension_numbers<[1], [0], [0], [1], [0, 0, 1, 1], [], []>, transpose_lhs_hint = false} : vector<128x128xf32>, vector<128x256xf32>, vector<128x256xf32> -> vector<128x256xf32>
    %swap3A_568 = arith.constant 1664 : index
    %swap3A_569 = arith.constant 0 : index
    %swap3A_570 = vector.load %arg3[%swap3A_568, %swap3A_569] : memref<2048x256xf32, #tpu.memory_space<vmem>>, vector<128x256xf32>
    tpu.vector_store %arg3[%swap3A_568, %swap3A_569], %dot_general3A_567 {strides = array<i32>} : memref<2048x256xf32, #tpu.memory_space<vmem>>, vector<128x256xf32>,
    %transpose3A_571 = tpu.transpose %eq3A_555, [1, 0] : vector<128x1xi1> -> vector<1x128xi1>
    %jit3A_572 = arith.constant 10240 : i32
    %broadcast_in_dim3A_573 = vector.broadcast %jit3A_572 : i32 to vector<1x128xi32>
    %select_n3A_574 = arith.select %transpose3A_571, %get3A_538, %broadcast_in_dim3A_573 : vector<1x128xi1>, vector<1x128xi32>
    %swap3A_575 = arith.constant 13 : index
    %swap3A_576 = arith.constant 0 : index
    %swap3A_577 = vector.load %arg4[%swap3A_575, %swap3A_576] : memref<16x128xi32, #tpu.memory_space<vmem>>, vector<1x128xi32>
    tpu.vector_store %arg4[%swap3A_575, %swap3A_576], %select_n3A_574 {strides = array<i32>} : memref<16x128xi32, #tpu.memory_space<vmem>>, vector<1x128xi32>,
    %get3A_578 = arith.constant 14 : index
    %get3A_579 = arith.constant 0 : index
    %get3A_580 = vector.load %arg2[%get3A_578, %get3A_579] : memref<16x128xi32, #tpu.memory_space<vmem>>, vector<1x128xi32>
    %transpose3A_581 = tpu.transpose %get3A_580, [1, 0] : vector<1x128xi32> -> vector<128x1xi32>
    %eq3A_582 = vector.broadcast %transpose3A_581 : vector<128x1xi32> to vector<128x128xi32>
    %eq3A_583 = vector.broadcast %get3A_580 : vector<1x128xi32> to vector<128x128xi32>
    %eq3A_584 = arith.cmpi eq, %eq3A_582, %eq3A_583 : vector<128x128xi32>
    %lt3A_585 = arith.cmpi slt, %iota3A_0, %iota3A : vector<128x128xi32>
    %and3A_586 = arith.andi %eq3A_584, %lt3A_585 : vector<128x128xi1>
    %jit3A_587 = arith.constant 1.000000e+00 : f32
    %jit3A_588 = arith.constant 0.000000e+00 : f32
    %broadcast_in_dim3A_589 = vector.broadcast %jit3A_587 : f32 to vector<128x128xf32>
    %broadcast_in_dim3A_590 = vector.broadcast %jit3A_588 : f32 to vector<128x128xf32>
    %select_n3A_591 = arith.select %and3A_586, %broadcast_in_dim3A_589, %broadcast_in_dim3A_590 : vector<128x128xi1>, vector<128x128xf32>
    %reduce_sum3A_592 = arith.constant dense<0.000000e+00> : vector<128xf32>
    %reduce_sum3A_593 = vector.multi_reduction <add>, %select_n3A_591, %reduce_sum3A_592 [1] : vector<128x128xf32> to vector<128xf32>
    %broadcast_in_dim3A_594 = vector.shape_cast %reduce_sum3A_593 : vector<128xf32> to vector<128x1xf32>
    %eq3A_595 = arith.constant 0.000000e+00 : f32
    %eq3A_596 = vector.broadcast %eq3A_595 : f32 to vector<128x1xf32>
    %eq3A_597 = arith.cmpf oeq, %broadcast_in_dim3A_594, %eq3A_596 : vector<128x1xf32>
    %and3A_598 = vector.broadcast %eq3A_597 : vector<128x1xi1> to vector<128x128xi1>
    %and3A_599 = arith.andi %eq3A_584, %and3A_598 : vector<128x128xi1>
    %jit3A_600 = arith.constant 1.000000e+00 : f32
    %jit3A_601 = arith.constant 0.000000e+00 : f32
    %broadcast_in_dim3A_602 = vector.broadcast %jit3A_600 : f32 to vector<128x128xf32>
    %broadcast_in_dim3A_603 = vector.broadcast %jit3A_601 : f32 to vector<128x128xf32>
    %select_n3A_604 = arith.select %and3A_599, %broadcast_in_dim3A_602, %broadcast_in_dim3A_603 : vector<128x128xi1>, vector<128x128xf32>
    %get3A_605 = arith.constant 1792 : index
    %get3A_606 = arith.constant 0 : index
    %get3A_607 = vector.load %arg1[%get3A_605, %get3A_606] : memref<2048x256xf32, #tpu.memory_space<vmem>>, vector<128x256xf32>
    %dot_general3A_608 = arith.constant dense<0.000000e+00> : vector<128x256xf32>
    %dot_general3A_609 = tpu.matmul %select_n3A_604, %get3A_607, %dot_general3A_608 {dimension_numbers = #tpu.dot_dimension_numbers<[1], [0], [0], [1], [0, 0, 1, 1], [], []>, transpose_lhs_hint = false} : vector<128x128xf32>, vector<128x256xf32>, vector<128x256xf32> -> vector<128x256xf32>
    %swap3A_610 = arith.constant 1792 : index
    %swap3A_611 = arith.constant 0 : index
    %swap3A_612 = vector.load %arg3[%swap3A_610, %swap3A_611] : memref<2048x256xf32, #tpu.memory_space<vmem>>, vector<128x256xf32>
    tpu.vector_store %arg3[%swap3A_610, %swap3A_611], %dot_general3A_609 {strides = array<i32>} : memref<2048x256xf32, #tpu.memory_space<vmem>>, vector<128x256xf32>,
    %transpose3A_613 = tpu.transpose %eq3A_597, [1, 0] : vector<128x1xi1> -> vector<1x128xi1>
    %jit3A_614 = arith.constant 10240 : i32
    %broadcast_in_dim3A_615 = vector.broadcast %jit3A_614 : i32 to vector<1x128xi32>
    %select_n3A_616 = arith.select %transpose3A_613, %get3A_580, %broadcast_in_dim3A_615 : vector<1x128xi1>, vector<1x128xi32>
    %swap3A_617 = arith.constant 14 : index
    %swap3A_618 = arith.constant 0 : index
    %swap3A_619 = vector.load %arg4[%swap3A_617, %swap3A_618] : memref<16x128xi32, #tpu.memory_space<vmem>>, vector<1x128xi32>
    tpu.vector_store %arg4[%swap3A_617, %swap3A_618], %select_n3A_616 {strides = array<i32>} : memref<16x128xi32, #tpu.memory_space<vmem>>, vector<1x128xi32>,
    %get3A_620 = arith.constant 15 : index
    %get3A_621 = arith.constant 0 : index
    %get3A_622 = vector.load %arg2[%get3A_620, %get3A_621] : memref<16x128xi32, #tpu.memory_space<vmem>>, vector<1x128xi32>
    %transpose3A_623 = tpu.transpose %get3A_622, [1, 0] : vector<1x128xi32> -> vector<128x1xi32>
    %eq3A_624 = vector.broadcast %transpose3A_623 : vector<128x1xi32> to vector<128x128xi32>
    %eq3A_625 = vector.broadcast %get3A_622 : vector<1x128xi32> to vector<128x128xi32>
    %eq3A_626 = arith.cmpi eq, %eq3A_624, %eq3A_625 : vector<128x128xi32>
    %lt3A_627 = arith.cmpi slt, %iota3A_0, %iota3A : vector<128x128xi32>
    %and3A_628 = arith.andi %eq3A_626, %lt3A_627 : vector<128x128xi1>
    %jit3A_629 = arith.constant 1.000000e+00 : f32
    %jit3A_630 = arith.constant 0.000000e+00 : f32
    %broadcast_in_dim3A_631 = vector.broadcast %jit3A_629 : f32 to vector<128x128xf32>
    %broadcast_in_dim3A_632 = vector.broadcast %jit3A_630 : f32 to vector<128x128xf32>
    %select_n3A_633 = arith.select %and3A_628, %broadcast_in_dim3A_631, %broadcast_in_dim3A_632 : vector<128x128xi1>, vector<128x128xf32>
    %reduce_sum3A_634 = arith.constant dense<0.000000e+00> : vector<128xf32>
    %reduce_sum3A_635 = vector.multi_reduction <add>, %select_n3A_633, %reduce_sum3A_634 [1] : vector<128x128xf32> to vector<128xf32>
    %broadcast_in_dim3A_636 = vector.shape_cast %reduce_sum3A_635 : vector<128xf32> to vector<128x1xf32>
    %eq3A_637 = arith.constant 0.000000e+00 : f32
    %eq3A_638 = vector.broadcast %eq3A_637 : f32 to vector<128x1xf32>
    %eq3A_639 = arith.cmpf oeq, %broadcast_in_dim3A_636, %eq3A_638 : vector<128x1xf32>
    %and3A_640 = vector.broadcast %eq3A_639 : vector<128x1xi1> to vector<128x128xi1>
    %and3A_641 = arith.andi %eq3A_626, %and3A_640 : vector<128x128xi1>
    %jit3A_642 = arith.constant 1.000000e+00 : f32
    %jit3A_643 = arith.constant 0.000000e+00 : f32
    %broadcast_in_dim3A_644 = vector.broadcast %jit3A_642 : f32 to vector<128x128xf32>
    %broadcast_in_dim3A_645 = vector.broadcast %jit3A_643 : f32 to vector<128x128xf32>
    %select_n3A_646 = arith.select %and3A_641, %broadcast_in_dim3A_644, %broadcast_in_dim3A_645 : vector<128x128xi1>, vector<128x128xf32>
    %get3A_647 = arith.constant 1920 : index
    %get3A_648 = arith.constant 0 : index
    %get3A_649 = vector.load %arg1[%get3A_647, %get3A_648] : memref<2048x256xf32, #tpu.memory_space<vmem>>, vector<128x256xf32>
    %dot_general3A_650 = arith.constant dense<0.000000e+00> : vector<128x256xf32>
    %dot_general3A_651 = tpu.matmul %select_n3A_646, %get3A_649, %dot_general3A_650 {dimension_numbers = #tpu.dot_dimension_numbers<[1], [0], [0], [1], [0, 0, 1, 1], [], []>, transpose_lhs_hint = false} : vector<128x128xf32>, vector<128x256xf32>, vector<128x256xf32> -> vector<128x256xf32>
    %swap3A_652 = arith.constant 1920 : index
    %swap3A_653 = arith.constant 0 : index
    %swap3A_654 = vector.load %arg3[%swap3A_652, %swap3A_653] : memref<2048x256xf32, #tpu.memory_space<vmem>>, vector<128x256xf32>
    tpu.vector_store %arg3[%swap3A_652, %swap3A_653], %dot_general3A_651 {strides = array<i32>} : memref<2048x256xf32, #tpu.memory_space<vmem>>, vector<128x256xf32>,
    %transpose3A_655 = tpu.transpose %eq3A_639, [1, 0] : vector<128x1xi1> -> vector<1x128xi1>
    %jit3A_656 = arith.constant 10240 : i32
    %broadcast_in_dim3A_657 = vector.broadcast %jit3A_656 : i32 to vector<1x128xi32>
    %select_n3A_658 = arith.select %transpose3A_655, %get3A_622, %broadcast_in_dim3A_657 : vector<1x128xi1>, vector<1x128xi32>
    %swap3A_659 = arith.constant 15 : index
    %swap3A_660 = arith.constant 0 : index
    %swap3A_661 = vector.load %arg4[%swap3A_659, %swap3A_660] : memref<16x128xi32, #tpu.memory_space<vmem>>, vector<1x128xi32>
    tpu.vector_store %arg4[%swap3A_659, %swap3A_660], %select_n3A_658 {strides = array<i32>} : memref<16x128xi32, #tpu.memory_space<vmem>>, vector<1x128xi32>,
    return
  }
  func.func @transform_0(%arg0: i32) -> (i32, i32) {
    %c0_i32 = arith.constant 0 : i32
    %c0_i32_0 = arith.constant 0 : i32
    return %arg0, %c0_i32 : i32, i32
  }
  func.func @transform_1(%arg0: i32) -> (i32, i32) {
    %c0_i32 = arith.constant 0 : i32
    %c0_i32_0 = arith.constant 0 : i32
    return %arg0, %c0_i32 : i32, i32
  }
  func.func @transform_2(%arg0: i32) -> (i32, i32) {
    %c0_i32 = arith.constant 0 : i32
    %c0_i32_0 = arith.constant 0 : i32
    return %arg0, %c0_i32 : i32, i32
  }
  func.func @transform_3(%arg0: i32) -> (i32, i32) {
    %c0_i32 = arith.constant 0 : i32
    %c0_i32_0 = arith.constant 0 : i32
    return %arg0, %c0_i32 : i32, i32
  }
}

module attributes {stable_mosaic.version = 14 : i64} {
  func.func @_node_update_body(%arg0: i32, %arg1: memref<256x256xf32, #tpu.memory_space<vmem>>, %arg2: memref<1x256x256xf32, #tpu.memory_space<vmem>>, %arg3: memref<1x256x256xf32, #tpu.memory_space<vmem>>, %arg4: memref<1x256x256xf32, #tpu.memory_space<vmem>>, %arg5: memref<1x256x256xf32, #tpu.memory_space<vmem>>, %arg6: memref<1x256x256xf32, #tpu.memory_space<vmem>>, %arg7: memref<1x256x256xf32, #tpu.memory_space<vmem>>, %arg8: memref<1x256x256xf32, #tpu.memory_space<vmem>>, %arg9: memref<1x256x256xf32, #tpu.memory_space<vmem>>, %arg10: memref<1x256x256xf32, #tpu.memory_space<vmem>>, %arg11: memref<1x256x256xf32, #tpu.memory_space<vmem>>, %arg12: memref<1x256x256xf32, #tpu.memory_space<vmem>>, %arg13: memref<1x256x256xf32, #tpu.memory_space<vmem>>, %arg14: memref<1x256x256xf32, #tpu.memory_space<vmem>>, %arg15: memref<1x256x256xf32, #tpu.memory_space<vmem>>, %arg16: memref<1x256x256xf32, #tpu.memory_space<vmem>>, %arg17: memref<1x256x256xf32, #tpu.memory_space<vmem>>, %arg18: memref<1x256x256xf32, #tpu.memory_space<vmem>>, %arg19: memref<1x256x256xf32, #tpu.memory_space<vmem>>, %arg20: memref<1x256x256xf32, #tpu.memory_space<vmem>>, %arg21: memref<1x256x256xf32, #tpu.memory_space<vmem>>, %arg22: memref<1x256x256xf32, #tpu.memory_space<vmem>>, %arg23: memref<1x256x256xf32, #tpu.memory_space<vmem>>, %arg24: memref<1x256x256xf32, #tpu.memory_space<vmem>>, %arg25: memref<1x256x256xf32, #tpu.memory_space<vmem>>, %arg26: memref<1x256x256xf32, #tpu.memory_space<vmem>>, %arg27: memref<1x256x256xf32, #tpu.memory_space<vmem>>, %arg28: memref<1x256x256xf32, #tpu.memory_space<vmem>>, %arg29: memref<1x256x256xf32, #tpu.memory_space<vmem>>, %arg30: memref<1x256x256xf32, #tpu.memory_space<vmem>>, %arg31: memref<1x256x256xf32, #tpu.memory_space<vmem>>, %arg32: memref<1x256x256xf32, #tpu.memory_space<vmem>>, %arg33: memref<1x256x256xf32, #tpu.memory_space<vmem>>, %arg34: memref<1x100xf32, #tpu.memory_space<vmem>>, %arg35: memref<1x100xf32, #tpu.memory_space<vmem>>, %arg36: memref<16x32xf32, #tpu.memory_space<vmem>>, %arg37: memref<100x400xf32, #tpu.memory_space<vmem>>, %arg38: memref<32x400xf32, #tpu.memory_space<vmem>>, %arg39: memref<1x400xf32, #tpu.memory_space<vmem>>, %arg40: memref<32x32xf32, #tpu.memory_space<vmem>>, %arg41: memref<32x32xf32, #tpu.memory_space<vmem>>, %arg42: memref<400x100xf32, #tpu.memory_space<vmem>>, %arg43: memref<32x100xf32, #tpu.memory_space<vmem>>, %arg44: memref<1x100xf32, #tpu.memory_space<vmem>>, %arg45: memref<32x16xf32, #tpu.memory_space<vmem>>, %arg46: memref<1x100xf32, #tpu.memory_space<vmem>>, %arg47: memref<1x100xf32, #tpu.memory_space<vmem>>, %arg48: memref<256x256xf32, #tpu.memory_space<vmem>>) attributes {dimension_semantics = [#tpu.dimension_semantics<arbitrary>], iteration_bounds = array<i64: 40>, scalar_prefetch = 0 : i64, scratch_operands = 0 : i64, tpu.core_type = #tpu.core_type<tc>, window_params = [{transform_indices = @transform_0, window_bounds = array<i64: 256, 256>}, {transform_indices = @transform_1, window_bounds = array<i64: 1, 256, 256>}, {transform_indices = @transform_2, window_bounds = array<i64: 1, 256, 256>}, {transform_indices = @transform_3, window_bounds = array<i64: 1, 256, 256>}, {transform_indices = @transform_4, window_bounds = array<i64: 1, 256, 256>}, {transform_indices = @transform_5, window_bounds = array<i64: 1, 256, 256>}, {transform_indices = @transform_6, window_bounds = array<i64: 1, 256, 256>}, {transform_indices = @transform_7, window_bounds = array<i64: 1, 256, 256>}, {transform_indices = @transform_8, window_bounds = array<i64: 1, 256, 256>}, {transform_indices = @transform_9, window_bounds = array<i64: 1, 256, 256>}, {transform_indices = @transform_10, window_bounds = array<i64: 1, 256, 256>}, {transform_indices = @transform_11, window_bounds = array<i64: 1, 256, 256>}, {transform_indices = @transform_12, window_bounds = array<i64: 1, 256, 256>}, {transform_indices = @transform_13, window_bounds = array<i64: 1, 256, 256>}, {transform_indices = @transform_14, window_bounds = array<i64: 1, 256, 256>}, {transform_indices = @transform_15, window_bounds = array<i64: 1, 256, 256>}, {transform_indices = @transform_16, window_bounds = array<i64: 1, 256, 256>}, {transform_indices = @transform_17, window_bounds = array<i64: 1, 256, 256>}, {transform_indices = @transform_18, window_bounds = array<i64: 1, 256, 256>}, {transform_indices = @transform_19, window_bounds = array<i64: 1, 256, 256>}, {transform_indices = @transform_20, window_bounds = array<i64: 1, 256, 256>}, {transform_indices = @transform_21, window_bounds = array<i64: 1, 256, 256>}, {transform_indices = @transform_22, window_bounds = array<i64: 1, 256, 256>}, {transform_indices = @transform_23, window_bounds = array<i64: 1, 256, 256>}, {transform_indices = @transform_24, window_bounds = array<i64: 1, 256, 256>}, {transform_indices = @transform_25, window_bounds = array<i64: 1, 256, 256>}, {transform_indices = @transform_26, window_bounds = array<i64: 1, 256, 256>}, {transform_indices = @transform_27, window_bounds = array<i64: 1, 256, 256>}, {transform_indices = @transform_28, window_bounds = array<i64: 1, 256, 256>}, {transform_indices = @transform_29, window_bounds = array<i64: 1, 256, 256>}, {transform_indices = @transform_30, window_bounds = array<i64: 1, 256, 256>}, {transform_indices = @transform_31, window_bounds = array<i64: 1, 256, 256>}, {transform_indices = @transform_32, window_bounds = array<i64: 1, 256, 256>}, {pipeline_mode = #tpu.pipeline_mode<synchronous>, transform_indices = @transform_33, window_bounds = array<i64: 1, 100>}, {pipeline_mode = #tpu.pipeline_mode<synchronous>, transform_indices = @transform_34, window_bounds = array<i64: 1, 100>}, {pipeline_mode = #tpu.pipeline_mode<synchronous>, transform_indices = @transform_35, window_bounds = array<i64: 16, 32>}, {pipeline_mode = #tpu.pipeline_mode<synchronous>, transform_indices = @transform_36, window_bounds = array<i64: 100, 400>}, {pipeline_mode = #tpu.pipeline_mode<synchronous>, transform_indices = @transform_37, window_bounds = array<i64: 32, 400>}, {pipeline_mode = #tpu.pipeline_mode<synchronous>, transform_indices = @transform_38, window_bounds = array<i64: 1, 400>}, {pipeline_mode = #tpu.pipeline_mode<synchronous>, transform_indices = @transform_39, window_bounds = array<i64: 32, 32>}, {pipeline_mode = #tpu.pipeline_mode<synchronous>, transform_indices = @transform_40, window_bounds = array<i64: 32, 32>}, {pipeline_mode = #tpu.pipeline_mode<synchronous>, transform_indices = @transform_41, window_bounds = array<i64: 400, 100>}, {pipeline_mode = #tpu.pipeline_mode<synchronous>, transform_indices = @transform_42, window_bounds = array<i64: 32, 100>}, {pipeline_mode = #tpu.pipeline_mode<synchronous>, transform_indices = @transform_43, window_bounds = array<i64: 1, 100>}, {pipeline_mode = #tpu.pipeline_mode<synchronous>, transform_indices = @transform_44, window_bounds = array<i64: 32, 16>}, {pipeline_mode = #tpu.pipeline_mode<synchronous>, transform_indices = @transform_45, window_bounds = array<i64: 1, 100>}, {pipeline_mode = #tpu.pipeline_mode<synchronous>, transform_indices = @transform_46, window_bounds = array<i64: 1, 100>}, {transform_indices = @transform_47, window_bounds = array<i64: 256, 256>}]} {
    %get3A = arith.constant 0 : index
    %get3A_0 = arith.constant 0 : index
    %get3A_1 = vector.load %arg1[%get3A, %get3A_0] : memref<256x256xf32, #tpu.memory_space<vmem>>, vector<256x256xf32>
    %get3A_2 = arith.constant 0 : index
    %get3A_3 = arith.constant 0 : index
    %get3A_4 = arith.constant 0 : index
    %get3A_5 = vector.load %arg2[%get3A_2, %get3A_3, %get3A_4] : memref<1x256x256xf32, #tpu.memory_space<vmem>>, vector<1x256x256xf32>
    %get3A_6 = vector.shape_cast %get3A_5 : vector<1x256x256xf32> to vector<256x256xf32>
    %get3A_7 = arith.constant 0 : index
    %get3A_8 = arith.constant 0 : index
    %get3A_9 = arith.constant 0 : index
    %get3A_10 = vector.load %arg3[%get3A_7, %get3A_8, %get3A_9] : memref<1x256x256xf32, #tpu.memory_space<vmem>>, vector<1x256x256xf32>
    %get3A_11 = vector.shape_cast %get3A_10 : vector<1x256x256xf32> to vector<256x256xf32>
    %add3A = arith.addf %get3A_6, %get3A_11 : vector<256x256xf32>
    %get3A_12 = arith.constant 0 : index
    %get3A_13 = arith.constant 0 : index
    %get3A_14 = arith.constant 0 : index
    %get3A_15 = vector.load %arg4[%get3A_12, %get3A_13, %get3A_14] : memref<1x256x256xf32, #tpu.memory_space<vmem>>, vector<1x256x256xf32>
    %get3A_16 = vector.shape_cast %get3A_15 : vector<1x256x256xf32> to vector<256x256xf32>
    %add3A_17 = arith.addf %add3A, %get3A_16 : vector<256x256xf32>
    %get3A_18 = arith.constant 0 : index
    %get3A_19 = arith.constant 0 : index
    %get3A_20 = arith.constant 0 : index
    %get3A_21 = vector.load %arg5[%get3A_18, %get3A_19, %get3A_20] : memref<1x256x256xf32, #tpu.memory_space<vmem>>, vector<1x256x256xf32>
    %get3A_22 = vector.shape_cast %get3A_21 : vector<1x256x256xf32> to vector<256x256xf32>
    %add3A_23 = arith.addf %add3A_17, %get3A_22 : vector<256x256xf32>
    %get3A_24 = arith.constant 0 : index
    %get3A_25 = arith.constant 0 : index
    %get3A_26 = arith.constant 0 : index
    %get3A_27 = vector.load %arg6[%get3A_24, %get3A_25, %get3A_26] : memref<1x256x256xf32, #tpu.memory_space<vmem>>, vector<1x256x256xf32>
    %get3A_28 = vector.shape_cast %get3A_27 : vector<1x256x256xf32> to vector<256x256xf32>
    %add3A_29 = arith.addf %add3A_23, %get3A_28 : vector<256x256xf32>
    %get3A_30 = arith.constant 0 : index
    %get3A_31 = arith.constant 0 : index
    %get3A_32 = arith.constant 0 : index
    %get3A_33 = vector.load %arg7[%get3A_30, %get3A_31, %get3A_32] : memref<1x256x256xf32, #tpu.memory_space<vmem>>, vector<1x256x256xf32>
    %get3A_34 = vector.shape_cast %get3A_33 : vector<1x256x256xf32> to vector<256x256xf32>
    %add3A_35 = arith.addf %add3A_29, %get3A_34 : vector<256x256xf32>
    %get3A_36 = arith.constant 0 : index
    %get3A_37 = arith.constant 0 : index
    %get3A_38 = arith.constant 0 : index
    %get3A_39 = vector.load %arg8[%get3A_36, %get3A_37, %get3A_38] : memref<1x256x256xf32, #tpu.memory_space<vmem>>, vector<1x256x256xf32>
    %get3A_40 = vector.shape_cast %get3A_39 : vector<1x256x256xf32> to vector<256x256xf32>
    %add3A_41 = arith.addf %add3A_35, %get3A_40 : vector<256x256xf32>
    %get3A_42 = arith.constant 0 : index
    %get3A_43 = arith.constant 0 : index
    %get3A_44 = arith.constant 0 : index
    %get3A_45 = vector.load %arg9[%get3A_42, %get3A_43, %get3A_44] : memref<1x256x256xf32, #tpu.memory_space<vmem>>, vector<1x256x256xf32>
    %get3A_46 = vector.shape_cast %get3A_45 : vector<1x256x256xf32> to vector<256x256xf32>
    %add3A_47 = arith.addf %add3A_41, %get3A_46 : vector<256x256xf32>
    %get3A_48 = arith.constant 0 : index
    %get3A_49 = arith.constant 0 : index
    %get3A_50 = arith.constant 0 : index
    %get3A_51 = vector.load %arg10[%get3A_48, %get3A_49, %get3A_50] : memref<1x256x256xf32, #tpu.memory_space<vmem>>, vector<1x256x256xf32>
    %get3A_52 = vector.shape_cast %get3A_51 : vector<1x256x256xf32> to vector<256x256xf32>
    %add3A_53 = arith.addf %add3A_47, %get3A_52 : vector<256x256xf32>
    %get3A_54 = arith.constant 0 : index
    %get3A_55 = arith.constant 0 : index
    %get3A_56 = arith.constant 0 : index
    %get3A_57 = vector.load %arg11[%get3A_54, %get3A_55, %get3A_56] : memref<1x256x256xf32, #tpu.memory_space<vmem>>, vector<1x256x256xf32>
    %get3A_58 = vector.shape_cast %get3A_57 : vector<1x256x256xf32> to vector<256x256xf32>
    %add3A_59 = arith.addf %add3A_53, %get3A_58 : vector<256x256xf32>
    %get3A_60 = arith.constant 0 : index
    %get3A_61 = arith.constant 0 : index
    %get3A_62 = arith.constant 0 : index
    %get3A_63 = vector.load %arg12[%get3A_60, %get3A_61, %get3A_62] : memref<1x256x256xf32, #tpu.memory_space<vmem>>, vector<1x256x256xf32>
    %get3A_64 = vector.shape_cast %get3A_63 : vector<1x256x256xf32> to vector<256x256xf32>
    %add3A_65 = arith.addf %add3A_59, %get3A_64 : vector<256x256xf32>
    %get3A_66 = arith.constant 0 : index
    %get3A_67 = arith.constant 0 : index
    %get3A_68 = arith.constant 0 : index
    %get3A_69 = vector.load %arg13[%get3A_66, %get3A_67, %get3A_68] : memref<1x256x256xf32, #tpu.memory_space<vmem>>, vector<1x256x256xf32>
    %get3A_70 = vector.shape_cast %get3A_69 : vector<1x256x256xf32> to vector<256x256xf32>
    %add3A_71 = arith.addf %add3A_65, %get3A_70 : vector<256x256xf32>
    %get3A_72 = arith.constant 0 : index
    %get3A_73 = arith.constant 0 : index
    %get3A_74 = arith.constant 0 : index
    %get3A_75 = vector.load %arg14[%get3A_72, %get3A_73, %get3A_74] : memref<1x256x256xf32, #tpu.memory_space<vmem>>, vector<1x256x256xf32>
    %get3A_76 = vector.shape_cast %get3A_75 : vector<1x256x256xf32> to vector<256x256xf32>
    %add3A_77 = arith.addf %add3A_71, %get3A_76 : vector<256x256xf32>
    %get3A_78 = arith.constant 0 : index
    %get3A_79 = arith.constant 0 : index
    %get3A_80 = arith.constant 0 : index
    %get3A_81 = vector.load %arg15[%get3A_78, %get3A_79, %get3A_80] : memref<1x256x256xf32, #tpu.memory_space<vmem>>, vector<1x256x256xf32>
    %get3A_82 = vector.shape_cast %get3A_81 : vector<1x256x256xf32> to vector<256x256xf32>
    %add3A_83 = arith.addf %add3A_77, %get3A_82 : vector<256x256xf32>
    %get3A_84 = arith.constant 0 : index
    %get3A_85 = arith.constant 0 : index
    %get3A_86 = arith.constant 0 : index
    %get3A_87 = vector.load %arg16[%get3A_84, %get3A_85, %get3A_86] : memref<1x256x256xf32, #tpu.memory_space<vmem>>, vector<1x256x256xf32>
    %get3A_88 = vector.shape_cast %get3A_87 : vector<1x256x256xf32> to vector<256x256xf32>
    %add3A_89 = arith.addf %add3A_83, %get3A_88 : vector<256x256xf32>
    %get3A_90 = arith.constant 0 : index
    %get3A_91 = arith.constant 0 : index
    %get3A_92 = arith.constant 0 : index
    %get3A_93 = vector.load %arg17[%get3A_90, %get3A_91, %get3A_92] : memref<1x256x256xf32, #tpu.memory_space<vmem>>, vector<1x256x256xf32>
    %get3A_94 = vector.shape_cast %get3A_93 : vector<1x256x256xf32> to vector<256x256xf32>
    %add3A_95 = arith.addf %add3A_89, %get3A_94 : vector<256x256xf32>
    %get3A_96 = arith.constant 0 : index
    %get3A_97 = arith.constant 0 : index
    %get3A_98 = arith.constant 0 : index
    %get3A_99 = vector.load %arg18[%get3A_96, %get3A_97, %get3A_98] : memref<1x256x256xf32, #tpu.memory_space<vmem>>, vector<1x256x256xf32>
    %get3A_100 = vector.shape_cast %get3A_99 : vector<1x256x256xf32> to vector<256x256xf32>
    %add3A_101 = arith.addf %add3A_95, %get3A_100 : vector<256x256xf32>
    %get3A_102 = arith.constant 0 : index
    %get3A_103 = arith.constant 0 : index
    %get3A_104 = arith.constant 0 : index
    %get3A_105 = vector.load %arg19[%get3A_102, %get3A_103, %get3A_104] : memref<1x256x256xf32, #tpu.memory_space<vmem>>, vector<1x256x256xf32>
    %get3A_106 = vector.shape_cast %get3A_105 : vector<1x256x256xf32> to vector<256x256xf32>
    %add3A_107 = arith.addf %add3A_101, %get3A_106 : vector<256x256xf32>
    %get3A_108 = arith.constant 0 : index
    %get3A_109 = arith.constant 0 : index
    %get3A_110 = arith.constant 0 : index
    %get3A_111 = vector.load %arg20[%get3A_108, %get3A_109, %get3A_110] : memref<1x256x256xf32, #tpu.memory_space<vmem>>, vector<1x256x256xf32>
    %get3A_112 = vector.shape_cast %get3A_111 : vector<1x256x256xf32> to vector<256x256xf32>
    %add3A_113 = arith.addf %add3A_107, %get3A_112 : vector<256x256xf32>
    %get3A_114 = arith.constant 0 : index
    %get3A_115 = arith.constant 0 : index
    %get3A_116 = arith.constant 0 : index
    %get3A_117 = vector.load %arg21[%get3A_114, %get3A_115, %get3A_116] : memref<1x256x256xf32, #tpu.memory_space<vmem>>, vector<1x256x256xf32>
    %get3A_118 = vector.shape_cast %get3A_117 : vector<1x256x256xf32> to vector<256x256xf32>
    %add3A_119 = arith.addf %add3A_113, %get3A_118 : vector<256x256xf32>
    %get3A_120 = arith.constant 0 : index
    %get3A_121 = arith.constant 0 : index
    %get3A_122 = arith.constant 0 : index
    %get3A_123 = vector.load %arg22[%get3A_120, %get3A_121, %get3A_122] : memref<1x256x256xf32, #tpu.memory_space<vmem>>, vector<1x256x256xf32>
    %get3A_124 = vector.shape_cast %get3A_123 : vector<1x256x256xf32> to vector<256x256xf32>
    %add3A_125 = arith.addf %add3A_119, %get3A_124 : vector<256x256xf32>
    %get3A_126 = arith.constant 0 : index
    %get3A_127 = arith.constant 0 : index
    %get3A_128 = arith.constant 0 : index
    %get3A_129 = vector.load %arg23[%get3A_126, %get3A_127, %get3A_128] : memref<1x256x256xf32, #tpu.memory_space<vmem>>, vector<1x256x256xf32>
    %get3A_130 = vector.shape_cast %get3A_129 : vector<1x256x256xf32> to vector<256x256xf32>
    %add3A_131 = arith.addf %add3A_125, %get3A_130 : vector<256x256xf32>
    %get3A_132 = arith.constant 0 : index
    %get3A_133 = arith.constant 0 : index
    %get3A_134 = arith.constant 0 : index
    %get3A_135 = vector.load %arg24[%get3A_132, %get3A_133, %get3A_134] : memref<1x256x256xf32, #tpu.memory_space<vmem>>, vector<1x256x256xf32>
    %get3A_136 = vector.shape_cast %get3A_135 : vector<1x256x256xf32> to vector<256x256xf32>
    %add3A_137 = arith.addf %add3A_131, %get3A_136 : vector<256x256xf32>
    %get3A_138 = arith.constant 0 : index
    %get3A_139 = arith.constant 0 : index
    %get3A_140 = arith.constant 0 : index
    %get3A_141 = vector.load %arg25[%get3A_138, %get3A_139, %get3A_140] : memref<1x256x256xf32, #tpu.memory_space<vmem>>, vector<1x256x256xf32>
    %get3A_142 = vector.shape_cast %get3A_141 : vector<1x256x256xf32> to vector<256x256xf32>
    %add3A_143 = arith.addf %add3A_137, %get3A_142 : vector<256x256xf32>
    %get3A_144 = arith.constant 0 : index
    %get3A_145 = arith.constant 0 : index
    %get3A_146 = arith.constant 0 : index
    %get3A_147 = vector.load %arg26[%get3A_144, %get3A_145, %get3A_146] : memref<1x256x256xf32, #tpu.memory_space<vmem>>, vector<1x256x256xf32>
    %get3A_148 = vector.shape_cast %get3A_147 : vector<1x256x256xf32> to vector<256x256xf32>
    %add3A_149 = arith.addf %add3A_143, %get3A_148 : vector<256x256xf32>
    %get3A_150 = arith.constant 0 : index
    %get3A_151 = arith.constant 0 : index
    %get3A_152 = arith.constant 0 : index
    %get3A_153 = vector.load %arg27[%get3A_150, %get3A_151, %get3A_152] : memref<1x256x256xf32, #tpu.memory_space<vmem>>, vector<1x256x256xf32>
    %get3A_154 = vector.shape_cast %get3A_153 : vector<1x256x256xf32> to vector<256x256xf32>
    %add3A_155 = arith.addf %add3A_149, %get3A_154 : vector<256x256xf32>
    %get3A_156 = arith.constant 0 : index
    %get3A_157 = arith.constant 0 : index
    %get3A_158 = arith.constant 0 : index
    %get3A_159 = vector.load %arg28[%get3A_156, %get3A_157, %get3A_158] : memref<1x256x256xf32, #tpu.memory_space<vmem>>, vector<1x256x256xf32>
    %get3A_160 = vector.shape_cast %get3A_159 : vector<1x256x256xf32> to vector<256x256xf32>
    %add3A_161 = arith.addf %add3A_155, %get3A_160 : vector<256x256xf32>
    %get3A_162 = arith.constant 0 : index
    %get3A_163 = arith.constant 0 : index
    %get3A_164 = arith.constant 0 : index
    %get3A_165 = vector.load %arg29[%get3A_162, %get3A_163, %get3A_164] : memref<1x256x256xf32, #tpu.memory_space<vmem>>, vector<1x256x256xf32>
    %get3A_166 = vector.shape_cast %get3A_165 : vector<1x256x256xf32> to vector<256x256xf32>
    %add3A_167 = arith.addf %add3A_161, %get3A_166 : vector<256x256xf32>
    %get3A_168 = arith.constant 0 : index
    %get3A_169 = arith.constant 0 : index
    %get3A_170 = arith.constant 0 : index
    %get3A_171 = vector.load %arg30[%get3A_168, %get3A_169, %get3A_170] : memref<1x256x256xf32, #tpu.memory_space<vmem>>, vector<1x256x256xf32>
    %get3A_172 = vector.shape_cast %get3A_171 : vector<1x256x256xf32> to vector<256x256xf32>
    %add3A_173 = arith.addf %add3A_167, %get3A_172 : vector<256x256xf32>
    %get3A_174 = arith.constant 0 : index
    %get3A_175 = arith.constant 0 : index
    %get3A_176 = arith.constant 0 : index
    %get3A_177 = vector.load %arg31[%get3A_174, %get3A_175, %get3A_176] : memref<1x256x256xf32, #tpu.memory_space<vmem>>, vector<1x256x256xf32>
    %get3A_178 = vector.shape_cast %get3A_177 : vector<1x256x256xf32> to vector<256x256xf32>
    %add3A_179 = arith.addf %add3A_173, %get3A_178 : vector<256x256xf32>
    %get3A_180 = arith.constant 0 : index
    %get3A_181 = arith.constant 0 : index
    %get3A_182 = arith.constant 0 : index
    %get3A_183 = vector.load %arg32[%get3A_180, %get3A_181, %get3A_182] : memref<1x256x256xf32, #tpu.memory_space<vmem>>, vector<1x256x256xf32>
    %get3A_184 = vector.shape_cast %get3A_183 : vector<1x256x256xf32> to vector<256x256xf32>
    %add3A_185 = arith.addf %add3A_179, %get3A_184 : vector<256x256xf32>
    %get3A_186 = arith.constant 0 : index
    %get3A_187 = arith.constant 0 : index
    %get3A_188 = arith.constant 0 : index
    %get3A_189 = vector.load %arg33[%get3A_186, %get3A_187, %get3A_188] : memref<1x256x256xf32, #tpu.memory_space<vmem>>, vector<1x256x256xf32>
    %get3A_190 = vector.shape_cast %get3A_189 : vector<1x256x256xf32> to vector<256x256xf32>
    %add3A_191 = arith.addf %add3A_185, %get3A_190 : vector<256x256xf32>
    %slice3A = vector.extract_strided_slice %add3A_191 {offsets = [0, 148], sizes = [256, 1], strides = [1, 1]} : vector<256x256xf32> to vector<256x1xf32>
    %max3A = arith.constant 1.000000e+00 : f32
    %max3A_192 = vector.broadcast %max3A : f32 to vector<256x1xf32>
    %max3A_193 = arith.maximumf %slice3A, %max3A_192 : vector<256x1xf32>
    %slice3A_194 = vector.extract_strided_slice %get3A_1 {offsets = [0, 0], sizes = [256, 100], strides = [1, 1]} : vector<256x256xf32> to vector<256x100xf32>
    %slice3A_195 = vector.extract_strided_slice %add3A_191 {offsets = [0, 0], sizes = [256, 100], strides = [1, 1]} : vector<256x256xf32> to vector<256x100xf32>
    %div3A = vector.broadcast %max3A_193 : vector<256x1xf32> to vector<256x100xf32>
    %div3A_196 = arith.divf %slice3A_195, %div3A : vector<256x100xf32>
    %add3A_197 = arith.addf %slice3A_194, %div3A_196 : vector<256x100xf32>
    %slice3A_198 = vector.extract_strided_slice %get3A_1 {offsets = [0, 100], sizes = [256, 16], strides = [1, 1]} : vector<256x256xf32> to vector<256x16xf32>
    %slice3A_199 = vector.extract_strided_slice %add3A_191 {offsets = [0, 100], sizes = [256, 16], strides = [1, 1]} : vector<256x256xf32> to vector<256x16xf32>
    %div3A_200 = vector.broadcast %max3A_193 : vector<256x1xf32> to vector<256x16xf32>
    %div3A_201 = arith.divf %slice3A_199, %div3A_200 : vector<256x16xf32>
    %add3A_202 = arith.addf %slice3A_198, %div3A_201 : vector<256x16xf32>
    %slice3A_203 = vector.extract_strided_slice %get3A_1 {offsets = [0, 116], sizes = [256, 16], strides = [1, 1]} : vector<256x256xf32> to vector<256x16xf32>
    %slice3A_204 = vector.extract_strided_slice %add3A_191 {offsets = [0, 116], sizes = [256, 16], strides = [1, 1]} : vector<256x256xf32> to vector<256x16xf32>
    %div3A_205 = vector.broadcast %max3A_193 : vector<256x1xf32> to vector<256x16xf32>
    %div3A_206 = arith.divf %slice3A_204, %div3A_205 : vector<256x16xf32>
    %add3A_207 = arith.addf %slice3A_203, %div3A_206 : vector<256x16xf32>
    %slice3A_208 = vector.extract_strided_slice %get3A_1 {offsets = [0, 132], sizes = [256, 16], strides = [1, 1]} : vector<256x256xf32> to vector<256x16xf32>
    %slice3A_209 = vector.extract_strided_slice %add3A_191 {offsets = [0, 132], sizes = [256, 16], strides = [1, 1]} : vector<256x256xf32> to vector<256x16xf32>
    %div3A_210 = vector.broadcast %max3A_193 : vector<256x1xf32> to vector<256x16xf32>
    %div3A_211 = arith.divf %slice3A_209, %div3A_210 : vector<256x16xf32>
    %add3A_212 = arith.addf %slice3A_208, %div3A_211 : vector<256x16xf32>
    %get3A_213 = arith.constant 0 : index
    %get3A_214 = arith.constant 0 : index
    %get3A_215 = vector.load %arg34[%get3A_213, %get3A_214] : memref<1x100xf32, #tpu.memory_space<vmem>>, vector<1x100xf32>
    %get3A_216 = arith.constant 0 : index
    %get3A_217 = arith.constant 0 : index
    %get3A_218 = vector.load %arg35[%get3A_216, %get3A_217] : memref<1x100xf32, #tpu.memory_space<vmem>>, vector<1x100xf32>
    %reduce_sum3A = arith.constant dense<0.000000e+00> : vector<256xf32>
    %reduce_sum3A_219 = vector.multi_reduction <add>, %add3A_197, %reduce_sum3A [1] : vector<256x100xf32> to vector<256xf32>
    %broadcast_in_dim3A = vector.shape_cast %reduce_sum3A_219 : vector<256xf32> to vector<256x1xf32>
    %div3A_220 = arith.constant 1.000000e+02 : f32
    %div3A_221 = vector.broadcast %div3A_220 : f32 to vector<256x1xf32>
    %div3A_222 = arith.divf %broadcast_in_dim3A, %div3A_221 : vector<256x1xf32>
    %sub3A = vector.broadcast %div3A_222 : vector<256x1xf32> to vector<256x100xf32>
    %sub3A_223 = arith.subf %add3A_197, %sub3A : vector<256x100xf32>
    %integer_pow3A = arith.mulf %sub3A_223, %sub3A_223 : vector<256x100xf32>
    %reduce_sum3A_224 = arith.constant dense<0.000000e+00> : vector<256xf32>
    %reduce_sum3A_225 = vector.multi_reduction <add>, %integer_pow3A, %reduce_sum3A_224 [1] : vector<256x100xf32> to vector<256xf32>
    %broadcast_in_dim3A_226 = vector.shape_cast %reduce_sum3A_225 : vector<256xf32> to vector<256x1xf32>
    %div3A_227 = arith.constant 1.000000e+02 : f32
    %div3A_228 = vector.broadcast %div3A_227 : f32 to vector<256x1xf32>
    %div3A_229 = arith.divf %broadcast_in_dim3A_226, %div3A_228 : vector<256x1xf32>
    %sub3A_230 = vector.broadcast %div3A_222 : vector<256x1xf32> to vector<256x100xf32>
    %sub3A_231 = arith.subf %add3A_197, %sub3A_230 : vector<256x100xf32>
    %add3A_232 = arith.constant 9.99999974E-6 : f32
    %add3A_233 = vector.broadcast %add3A_232 : f32 to vector<256x1xf32>
    %add3A_234 = arith.addf %div3A_229, %add3A_233 : vector<256x1xf32>
    %sqrt3A = math.sqrt %add3A_234 : vector<256x1xf32>
    %div3A_235 = vector.broadcast %sqrt3A : vector<256x1xf32> to vector<256x100xf32>
    %div3A_236 = arith.divf %sub3A_231, %div3A_235 : vector<256x100xf32>
    %mul3A = vector.broadcast %get3A_215 : vector<1x100xf32> to vector<256x100xf32>
    %mul3A_237 = arith.mulf %div3A_236, %mul3A : vector<256x100xf32>
    %add3A_238 = vector.broadcast %get3A_218 : vector<1x100xf32> to vector<256x100xf32>
    %add3A_239 = arith.addf %mul3A_237, %add3A_238 : vector<256x100xf32>
    %integer_pow3A_240 = arith.mulf %add3A_202, %add3A_202 : vector<256x16xf32>
    %integer_pow3A_241 = arith.mulf %add3A_207, %add3A_207 : vector<256x16xf32>
    %add3A_242 = arith.addf %integer_pow3A_240, %integer_pow3A_241 : vector<256x16xf32>
    %integer_pow3A_243 = arith.mulf %add3A_212, %add3A_212 : vector<256x16xf32>
    %add3A_244 = arith.addf %add3A_242, %integer_pow3A_243 : vector<256x16xf32>
    %max3A_245 = arith.constant 9.99999993E-9 : f32
    %max3A_246 = vector.broadcast %max3A_245 : f32 to vector<256x16xf32>
    %max3A_247 = arith.maximumf %add3A_244, %max3A_246 : vector<256x16xf32>
    %reduce_sum3A_248 = arith.constant dense<0.000000e+00> : vector<256xf32>
    %reduce_sum3A_249 = vector.multi_reduction <add>, %max3A_247, %reduce_sum3A_248 [1] : vector<256x16xf32> to vector<256xf32>
    %broadcast_in_dim3A_250 = vector.shape_cast %reduce_sum3A_249 : vector<256xf32> to vector<256x1xf32>
    %div3A_251 = arith.constant 1.600000e+01 : f32
    %div3A_252 = vector.broadcast %div3A_251 : f32 to vector<256x1xf32>
    %div3A_253 = arith.divf %broadcast_in_dim3A_250, %div3A_252 : vector<256x1xf32>
    %sqrt3A_254 = math.sqrt %div3A_253 : vector<256x1xf32>
    %div3A_255 = vector.broadcast %sqrt3A_254 : vector<256x1xf32> to vector<256x16xf32>
    %div3A_256 = arith.divf %add3A_202, %div3A_255 : vector<256x16xf32>
    %div3A_257 = vector.broadcast %sqrt3A_254 : vector<256x1xf32> to vector<256x16xf32>
    %div3A_258 = arith.divf %add3A_207, %div3A_257 : vector<256x16xf32>
    %div3A_259 = vector.broadcast %sqrt3A_254 : vector<256x1xf32> to vector<256x16xf32>
    %div3A_260 = arith.divf %add3A_212, %div3A_259 : vector<256x16xf32>
    %get3A_261 = arith.constant 0 : index
    %get3A_262 = arith.constant 0 : index
    %get3A_263 = vector.load %arg36[%get3A_261, %get3A_262] : memref<16x32xf32, #tpu.memory_space<vmem>>, vector<16x32xf32>
    %dot_general3A = arith.constant dense<0.000000e+00> : vector<256x32xf32>
    %dot_general3A_264 = tpu.matmul %div3A_256, %get3A_263, %dot_general3A {dimension_numbers = #tpu.dot_dimension_numbers<[1], [0], [0], [1], [0, 0, 1, 1], [], []>, transpose_lhs_hint = false} : vector<256x16xf32>, vector<16x32xf32>, vector<256x32xf32> -> vector<256x32xf32>
    %get3A_265 = arith.constant 0 : index
    %get3A_266 = arith.constant 0 : index
    %get3A_267 = vector.load %arg36[%get3A_265, %get3A_266] : memref<16x32xf32, #tpu.memory_space<vmem>>, vector<16x32xf32>
    %dot_general3A_268 = arith.constant dense<0.000000e+00> : vector<256x32xf32>
    %dot_general3A_269 = tpu.matmul %div3A_258, %get3A_267, %dot_general3A_268 {dimension_numbers = #tpu.dot_dimension_numbers<[1], [0], [0], [1], [0, 0, 1, 1], [], []>, transpose_lhs_hint = false} : vector<256x16xf32>, vector<16x32xf32>, vector<256x32xf32> -> vector<256x32xf32>
    %get3A_270 = arith.constant 0 : index
    %get3A_271 = arith.constant 0 : index
    %get3A_272 = vector.load %arg36[%get3A_270, %get3A_271] : memref<16x32xf32, #tpu.memory_space<vmem>>, vector<16x32xf32>
    %dot_general3A_273 = arith.constant dense<0.000000e+00> : vector<256x32xf32>
    %dot_general3A_274 = tpu.matmul %div3A_260, %get3A_272, %dot_general3A_273 {dimension_numbers = #tpu.dot_dimension_numbers<[1], [0], [0], [1], [0, 0, 1, 1], [], []>, transpose_lhs_hint = false} : vector<256x16xf32>, vector<16x32xf32>, vector<256x32xf32> -> vector<256x32xf32>
    %integer_pow3A_275 = arith.mulf %dot_general3A_264, %dot_general3A_264 : vector<256x32xf32>
    %integer_pow3A_276 = arith.mulf %dot_general3A_269, %dot_general3A_269 : vector<256x32xf32>
    %add3A_277 = arith.addf %integer_pow3A_275, %integer_pow3A_276 : vector<256x32xf32>
    %integer_pow3A_278 = arith.mulf %dot_general3A_274, %dot_general3A_274 : vector<256x32xf32>
    %add3A_279 = arith.addf %add3A_277, %integer_pow3A_278 : vector<256x32xf32>
    %max3A_280 = arith.constant 9.99999993E-9 : f32
    %max3A_281 = vector.broadcast %max3A_280 : f32 to vector<256x32xf32>
    %max3A_282 = arith.maximumf %add3A_279, %max3A_281 : vector<256x32xf32>
    %sqrt3A_283 = math.sqrt %max3A_282 : vector<256x32xf32>
    %get3A_284 = arith.constant 0 : index
    %get3A_285 = arith.constant 0 : index
    %get3A_286 = vector.load %arg37[%get3A_284, %get3A_285] : memref<100x400xf32, #tpu.memory_space<vmem>>, vector<100x400xf32>
    %dot_general3A_287 = arith.constant dense<0.000000e+00> : vector<256x400xf32>
    %dot_general3A_288 = tpu.matmul %add3A_239, %get3A_286, %dot_general3A_287 {dimension_numbers = #tpu.dot_dimension_numbers<[1], [0], [0], [1], [0, 0, 1, 1], [], []>, transpose_lhs_hint = false} : vector<256x100xf32>, vector<100x400xf32>, vector<256x400xf32> -> vector<256x400xf32>
    %get3A_289 = arith.constant 0 : index
    %get3A_290 = arith.constant 0 : index
    %get3A_291 = vector.load %arg38[%get3A_289, %get3A_290] : memref<32x400xf32, #tpu.memory_space<vmem>>, vector<32x400xf32>
    %dot_general3A_292 = arith.constant dense<0.000000e+00> : vector<256x400xf32>
    %dot_general3A_293 = tpu.matmul %sqrt3A_283, %get3A_291, %dot_general3A_292 {dimension_numbers = #tpu.dot_dimension_numbers<[1], [0], [0], [1], [0, 0, 1, 1], [], []>, transpose_lhs_hint = false} : vector<256x32xf32>, vector<32x400xf32>, vector<256x400xf32> -> vector<256x400xf32>
    %add3A_294 = arith.addf %dot_general3A_288, %dot_general3A_293 : vector<256x400xf32>
    %get3A_295 = arith.constant 0 : index
    %get3A_296 = arith.constant 0 : index
    %get3A_297 = vector.load %arg39[%get3A_295, %get3A_296] : memref<1x400xf32, #tpu.memory_space<vmem>>, vector<1x400xf32>
    %add3A_298 = vector.broadcast %get3A_297 : vector<1x400xf32> to vector<256x400xf32>
    %add3A_299 = arith.addf %add3A_294, %add3A_298 : vector<256x400xf32>
    %max3A_300 = arith.constant 0.000000e+00 : f32
    %max3A_301 = vector.broadcast %max3A_300 : f32 to vector<256x400xf32>
    %max3A_302 = arith.maximumf %add3A_299, %max3A_301 : vector<256x400xf32>
    %get3A_303 = arith.constant 0 : index
    %get3A_304 = arith.constant 0 : index
    %get3A_305 = vector.load %arg40[%get3A_303, %get3A_304] : memref<32x32xf32, #tpu.memory_space<vmem>>, vector<32x32xf32>
    %dot_general3A_306 = arith.constant dense<0.000000e+00> : vector<256x32xf32>
    %dot_general3A_307 = tpu.matmul %dot_general3A_264, %get3A_305, %dot_general3A_306 {dimension_numbers = #tpu.dot_dimension_numbers<[1], [0], [0], [1], [0, 0, 1, 1], [], []>, transpose_lhs_hint = false} : vector<256x32xf32>, vector<32x32xf32>, vector<256x32xf32> -> vector<256x32xf32>
    %dot_general3A_308 = arith.constant dense<0.000000e+00> : vector<256x32xf32>
    %dot_general3A_309 = tpu.matmul %dot_general3A_269, %get3A_305, %dot_general3A_308 {dimension_numbers = #tpu.dot_dimension_numbers<[1], [0], [0], [1], [0, 0, 1, 1], [], []>, transpose_lhs_hint = false} : vector<256x32xf32>, vector<32x32xf32>, vector<256x32xf32> -> vector<256x32xf32>
    %dot_general3A_310 = arith.constant dense<0.000000e+00> : vector<256x32xf32>
    %dot_general3A_311 = tpu.matmul %dot_general3A_274, %get3A_305, %dot_general3A_310 {dimension_numbers = #tpu.dot_dimension_numbers<[1], [0], [0], [1], [0, 0, 1, 1], [], []>, transpose_lhs_hint = false} : vector<256x32xf32>, vector<32x32xf32>, vector<256x32xf32> -> vector<256x32xf32>
    %integer_pow3A_312 = arith.mulf %dot_general3A_307, %dot_general3A_307 : vector<256x32xf32>
    %integer_pow3A_313 = arith.mulf %dot_general3A_309, %dot_general3A_309 : vector<256x32xf32>
    %add3A_314 = arith.addf %integer_pow3A_312, %integer_pow3A_313 : vector<256x32xf32>
    %integer_pow3A_315 = arith.mulf %dot_general3A_311, %dot_general3A_311 : vector<256x32xf32>
    %add3A_316 = arith.addf %add3A_314, %integer_pow3A_315 : vector<256x32xf32>
    %max3A_317 = arith.constant 9.99999993E-9 : f32
    %max3A_318 = vector.broadcast %max3A_317 : f32 to vector<256x32xf32>
    %max3A_319 = arith.maximumf %add3A_316, %max3A_318 : vector<256x32xf32>
    %sqrt3A_320 = math.sqrt %max3A_319 : vector<256x32xf32>
    %logistic3A = arith.negf %sqrt3A_320 : vector<256x32xf32>
    %logistic3A_321 = math.exp %logistic3A : vector<256x32xf32>
    %logistic3A_322 = arith.constant 1.000000e+00 : f32
    %logistic3A_323 = vector.broadcast %logistic3A_322 : f32 to vector<256x32xf32>
    %logistic3A_324 = arith.addf %logistic3A_323, %logistic3A_321 : vector<256x32xf32>
    %logistic3A_325 = arith.divf %logistic3A_323, %logistic3A_324 : vector<256x32xf32>
    %mul3A_326 = arith.mulf %dot_general3A_307, %logistic3A_325 : vector<256x32xf32>
    %mul3A_327 = arith.mulf %dot_general3A_309, %logistic3A_325 : vector<256x32xf32>
    %mul3A_328 = arith.mulf %dot_general3A_311, %logistic3A_325 : vector<256x32xf32>
    %get3A_329 = arith.constant 0 : index
    %get3A_330 = arith.constant 0 : index
    %get3A_331 = vector.load %arg41[%get3A_329, %get3A_330] : memref<32x32xf32, #tpu.memory_space<vmem>>, vector<32x32xf32>
    %dot_general3A_332 = arith.constant dense<0.000000e+00> : vector<256x32xf32>
    %dot_general3A_333 = tpu.matmul %mul3A_326, %get3A_331, %dot_general3A_332 {dimension_numbers = #tpu.dot_dimension_numbers<[1], [0], [0], [1], [0, 0, 1, 1], [], []>, transpose_lhs_hint = false} : vector<256x32xf32>, vector<32x32xf32>, vector<256x32xf32> -> vector<256x32xf32>
    %get3A_334 = arith.constant 0 : index
    %get3A_335 = arith.constant 0 : index
    %get3A_336 = vector.load %arg41[%get3A_334, %get3A_335] : memref<32x32xf32, #tpu.memory_space<vmem>>, vector<32x32xf32>
    %dot_general3A_337 = arith.constant dense<0.000000e+00> : vector<256x32xf32>
    %dot_general3A_338 = tpu.matmul %mul3A_327, %get3A_336, %dot_general3A_337 {dimension_numbers = #tpu.dot_dimension_numbers<[1], [0], [0], [1], [0, 0, 1, 1], [], []>, transpose_lhs_hint = false} : vector<256x32xf32>, vector<32x32xf32>, vector<256x32xf32> -> vector<256x32xf32>
    %get3A_339 = arith.constant 0 : index
    %get3A_340 = arith.constant 0 : index
    %get3A_341 = vector.load %arg41[%get3A_339, %get3A_340] : memref<32x32xf32, #tpu.memory_space<vmem>>, vector<32x32xf32>
    %dot_general3A_342 = arith.constant dense<0.000000e+00> : vector<256x32xf32>
    %dot_general3A_343 = tpu.matmul %mul3A_328, %get3A_341, %dot_general3A_342 {dimension_numbers = #tpu.dot_dimension_numbers<[1], [0], [0], [1], [0, 0, 1, 1], [], []>, transpose_lhs_hint = false} : vector<256x32xf32>, vector<32x32xf32>, vector<256x32xf32> -> vector<256x32xf32>
    %integer_pow3A_344 = arith.mulf %dot_general3A_333, %dot_general3A_333 : vector<256x32xf32>
    %integer_pow3A_345 = arith.mulf %dot_general3A_338, %dot_general3A_338 : vector<256x32xf32>
    %add3A_346 = arith.addf %integer_pow3A_344, %integer_pow3A_345 : vector<256x32xf32>
    %integer_pow3A_347 = arith.mulf %dot_general3A_343, %dot_general3A_343 : vector<256x32xf32>
    %add3A_348 = arith.addf %add3A_346, %integer_pow3A_347 : vector<256x32xf32>
    %max3A_349 = arith.constant 9.99999993E-9 : f32
    %max3A_350 = vector.broadcast %max3A_349 : f32 to vector<256x32xf32>
    %max3A_351 = arith.maximumf %add3A_348, %max3A_350 : vector<256x32xf32>
    %sqrt3A_352 = math.sqrt %max3A_351 : vector<256x32xf32>
    %get3A_353 = arith.constant 0 : index
    %get3A_354 = arith.constant 0 : index
    %get3A_355 = vector.load %arg42[%get3A_353, %get3A_354] : memref<400x100xf32, #tpu.memory_space<vmem>>, vector<400x100xf32>
    %dot_general3A_356 = arith.constant dense<0.000000e+00> : vector<256x100xf32>
    %dot_general3A_357 = tpu.matmul %max3A_302, %get3A_355, %dot_general3A_356 {dimension_numbers = #tpu.dot_dimension_numbers<[1], [0], [0], [1], [0, 0, 1, 1], [], []>, transpose_lhs_hint = false} : vector<256x400xf32>, vector<400x100xf32>, vector<256x100xf32> -> vector<256x100xf32>
    %get3A_358 = arith.constant 0 : index
    %get3A_359 = arith.constant 0 : index
    %get3A_360 = vector.load %arg43[%get3A_358, %get3A_359] : memref<32x100xf32, #tpu.memory_space<vmem>>, vector<32x100xf32>
    %dot_general3A_361 = arith.constant dense<0.000000e+00> : vector<256x100xf32>
    %dot_general3A_362 = tpu.matmul %sqrt3A_352, %get3A_360, %dot_general3A_361 {dimension_numbers = #tpu.dot_dimension_numbers<[1], [0], [0], [1], [0, 0, 1, 1], [], []>, transpose_lhs_hint = false} : vector<256x32xf32>, vector<32x100xf32>, vector<256x100xf32> -> vector<256x100xf32>
    %add3A_363 = arith.addf %dot_general3A_357, %dot_general3A_362 : vector<256x100xf32>
    %get3A_364 = arith.constant 0 : index
    %get3A_365 = arith.constant 0 : index
    %get3A_366 = vector.load %arg44[%get3A_364, %get3A_365] : memref<1x100xf32, #tpu.memory_space<vmem>>, vector<1x100xf32>
    %add3A_367 = vector.broadcast %get3A_366 : vector<1x100xf32> to vector<256x100xf32>
    %add3A_368 = arith.addf %add3A_363, %add3A_367 : vector<256x100xf32>
    %get3A_369 = arith.constant 0 : index
    %get3A_370 = arith.constant 0 : index
    %get3A_371 = vector.load %arg45[%get3A_369, %get3A_370] : memref<32x16xf32, #tpu.memory_space<vmem>>, vector<32x16xf32>
    %dot_general3A_372 = arith.constant dense<0.000000e+00> : vector<256x16xf32>
    %dot_general3A_373 = tpu.matmul %dot_general3A_333, %get3A_371, %dot_general3A_372 {dimension_numbers = #tpu.dot_dimension_numbers<[1], [0], [0], [1], [0, 0, 1, 1], [], []>, transpose_lhs_hint = false} : vector<256x32xf32>, vector<32x16xf32>, vector<256x16xf32> -> vector<256x16xf32>
    %dot_general3A_374 = arith.constant dense<0.000000e+00> : vector<256x16xf32>
    %dot_general3A_375 = tpu.matmul %dot_general3A_338, %get3A_371, %dot_general3A_374 {dimension_numbers = #tpu.dot_dimension_numbers<[1], [0], [0], [1], [0, 0, 1, 1], [], []>, transpose_lhs_hint = false} : vector<256x32xf32>, vector<32x16xf32>, vector<256x16xf32> -> vector<256x16xf32>
    %dot_general3A_376 = arith.constant dense<0.000000e+00> : vector<256x16xf32>
    %dot_general3A_377 = tpu.matmul %dot_general3A_343, %get3A_371, %dot_general3A_376 {dimension_numbers = #tpu.dot_dimension_numbers<[1], [0], [0], [1], [0, 0, 1, 1], [], []>, transpose_lhs_hint = false} : vector<256x32xf32>, vector<32x16xf32>, vector<256x16xf32> -> vector<256x16xf32>
    %add3A_378 = arith.addf %add3A_239, %add3A_368 : vector<256x100xf32>
    %get3A_379 = arith.constant 0 : index
    %get3A_380 = arith.constant 0 : index
    %get3A_381 = vector.load %arg46[%get3A_379, %get3A_380] : memref<1x100xf32, #tpu.memory_space<vmem>>, vector<1x100xf32>
    %get3A_382 = arith.constant 0 : index
    %get3A_383 = arith.constant 0 : index
    %get3A_384 = vector.load %arg47[%get3A_382, %get3A_383] : memref<1x100xf32, #tpu.memory_space<vmem>>, vector<1x100xf32>
    %reduce_sum3A_385 = arith.constant dense<0.000000e+00> : vector<256xf32>
    %reduce_sum3A_386 = vector.multi_reduction <add>, %add3A_378, %reduce_sum3A_385 [1] : vector<256x100xf32> to vector<256xf32>
    %broadcast_in_dim3A_387 = vector.shape_cast %reduce_sum3A_386 : vector<256xf32> to vector<256x1xf32>
    %div3A_388 = arith.constant 1.000000e+02 : f32
    %div3A_389 = vector.broadcast %div3A_388 : f32 to vector<256x1xf32>
    %div3A_390 = arith.divf %broadcast_in_dim3A_387, %div3A_389 : vector<256x1xf32>
    %sub3A_391 = vector.broadcast %div3A_390 : vector<256x1xf32> to vector<256x100xf32>
    %sub3A_392 = arith.subf %add3A_378, %sub3A_391 : vector<256x100xf32>
    %integer_pow3A_393 = arith.mulf %sub3A_392, %sub3A_392 : vector<256x100xf32>
    %reduce_sum3A_394 = arith.constant dense<0.000000e+00> : vector<256xf32>
    %reduce_sum3A_395 = vector.multi_reduction <add>, %integer_pow3A_393, %reduce_sum3A_394 [1] : vector<256x100xf32> to vector<256xf32>
    %broadcast_in_dim3A_396 = vector.shape_cast %reduce_sum3A_395 : vector<256xf32> to vector<256x1xf32>
    %div3A_397 = arith.constant 1.000000e+02 : f32
    %div3A_398 = vector.broadcast %div3A_397 : f32 to vector<256x1xf32>
    %div3A_399 = arith.divf %broadcast_in_dim3A_396, %div3A_398 : vector<256x1xf32>
    %sub3A_400 = vector.broadcast %div3A_390 : vector<256x1xf32> to vector<256x100xf32>
    %sub3A_401 = arith.subf %add3A_378, %sub3A_400 : vector<256x100xf32>
    %add3A_402 = arith.constant 9.99999974E-6 : f32
    %add3A_403 = vector.broadcast %add3A_402 : f32 to vector<256x1xf32>
    %add3A_404 = arith.addf %div3A_399, %add3A_403 : vector<256x1xf32>
    %sqrt3A_405 = math.sqrt %add3A_404 : vector<256x1xf32>
    %div3A_406 = vector.broadcast %sqrt3A_405 : vector<256x1xf32> to vector<256x100xf32>
    %div3A_407 = arith.divf %sub3A_401, %div3A_406 : vector<256x100xf32>
    %mul3A_408 = vector.broadcast %get3A_381 : vector<1x100xf32> to vector<256x100xf32>
    %mul3A_409 = arith.mulf %div3A_407, %mul3A_408 : vector<256x100xf32>
    %add3A_410 = vector.broadcast %get3A_384 : vector<1x100xf32> to vector<256x100xf32>
    %add3A_411 = arith.addf %mul3A_409, %add3A_410 : vector<256x100xf32>
    %add3A_412 = arith.addf %div3A_256, %dot_general3A_373 : vector<256x16xf32>
    %add3A_413 = arith.addf %div3A_258, %dot_general3A_375 : vector<256x16xf32>
    %add3A_414 = arith.addf %div3A_260, %dot_general3A_377 : vector<256x16xf32>
    %integer_pow3A_415 = arith.mulf %add3A_412, %add3A_412 : vector<256x16xf32>
    %integer_pow3A_416 = arith.mulf %add3A_413, %add3A_413 : vector<256x16xf32>
    %add3A_417 = arith.addf %integer_pow3A_415, %integer_pow3A_416 : vector<256x16xf32>
    %integer_pow3A_418 = arith.mulf %add3A_414, %add3A_414 : vector<256x16xf32>
    %add3A_419 = arith.addf %add3A_417, %integer_pow3A_418 : vector<256x16xf32>
    %max3A_420 = arith.constant 9.99999993E-9 : f32
    %max3A_421 = vector.broadcast %max3A_420 : f32 to vector<256x16xf32>
    %max3A_422 = arith.maximumf %add3A_419, %max3A_421 : vector<256x16xf32>
    %reduce_sum3A_423 = arith.constant dense<0.000000e+00> : vector<256xf32>
    %reduce_sum3A_424 = vector.multi_reduction <add>, %max3A_422, %reduce_sum3A_423 [1] : vector<256x16xf32> to vector<256xf32>
    %broadcast_in_dim3A_425 = vector.shape_cast %reduce_sum3A_424 : vector<256xf32> to vector<256x1xf32>
    %div3A_426 = arith.constant 1.600000e+01 : f32
    %div3A_427 = vector.broadcast %div3A_426 : f32 to vector<256x1xf32>
    %div3A_428 = arith.divf %broadcast_in_dim3A_425, %div3A_427 : vector<256x1xf32>
    %sqrt3A_429 = math.sqrt %div3A_428 : vector<256x1xf32>
    %div3A_430 = vector.broadcast %sqrt3A_429 : vector<256x1xf32> to vector<256x16xf32>
    %div3A_431 = arith.divf %add3A_412, %div3A_430 : vector<256x16xf32>
    %div3A_432 = vector.broadcast %sqrt3A_429 : vector<256x1xf32> to vector<256x16xf32>
    %div3A_433 = arith.divf %add3A_413, %div3A_432 : vector<256x16xf32>
    %div3A_434 = vector.broadcast %sqrt3A_429 : vector<256x1xf32> to vector<256x16xf32>
    %div3A_435 = arith.divf %add3A_414, %div3A_434 : vector<256x16xf32>
    %broadcast_in_dim3A_436 = arith.constant 0.000000e+00 : f32
    %broadcast_in_dim3A_437 = vector.broadcast %broadcast_in_dim3A_436 : f32 to vector<256x108xf32>
    %swap3A = arith.constant 0 : index
    %swap3A_438 = arith.constant 0 : index
    %swap3A_439 = vector.load %arg48[%swap3A, %swap3A_438] : memref<256x256xf32, #tpu.memory_space<vmem>>, vector<256x100xf32>
    tpu.vector_store %arg48[%swap3A, %swap3A_438], %add3A_411 {strides = array<i32>} : memref<256x256xf32, #tpu.memory_space<vmem>>, vector<256x100xf32>,
    %swap3A_440 = arith.constant 0 : index
    %swap3A_441 = arith.constant 100 : index
    %swap3A_442 = vector.load %arg48[%swap3A_440, %swap3A_441] : memref<256x256xf32, #tpu.memory_space<vmem>>, vector<256x16xf32>
    tpu.vector_store %arg48[%swap3A_440, %swap3A_441], %div3A_431 {strides = array<i32>} : memref<256x256xf32, #tpu.memory_space<vmem>>, vector<256x16xf32>,
    %swap3A_443 = arith.constant 0 : index
    %swap3A_444 = arith.constant 116 : index
    %swap3A_445 = vector.load %arg48[%swap3A_443, %swap3A_444] : memref<256x256xf32, #tpu.memory_space<vmem>>, vector<256x16xf32>
    tpu.vector_store %arg48[%swap3A_443, %swap3A_444], %div3A_433 {strides = array<i32>} : memref<256x256xf32, #tpu.memory_space<vmem>>, vector<256x16xf32>,
    %swap3A_446 = arith.constant 0 : index
    %swap3A_447 = arith.constant 132 : index
    %swap3A_448 = vector.load %arg48[%swap3A_446, %swap3A_447] : memref<256x256xf32, #tpu.memory_space<vmem>>, vector<256x16xf32>
    tpu.vector_store %arg48[%swap3A_446, %swap3A_447], %div3A_435 {strides = array<i32>} : memref<256x256xf32, #tpu.memory_space<vmem>>, vector<256x16xf32>,
    %swap3A_449 = arith.constant 0 : index
    %swap3A_450 = arith.constant 148 : index
    %swap3A_451 = vector.load %arg48[%swap3A_449, %swap3A_450] : memref<256x256xf32, #tpu.memory_space<vmem>>, vector<256x108xf32>
    tpu.vector_store %arg48[%swap3A_449, %swap3A_450], %broadcast_in_dim3A_437 {strides = array<i32>} : memref<256x256xf32, #tpu.memory_space<vmem>>, vector<256x108xf32>,
    return
  }
  func.func @transform_0(%arg0: i32) -> (i32, i32) {
    %c0_i32 = arith.constant 0 : i32
    %c0_i32_0 = arith.constant 0 : i32
    return %arg0, %c0_i32 : i32, i32
  }
  func.func @transform_1(%arg0: i32) -> (i32, i32, i32) {
    %c0_i32 = arith.constant 0 : i32
    %c0_i32_0 = arith.constant 0 : i32
    %c0_i32_1 = arith.constant 0 : i32
    return %c0_i32, %arg0, %c0_i32_0 : i32, i32, i32
  }
  func.func @transform_2(%arg0: i32) -> (i32, i32, i32) {
    %c1_i32 = arith.constant 1 : i32
    %c0_i32 = arith.constant 0 : i32
    %c0_i32_0 = arith.constant 0 : i32
    return %c1_i32, %arg0, %c0_i32 : i32, i32, i32
  }
  func.func @transform_3(%arg0: i32) -> (i32, i32, i32) {
    %c2_i32 = arith.constant 2 : i32
    %c0_i32 = arith.constant 0 : i32
    %c0_i32_0 = arith.constant 0 : i32
    return %c2_i32, %arg0, %c0_i32 : i32, i32, i32
  }
  func.func @transform_4(%arg0: i32) -> (i32, i32, i32) {
    %c3_i32 = arith.constant 3 : i32
    %c0_i32 = arith.constant 0 : i32
    %c0_i32_0 = arith.constant 0 : i32
    return %c3_i32, %arg0, %c0_i32 : i32, i32, i32
  }
  func.func @transform_5(%arg0: i32) -> (i32, i32, i32) {
    %c4_i32 = arith.constant 4 : i32
    %c0_i32 = arith.constant 0 : i32
    %c0_i32_0 = arith.constant 0 : i32
    return %c4_i32, %arg0, %c0_i32 : i32, i32, i32
  }
  func.func @transform_6(%arg0: i32) -> (i32, i32, i32) {
    %c5_i32 = arith.constant 5 : i32
    %c0_i32 = arith.constant 0 : i32
    %c0_i32_0 = arith.constant 0 : i32
    return %c5_i32, %arg0, %c0_i32 : i32, i32, i32
  }
  func.func @transform_7(%arg0: i32) -> (i32, i32, i32) {
    %c6_i32 = arith.constant 6 : i32
    %c0_i32 = arith.constant 0 : i32
    %c0_i32_0 = arith.constant 0 : i32
    return %c6_i32, %arg0, %c0_i32 : i32, i32, i32
  }
  func.func @transform_8(%arg0: i32) -> (i32, i32, i32) {
    %c7_i32 = arith.constant 7 : i32
    %c0_i32 = arith.constant 0 : i32
    %c0_i32_0 = arith.constant 0 : i32
    return %c7_i32, %arg0, %c0_i32 : i32, i32, i32
  }
  func.func @transform_9(%arg0: i32) -> (i32, i32, i32) {
    %c8_i32 = arith.constant 8 : i32
    %c0_i32 = arith.constant 0 : i32
    %c0_i32_0 = arith.constant 0 : i32
    return %c8_i32, %arg0, %c0_i32 : i32, i32, i32
  }
  func.func @transform_10(%arg0: i32) -> (i32, i32, i32) {
    %c9_i32 = arith.constant 9 : i32
    %c0_i32 = arith.constant 0 : i32
    %c0_i32_0 = arith.constant 0 : i32
    return %c9_i32, %arg0, %c0_i32 : i32, i32, i32
  }
  func.func @transform_11(%arg0: i32) -> (i32, i32, i32) {
    %c10_i32 = arith.constant 10 : i32
    %c0_i32 = arith.constant 0 : i32
    %c0_i32_0 = arith.constant 0 : i32
    return %c10_i32, %arg0, %c0_i32 : i32, i32, i32
  }
  func.func @transform_12(%arg0: i32) -> (i32, i32, i32) {
    %c11_i32 = arith.constant 11 : i32
    %c0_i32 = arith.constant 0 : i32
    %c0_i32_0 = arith.constant 0 : i32
    return %c11_i32, %arg0, %c0_i32 : i32, i32, i32
  }
  func.func @transform_13(%arg0: i32) -> (i32, i32, i32) {
    %c12_i32 = arith.constant 12 : i32
    %c0_i32 = arith.constant 0 : i32
    %c0_i32_0 = arith.constant 0 : i32
    return %c12_i32, %arg0, %c0_i32 : i32, i32, i32
  }
  func.func @transform_14(%arg0: i32) -> (i32, i32, i32) {
    %c13_i32 = arith.constant 13 : i32
    %c0_i32 = arith.constant 0 : i32
    %c0_i32_0 = arith.constant 0 : i32
    return %c13_i32, %arg0, %c0_i32 : i32, i32, i32
  }
  func.func @transform_15(%arg0: i32) -> (i32, i32, i32) {
    %c14_i32 = arith.constant 14 : i32
    %c0_i32 = arith.constant 0 : i32
    %c0_i32_0 = arith.constant 0 : i32
    return %c14_i32, %arg0, %c0_i32 : i32, i32, i32
  }
  func.func @transform_16(%arg0: i32) -> (i32, i32, i32) {
    %c15_i32 = arith.constant 15 : i32
    %c0_i32 = arith.constant 0 : i32
    %c0_i32_0 = arith.constant 0 : i32
    return %c15_i32, %arg0, %c0_i32 : i32, i32, i32
  }
  func.func @transform_17(%arg0: i32) -> (i32, i32, i32) {
    %c16_i32 = arith.constant 16 : i32
    %c0_i32 = arith.constant 0 : i32
    %c0_i32_0 = arith.constant 0 : i32
    return %c16_i32, %arg0, %c0_i32 : i32, i32, i32
  }
  func.func @transform_18(%arg0: i32) -> (i32, i32, i32) {
    %c17_i32 = arith.constant 17 : i32
    %c0_i32 = arith.constant 0 : i32
    %c0_i32_0 = arith.constant 0 : i32
    return %c17_i32, %arg0, %c0_i32 : i32, i32, i32
  }
  func.func @transform_19(%arg0: i32) -> (i32, i32, i32) {
    %c18_i32 = arith.constant 18 : i32
    %c0_i32 = arith.constant 0 : i32
    %c0_i32_0 = arith.constant 0 : i32
    return %c18_i32, %arg0, %c0_i32 : i32, i32, i32
  }
  func.func @transform_20(%arg0: i32) -> (i32, i32, i32) {
    %c19_i32 = arith.constant 19 : i32
    %c0_i32 = arith.constant 0 : i32
    %c0_i32_0 = arith.constant 0 : i32
    return %c19_i32, %arg0, %c0_i32 : i32, i32, i32
  }
  func.func @transform_21(%arg0: i32) -> (i32, i32, i32) {
    %c20_i32 = arith.constant 20 : i32
    %c0_i32 = arith.constant 0 : i32
    %c0_i32_0 = arith.constant 0 : i32
    return %c20_i32, %arg0, %c0_i32 : i32, i32, i32
  }
  func.func @transform_22(%arg0: i32) -> (i32, i32, i32) {
    %c21_i32 = arith.constant 21 : i32
    %c0_i32 = arith.constant 0 : i32
    %c0_i32_0 = arith.constant 0 : i32
    return %c21_i32, %arg0, %c0_i32 : i32, i32, i32
  }
  func.func @transform_23(%arg0: i32) -> (i32, i32, i32) {
    %c22_i32 = arith.constant 22 : i32
    %c0_i32 = arith.constant 0 : i32
    %c0_i32_0 = arith.constant 0 : i32
    return %c22_i32, %arg0, %c0_i32 : i32, i32, i32
  }
  func.func @transform_24(%arg0: i32) -> (i32, i32, i32) {
    %c23_i32 = arith.constant 23 : i32
    %c0_i32 = arith.constant 0 : i32
    %c0_i32_0 = arith.constant 0 : i32
    return %c23_i32, %arg0, %c0_i32 : i32, i32, i32
  }
  func.func @transform_25(%arg0: i32) -> (i32, i32, i32) {
    %c24_i32 = arith.constant 24 : i32
    %c0_i32 = arith.constant 0 : i32
    %c0_i32_0 = arith.constant 0 : i32
    return %c24_i32, %arg0, %c0_i32 : i32, i32, i32
  }
  func.func @transform_26(%arg0: i32) -> (i32, i32, i32) {
    %c25_i32 = arith.constant 25 : i32
    %c0_i32 = arith.constant 0 : i32
    %c0_i32_0 = arith.constant 0 : i32
    return %c25_i32, %arg0, %c0_i32 : i32, i32, i32
  }
  func.func @transform_27(%arg0: i32) -> (i32, i32, i32) {
    %c26_i32 = arith.constant 26 : i32
    %c0_i32 = arith.constant 0 : i32
    %c0_i32_0 = arith.constant 0 : i32
    return %c26_i32, %arg0, %c0_i32 : i32, i32, i32
  }
  func.func @transform_28(%arg0: i32) -> (i32, i32, i32) {
    %c27_i32 = arith.constant 27 : i32
    %c0_i32 = arith.constant 0 : i32
    %c0_i32_0 = arith.constant 0 : i32
    return %c27_i32, %arg0, %c0_i32 : i32, i32, i32
  }
  func.func @transform_29(%arg0: i32) -> (i32, i32, i32) {
    %c28_i32 = arith.constant 28 : i32
    %c0_i32 = arith.constant 0 : i32
    %c0_i32_0 = arith.constant 0 : i32
    return %c28_i32, %arg0, %c0_i32 : i32, i32, i32
  }
  func.func @transform_30(%arg0: i32) -> (i32, i32, i32) {
    %c29_i32 = arith.constant 29 : i32
    %c0_i32 = arith.constant 0 : i32
    %c0_i32_0 = arith.constant 0 : i32
    return %c29_i32, %arg0, %c0_i32 : i32, i32, i32
  }
  func.func @transform_31(%arg0: i32) -> (i32, i32, i32) {
    %c30_i32 = arith.constant 30 : i32
    %c0_i32 = arith.constant 0 : i32
    %c0_i32_0 = arith.constant 0 : i32
    return %c30_i32, %arg0, %c0_i32 : i32, i32, i32
  }
  func.func @transform_32(%arg0: i32) -> (i32, i32, i32) {
    %c31_i32 = arith.constant 31 : i32
    %c0_i32 = arith.constant 0 : i32
    %c0_i32_0 = arith.constant 0 : i32
    return %c31_i32, %arg0, %c0_i32 : i32, i32, i32
  }
  func.func @transform_33(%arg0: i32) -> (i32, i32) {
    %c0_i32 = arith.constant 0 : i32
    %c0_i32_0 = arith.constant 0 : i32
    %c0_i32_1 = arith.constant 0 : i32
    return %c0_i32, %c0_i32_0 : i32, i32
  }
  func.func @transform_34(%arg0: i32) -> (i32, i32) {
    %c0_i32 = arith.constant 0 : i32
    %c0_i32_0 = arith.constant 0 : i32
    %c0_i32_1 = arith.constant 0 : i32
    return %c0_i32, %c0_i32_0 : i32, i32
  }
  func.func @transform_35(%arg0: i32) -> (i32, i32) {
    %c0_i32 = arith.constant 0 : i32
    %c0_i32_0 = arith.constant 0 : i32
    %c0_i32_1 = arith.constant 0 : i32
    return %c0_i32, %c0_i32_0 : i32, i32
  }
  func.func @transform_36(%arg0: i32) -> (i32, i32) {
    %c0_i32 = arith.constant 0 : i32
    %c0_i32_0 = arith.constant 0 : i32
    %c0_i32_1 = arith.constant 0 : i32
    return %c0_i32, %c0_i32_0 : i32, i32
  }
  func.func @transform_37(%arg0: i32) -> (i32, i32) {
    %c0_i32 = arith.constant 0 : i32
    %c0_i32_0 = arith.constant 0 : i32
    %c0_i32_1 = arith.constant 0 : i32
    return %c0_i32, %c0_i32_0 : i32, i32
  }
  func.func @transform_38(%arg0: i32) -> (i32, i32) {
    %c0_i32 = arith.constant 0 : i32
    %c0_i32_0 = arith.constant 0 : i32
    %c0_i32_1 = arith.constant 0 : i32
    return %c0_i32, %c0_i32_0 : i32, i32
  }
  func.func @transform_39(%arg0: i32) -> (i32, i32) {
    %c0_i32 = arith.constant 0 : i32
    %c0_i32_0 = arith.constant 0 : i32
    %c0_i32_1 = arith.constant 0 : i32
    return %c0_i32, %c0_i32_0 : i32, i32
  }
  func.func @transform_40(%arg0: i32) -> (i32, i32) {
    %c0_i32 = arith.constant 0 : i32
    %c0_i32_0 = arith.constant 0 : i32
    %c0_i32_1 = arith.constant 0 : i32
    return %c0_i32, %c0_i32_0 : i32, i32
  }
  func.func @transform_41(%arg0: i32) -> (i32, i32) {
    %c0_i32 = arith.constant 0 : i32
    %c0_i32_0 = arith.constant 0 : i32
    %c0_i32_1 = arith.constant 0 : i32
    return %c0_i32, %c0_i32_0 : i32, i32
  }
  func.func @transform_42(%arg0: i32) -> (i32, i32) {
    %c0_i32 = arith.constant 0 : i32
    %c0_i32_0 = arith.constant 0 : i32
    %c0_i32_1 = arith.constant 0 : i32
    return %c0_i32, %c0_i32_0 : i32, i32
  }
  func.func @transform_43(%arg0: i32) -> (i32, i32) {
    %c0_i32 = arith.constant 0 : i32
    %c0_i32_0 = arith.constant 0 : i32
    %c0_i32_1 = arith.constant 0 : i32
    return %c0_i32, %c0_i32_0 : i32, i32
  }
  func.func @transform_44(%arg0: i32) -> (i32, i32) {
    %c0_i32 = arith.constant 0 : i32
    %c0_i32_0 = arith.constant 0 : i32
    %c0_i32_1 = arith.constant 0 : i32
    return %c0_i32, %c0_i32_0 : i32, i32
  }
  func.func @transform_45(%arg0: i32) -> (i32, i32) {
    %c0_i32 = arith.constant 0 : i32
    %c0_i32_0 = arith.constant 0 : i32
    %c0_i32_1 = arith.constant 0 : i32
    return %c0_i32, %c0_i32_0 : i32, i32
  }
  func.func @transform_46(%arg0: i32) -> (i32, i32) {
    %c0_i32 = arith.constant 0 : i32
    %c0_i32_0 = arith.constant 0 : i32
    %c0_i32_1 = arith.constant 0 : i32
    return %c0_i32, %c0_i32_0 : i32, i32
  }
  func.func @transform_47(%arg0: i32) -> (i32, i32) {
    %c0_i32 = arith.constant 0 : i32
    %c0_i32_0 = arith.constant 0 : i32
    return %arg0, %c0_i32 : i32, i32
  }
}

module attributes {stable_mosaic.version = 14 : i64} {
  func.func @_out_head_body(%arg0: i32, %arg1: memref<1024x256xf32, #tpu.memory_space<vmem>>, %arg2: memref<1x100xf32, #tpu.memory_space<vmem>>, %arg3: memref<1x100xf32, #tpu.memory_space<vmem>>, %arg4: memref<16x16xf32, #tpu.memory_space<vmem>>, %arg5: memref<100x100xf32, #tpu.memory_space<vmem>>, %arg6: memref<16x100xf32, #tpu.memory_space<vmem>>, %arg7: memref<1x100xf32, #tpu.memory_space<vmem>>, %arg8: memref<1024x100xf32, #tpu.memory_space<vmem>>) attributes {dimension_semantics = [#tpu.dimension_semantics<arbitrary>], iteration_bounds = array<i64: 10>, scalar_prefetch = 0 : i64, scratch_operands = 0 : i64, tpu.core_type = #tpu.core_type<tc>, window_params = [{transform_indices = @transform_0, window_bounds = array<i64: 1024, 256>}, {pipeline_mode = #tpu.pipeline_mode<synchronous>, transform_indices = @transform_1, window_bounds = array<i64: 1, 100>}, {pipeline_mode = #tpu.pipeline_mode<synchronous>, transform_indices = @transform_2, window_bounds = array<i64: 1, 100>}, {pipeline_mode = #tpu.pipeline_mode<synchronous>, transform_indices = @transform_3, window_bounds = array<i64: 16, 16>}, {pipeline_mode = #tpu.pipeline_mode<synchronous>, transform_indices = @transform_4, window_bounds = array<i64: 100, 100>}, {pipeline_mode = #tpu.pipeline_mode<synchronous>, transform_indices = @transform_5, window_bounds = array<i64: 16, 100>}, {pipeline_mode = #tpu.pipeline_mode<synchronous>, transform_indices = @transform_6, window_bounds = array<i64: 1, 100>}, {transform_indices = @transform_7, window_bounds = array<i64: 1024, 100>}]} {
    %get3A = arith.constant 0 : index
    %get3A_0 = arith.constant 0 : index
    %get3A_1 = vector.load %arg1[%get3A, %get3A_0] : memref<1024x256xf32, #tpu.memory_space<vmem>>, vector<1024x256xf32>
    %slice3A = vector.extract_strided_slice %get3A_1 {offsets = [0, 0], sizes = [1024, 100], strides = [1, 1]} : vector<1024x256xf32> to vector<1024x100xf32>
    %get3A_2 = arith.constant 0 : index
    %get3A_3 = arith.constant 0 : index
    %get3A_4 = vector.load %arg2[%get3A_2, %get3A_3] : memref<1x100xf32, #tpu.memory_space<vmem>>, vector<1x100xf32>
    %get3A_5 = arith.constant 0 : index
    %get3A_6 = arith.constant 0 : index
    %get3A_7 = vector.load %arg3[%get3A_5, %get3A_6] : memref<1x100xf32, #tpu.memory_space<vmem>>, vector<1x100xf32>
    %reduce_sum3A = arith.constant dense<0.000000e+00> : vector<1024xf32>
    %reduce_sum3A_8 = vector.multi_reduction <add>, %slice3A, %reduce_sum3A [1] : vector<1024x100xf32> to vector<1024xf32>
    %broadcast_in_dim3A = vector.shape_cast %reduce_sum3A_8 : vector<1024xf32> to vector<1024x1xf32>
    %div3A = arith.constant 1.000000e+02 : f32
    %div3A_9 = vector.broadcast %div3A : f32 to vector<1024x1xf32>
    %div3A_10 = arith.divf %broadcast_in_dim3A, %div3A_9 : vector<1024x1xf32>
    %sub3A = vector.broadcast %div3A_10 : vector<1024x1xf32> to vector<1024x100xf32>
    %sub3A_11 = arith.subf %slice3A, %sub3A : vector<1024x100xf32>
    %integer_pow3A = arith.mulf %sub3A_11, %sub3A_11 : vector<1024x100xf32>
    %reduce_sum3A_12 = arith.constant dense<0.000000e+00> : vector<1024xf32>
    %reduce_sum3A_13 = vector.multi_reduction <add>, %integer_pow3A, %reduce_sum3A_12 [1] : vector<1024x100xf32> to vector<1024xf32>
    %broadcast_in_dim3A_14 = vector.shape_cast %reduce_sum3A_13 : vector<1024xf32> to vector<1024x1xf32>
    %div3A_15 = arith.constant 1.000000e+02 : f32
    %div3A_16 = vector.broadcast %div3A_15 : f32 to vector<1024x1xf32>
    %div3A_17 = arith.divf %broadcast_in_dim3A_14, %div3A_16 : vector<1024x1xf32>
    %sub3A_18 = vector.broadcast %div3A_10 : vector<1024x1xf32> to vector<1024x100xf32>
    %sub3A_19 = arith.subf %slice3A, %sub3A_18 : vector<1024x100xf32>
    %add3A = arith.constant 9.99999974E-6 : f32
    %add3A_20 = vector.broadcast %add3A : f32 to vector<1024x1xf32>
    %add3A_21 = arith.addf %div3A_17, %add3A_20 : vector<1024x1xf32>
    %sqrt3A = math.sqrt %add3A_21 : vector<1024x1xf32>
    %div3A_22 = vector.broadcast %sqrt3A : vector<1024x1xf32> to vector<1024x100xf32>
    %div3A_23 = arith.divf %sub3A_19, %div3A_22 : vector<1024x100xf32>
    %mul3A = vector.broadcast %get3A_4 : vector<1x100xf32> to vector<1024x100xf32>
    %mul3A_24 = arith.mulf %div3A_23, %mul3A : vector<1024x100xf32>
    %add3A_25 = vector.broadcast %get3A_7 : vector<1x100xf32> to vector<1024x100xf32>
    %add3A_26 = arith.addf %mul3A_24, %add3A_25 : vector<1024x100xf32>
    %slice3A_27 = vector.extract_strided_slice %get3A_1 {offsets = [0, 100], sizes = [1024, 16], strides = [1, 1]} : vector<1024x256xf32> to vector<1024x16xf32>
    %slice3A_28 = vector.extract_strided_slice %get3A_1 {offsets = [0, 116], sizes = [1024, 16], strides = [1, 1]} : vector<1024x256xf32> to vector<1024x16xf32>
    %slice3A_29 = vector.extract_strided_slice %get3A_1 {offsets = [0, 132], sizes = [1024, 16], strides = [1, 1]} : vector<1024x256xf32> to vector<1024x16xf32>
    %integer_pow3A_30 = arith.mulf %slice3A_27, %slice3A_27 : vector<1024x16xf32>
    %integer_pow3A_31 = arith.mulf %slice3A_28, %slice3A_28 : vector<1024x16xf32>
    %add3A_32 = arith.addf %integer_pow3A_30, %integer_pow3A_31 : vector<1024x16xf32>
    %integer_pow3A_33 = arith.mulf %slice3A_29, %slice3A_29 : vector<1024x16xf32>
    %add3A_34 = arith.addf %add3A_32, %integer_pow3A_33 : vector<1024x16xf32>
    %max3A = arith.constant 9.99999993E-9 : f32
    %max3A_35 = vector.broadcast %max3A : f32 to vector<1024x16xf32>
    %max3A_36 = arith.maximumf %add3A_34, %max3A_35 : vector<1024x16xf32>
    %reduce_sum3A_37 = arith.constant dense<0.000000e+00> : vector<1024xf32>
    %reduce_sum3A_38 = vector.multi_reduction <add>, %max3A_36, %reduce_sum3A_37 [1] : vector<1024x16xf32> to vector<1024xf32>
    %broadcast_in_dim3A_39 = vector.shape_cast %reduce_sum3A_38 : vector<1024xf32> to vector<1024x1xf32>
    %div3A_40 = arith.constant 1.600000e+01 : f32
    %div3A_41 = vector.broadcast %div3A_40 : f32 to vector<1024x1xf32>
    %div3A_42 = arith.divf %broadcast_in_dim3A_39, %div3A_41 : vector<1024x1xf32>
    %sqrt3A_43 = math.sqrt %div3A_42 : vector<1024x1xf32>
    %div3A_44 = vector.broadcast %sqrt3A_43 : vector<1024x1xf32> to vector<1024x16xf32>
    %div3A_45 = arith.divf %slice3A_27, %div3A_44 : vector<1024x16xf32>
    %div3A_46 = vector.broadcast %sqrt3A_43 : vector<1024x1xf32> to vector<1024x16xf32>
    %div3A_47 = arith.divf %slice3A_28, %div3A_46 : vector<1024x16xf32>
    %div3A_48 = vector.broadcast %sqrt3A_43 : vector<1024x1xf32> to vector<1024x16xf32>
    %div3A_49 = arith.divf %slice3A_29, %div3A_48 : vector<1024x16xf32>
    %get3A_50 = arith.constant 0 : index
    %get3A_51 = arith.constant 0 : index
    %get3A_52 = vector.load %arg4[%get3A_50, %get3A_51] : memref<16x16xf32, #tpu.memory_space<vmem>>, vector<16x16xf32>
    %dot_general3A = arith.constant dense<0.000000e+00> : vector<1024x16xf32>
    %dot_general3A_53 = tpu.matmul %div3A_45, %get3A_52, %dot_general3A {dimension_numbers = #tpu.dot_dimension_numbers<[1], [0], [0], [1], [0, 0, 1, 1], [], []>, transpose_lhs_hint = false} : vector<1024x16xf32>, vector<16x16xf32>, vector<1024x16xf32> -> vector<1024x16xf32>
    %get3A_54 = arith.constant 0 : index
    %get3A_55 = arith.constant 0 : index
    %get3A_56 = vector.load %arg4[%get3A_54, %get3A_55] : memref<16x16xf32, #tpu.memory_space<vmem>>, vector<16x16xf32>
    %dot_general3A_57 = arith.constant dense<0.000000e+00> : vector<1024x16xf32>
    %dot_general3A_58 = tpu.matmul %div3A_47, %get3A_56, %dot_general3A_57 {dimension_numbers = #tpu.dot_dimension_numbers<[1], [0], [0], [1], [0, 0, 1, 1], [], []>, transpose_lhs_hint = false} : vector<1024x16xf32>, vector<16x16xf32>, vector<1024x16xf32> -> vector<1024x16xf32>
    %get3A_59 = arith.constant 0 : index
    %get3A_60 = arith.constant 0 : index
    %get3A_61 = vector.load %arg4[%get3A_59, %get3A_60] : memref<16x16xf32, #tpu.memory_space<vmem>>, vector<16x16xf32>
    %dot_general3A_62 = arith.constant dense<0.000000e+00> : vector<1024x16xf32>
    %dot_general3A_63 = tpu.matmul %div3A_49, %get3A_61, %dot_general3A_62 {dimension_numbers = #tpu.dot_dimension_numbers<[1], [0], [0], [1], [0, 0, 1, 1], [], []>, transpose_lhs_hint = false} : vector<1024x16xf32>, vector<16x16xf32>, vector<1024x16xf32> -> vector<1024x16xf32>
    %integer_pow3A_64 = arith.mulf %dot_general3A_53, %dot_general3A_53 : vector<1024x16xf32>
    %integer_pow3A_65 = arith.mulf %dot_general3A_58, %dot_general3A_58 : vector<1024x16xf32>
    %add3A_66 = arith.addf %integer_pow3A_64, %integer_pow3A_65 : vector<1024x16xf32>
    %integer_pow3A_67 = arith.mulf %dot_general3A_63, %dot_general3A_63 : vector<1024x16xf32>
    %add3A_68 = arith.addf %add3A_66, %integer_pow3A_67 : vector<1024x16xf32>
    %max3A_69 = arith.constant 9.99999993E-9 : f32
    %max3A_70 = vector.broadcast %max3A_69 : f32 to vector<1024x16xf32>
    %max3A_71 = arith.maximumf %add3A_68, %max3A_70 : vector<1024x16xf32>
    %sqrt3A_72 = math.sqrt %max3A_71 : vector<1024x16xf32>
    %get3A_73 = arith.constant 0 : index
    %get3A_74 = arith.constant 0 : index
    %get3A_75 = vector.load %arg5[%get3A_73, %get3A_74] : memref<100x100xf32, #tpu.memory_space<vmem>>, vector<100x100xf32>
    %dot_general3A_76 = arith.constant dense<0.000000e+00> : vector<1024x100xf32>
    %dot_general3A_77 = tpu.matmul %add3A_26, %get3A_75, %dot_general3A_76 {dimension_numbers = #tpu.dot_dimension_numbers<[1], [0], [0], [1], [0, 0, 1, 1], [], []>, transpose_lhs_hint = false} : vector<1024x100xf32>, vector<100x100xf32>, vector<1024x100xf32> -> vector<1024x100xf32>
    %get3A_78 = arith.constant 0 : index
    %get3A_79 = arith.constant 0 : index
    %get3A_80 = vector.load %arg6[%get3A_78, %get3A_79] : memref<16x100xf32, #tpu.memory_space<vmem>>, vector<16x100xf32>
    %dot_general3A_81 = arith.constant dense<0.000000e+00> : vector<1024x100xf32>
    %dot_general3A_82 = tpu.matmul %sqrt3A_72, %get3A_80, %dot_general3A_81 {dimension_numbers = #tpu.dot_dimension_numbers<[1], [0], [0], [1], [0, 0, 1, 1], [], []>, transpose_lhs_hint = false} : vector<1024x16xf32>, vector<16x100xf32>, vector<1024x100xf32> -> vector<1024x100xf32>
    %add3A_83 = arith.addf %dot_general3A_77, %dot_general3A_82 : vector<1024x100xf32>
    %get3A_84 = arith.constant 0 : index
    %get3A_85 = arith.constant 0 : index
    %get3A_86 = vector.load %arg7[%get3A_84, %get3A_85] : memref<1x100xf32, #tpu.memory_space<vmem>>, vector<1x100xf32>
    %add3A_87 = vector.broadcast %get3A_86 : vector<1x100xf32> to vector<1024x100xf32>
    %add3A_88 = arith.addf %add3A_83, %add3A_87 : vector<1024x100xf32>
    %max3A_89 = arith.constant 0.000000e+00 : f32
    %max3A_90 = vector.broadcast %max3A_89 : f32 to vector<1024x100xf32>
    %max3A_91 = arith.maximumf %add3A_88, %max3A_90 : vector<1024x100xf32>
    %swap3A = arith.constant 0 : index
    %swap3A_92 = arith.constant 0 : index
    %swap3A_93 = vector.load %arg8[%swap3A, %swap3A_92] : memref<1024x100xf32, #tpu.memory_space<vmem>>, vector<1024x100xf32>
    tpu.vector_store %arg8[%swap3A, %swap3A_92], %max3A_91 {strides = array<i32>} : memref<1024x100xf32, #tpu.memory_space<vmem>>, vector<1024x100xf32>,
    return
  }
  func.func @transform_0(%arg0: i32) -> (i32, i32) {
    %c0_i32 = arith.constant 0 : i32
    %c0_i32_0 = arith.constant 0 : i32
    return %arg0, %c0_i32 : i32, i32
  }
  func.func @transform_1(%arg0: i32) -> (i32, i32) {
    %c0_i32 = arith.constant 0 : i32
    %c0_i32_0 = arith.constant 0 : i32
    %c0_i32_1 = arith.constant 0 : i32
    return %c0_i32, %c0_i32_0 : i32, i32
  }
  func.func @transform_2(%arg0: i32) -> (i32, i32) {
    %c0_i32 = arith.constant 0 : i32
    %c0_i32_0 = arith.constant 0 : i32
    %c0_i32_1 = arith.constant 0 : i32
    return %c0_i32, %c0_i32_0 : i32, i32
  }
  func.func @transform_3(%arg0: i32) -> (i32, i32) {
    %c0_i32 = arith.constant 0 : i32
    %c0_i32_0 = arith.constant 0 : i32
    %c0_i32_1 = arith.constant 0 : i32
    return %c0_i32, %c0_i32_0 : i32, i32
  }
  func.func @transform_4(%arg0: i32) -> (i32, i32) {
    %c0_i32 = arith.constant 0 : i32
    %c0_i32_0 = arith.constant 0 : i32
    %c0_i32_1 = arith.constant 0 : i32
    return %c0_i32, %c0_i32_0 : i32, i32
  }
  func.func @transform_5(%arg0: i32) -> (i32, i32) {
    %c0_i32 = arith.constant 0 : i32
    %c0_i32_0 = arith.constant 0 : i32
    %c0_i32_1 = arith.constant 0 : i32
    return %c0_i32, %c0_i32_0 : i32, i32
  }
  func.func @transform_6(%arg0: i32) -> (i32, i32) {
    %c0_i32 = arith.constant 0 : i32
    %c0_i32_0 = arith.constant 0 : i32
    %c0_i32_1 = arith.constant 0 : i32
    return %c0_i32, %c0_i32_0 : i32, i32
  }
  func.func @transform_7(%arg0: i32) -> (i32, i32) {
    %c0_i32 = arith.constant 0 : i32
    %c0_i32_0 = arith.constant 0 : i32
    return %arg0, %c0_i32 : i32, i32
  }
}

</mosaic_0001>

<sc_bundles>
// kernel: kernel.20.cloned.1.call-start
scs
__scs_entry_jumppad:
0x0: {  	(pc) =	sbr.rel $0x88, $3  }
0x1: {  	(tag) =	ssettag $0x0;
	lr =	simm.s32 $0x1  }
0x2: {  	[smem:$0x3F42] =	sst lr;
	_ =	strace $0xD0000000  }
0x3: {  	_ = 	snop  }
0x4: {  	_ = 	snop  }
0x5: {  	_ = 	snop  }
0x6: {  	_ = 	snop  }
0x7: {  	_ = 	snop  }
__scs_overlays_trampoline_lowered:
0x8: {  	[smem:$0x3F51] =	sst s0  }
0x9: {  	[smem:$0x3F52] =	sst s1  }
0xa: {  	[smem:$0x3F53] =	sst s2  }
0xb: {  	[smem:$0x3F54] =	sst s3  }
0xc: {  	[smem:$0x3F55] =	sst s4  }
0xd: {  	[smem:$0x3F56] =	sst s5  }
0xe: {  	[smem:$0x3F57] =	sst s6  }
0xf: {  	[smem:$0x3F58] =	sst s7  }
0x10: {  	[smem:$0x3F59] =	sst s8  }
0x11: {  	[smem:$0x3F5A] =	sst s9;
	s0 =	simm.s32 @!p0 $0x0  }
0x12: {  	s1 =	sld [smem:$0x3F40];
	s0 =	simm.s32 @p0 $0x1  }
0x13: {  	[smem:$0x3F5B] =	sst s0;
	s0 =	simm.s32 @!p1 $0x0  }
0x14: {  	s2 =	sld [smem:$0x3F3F];
	s0 =	simm.s32 @p1 $0x1  }
0x15: {  	[smem:$0x3F5C] =	sst s0;
	s0 =	simm.s32 @!p2 $0x0  }
0x16: {  	s3 =	sld [smem:$0x3FDB];
	s0 =	simm.s32 @p2 $0x1  }
0x17: {  	s4 =	simm.s32 $0x1BF5;
	[smem:$0x3F5E] =	sst s0  }
0x18: {  	s0 =	sld [smem:$0x3F41];
	_ =	swait.ge [sflag:s4], $0x0  }
0x19: {  	s7 =	sld [smem:$0x3F42]  }
0x1a: {  	s8 =	sadd.s32 $0xFFFFE003, lr  }
0x1b: {  	s9 =	sadd.s32 $0xFFFFFEF7, lr;
	s5 =	simm.s32 $0xFFFFFFFF;
	p2 =	slt.u32 s8, $0xFFFFF086  }
0x1c: {  	p1 =	slt.u32 s9, $0xF7A;
	s5 =	simm.s32 @!p2 $0x0  }
0x1d: {  	s5 =	simm.s32 @p1 $0x1;
	p0 =	seq.s32 s7, s2  }
0x1e: {  	s7 =	smul.u32 @!p0 $0xF7A, s2;
	p2 =	seq.s32 @!p0 s5, $0x0  }
0x1f: {  	s9 =	smul.u32 $0xF7A, s1;
	s8 =	simm.s32 @!p0 $0x1BF5;
	p2 =	por !p2, p0  }
0x20: {  	[sflag:s8] =	ssyncset.s32 @!p0 $0xFFFFF086;
	s6 =	sadd.s32 @!p0 s3, s7;
	s7 =	simm.s32 @!p0 $0x108  }
0x21: {  	s3 =	sadd.s32 s3, s9;
	s6 =	sadd.s32 @!p0 $0x88, s6;
	s7 =	simm.s32 @p2 $0x1082  }
0x22: {  	[simem:s7], [sflag:s8] =	dma.local @!p0 [hbm:s6], $0xF7A  }
0x23: {  	s9 =	sor.u32 $0xD0000000, s2;
	s6 =	simm.s32 $0x108;
	_ =	swait.ge @!p0 [sflag:s8], $0x0  }
0x24: {  	s3 =	sadd.s32 $0x88, s3;
	s6 =	simm.s32 @!p1 $0x1082;
	[sflag:s4] =	ssyncset.s32 $0xFFFFF086  }
0x25: {  	[simem:s6], [sflag:s4] =	dma.local [hbm:s3], $0xF7A  }
0x26: {  	[smem:$0x3F42] =	sst s1;
	(tag) =	ssettag s2;
	_ =	strace s9  }
0x27: {  	s1 =	sld [smem:$0x3F52]  }
0x28: {  	s2 =	sld [smem:$0x3F53]  }
0x29: {  	s4 =	sld [smem:$0x3F55]  }
0x2a: {  	p0 =	seq.s32 s5, $0x0;
	s5 =	sld [smem:$0x3F56]  }
0x2b: {  	s6 =	sld [smem:$0x3F57]  }
0x2c: {  	s7 =	sld [smem:$0x3F58]  }
0x2d: {  	s3 =	simm.s32 $0x108;
	s8 =	sld [smem:$0x3F59]  }
0x2e: {  	s3 =	simm.s32 @!p0 $0x1082;
	s9 =	sld [smem:$0x3F5A]  }
0x2f: {  	lr =	sadd.s32 s0, s3;
	s0 =	sld [smem:$0x3F51]  }
0x30: {  	s3 =	sld [smem:$0x3F54]  }
0x31: {  	[smem:$0x3F5D] =	sst s10  }
0x32: {  	s10 =	sld [smem:$0x3F5B];
	_ =	sdelay $0x3  }
0x33: {  	p0 =	seq.s32 s10, $0x1;
	s10 =	sld [smem:$0x3F5D];
	_ =	sdelay $0x3  }
0x34: {  	[smem:$0x3F5D] =	sst s10  }
0x35: {  	s10 =	sld [smem:$0x3F5C];
	_ =	sdelay $0x3  }
0x36: {  	p1 =	seq.s32 s10, $0x1;
	s10 =	sld [smem:$0x3F5D];
	_ =	sdelay $0x3  }
0x37: {  	[smem:$0x3F5D] =	sst s10  }
0x38: {  	s10 =	sld [smem:$0x3F5E]  }
0x39: {  	_ = 	snop;
	(pc) =	sbr.ind lr, $3  }
0x3a: {  	_ = 	snop  }
0x3b: {  	_ = 	snop  }
0x3c: {  	p2 =	seq.s32 s10, $0x1;
	s10 =	sld [smem:$0x3F5D]  }
0x3d: {  	_ =	shalt  }
0x3e: {  	_ =	shalt  }
0x3f: {  	_ =	shalt  }
0x40: {  	_ =	shalt  }
0x41: {  	_ =	shalt  }
0x42: {  	_ =	shalt  }
0x43: {  	_ =	shalt  }
0x44: {  	_ =	shalt  }
0x45: {  	_ =	shalt  }
0x46: {  	_ =	shalt  }
0x47: {  	_ =	shalt  }
0x48: {  	_ =	shalt  }
0x49: {  	_ =	shalt  }
0x4a: {  	_ =	shalt  }
0x4b: {  	_ =	shalt  }
0x4c: {  	_ =	shalt  }
0x4d: {  	_ =	shalt  }
0x4e: {  	_ =	shalt  }
0x4f: {  	_ =	shalt  }
0x50: {  	_ =	shalt  }
0x51: {  	_ =	shalt  }
0x52: {  	_ =	shalt  }
0x53: {  	_ =	shalt  }
0x54: {  	_ =	shalt  }
0x55: {  	_ =	shalt  }
0x56: {  	_ =	shalt  }
0x57: {  	_ =	shalt  }
0x58: {  	_ =	shalt  }
0x59: {  	_ =	shalt  }
0x5a: {  	_ =	shalt  }
0x5b: {  	_ =	shalt  }
0x5c: {  	_ =	shalt  }
0x5d: {  	_ =	shalt  }
0x5e: {  	_ =	shalt  }
0x5f: {  	_ =	shalt  }
0x60: {  	_ =	shalt  }
0x61: {  	_ =	shalt  }
0x62: {  	_ =	shalt  }
0x63: {  	_ =	shalt  }
0x64: {  	_ =	shalt  }
0x65: {  	_ =	shalt  }
0x66: {  	_ =	shalt  }
0x67: {  	_ =	shalt  }
0x68: {  	_ =	shalt  }
0x69: {  	_ =	shalt  }
0x6a: {  	_ =	shalt  }
0x6b: {  	_ =	shalt  }
0x6c: {  	_ =	shalt  }
0x6d: {  	_ =	shalt  }
0x6e: {  	_ =	shalt  }
0x6f: {  	_ =	shalt  }
0x70: {  	_ =	shalt  }
0x71: {  	_ =	shalt  }
0x72: {  	_ =	shalt  }
0x73: {  	_ =	shalt  }
0x74: {  	_ =	shalt  }
0x75: {  	_ =	shalt  }
0x76: {  	_ =	shalt  }
0x77: {  	_ =	shalt  }
0x78: {  	_ =	shalt  }
0x79: {  	_ =	shalt  }
0x7a: {  	_ =	shalt  }
0x7b: {  	_ =	shalt  }
0x7c: {  	_ =	shalt  }
0x7d: {  	_ =	shalt  }
0x7e: {  	_ =	shalt  }
0x7f: {  	_ =	shalt  }
0x80: {  	_ =	shalt  }
0x81: {  	_ =	shalt  }
0x82: {  	_ =	shalt  }
0x83: {  	_ =	shalt  }
0x84: {  	_ =	shalt  }
0x85: {  	_ =	shalt  }
0x86: {  	_ =	shalt  }
0x87: {  	_ =	shalt  }
.Lfunc_end0:
.L_simem_size_0:
called_computation_lowered:
.L_overlay_start_0:
0x88: {  	s2 =	sld [smem:$0x3FD9]  }
0x89: {  	s3 =	sld [smem:$0x3FFE];
	_ =	sdelay $0x1  }
0x8a: {  	s1 =	srdreg.scid  }
0x8b: {  	s0 =	sand.u32 $0x1, s1  }
0x8c: {  	s17 =	sshll.u32 s0, $0xA;
	s2 =	sadd.s32 s3, s2  }
0x8d: {  	s2 =	sadd.s32 s2, s17  }
0x8e: {  	[smem:$0x3F69] =	sst s2  }
0x8f: {  	_ = 	snop  }
0x90: {  	s2 =	sld [smem:$0x3FD0];
	(tm) =	ssettm $0x1  }
0x91: {  	s18 =	sld [smem:$0x3FFB];
	_ =	sdelay $0x3  }
0x92: {  	_ =	strace s18  }
0x93: {  	s3 =	sld [smem:$0x3FFC];
	_ =	sdelay $0x3  }
0x94: {  	_ =	strace s3  }
0x95: {  	s3 =	sld [smem:$0x3FFD];
	_ =	sdelay $0x3  }
0x96: {  	_ =	strace s3  }
0x97: {  	_ =	strace $0x8FFFFFFF  }
0x98: {  	s19 =	sld [smem:$0x3FDB];
	_ =	sdelay $0x1  }
0x99: {  	s4 =	simm.s32 $_scs_section_size  }
0x9a: {  	s5 =	simm.s32 $_size__tile_overlayer_lowered;
	s6 =	simm.s32 $_tile_overlayer_lowered  }
0x9b: {  	s22 =	simm.s32 $0x1BFF;
	s21 =	sshll.u32 s6, $0x1;
	s3 =	sadd.s32 s4, s19  }
0x9c: {  	s7 =	simm.s32 $0x0;
	s20 =	sshll.u32 s5, $0x1;
	s5 =	sadd.s32 s21, s3  }
0x9d: {  	[timem:s7], [sflag:s22] =	dma.local [hbm:s5], s20  }
0x9e: {  	_ =	swait.ge [sflag:s22], s20  }
0x9f: {  	s4 =	ssub.s32 $0x0, s20;
	[sflag:s22] =	ssyncset.done $0x0  }
0xa0: {  	[sflag:s22] =	ssyncadd.s32 s4;
	_ =	sdelay $0x1  }
0xa1: {  	s23 =	simm.s32 $0x1B8B  }
0xa2: {  	_ =	swait.ge [sflag:s23], $0x1  }
0xa3: {  	[sflag:s23] =	ssyncset.done $0x0  }
0xa4: {  	s25 =	simm.s32 $0x1B8E;
	s24 =	sld [smem:$0x3FFE];
	[sflag:s23] =	ssyncadd.s32 $0xFFFFFFFF  }
0xa5: {  	s26 =	simm.s32 $execute0_lowered;
	[smem:$0x3FD2] =	sst s25  }
0xa6: {  	s5 =	sshll.u32 s26, $0x1;
	_ =	strace $0x80000046;
	[dreg:$0x1] =	wrdreg $0xFFFFFFFF  }
0xa7: {  	s28 =	simm.s32 $_size_execute0_lowered;
	s3 =	sadd.s32 s3, s5;
	[dreg:$0x0] =	wrdreg $0x0  }
0xa8: {  	s5 =	sshll.u32 s28, $0x1;
	[dreg:$0x2] =	wrdreg s3  }
0xa9: {  	[dreg:$0x3] =	wrdreg s5  }
0xaa: {  	[dreg:$0x4] =	wrdreg $0xC0  }
0xab: {  	_ =	task [dreg:s7], $0x5FFFF  }
0xac: {  	[dreg:$0x1] =	wrdreg $0xFFFFFFFF  }
0xad: {  	[dreg:$0x0] =	wrdreg $0x60  }
0xae: {  	[dreg:$0x2] =	wrdreg s24  }
0xaf: {  	[dreg:$0x3] =	wrdreg s2  }
0xb0: {  	[dreg:$0x4] =	wrdreg $0x9  }
0xb1: {  	_ =	task.clear_ibuf [dreg:s7], $0x5FFFF;
	_ =	strace $0x90000046  }
0xb2: {  	s29 =	simm.s32 $0x9;
	_ =	strace $0x80000048  }
0xb3: {  	_ =	swait.ge [sflag:s29], $0x1  }
0xb4: {  	[sflag:s29] =	ssyncadd.s32 $0xFFFFFFFF  }
0xb5: {  	_ =	strace $0x90000048  }
0xb6: {  	_ =	sfence  }
0xb7: {  	s30 =	sld [smem:$0x0];
	_ =	sdelay $0x2  }
0xb8: {  	s31 =	sshll.u32 s1, $0xD;
	s1 =	sshrl.u32 s1, $0x2  }
0xb9: {  	s3 =	sand.u32 $0x4000, s31;
	s1 =	sadd.s32 s1, s30  }
0xba: {  	s0 =	sor.u32 s3, s0;
	s1 =	sshll.u32 s1, $0x11  }
0xbb: {  	s0 =	sor.u32 s1, s0  }
0xbc: {  	s0 =	sadd.s32 $0x8F2B, s0  }
0xbd: {  	[sflag:s0] =	ssyncadd.remote.s32 $0x1  }
0xbe: {  	_ =	sfence.sel $0xFFFF  }
0xbf: {  	[dreg:$0x0] =	wrdreg $0xFFFFFFFF;
	(pc) =	sbr.abs _section_cstart, $3  }
0xc0: {  	[dreg:$0x1] =	wrdreg $0xFFFFFFFF  }
0xc1: {  	_ =	task.clear_ibuf [dreg:s7], $0x2FFFF;
	_ =	strace $0x9FFFFFFF  }
0xc2: {  	(tm) =	ssettm $0x7FFFFFFF  }
0xc3: {  	_ =	shalt  }
tec
execute0_lowered:
.L_overlay_start_1:
0x0: {  	(tag) =	ssettag $0x1  }
0x1: {  	s4 =	rddreg [dreg:$0x0]  }
0x2: {  	s5 =	rddreg [dreg:$0x1]  }
0x3: {  	s0 =	rddreg [dreg:$0x2]  }
0x4: {  	s2 =	simm.s32 $0x0;
	s1 =	stileid.u32;
	s3 =	srdreg.scid  }
0x5: {  	s12 =	simm.s32 $0x2080;
	s13 =	simm.s32 $0x2880;
	s14 =	simm.s32 $0x3080  }
0x6: {  	s15 =	simm.s32 $0x3880;
	s16 =	simm.s32 $0x4080;
	s17 =	simm.s32 $0x4880  }
0x7: {  	s18 =	simm.s32 $0x5080;
	s19 =	simm.s32 $0x5880;
	s20 =	simm.s32 $0x6080  }
0x8: {  	s21 =	simm.s32 $0x6880;
	s22 =	simm.s32 $0x7080;
	s23 =	simm.s32 $0x7880  }
0x9: {  	s24 =	simm.s32 $0x1;
	s25 =	simm.s32 $0x0;
	s6 =	smul.u32 $0xA0000, s1  }
0xa: {  	[smem:$0x7FF] =	sst s2;
	s7 =	sand.u32 $0x1, s3;
	s11 =	smul.u32 $0xA00, s1  }
0xb: {  	s3 =	sadd.s32 $0x11400, s4;
	s8 =	ssub.s32 $0x2, s7;
	s9 =	smul.u32 $0x50000, s7  }
0xc: {  	_ =	strace $0x80000047;
	s7 =	smul.u32 $0x500, s7;
	s10 =	sshrl.u32 s8, $0x1  }
0xd: {  	s6 =	sadd.s32 s6, s4;
	s31 =	sadd.s32 s11, s5;
	s11 =	simm.s32 $0x1880  }
0xe: {  	v2 =	vlaneseq.u32;
	s30 =	ssub.s32 s8, s10;
	s6 =	sadd.s32 s9, s6;
	s8 =	simm.s32 $0x80  }
0xf: {  	vm0 =	vmmov $0xffff;
	v1 =	vshrl.u32 v2, $0x3;
	s9 =	simm.s32 $0x880;
	s10 =	simm.s32 $0x1080;
	s4 =	smax.u32 s30, $0x1  }
0x10: {  	v0 =	vand.u32 $0x7, v2;
	v2 =	vor.u32 $0x8, v2;
	v1 =	vmul.u32 $0x8, v1;
	s5 =	sadd.s32 $0x61400, s6;
	s6 =	sadd.s32 s7, s31;
	s7 =	simm.s32 $0x2  }
.LBB2_1:
0x11: {  	s26 =	smov.u32 s5;
	s28 =	simm.s32 $0x0  }
.LBB2_2:
0x12: {  	s29 =	sadd.s32 s28, s6  }
0x13: {  	[tilespmem:s2], [sflag:$0x2] =	stream.linear.gather [hbm4b:s29+s2], $0x80, $0x38;
	[tilespmem:$0x8080] =	vst v63  }
0x14: {  	_ =	swait.ge [sflag:s7], $0x80  }
0x15: {  	[sflag:s7] =	ssyncset.done $0x0  }
0x16: {  	[sflag:s7] =	ssyncadd.s32 $0xFFFFFF80  }
0x17: {  	v3 =	vld [tilespmem:$0x0];
	_ =	sdelay $0x4  }
0x18: {  	v4 =	vshll.u32 v3, $0x1  }
0x19: {  	v3 =	vand.u32 $0x7, v3;
	v4 =	vand.u32 $0xFFFFFFF0, v4  }
0x1a: {  	v3 =	vor.u32 v3, v4  }
0x1b: {  	v4 =	vperm.xlane v3, v0;
	_ =	sdelay $0x1  }
0x1c: {  	v3 =	vperm.xlane v3, v2;
	v4 =	vadd.s32 v1, v4;
	_ =	sdelay $0x1  }
0x1d: {  	v3 =	vadd.s32 v1, v3;
	_ =	sdelay $0x2  }
0x1e: {  	[tilespmem:s8], [sflag:$0x1] =	stream.indirect_vreg.gather [hbm4b:s3+s2], $0x80, v4, vm0, $0xb8;
	[tilespmem:$0x8080] =	vst v63  }
0x1f: {  	_ = 	snop  }
0x20: {  	[tilespmem:s9], [sflag:$0x1] =	stream.indirect_vreg.gather [hbm4b:s3+s2], $0x80, v3, vm0, $0xb8;
	[tilespmem:$0x8080] =	vst v63  }
0x21: {  	v3 =	vld [tilespmem:$0x10];
	_ =	sdelay $0x4  }
0x22: {  	v57 =	vshll.u32 v3, $0x1  }
0x23: {  	v3 =	vand.u32 $0x7, v3;
	v4 =	vand.u32 $0xFFFFFFF0, v57  }
0x24: {  	v3 =	vor.u32 v3, v4  }
0x25: {  	v4 =	vperm.xlane v3, v0;
	_ =	sdelay $0x1  }
0x26: {  	v3 =	vperm.xlane v3, v2;
	v4 =	vadd.s32 v1, v4;
	_ =	sdelay $0x1  }
0x27: {  	v3 =	vadd.s32 v1, v3;
	_ =	sdelay $0x2  }
0x28: {  	[tilespmem:s10], [sflag:$0x1] =	stream.indirect_vreg.gather [hbm4b:s3+s2], $0x80, v4, vm0, $0xb8;
	[tilespmem:$0x8080] =	vst v63  }
0x29: {  	_ = 	snop  }
0x2a: {  	[tilespmem:s11], [sflag:$0x1] =	stream.indirect_vreg.gather [hbm4b:s3+s2], $0x80, v3, vm0, $0xb8;
	[tilespmem:$0x8080] =	vst v63  }
0x2b: {  	v3 =	vld [tilespmem:$0x20];
	_ =	sdelay $0x4  }
0x2c: {  	v58 =	vshll.u32 v3, $0x1  }
0x2d: {  	v3 =	vand.u32 $0x7, v3;
	v4 =	vand.u32 $0xFFFFFFF0, v58  }
0x2e: {  	v3 =	vor.u32 v3, v4  }
0x2f: {  	v4 =	vperm.xlane v3, v0;
	_ =	sdelay $0x1  }
0x30: {  	v3 =	vperm.xlane v3, v2;
	v4 =	vadd.s32 v1, v4;
	_ =	sdelay $0x1  }
0x31: {  	v3 =	vadd.s32 v1, v3;
	_ =	sdelay $0x2  }
0x32: {  	[tilespmem:s12], [sflag:$0x1] =	stream.indirect_vreg.gather [hbm4b:s3+s2], $0x80, v4, vm0, $0xb8;
	[tilespmem:$0x8080] =	vst v63  }
0x33: {  	_ = 	snop  }
0x34: {  	[tilespmem:s13], [sflag:$0x1] =	stream.indirect_vreg.gather [hbm4b:s3+s2], $0x80, v3, vm0, $0xb8;
	[tilespmem:$0x8080] =	vst v63  }
0x35: {  	v3 =	vld [tilespmem:$0x30];
	_ =	sdelay $0x4  }
0x36: {  	v59 =	vshll.u32 v3, $0x1  }
0x37: {  	v3 =	vand.u32 $0x7, v3;
	v4 =	vand.u32 $0xFFFFFFF0, v59  }
0x38: {  	v3 =	vor.u32 v3, v4  }
0x39: {  	v4 =	vperm.xlane v3, v0;
	_ =	sdelay $0x1  }
0x3a: {  	v3 =	vperm.xlane v3, v2;
	v4 =	vadd.s32 v1, v4;
	_ =	sdelay $0x1  }
0x3b: {  	v3 =	vadd.s32 v1, v3;
	_ =	sdelay $0x2  }
0x3c: {  	[tilespmem:s14], [sflag:$0x1] =	stream.indirect_vreg.gather [hbm4b:s3+s2], $0x80, v4, vm0, $0xb8;
	[tilespmem:$0x8080] =	vst v63  }
0x3d: {  	_ = 	snop  }
0x3e: {  	[tilespmem:s15], [sflag:$0x1] =	stream.indirect_vreg.gather [hbm4b:s3+s2], $0x80, v3, vm0, $0xb8;
	[tilespmem:$0x8080] =	vst v63  }
0x3f: {  	v3 =	vld [tilespmem:$0x40];
	_ =	sdelay $0x4  }
0x40: {  	v60 =	vshll.u32 v3, $0x1  }
0x41: {  	v3 =	vand.u32 $0x7, v3;
	v4 =	vand.u32 $0xFFFFFFF0, v60  }
0x42: {  	v3 =	vor.u32 v3, v4  }
0x43: {  	v4 =	vperm.xlane v3, v0;
	_ =	sdelay $0x1  }
0x44: {  	v3 =	vperm.xlane v3, v2;
	v4 =	vadd.s32 v1, v4;
	_ =	sdelay $0x1  }
0x45: {  	v3 =	vadd.s32 v1, v3;
	_ =	sdelay $0x2  }
0x46: {  	[tilespmem:s16], [sflag:$0x1] =	stream.indirect_vreg.gather [hbm4b:s3+s2], $0x80, v4, vm0, $0xb8;
	[tilespmem:$0x8080] =	vst v63  }
0x47: {  	_ = 	snop  }
0x48: {  	[tilespmem:s17], [sflag:$0x1] =	stream.indirect_vreg.gather [hbm4b:s3+s2], $0x80, v3, vm0, $0xb8;
	[tilespmem:$0x8080] =	vst v63  }
0x49: {  	v3 =	vld [tilespmem:$0x50];
	_ =	sdelay $0x4  }
0x4a: {  	v61 =	vshll.u32 v3, $0x1  }
0x4b: {  	v3 =	vand.u32 $0x7, v3;
	v4 =	vand.u32 $0xFFFFFFF0, v61  }
0x4c: {  	v3 =	vor.u32 v3, v4  }
0x4d: {  	v4 =	vperm.xlane v3, v0;
	_ =	sdelay $0x1  }
0x4e: {  	v3 =	vperm.xlane v3, v2;
	v4 =	vadd.s32 v1, v4;
	_ =	sdelay $0x1  }
0x4f: {  	v3 =	vadd.s32 v1, v3;
	_ =	sdelay $0x2  }
0x50: {  	[tilespmem:s18], [sflag:$0x1] =	stream.indirect_vreg.gather [hbm4b:s3+s2], $0x80, v4, vm0, $0xb8;
	[tilespmem:$0x8080] =	vst v63  }
0x51: {  	_ = 	snop  }
0x52: {  	[tilespmem:s19], [sflag:$0x1] =	stream.indirect_vreg.gather [hbm4b:s3+s2], $0x80, v3, vm0, $0xb8;
	[tilespmem:$0x8080] =	vst v63  }
0x53: {  	v3 =	vld [tilespmem:$0x60];
	_ =	sdelay $0x4  }
0x54: {  	v62 =	vshll.u32 v3, $0x1  }
0x55: {  	v3 =	vand.u32 $0x7, v3;
	v4 =	vand.u32 $0xFFFFFFF0, v62  }
0x56: {  	v3 =	vor.u32 v3, v4  }
0x57: {  	v4 =	vperm.xlane v3, v0;
	_ =	sdelay $0x1  }
0x58: {  	v3 =	vperm.xlane v3, v2;
	v4 =	vadd.s32 v1, v4;
	_ =	sdelay $0x1  }
0x59: {  	v3 =	vadd.s32 v1, v3;
	_ =	sdelay $0x2  }
0x5a: {  	[tilespmem:s20], [sflag:$0x1] =	stream.indirect_vreg.gather [hbm4b:s3+s2], $0x80, v4, vm0, $0xb8;
	[tilespmem:$0x8080] =	vst v63  }
0x5b: {  	_ = 	snop  }
0x5c: {  	[tilespmem:s21], [sflag:$0x1] =	stream.indirect_vreg.gather [hbm4b:s3+s2], $0x80, v3, vm0, $0xb8;
	[tilespmem:$0x8080] =	vst v63  }
0x5d: {  	v3 =	vld [tilespmem:$0x70];
	_ =	sdelay $0x4  }
0x5e: {  	v63 =	vshll.u32 v3, $0x1  }
0x5f: {  	v3 =	vand.u32 $0x7, v3;
	v4 =	vand.u32 $0xFFFFFFF0, v63  }
0x60: {  	v3 =	vor.u32 v3, v4  }
0x61: {  	v4 =	vperm.xlane v3, v0;
	_ =	sdelay $0x1  }
0x62: {  	v3 =	vperm.xlane v3, v2;
	v4 =	vadd.s32 v1, v4;
	_ =	sdelay $0x1  }
0x63: {  	v3 =	vadd.s32 v1, v3;
	_ =	sdelay $0x2  }
0x64: {  	[tilespmem:s22], [sflag:$0x1] =	stream.indirect_vreg.gather [hbm4b:s3+s2], $0x80, v4, vm0, $0xb8;
	[tilespmem:$0x8080] =	vst v63  }
0x65: {  	_ = 	snop  }
0x66: {  	[tilespmem:s23], [sflag:$0x1] =	stream.indirect_vreg.gather [hbm4b:s3+s2], $0x80, v3, vm0, $0xb8;
	[tilespmem:$0x8080] =	vst v63  }
0x67: {  	_ =	swait.ge [sflag:s24], $0x8000  }
0x68: {  	p0 =	sne.s32 s28, $0x4F0;
	[sflag:s24] =	ssyncset.done $0x0  }
.Ltmp0:
0x69: {  	[sflag:s24] =	ssyncadd.s32 $0xFFFF8000;
	(pc) =	sbr.rel @p0 .LBB2_2-.Ltmp0, $4  }
0x6a: {  	[hbm4b:s26+s2] =	stream.linear.scatter [tilespmem:s8], [sflag:$0x2], $0x8000, $0x38;
	[tilespmem:$0x8080] =	vst v63  }
0x6b: {  	_ =	swait.ge [sflag:s7], $0x8000  }
0x6c: {  	[sflag:s7] =	ssyncset.done $0x0  }
0x6d: {  	s28 =	sadd.s32 $0x10, s28;
	s26 =	sadd.s32 $0x1000, s26;
	[sflag:s7] =	ssyncadd.s32 $0xFFFF8000  }
0x6e: {  	s25 =	sadd.s32 $0x1, s25  }
0x6f: {  	p0 =	sne.s32 s25, s4  }
.Ltmp1:
0x70: {  	_ = 	snop;
	(pc) =	sbr.rel @p0 .LBB2_1-.Ltmp1, $1  }
0x71: {  	_ =	sdelay $0x3  }
0x72: {  	_ =	sfence.sel $0x180000  }
0x73: {  	[bflag:$0x0] =	sbarrier.arrive $0xFFFF  }
0x74: {  	p0 =	sne.s32 s1, $0x0;
	_ =	strace $0x90000047  }
0x75: {  	s0 =	sadd.s32 @!p0 $0x100000, s0;
	[bflag:$0x2] =	sbarrier.arrive $0xFFFF  }
0x76: {  	[sflag:s0] =	ssyncadd.tile.s32 @!p0 $0x1;
	_ =	shalt  }
.Lfunc_end2:
_tile_overlayer_lowered:
.L_overlay_start_2:
0x77: {  	(tag) =	ssettag $0x2  }
0x78: {  	s0 =	rddreg [dreg:$0x0];
	s2 =	stileid.u32  }
0x79: {  	s1 =	rddreg [dreg:$0x1];
	p0 =	sne.s32 s2, $0x0  }
0x7a: {  	s3 =	rddreg [dreg:$0x2];
	[bflag:$0x3] =	sbarrier.arrive $0xFFFF;
	s2 =	simm.s32 @!p0 $0x1C02  }
0x7b: {  	[timem:s3], [sflag:s2] =	dma.local @!p0 [hbm:s0], s1  }
0x7c: {  	s0 =	simm.s32 @!p0 $0x2  }
0x7d: {  	_ =	swait.ge @!p0 [sflag:s0], s1  }
0x7e: {  	s1 =	ssub.s32 @!p0 $0x0, s1;
	[sflag:s0] =	ssyncset.done @!p0 $0x0  }
0x7f: {  	[sflag:s0] =	ssyncadd.s32 @!p0 s1  }
0x80: {  	[bflag:$0x3] =	sbarrier.arrive $0xFFFF  }
0x81: {  	_ =	shalt  }

// kernel: kernel.23.cloned.1.call-start
scs
__scs_entry_jumppad:
0x0: {  	(pc) =	sbr.rel $0x88, $3  }
0x1: {  	(tag) =	ssettag $0x0;
	lr =	simm.s32 $0x1  }
0x2: {  	[smem:$0x3F42] =	sst lr;
	_ =	strace $0xD0000000  }
0x3: {  	_ = 	snop  }
0x4: {  	_ = 	snop  }
0x5: {  	_ = 	snop  }
0x6: {  	_ = 	snop  }
0x7: {  	_ = 	snop  }
__scs_overlays_trampoline_lowered:
0x8: {  	[smem:$0x3F51] =	sst s0  }
0x9: {  	[smem:$0x3F52] =	sst s1  }
0xa: {  	[smem:$0x3F53] =	sst s2  }
0xb: {  	[smem:$0x3F54] =	sst s3  }
0xc: {  	[smem:$0x3F55] =	sst s4  }
0xd: {  	[smem:$0x3F56] =	sst s5  }
0xe: {  	[smem:$0x3F57] =	sst s6  }
0xf: {  	[smem:$0x3F58] =	sst s7  }
0x10: {  	[smem:$0x3F59] =	sst s8  }
0x11: {  	[smem:$0x3F5A] =	sst s9;
	s0 =	simm.s32 @!p0 $0x0  }
0x12: {  	s1 =	sld [smem:$0x3F40];
	s0 =	simm.s32 @p0 $0x1  }
0x13: {  	[smem:$0x3F5B] =	sst s0;
	s0 =	simm.s32 @!p1 $0x0  }
0x14: {  	s2 =	sld [smem:$0x3F3F];
	s0 =	simm.s32 @p1 $0x1  }
0x15: {  	[smem:$0x3F5C] =	sst s0;
	s0 =	simm.s32 @!p2 $0x0  }
0x16: {  	s3 =	sld [smem:$0x3FDB];
	s0 =	simm.s32 @p2 $0x1  }
0x17: {  	s4 =	simm.s32 $0x1BF5;
	[smem:$0x3F5E] =	sst s0  }
0x18: {  	s0 =	sld [smem:$0x3F41];
	_ =	swait.ge [sflag:s4], $0x0  }
0x19: {  	s7 =	sld [smem:$0x3F42]  }
0x1a: {  	s8 =	sadd.s32 $0xFFFFE003, lr  }
0x1b: {  	s9 =	sadd.s32 $0xFFFFFEF7, lr;
	s5 =	simm.s32 $0xFFFFFFFF;
	p2 =	slt.u32 s8, $0xFFFFF086  }
0x1c: {  	p1 =	slt.u32 s9, $0xF7A;
	s5 =	simm.s32 @!p2 $0x0  }
0x1d: {  	s5 =	simm.s32 @p1 $0x1;
	p0 =	seq.s32 s7, s2  }
0x1e: {  	s7 =	smul.u32 @!p0 $0xF7A, s2;
	p2 =	seq.s32 @!p0 s5, $0x0  }
0x1f: {  	s9 =	smul.u32 $0xF7A, s1;
	s8 =	simm.s32 @!p0 $0x1BF5;
	p2 =	por !p2, p0  }
0x20: {  	[sflag:s8] =	ssyncset.s32 @!p0 $0xFFFFF086;
	s6 =	sadd.s32 @!p0 s3, s7;
	s7 =	simm.s32 @!p0 $0x108  }
0x21: {  	s3 =	sadd.s32 s3, s9;
	s6 =	sadd.s32 @!p0 $0x88, s6;
	s7 =	simm.s32 @p2 $0x1082  }
0x22: {  	[simem:s7], [sflag:s8] =	dma.local @!p0 [hbm:s6], $0xF7A  }
0x23: {  	s9 =	sor.u32 $0xD0000000, s2;
	s6 =	simm.s32 $0x108;
	_ =	swait.ge @!p0 [sflag:s8], $0x0  }
0x24: {  	s3 =	sadd.s32 $0x88, s3;
	s6 =	simm.s32 @!p1 $0x1082;
	[sflag:s4] =	ssyncset.s32 $0xFFFFF086  }
0x25: {  	[simem:s6], [sflag:s4] =	dma.local [hbm:s3], $0xF7A  }
0x26: {  	[smem:$0x3F42] =	sst s1;
	(tag) =	ssettag s2;
	_ =	strace s9  }
0x27: {  	s1 =	sld [smem:$0x3F52]  }
0x28: {  	s2 =	sld [smem:$0x3F53]  }
0x29: {  	s4 =	sld [smem:$0x3F55]  }
0x2a: {  	p0 =	seq.s32 s5, $0x0;
	s5 =	sld [smem:$0x3F56]  }
0x2b: {  	s6 =	sld [smem:$0x3F57]  }
0x2c: {  	s7 =	sld [smem:$0x3F58]  }
0x2d: {  	s3 =	simm.s32 $0x108;
	s8 =	sld [smem:$0x3F59]  }
0x2e: {  	s3 =	simm.s32 @!p0 $0x1082;
	s9 =	sld [smem:$0x3F5A]  }
0x2f: {  	lr =	sadd.s32 s0, s3;
	s0 =	sld [smem:$0x3F51]  }
0x30: {  	s3 =	sld [smem:$0x3F54]  }
0x31: {  	[smem:$0x3F5D] =	sst s10  }
0x32: {  	s10 =	sld [smem:$0x3F5B];
	_ =	sdelay $0x3  }
0x33: {  	p0 =	seq.s32 s10, $0x1;
	s10 =	sld [smem:$0x3F5D];
	_ =	sdelay $0x3  }
0x34: {  	[smem:$0x3F5D] =	sst s10  }
0x35: {  	s10 =	sld [smem:$0x3F5C];
	_ =	sdelay $0x3  }
0x36: {  	p1 =	seq.s32 s10, $0x1;
	s10 =	sld [smem:$0x3F5D];
	_ =	sdelay $0x3  }
0x37: {  	[smem:$0x3F5D] =	sst s10  }
0x38: {  	s10 =	sld [smem:$0x3F5E]  }
0x39: {  	_ = 	snop;
	(pc) =	sbr.ind lr, $3  }
0x3a: {  	_ = 	snop  }
0x3b: {  	_ = 	snop  }
0x3c: {  	p2 =	seq.s32 s10, $0x1;
	s10 =	sld [smem:$0x3F5D]  }
0x3d: {  	_ =	shalt  }
0x3e: {  	_ =	shalt  }
0x3f: {  	_ =	shalt  }
0x40: {  	_ =	shalt  }
0x41: {  	_ =	shalt  }
0x42: {  	_ =	shalt  }
0x43: {  	_ =	shalt  }
0x44: {  	_ =	shalt  }
0x45: {  	_ =	shalt  }
0x46: {  	_ =	shalt  }
0x47: {  	_ =	shalt  }
0x48: {  	_ =	shalt  }
0x49: {  	_ =	shalt  }
0x4a: {  	_ =	shalt  }
0x4b: {  	_ =	shalt  }
0x4c: {  	_ =	shalt  }
0x4d: {  	_ =	shalt  }
0x4e: {  	_ =	shalt  }
0x4f: {  	_ =	shalt  }
0x50: {  	_ =	shalt  }
0x51: {  	_ =	shalt  }
0x52: {  	_ =	shalt  }
0x53: {  	_ =	shalt  }
0x54: {  	_ =	shalt  }
0x55: {  	_ =	shalt  }
0x56: {  	_ =	shalt  }
0x57: {  	_ =	shalt  }
0x58: {  	_ =	shalt  }
0x59: {  	_ =	shalt  }
0x5a: {  	_ =	shalt  }
0x5b: {  	_ =	shalt  }
0x5c: {  	_ =	shalt  }
0x5d: {  	_ =	shalt  }
0x5e: {  	_ =	shalt  }
0x5f: {  	_ =	shalt  }
0x60: {  	_ =	shalt  }
0x61: {  	_ =	shalt  }
0x62: {  	_ =	shalt  }
0x63: {  	_ =	shalt  }
0x64: {  	_ =	shalt  }
0x65: {  	_ =	shalt  }
0x66: {  	_ =	shalt  }
0x67: {  	_ =	shalt  }
0x68: {  	_ =	shalt  }
0x69: {  	_ =	shalt  }
0x6a: {  	_ =	shalt  }
0x6b: {  	_ =	shalt  }
0x6c: {  	_ =	shalt  }
0x6d: {  	_ =	shalt  }
0x6e: {  	_ =	shalt  }
0x6f: {  	_ =	shalt  }
0x70: {  	_ =	shalt  }
0x71: {  	_ =	shalt  }
0x72: {  	_ =	shalt  }
0x73: {  	_ =	shalt  }
0x74: {  	_ =	shalt  }
0x75: {  	_ =	shalt  }
0x76: {  	_ =	shalt  }
0x77: {  	_ =	shalt  }
0x78: {  	_ =	shalt  }
0x79: {  	_ =	shalt  }
0x7a: {  	_ =	shalt  }
0x7b: {  	_ =	shalt  }
0x7c: {  	_ =	shalt  }
0x7d: {  	_ =	shalt  }
0x7e: {  	_ =	shalt  }
0x7f: {  	_ =	shalt  }
0x80: {  	_ =	shalt  }
0x81: {  	_ =	shalt  }
0x82: {  	_ =	shalt  }
0x83: {  	_ =	shalt  }
0x84: {  	_ =	shalt  }
0x85: {  	_ =	shalt  }
0x86: {  	_ =	shalt  }
0x87: {  	_ =	shalt  }
.Lfunc_end0:
.L_simem_size_0:
called_computation.1_lowered:
.L_overlay_start_0:
0x88: {  	s2 =	sld [smem:$0x3FD9]  }
0x89: {  	s3 =	sld [smem:$0x3FFE];
	_ =	sdelay $0x1  }
0x8a: {  	s1 =	srdreg.scid  }
0x8b: {  	s0 =	sand.u32 $0x1, s1  }
0x8c: {  	s16 =	sshll.u32 s0, $0xA;
	s2 =	sadd.s32 s3, s2  }
0x8d: {  	s2 =	sadd.s32 s2, s16  }
0x8e: {  	[smem:$0x3F69] =	sst s2  }
0x8f: {  	_ = 	snop  }
0x90: {  	(tm) =	ssettm $0x1  }
0x91: {  	s17 =	sld [smem:$0x3FFB];
	_ =	sdelay $0x3  }
0x92: {  	_ =	strace s17  }
0x93: {  	s2 =	sld [smem:$0x3FFC];
	_ =	sdelay $0x3  }
0x94: {  	_ =	strace s2  }
0x95: {  	s2 =	sld [smem:$0x3FFD];
	_ =	sdelay $0x3  }
0x96: {  	_ =	strace s2  }
0x97: {  	_ =	strace $0x8FFFFFFF  }
0x98: {  	s18 =	sld [smem:$0x3FDB];
	_ =	sdelay $0x1  }
0x99: {  	s19 =	simm.s32 $_scs_section_size  }
0x9a: {  	s4 =	simm.s32 $_size__tile_overlayer_lowered;
	s5 =	simm.s32 $_tile_overlayer_lowered  }
0x9b: {  	s22 =	simm.s32 $0x1BFF;
	s21 =	sshll.u32 s5, $0x1;
	s2 =	sadd.s32 s19, s18  }
0x9c: {  	s6 =	simm.s32 $0x0;
	s20 =	sshll.u32 s4, $0x1;
	s4 =	sadd.s32 s21, s2  }
0x9d: {  	[timem:s6], [sflag:s22] =	dma.local [hbm:s4], s20  }
0x9e: {  	_ =	swait.ge [sflag:s22], s20  }
0x9f: {  	s3 =	ssub.s32 $0x0, s20;
	[sflag:s22] =	ssyncset.done $0x0  }
0xa0: {  	[sflag:s22] =	ssyncadd.s32 s3;
	_ =	sdelay $0x1  }
0xa1: {  	s23 =	simm.s32 $0x1B8B  }
0xa2: {  	_ =	swait.ge [sflag:s23], $0x1  }
0xa3: {  	[sflag:s23] =	ssyncset.done $0x0  }
0xa4: {  	s25 =	simm.s32 $0x1B8E;
	s24 =	sld [smem:$0x3FFE];
	[sflag:s23] =	ssyncadd.s32 $0xFFFFFFFF  }
0xa5: {  	s26 =	simm.s32 $execute0_lowered;
	[smem:$0x3FD2] =	sst s25  }
0xa6: {  	s4 =	sshll.u32 s26, $0x1;
	_ =	strace $0x80000049;
	[dreg:$0x1] =	wrdreg $0xFFFFFFFF  }
0xa7: {  	s28 =	simm.s32 $_size_execute0_lowered;
	s2 =	sadd.s32 s2, s4;
	[dreg:$0x0] =	wrdreg $0x0  }
0xa8: {  	s4 =	sshll.u32 s28, $0x1;
	[dreg:$0x2] =	wrdreg s2  }
0xa9: {  	[dreg:$0x3] =	wrdreg s4  }
0xaa: {  	[dreg:$0x4] =	wrdreg $0xC0  }
0xab: {  	_ =	task [dreg:s6], $0x5FFFF  }
0xac: {  	[dreg:$0x1] =	wrdreg $0xFFFFFFFF  }
0xad: {  	[dreg:$0x0] =	wrdreg $0x60  }
0xae: {  	[dreg:$0x2] =	wrdreg s24  }
0xaf: {  	[dreg:$0x3] =	wrdreg $0x9  }
0xb0: {  	_ =	task.clear_ibuf [dreg:s6], $0x4FFFF;
	_ =	strace $0x90000049  }
0xb1: {  	s29 =	simm.s32 $0x9;
	_ =	strace $0x8000004B  }
0xb2: {  	_ =	swait.ge [sflag:s29], $0x1  }
0xb3: {  	[sflag:s29] =	ssyncadd.s32 $0xFFFFFFFF  }
0xb4: {  	_ =	strace $0x9000004B  }
0xb5: {  	_ =	sfence  }
0xb6: {  	s30 =	sld [smem:$0x0];
	_ =	sdelay $0x2  }
0xb7: {  	s31 =	sshll.u32 s1, $0xD;
	s1 =	sshrl.u32 s1, $0x2  }
0xb8: {  	s3 =	sand.u32 $0x4000, s31;
	s1 =	sadd.s32 s1, s30  }
0xb9: {  	s0 =	sor.u32 s3, s0;
	s1 =	sshll.u32 s1, $0x11  }
0xba: {  	s0 =	sor.u32 s1, s0  }
0xbb: {  	s0 =	sadd.s32 $0x8F2B, s0  }
0xbc: {  	[sflag:s0] =	ssyncadd.remote.s32 $0x1  }
0xbd: {  	_ =	sfence.sel $0xFFFF  }
0xbe: {  	[dreg:$0x0] =	wrdreg $0xFFFFFFFF;
	(pc) =	sbr.abs _section_cstart, $3  }
0xbf: {  	[dreg:$0x1] =	wrdreg $0xFFFFFFFF  }
0xc0: {  	_ =	task.clear_ibuf [dreg:s6], $0x2FFFF;
	_ =	strace $0x9FFFFFFF  }
0xc1: {  	(tm) =	ssettm $0x7FFFFFFF  }
tec
execute0_lowered:
.L_overlay_start_1:
0x0: {  	(tag) =	ssettag $0x1  }
0x1: {  	s0 =	srdreg.scid;
	s2 =	stileid.u32  }
0x2: {  	s1 =	rddreg [dreg:$0x0];
	s8 =	simm.s32 $0x2;
	s28 =	simm.s32 $0x800  }
0x3: {  	s29 =	simm.s32 $0x1000;
	s30 =	simm.s32 $0x1800;
	s31 =	simm.s32 $0x2000  }
0x4: {  	s7 =	simm.s32 $0x3800;
	s9 =	simm.s32 $0x4000;
	s10 =	simm.s32 $0x4800  }
0x5: {  	s11 =	simm.s32 $0x5000;
	s12 =	simm.s32 $0x5800;
	s13 =	simm.s32 $0x6000  }
0x6: {  	s14 =	simm.s32 $0x6800;
	s15 =	simm.s32 $0x7000;
	s16 =	simm.s32 $0x7800  }
0x7: {  	s18 =	simm.s32 $0x0;
	s0 =	sand.u32 $0x1, s0;
	s3 =	sshll.u32 s2, $0x1  }
0x8: {  	s2 =	simm.s32 $0x0;
	s4 =	sadd.s32 $0x561400, s1;
	s6 =	sor.u32 s0, s3  }
0x9: {  	[smem:$0x7FF] =	sst s2;
	s0 =	ssub.s32 $0x2, s0;
	s5 =	smul.u32 $0x52000, s6  }
0xa: {  	s3 =	sadd.s32 $0x61400, s1;
	_ =	strace $0x8000004A;
	s26 =	sshrl.u32 s0, $0x1  }
0xb: {  	v3 =	vlaneseq.u32;
	s6 =	smul.u32 $0x28, s6;
	s0 =	ssub.s32 s0, s26;
	s1 =	sadd.s32 s5, s1  }
0xc: {  	v0 =	vimm.f32 $0.0e+00;
	vm0 =	vmmov $0xffff;
	v2 =	vshrl.u32 v3, $0x3;
	s26 =	simm.s32 $0x1;
	s0 =	smax.u32 s0, $0x1;
	s5 =	sadd.s32 $0x1452A00, s1  }
0xd: {  	v1 =	vand.u32 $0x7, v3;
	v3 =	vor.u32 $0x8, v3;
	v2 =	vmul.u32 $0x8, v2;
	[dreg:$0x2] =	wrdreg s0;
	s1 =	simm.s32 $0x2800;
	s0 =	simm.s32 $0x3000  }
.LBB2_1:
0xe: {  	s17 =	simm.s32 $0x0  }
0xf: {  	s24 =	sand.u32 $0x400, s2;
	s19 =	simm.s32 $0x0;
	s17 =	sand.u32 $0x7800, s17  }
0x10: {  	s19 =	sand.u32 $0x380, s19;
	s17 =	sor.u32 s24, s17  }
0x11: {  	s25 =	sand.u32 $0x70, s2;
	s17 =	sor.u32 s19, s17  }
0x12: {  	[dreg:$0x3] =	wrdreg s18;
	s17 =	sor.u32 s25, s17  }
0x13: {  	s18 =	simm.s32 $0x1;
	s20 =	simm.s32 $0x0;
	s19 =	simm.s32 $0x80;
	[tilespmem:s17+$0x0] =	vst v0  }
.LBB2_2:
0x14: {  	s17 =	sshll.u32 s18, $0x4;
	p0 =	sne.s32 s18, $0x7FF  }
0x15: {  	s21 =	smov.u32 s18;
	s18 =	sadd.s32 $0x1, s18;
	s22 =	sand.u32 $0x400, s19  }
.Ltmp0:
0x16: {  	s17 =	sand.u32 $0x7800, s17;
	s21 =	sshll.u32 s21, $0x3;
	(pc) =	sbr.rel @p0 .LBB2_2-.Ltmp0, $4  }
0x17: {  	s20 =	sadd.s32 $0x10, s20;
	s21 =	sand.u32 $0x380, s21;
	s17 =	sor.u32 s22, s17  }
0x18: {  	s22 =	sand.u32 $0x70, s20;
	s17 =	sor.u32 s21, s17  }
0x19: {  	s17 =	sor.u32 s22, s17  }
0x1a: {  	s19 =	sadd.s32 $0x80, s19;
	[tilespmem:s17+$0x0] =	vst v0;
	s17 =	simm.s32 $0x0  }
0x1b: {  	s18 =	sadd.s32 $0x0, s5  }
0x1c: {  	[hbm4b:s18+s17] =	stream.linear.scatter [tilespmem:s17], [sflag:$0x2], $0x8000, $0x38;
	[tilespmem:$0x10080] =	vst v63  }
0x1d: {  	_ =	swait.ge [sflag:s8], $0x8000  }
0x1e: {  	s18 =	simm.s32 $0x1000;
	[sflag:s8] =	ssyncset.done $0x0  }
.LBB2_4:
0x1f: {  	s19 =	sadd.s32 s18, s5;
	[sflag:s8] =	ssyncadd.s32 $0xFFFF8000;
	p0 =	sne.s32 s18, $0x4F000  }
0x20: {  	[hbm4b:s19+s17] =	stream.linear.scatter [tilespmem:s17], [sflag:$0x2], $0x8000, $0x38;
	[tilespmem:$0x10080] =	vst v63  }
.Ltmp1:
0x21: {  	_ = 	snop;
	(pc) =	sbr.rel @p0 .LBB2_4-.Ltmp1, $4  }
0x22: {  	_ = 	snop  }
0x23: {  	s18 =	sadd.s32 $0x1000, s18  }
0x24: {  	_ =	swait.ge [sflag:s8], $0x8000  }
0x25: {  	[sflag:s8] =	ssyncset.done $0x0  }
0x26: {  	[sflag:s8] =	ssyncadd.s32 $0xFFFF8000  }
.LBB2_6:
0x27: {  	s19 =	sadd.s32 s6, s17  }
0x28: {  	s18 =	sshll.u32 s19, $0x4  }
0x29: {  	s21 =	simm.s32 $0x10000;
	s20 =	sadd.s32 s4, s18;
	s18 =	simm.s32 $0x0  }
0x2a: {  	[tilespmem:s21], [sflag:$0x2] =	stream.linear.gather [hbm4b:s20+s18], $0x80, $0x38;
	[tilespmem:$0x10080] =	vst v63  }
0x2b: {  	_ =	swait.ge [sflag:s8], $0x80  }
0x2c: {  	s19 =	sshll.u32 s19, $0xC;
	[sflag:s8] =	ssyncset.done $0x0  }
0x2d: {  	s19 =	sadd.s32 s3, s19;
	[sflag:s8] =	ssyncadd.s32 $0xFFFFFF80  }
0x2e: {  	[tilespmem:s18], [sflag:$0x2] =	stream.linear.gather [hbm4b:s19+s18], $0x8000, $0x38;
	[tilespmem:$0x10080] =	vst v63  }
0x2f: {  	_ =	swait.ge [sflag:s8], $0x8000  }
0x30: {  	[sflag:s8] =	ssyncset.done $0x0  }
0x31: {  	[sflag:s8] =	ssyncadd.s32 $0xFFFF8000  }
0x32: {  	v4 =	vld [tilespmem:$0x10000];
	_ =	sdelay $0x4  }
0x33: {  	v5 =	vshll.u32 v4, $0x1  }
0x34: {  	v4 =	vand.u32 $0x7, v4;
	v5 =	vand.u32 $0xFFFFFFF0, v5  }
0x35: {  	v4 =	vor.u32 v4, v5  }
0x36: {  	v5 =	vperm.xlane v4, v1;
	_ =	sdelay $0x1  }
0x37: {  	v4 =	vperm.xlane v4, v3;
	v5 =	vadd.s32 v2, v5;
	_ =	sdelay $0x1  }
0x38: {  	v4 =	vadd.s32 v2, v4;
	_ =	sdelay $0x1  }
0x39: {  	s23 =	simm.s32 $0x8000  }
0x3a: {  	[tilespmem:s23], [sflag:$0x1] =	stream.indirect_vreg.gather [hbm4b:s5+s18], $0x80, v5, vm0, $0xb8;
	[tilespmem:$0x10080] =	vst v63  }
0x3b: {  	s24 =	simm.s32 $0x8800  }
0x3c: {  	[tilespmem:s24], [sflag:$0x1] =	stream.indirect_vreg.gather [hbm4b:s5+s18], $0x80, v4, vm0, $0xb8;
	[tilespmem:$0x10080] =	vst v63  }
0x3d: {  	v4 =	vld [tilespmem:$0x10010];
	_ =	sdelay $0x4  }
0x3e: {  	v5 =	vshll.u32 v4, $0x1  }
0x3f: {  	v4 =	vand.u32 $0x7, v4;
	v5 =	vand.u32 $0xFFFFFFF0, v5  }
0x40: {  	v4 =	vor.u32 v4, v5  }
0x41: {  	v5 =	vperm.xlane v4, v1;
	_ =	sdelay $0x1  }
0x42: {  	v4 =	vperm.xlane v4, v3;
	v5 =	vadd.s32 v2, v5;
	_ =	sdelay $0x1  }
0x43: {  	v4 =	vadd.s32 v2, v4;
	_ =	sdelay $0x1  }
0x44: {  	s25 =	simm.s32 $0x9000  }
0x45: {  	[tilespmem:s25], [sflag:$0x1] =	stream.indirect_vreg.gather [hbm4b:s5+s18], $0x80, v5, vm0, $0xb8;
	[tilespmem:$0x10080] =	vst v63  }
0x46: {  	s20 =	simm.s32 $0x9800  }
0x47: {  	[tilespmem:s20], [sflag:$0x1] =	stream.indirect_vreg.gather [hbm4b:s5+s18], $0x80, v4, vm0, $0xb8;
	[tilespmem:$0x10080] =	vst v63  }
0x48: {  	v4 =	vld [tilespmem:$0x10020];
	_ =	sdelay $0x4  }
0x49: {  	v5 =	vshll.u32 v4, $0x1  }
0x4a: {  	v4 =	vand.u32 $0x7, v4;
	v5 =	vand.u32 $0xFFFFFFF0, v5  }
0x4b: {  	v4 =	vor.u32 v4, v5  }
0x4c: {  	v5 =	vperm.xlane v4, v1;
	_ =	sdelay $0x1  }
0x4d: {  	v4 =	vperm.xlane v4, v3;
	v5 =	vadd.s32 v2, v5;
	_ =	sdelay $0x1  }
0x4e: {  	v4 =	vadd.s32 v2, v4;
	_ =	sdelay $0x1  }
0x4f: {  	s21 =	simm.s32 $0xA000  }
0x50: {  	[tilespmem:s21], [sflag:$0x1] =	stream.indirect_vreg.gather [hbm4b:s5+s18], $0x80, v5, vm0, $0xb8;
	[tilespmem:$0x10080] =	vst v63  }
0x51: {  	s22 =	simm.s32 $0xA800  }
0x52: {  	[tilespmem:s22], [sflag:$0x1] =	stream.indirect_vreg.gather [hbm4b:s5+s18], $0x80, v4, vm0, $0xb8;
	[tilespmem:$0x10080] =	vst v63  }
0x53: {  	v4 =	vld [tilespmem:$0x10030];
	_ =	sdelay $0x4  }
0x54: {  	v5 =	vshll.u32 v4, $0x1  }
0x55: {  	v4 =	vand.u32 $0x7, v4;
	v5 =	vand.u32 $0xFFFFFFF0, v5  }
0x56: {  	v4 =	vor.u32 v4, v5  }
0x57: {  	v5 =	vperm.xlane v4, v1;
	_ =	sdelay $0x1  }
0x58: {  	v4 =	vperm.xlane v4, v3;
	v5 =	vadd.s32 v2, v5;
	_ =	sdelay $0x1  }
0x59: {  	v4 =	vadd.s32 v2, v4;
	_ =	sdelay $0x1  }
0x5a: {  	s23 =	simm.s32 $0xB000  }
0x5b: {  	[tilespmem:s23], [sflag:$0x1] =	stream.indirect_vreg.gather [hbm4b:s5+s18], $0x80, v5, vm0, $0xb8;
	[tilespmem:$0x10080] =	vst v63  }
0x5c: {  	s24 =	simm.s32 $0xB800  }
0x5d: {  	[tilespmem:s24], [sflag:$0x1] =	stream.indirect_vreg.gather [hbm4b:s5+s18], $0x80, v4, vm0, $0xb8;
	[tilespmem:$0x10080] =	vst v63  }
0x5e: {  	v4 =	vld [tilespmem:$0x10040];
	_ =	sdelay $0x4  }
0x5f: {  	v5 =	vshll.u32 v4, $0x1  }
0x60: {  	v4 =	vand.u32 $0x7, v4;
	v5 =	vand.u32 $0xFFFFFFF0, v5  }
0x61: {  	v4 =	vor.u32 v4, v5  }
0x62: {  	v5 =	vperm.xlane v4, v1;
	_ =	sdelay $0x1  }
0x63: {  	v4 =	vperm.xlane v4, v3;
	v5 =	vadd.s32 v2, v5;
	_ =	sdelay $0x1  }
0x64: {  	v4 =	vadd.s32 v2, v4;
	_ =	sdelay $0x1  }
0x65: {  	s25 =	simm.s32 $0xC000  }
0x66: {  	[tilespmem:s25], [sflag:$0x1] =	stream.indirect_vreg.gather [hbm4b:s5+s18], $0x80, v5, vm0, $0xb8;
	[tilespmem:$0x10080] =	vst v63  }
0x67: {  	s20 =	simm.s32 $0xC800  }
0x68: {  	[tilespmem:s20], [sflag:$0x1] =	stream.indirect_vreg.gather [hbm4b:s5+s18], $0x80, v4, vm0, $0xb8;
	[tilespmem:$0x10080] =	vst v63  }
0x69: {  	v4 =	vld [tilespmem:$0x10050];
	_ =	sdelay $0x4  }
0x6a: {  	v5 =	vshll.u32 v4, $0x1  }
0x6b: {  	v4 =	vand.u32 $0x7, v4;
	v5 =	vand.u32 $0xFFFFFFF0, v5  }
0x6c: {  	v4 =	vor.u32 v4, v5  }
0x6d: {  	v5 =	vperm.xlane v4, v1;
	_ =	sdelay $0x1  }
0x6e: {  	v4 =	vperm.xlane v4, v3;
	v5 =	vadd.s32 v2, v5;
	_ =	sdelay $0x1  }
0x6f: {  	v4 =	vadd.s32 v2, v4;
	_ =	sdelay $0x1  }
0x70: {  	s21 =	simm.s32 $0xD000  }
0x71: {  	[tilespmem:s21], [sflag:$0x1] =	stream.indirect_vreg.gather [hbm4b:s5+s18], $0x80, v5, vm0, $0xb8;
	[tilespmem:$0x10080] =	vst v63  }
0x72: {  	s22 =	simm.s32 $0xD800  }
0x73: {  	[tilespmem:s22], [sflag:$0x1] =	stream.indirect_vreg.gather [hbm4b:s5+s18], $0x80, v4, vm0, $0xb8;
	[tilespmem:$0x10080] =	vst v63  }
0x74: {  	v4 =	vld [tilespmem:$0x10060];
	_ =	sdelay $0x4  }
0x75: {  	v5 =	vshll.u32 v4, $0x1  }
0x76: {  	v4 =	vand.u32 $0x7, v4;
	v5 =	vand.u32 $0xFFFFFFF0, v5  }
0x77: {  	v4 =	vor.u32 v4, v5  }
0x78: {  	v5 =	vperm.xlane v4, v1;
	_ =	sdelay $0x1  }
0x79: {  	v4 =	vperm.xlane v4, v3;
	v5 =	vadd.s32 v2, v5;
	_ =	sdelay $0x1  }
0x7a: {  	v4 =	vadd.s32 v2, v4;
	_ =	sdelay $0x1  }
0x7b: {  	s23 =	simm.s32 $0xE000  }
0x7c: {  	[tilespmem:s23], [sflag:$0x1] =	stream.indirect_vreg.gather [hbm4b:s5+s18], $0x80, v5, vm0, $0xb8;
	[tilespmem:$0x10080] =	vst v63  }
0x7d: {  	s24 =	simm.s32 $0xE800  }
0x7e: {  	[tilespmem:s24], [sflag:$0x1] =	stream.indirect_vreg.gather [hbm4b:s5+s18], $0x80, v4, vm0, $0xb8;
	[tilespmem:$0x10080] =	vst v63  }
0x7f: {  	v4 =	vld [tilespmem:$0x10070];
	_ =	sdelay $0x4  }
0x80: {  	v5 =	vshll.u32 v4, $0x1  }
0x81: {  	v4 =	vand.u32 $0x7, v4;
	v5 =	vand.u32 $0xFFFFFFF0, v5  }
0x82: {  	v4 =	vor.u32 v4, v5  }
0x83: {  	v5 =	vperm.xlane v4, v1;
	_ =	sdelay $0x1  }
0x84: {  	v4 =	vperm.xlane v4, v3;
	v5 =	vadd.s32 v2, v5;
	_ =	sdelay $0x1  }
0x85: {  	v4 =	vadd.s32 v2, v4;
	_ =	sdelay $0x1  }
0x86: {  	s25 =	simm.s32 $0xF000  }
0x87: {  	[tilespmem:s25], [sflag:$0x1] =	stream.indirect_vreg.gather [hbm4b:s5+s18], $0x80, v5, vm0, $0xb8;
	[tilespmem:$0x10080] =	vst v63  }
0x88: {  	s20 =	simm.s32 $0xF800;
	s21 =	sand.u32 $0x70, s18  }
0x89: {  	[tilespmem:s20], [sflag:$0x1] =	stream.indirect_vreg.gather [hbm4b:s5+s18], $0x80, v4, vm0, $0xb8;
	[tilespmem:$0x10080] =	vst v63  }
0x8a: {  	s22 =	simm.s32 $0x0;
	s23 =	simm.s32 $0x0;
	s18 =	sand.u32 $0x400, s18  }
0x8b: {  	s20 =	sand.u32 $0x7800, s22;
	_ =	swait.ge [sflag:s26], $0x8000;
	s18 =	sor.u32 s18, s21  }
0x8c: {  	s24 =	sand.u32 $0x380, s23;
	[sflag:s26] =	ssyncset.done $0x0;
	s18 =	sor.u32 s20, s18  }
0x8d: {  	[sflag:s26] =	ssyncadd.s32 $0xFFFF8000;
	s18 =	sor.u32 s24, s18  }
0x8e: {  	v4 =	vld [tilespmem:s18+$0x8000]  }
0x8f: {  	v5 =	vld [tilespmem:s18+$0x0];
	_ =	sdelay $0x1  }
0x90: {  	s19 =	simm.s32 $0x10;
	s23 =	simm.s32 $0x10;
	s20 =	simm.s32 $0x80  }
0x91: {  	s23 =	sand.u32 $0x7800, s23;
	s25 =	sand.u32 $0x70, s19;
	s24 =	sand.u32 $0x400, s20  }
0x92: {  	s22 =	simm.s32 $0x8;
	s21 =	simm.s32 $0x2;
	s24 =	sor.u32 s24, s25  }
.LBB2_7:
0x93: {  	p0 =	sne.s32 s21, $0x7FF;
	s22 =	sand.u32 $0x380, s22;
	s23 =	sor.u32 s23, s24;
	v5 =	vadd.f32 v4, v5  }
0x94: {  	s22 =	sor.u32 s22, s23  }
0x95: {  	v4 =	vld [tilespmem:s22+$0x8000];
	[tilespmem:s18+$0x0] =	vst v5;
	s18 =	smov.u32 s22  }
.Ltmp2:
0x96: {  	v5 =	vld [tilespmem:s18+$0x0];
	(pc) =	sbr.rel @p0 .LBB2_7-.Ltmp2, $4  }
0x97: {  	_ = 	snop  }
0x98: {  	s19 =	sadd.s32 $0x10, s19;
	s20 =	sadd.s32 $0x80, s20;
	s22 =	sshll.u32 s21, $0x3  }
0x99: {  	s24 =	sand.u32 $0x70, s19;
	s23 =	sshll.u32 s21, $0x4;
	s25 =	sand.u32 $0x400, s20  }
0x9a: {  	s23 =	sand.u32 $0x7800, s23;
	s24 =	sor.u32 s25, s24;
	s21 =	sadd.s32 $0x1, s21  }
0x9b: {  	s19 =	sand.u32 $0x380, s22;
	s20 =	sor.u32 s23, s24;
	v4 =	vadd.f32 v4, v5  }
0x9c: {  	s19 =	sor.u32 s19, s20  }
0x9d: {  	v5 =	vld [tilespmem:s19+$0x8000];
	[tilespmem:s18+$0x0] =	vst v4  }
0x9e: {  	v4 =	vld [tilespmem:s19+$0x0];
	_ =	sdelay $0x4  }
0x9f: {  	v4 =	vadd.f32 v5, v4;
	_ =	sdelay $0x1  }
0xa0: {  	[tilespmem:s19+$0x0] =	vst v4  }
0xa1: {  	v4 =	vld [tilespmem:$0x10000];
	_ =	sdelay $0x4  }
0xa2: {  	v5 =	vshll.u32 v4, $0x1  }
0xa3: {  	v4 =	vand.u32 $0x7, v4;
	v5 =	vand.u32 $0xFFFFFFF0, v5  }
0xa4: {  	v4 =	vor.u32 v4, v5  }
0xa5: {  	v5 =	vperm.xlane v4, v1;
	_ =	sdelay $0x1  }
0xa6: {  	v4 =	vperm.xlane v4, v3;
	v5 =	vadd.s32 v2, v5;
	_ =	sdelay $0x1  }
0xa7: {  	v4 =	vadd.s32 v2, v4;
	_ =	sdelay $0x2  }
0xa8: {  	[hbm4b:s5+s2] =	stream.indirect_vreg.scatter [tilespmem:s2], [sflag:$0x2], $0x80, v5, vm0, $0xb8;
	[tilespmem:$0x10080] =	vst v63  }
0xa9: {  	_ = 	snop  }
0xaa: {  	[hbm4b:s5+s2] =	stream.indirect_vreg.scatter [tilespmem:s28], [sflag:$0x2], $0x80, v4, vm0, $0xb8;
	[tilespmem:$0x10080] =	vst v63  }
0xab: {  	v4 =	vld [tilespmem:$0x10010];
	_ =	sdelay $0x4  }
0xac: {  	v5 =	vshll.u32 v4, $0x1  }
0xad: {  	v4 =	vand.u32 $0x7, v4;
	v5 =	vand.u32 $0xFFFFFFF0, v5  }
0xae: {  	v4 =	vor.u32 v4, v5  }
0xaf: {  	v5 =	vperm.xlane v4, v1;
	_ =	sdelay $0x1  }
0xb0: {  	v4 =	vperm.xlane v4, v3;
	v5 =	vadd.s32 v2, v5;
	_ =	sdelay $0x1  }
0xb1: {  	v4 =	vadd.s32 v2, v4;
	_ =	sdelay $0x2  }
0xb2: {  	[hbm4b:s5+s2] =	stream.indirect_vreg.scatter [tilespmem:s29], [sflag:$0x2], $0x80, v5, vm0, $0xb8;
	[tilespmem:$0x10080] =	vst v63  }
0xb3: {  	_ = 	snop  }
0xb4: {  	[hbm4b:s5+s2] =	stream.indirect_vreg.scatter [tilespmem:s30], [sflag:$0x2], $0x80, v4, vm0, $0xb8;
	[tilespmem:$0x10080] =	vst v63  }
0xb5: {  	v4 =	vld [tilespmem:$0x10020];
	_ =	sdelay $0x4  }
0xb6: {  	v5 =	vshll.u32 v4, $0x1  }
0xb7: {  	v4 =	vand.u32 $0x7, v4;
	v5 =	vand.u32 $0xFFFFFFF0, v5  }
0xb8: {  	v4 =	vor.u32 v4, v5  }
0xb9: {  	v5 =	vperm.xlane v4, v1;
	_ =	sdelay $0x1  }
0xba: {  	v4 =	vperm.xlane v4, v3;
	v5 =	vadd.s32 v2, v5;
	_ =	sdelay $0x1  }
0xbb: {  	v4 =	vadd.s32 v2, v4;
	_ =	sdelay $0x2  }
0xbc: {  	[hbm4b:s5+s2] =	stream.indirect_vreg.scatter [tilespmem:s31], [sflag:$0x2], $0x80, v5, vm0, $0xb8;
	[tilespmem:$0x10080] =	vst v63  }
0xbd: {  	_ = 	snop  }
0xbe: {  	[hbm4b:s5+s2] =	stream.indirect_vreg.scatter [tilespmem:s1], [sflag:$0x2], $0x80, v4, vm0, $0xb8;
	[tilespmem:$0x10080] =	vst v63  }
0xbf: {  	v4 =	vld [tilespmem:$0x10030];
	_ =	sdelay $0x4  }
0xc0: {  	v5 =	vshll.u32 v4, $0x1  }
0xc1: {  	v4 =	vand.u32 $0x7, v4;
	v5 =	vand.u32 $0xFFFFFFF0, v5  }
0xc2: {  	v4 =	vor.u32 v4, v5  }
0xc3: {  	v5 =	vperm.xlane v4, v1;
	_ =	sdelay $0x1  }
0xc4: {  	v4 =	vperm.xlane v4, v3;
	v5 =	vadd.s32 v2, v5;
	_ =	sdelay $0x1  }
0xc5: {  	v4 =	vadd.s32 v2, v4;
	_ =	sdelay $0x2  }
0xc6: {  	[hbm4b:s5+s2] =	stream.indirect_vreg.scatter [tilespmem:s0], [sflag:$0x2], $0x80, v5, vm0, $0xb8;
	[tilespmem:$0x10080] =	vst v63  }
0xc7: {  	_ = 	snop  }
0xc8: {  	[hbm4b:s5+s2] =	stream.indirect_vreg.scatter [tilespmem:s7], [sflag:$0x2], $0x80, v4, vm0, $0xb8;
	[tilespmem:$0x10080] =	vst v63  }
0xc9: {  	v4 =	vld [tilespmem:$0x10040];
	_ =	sdelay $0x4  }
0xca: {  	v5 =	vshll.u32 v4, $0x1  }
0xcb: {  	v4 =	vand.u32 $0x7, v4;
	v5 =	vand.u32 $0xFFFFFFF0, v5  }
0xcc: {  	v4 =	vor.u32 v4, v5  }
0xcd: {  	v5 =	vperm.xlane v4, v1;
	_ =	sdelay $0x1  }
0xce: {  	v4 =	vperm.xlane v4, v3;
	v5 =	vadd.s32 v2, v5;
	_ =	sdelay $0x1  }
0xcf: {  	v4 =	vadd.s32 v2, v4;
	_ =	sdelay $0x2  }
0xd0: {  	[hbm4b:s5+s2] =	stream.indirect_vreg.scatter [tilespmem:s9], [sflag:$0x2], $0x80, v5, vm0, $0xb8;
	[tilespmem:$0x10080] =	vst v63  }
0xd1: {  	_ = 	snop  }
0xd2: {  	[hbm4b:s5+s2] =	stream.indirect_vreg.scatter [tilespmem:s10], [sflag:$0x2], $0x80, v4, vm0, $0xb8;
	[tilespmem:$0x10080] =	vst v63  }
0xd3: {  	v4 =	vld [tilespmem:$0x10050];
	_ =	sdelay $0x4  }
0xd4: {  	v5 =	vshll.u32 v4, $0x1  }
0xd5: {  	v4 =	vand.u32 $0x7, v4;
	v5 =	vand.u32 $0xFFFFFFF0, v5  }
0xd6: {  	v4 =	vor.u32 v4, v5  }
0xd7: {  	v5 =	vperm.xlane v4, v1;
	_ =	sdelay $0x1  }
0xd8: {  	v4 =	vperm.xlane v4, v3;
	v5 =	vadd.s32 v2, v5;
	_ =	sdelay $0x1  }
0xd9: {  	v4 =	vadd.s32 v2, v4;
	_ =	sdelay $0x2  }
0xda: {  	[hbm4b:s5+s2] =	stream.indirect_vreg.scatter [tilespmem:s11], [sflag:$0x2], $0x80, v5, vm0, $0xb8;
	[tilespmem:$0x10080] =	vst v63  }
0xdb: {  	_ = 	snop  }
0xdc: {  	[hbm4b:s5+s2] =	stream.indirect_vreg.scatter [tilespmem:s12], [sflag:$0x2], $0x80, v4, vm0, $0xb8;
	[tilespmem:$0x10080] =	vst v63  }
0xdd: {  	v4 =	vld [tilespmem:$0x10060];
	_ =	sdelay $0x4  }
0xde: {  	v5 =	vshll.u32 v4, $0x1  }
0xdf: {  	v4 =	vand.u32 $0x7, v4;
	v5 =	vand.u32 $0xFFFFFFF0, v5  }
0xe0: {  	v4 =	vor.u32 v4, v5  }
0xe1: {  	v5 =	vperm.xlane v4, v1;
	_ =	sdelay $0x1  }
0xe2: {  	v4 =	vperm.xlane v4, v3;
	v5 =	vadd.s32 v2, v5;
	_ =	sdelay $0x1  }
0xe3: {  	v4 =	vadd.s32 v2, v4;
	_ =	sdelay $0x2  }
0xe4: {  	[hbm4b:s5+s2] =	stream.indirect_vreg.scatter [tilespmem:s13], [sflag:$0x2], $0x80, v5, vm0, $0xb8;
	[tilespmem:$0x10080] =	vst v63  }
0xe5: {  	_ = 	snop  }
0xe6: {  	[hbm4b:s5+s2] =	stream.indirect_vreg.scatter [tilespmem:s14], [sflag:$0x2], $0x80, v4, vm0, $0xb8;
	[tilespmem:$0x10080] =	vst v63  }
0xe7: {  	v4 =	vld [tilespmem:$0x10070];
	_ =	sdelay $0x4  }
0xe8: {  	v5 =	vshll.u32 v4, $0x1  }
0xe9: {  	v4 =	vand.u32 $0x7, v4;
	v5 =	vand.u32 $0xFFFFFFF0, v5  }
0xea: {  	v4 =	vor.u32 v4, v5  }
0xeb: {  	v5 =	vperm.xlane v4, v1;
	_ =	sdelay $0x1  }
0xec: {  	v4 =	vperm.xlane v4, v3;
	v5 =	vadd.s32 v2, v5;
	_ =	sdelay $0x1  }
0xed: {  	v4 =	vadd.s32 v2, v4  }
0xee: {  	s17 =	sadd.s32 $0x1, s17  }
0xef: {  	p0 =	sne.s32 s17, $0x28  }
0xf0: {  	[hbm4b:s5+s2] =	stream.indirect_vreg.scatter [tilespmem:s15], [sflag:$0x2], $0x80, v5, vm0, $0xb8;
	[tilespmem:$0x10080] =	vst v63  }
.Ltmp3:
0xf1: {  	_ = 	snop;
	(pc) =	sbr.rel @p0 .LBB2_6-.Ltmp3, $4  }
0xf2: {  	[hbm4b:s5+s2] =	stream.indirect_vreg.scatter [tilespmem:s16], [sflag:$0x2], $0x80, v4, vm0, $0xb8;
	[tilespmem:$0x10080] =	vst v63  }
0xf3: {  	_ =	swait.ge [sflag:s8], $0x8000  }
0xf4: {  	[sflag:s8] =	ssyncset.done $0x0  }
0xf5: {  	[sflag:s8] =	ssyncadd.s32 $0xFFFF8000  }
0xf6: {  	s18 =	rddreg [dreg:$0x3]  }
0xf7: {  	s17 =	rddreg [dreg:$0x2];
	s18 =	sadd.s32 $0x1, s18  }
0xf8: {  	p0 =	sne.s32 s18, s17  }
.Ltmp4:
0xf9: {  	_ = 	snop;
	(pc) =	sbr.rel @p0 .LBB2_1-.Ltmp4, $1  }
0xfa: {  	_ =	sdelay $0x3  }
0xfb: {  	_ =	sfence.sel $0x180000  }
0xfc: {  	[bflag:$0x0] =	sbarrier.arrive $0xFFFF  }
0xfd: {  	_ =	strace $0x9000004A  }
0xfe: {  	s0 =	stileid.u32;
	[bflag:$0x2] =	sbarrier.arrive $0xFFFF  }
0xff: {  	p0 =	sne.s32 s0, $0x0;
	s0 =	rddreg [dreg:$0x1]  }
0x100: {  	s0 =	sadd.s32 @!p0 $0x100000, s0  }
0x101: {  	[sflag:s0] =	ssyncadd.tile.s32 @!p0 $0x1;
	_ =	shalt  }
.Lfunc_end2:
_tile_overlayer_lowered:
.L_overlay_start_2:
0x102: {  	(tag) =	ssettag $0x2  }
0x103: {  	s0 =	rddreg [dreg:$0x0];
	s2 =	stileid.u32  }
0x104: {  	s1 =	rddreg [dreg:$0x1];
	p0 =	sne.s32 s2, $0x0  }
0x105: {  	s3 =	rddreg [dreg:$0x2];
	[bflag:$0x3] =	sbarrier.arrive $0xFFFF;
	s2 =	simm.s32 @!p0 $0x1C02  }
0x106: {  	[timem:s3], [sflag:s2] =	dma.local @!p0 [hbm:s0], s1  }
0x107: {  	s0 =	simm.s32 @!p0 $0x2  }
0x108: {  	_ =	swait.ge @!p0 [sflag:s0], s1  }
0x109: {  	s1 =	ssub.s32 @!p0 $0x0, s1;
	[sflag:s0] =	ssyncset.done @!p0 $0x0  }
0x10a: {  	[sflag:s0] =	ssyncadd.s32 @!p0 s1  }
0x10b: {  	[bflag:$0x3] =	sbarrier.arrive $0xFFFF  }
0x10c: {  	_ =	shalt  }

// kernel: kernel.26.cloned.1.call-start
scs
__scs_entry_jumppad:
0x0: {  	(pc) =	sbr.rel $0x88, $3  }
0x1: {  	(tag) =	ssettag $0x0;
	lr =	simm.s32 $0x1  }
0x2: {  	[smem:$0x3F42] =	sst lr;
	_ =	strace $0xD0000000  }
0x3: {  	_ = 	snop  }
0x4: {  	_ = 	snop  }
0x5: {  	_ = 	snop  }
0x6: {  	_ = 	snop  }
0x7: {  	_ = 	snop  }
__scs_overlays_trampoline_lowered:
0x8: {  	[smem:$0x3F51] =	sst s0  }
0x9: {  	[smem:$0x3F52] =	sst s1  }
0xa: {  	[smem:$0x3F53] =	sst s2  }
0xb: {  	[smem:$0x3F54] =	sst s3  }
0xc: {  	[smem:$0x3F55] =	sst s4  }
0xd: {  	[smem:$0x3F56] =	sst s5  }
0xe: {  	[smem:$0x3F57] =	sst s6  }
0xf: {  	[smem:$0x3F58] =	sst s7  }
0x10: {  	[smem:$0x3F59] =	sst s8  }
0x11: {  	[smem:$0x3F5A] =	sst s9;
	s0 =	simm.s32 @!p0 $0x0  }
0x12: {  	s1 =	sld [smem:$0x3F40];
	s0 =	simm.s32 @p0 $0x1  }
0x13: {  	[smem:$0x3F5B] =	sst s0;
	s0 =	simm.s32 @!p1 $0x0  }
0x14: {  	s2 =	sld [smem:$0x3F3F];
	s0 =	simm.s32 @p1 $0x1  }
0x15: {  	[smem:$0x3F5C] =	sst s0;
	s0 =	simm.s32 @!p2 $0x0  }
0x16: {  	s3 =	sld [smem:$0x3FDB];
	s0 =	simm.s32 @p2 $0x1  }
0x17: {  	s4 =	simm.s32 $0x1BF5;
	[smem:$0x3F5E] =	sst s0  }
0x18: {  	s0 =	sld [smem:$0x3F41];
	_ =	swait.ge [sflag:s4], $0x0  }
0x19: {  	s7 =	sld [smem:$0x3F42]  }
0x1a: {  	s8 =	sadd.s32 $0xFFFFE003, lr  }
0x1b: {  	s9 =	sadd.s32 $0xFFFFFEF7, lr;
	s5 =	simm.s32 $0xFFFFFFFF;
	p2 =	slt.u32 s8, $0xFFFFF086  }
0x1c: {  	p1 =	slt.u32 s9, $0xF7A;
	s5 =	simm.s32 @!p2 $0x0  }
0x1d: {  	s5 =	simm.s32 @p1 $0x1;
	p0 =	seq.s32 s7, s2  }
0x1e: {  	s7 =	smul.u32 @!p0 $0xF7A, s2;
	p2 =	seq.s32 @!p0 s5, $0x0  }
0x1f: {  	s9 =	smul.u32 $0xF7A, s1;
	s8 =	simm.s32 @!p0 $0x1BF5;
	p2 =	por !p2, p0  }
0x20: {  	[sflag:s8] =	ssyncset.s32 @!p0 $0xFFFFF086;
	s6 =	sadd.s32 @!p0 s3, s7;
	s7 =	simm.s32 @!p0 $0x108  }
0x21: {  	s3 =	sadd.s32 s3, s9;
	s6 =	sadd.s32 @!p0 $0x88, s6;
	s7 =	simm.s32 @p2 $0x1082  }
0x22: {  	[simem:s7], [sflag:s8] =	dma.local @!p0 [hbm:s6], $0xF7A  }
0x23: {  	s9 =	sor.u32 $0xD0000000, s2;
	s6 =	simm.s32 $0x108;
	_ =	swait.ge @!p0 [sflag:s8], $0x0  }
0x24: {  	s3 =	sadd.s32 $0x88, s3;
	s6 =	simm.s32 @!p1 $0x1082;
	[sflag:s4] =	ssyncset.s32 $0xFFFFF086  }
0x25: {  	[simem:s6], [sflag:s4] =	dma.local [hbm:s3], $0xF7A  }
0x26: {  	[smem:$0x3F42] =	sst s1;
	(tag) =	ssettag s2;
	_ =	strace s9  }
0x27: {  	s1 =	sld [smem:$0x3F52]  }
0x28: {  	s2 =	sld [smem:$0x3F53]  }
0x29: {  	s4 =	sld [smem:$0x3F55]  }
0x2a: {  	p0 =	seq.s32 s5, $0x0;
	s5 =	sld [smem:$0x3F56]  }
0x2b: {  	s6 =	sld [smem:$0x3F57]  }
0x2c: {  	s7 =	sld [smem:$0x3F58]  }
0x2d: {  	s3 =	simm.s32 $0x108;
	s8 =	sld [smem:$0x3F59]  }
0x2e: {  	s3 =	simm.s32 @!p0 $0x1082;
	s9 =	sld [smem:$0x3F5A]  }
0x2f: {  	lr =	sadd.s32 s0, s3;
	s0 =	sld [smem:$0x3F51]  }
0x30: {  	s3 =	sld [smem:$0x3F54]  }
0x31: {  	[smem:$0x3F5D] =	sst s10  }
0x32: {  	s10 =	sld [smem:$0x3F5B];
	_ =	sdelay $0x3  }
0x33: {  	p0 =	seq.s32 s10, $0x1;
	s10 =	sld [smem:$0x3F5D];
	_ =	sdelay $0x3  }
0x34: {  	[smem:$0x3F5D] =	sst s10  }
0x35: {  	s10 =	sld [smem:$0x3F5C];
	_ =	sdelay $0x3  }
0x36: {  	p1 =	seq.s32 s10, $0x1;
	s10 =	sld [smem:$0x3F5D];
	_ =	sdelay $0x3  }
0x37: {  	[smem:$0x3F5D] =	sst s10  }
0x38: {  	s10 =	sld [smem:$0x3F5E]  }
0x39: {  	_ = 	snop;
	(pc) =	sbr.ind lr, $3  }
0x3a: {  	_ = 	snop  }
0x3b: {  	_ = 	snop  }
0x3c: {  	p2 =	seq.s32 s10, $0x1;
	s10 =	sld [smem:$0x3F5D]  }
0x3d: {  	_ =	shalt  }
0x3e: {  	_ =	shalt  }
0x3f: {  	_ =	shalt  }
0x40: {  	_ =	shalt  }
0x41: {  	_ =	shalt  }
0x42: {  	_ =	shalt  }
0x43: {  	_ =	shalt  }
0x44: {  	_ =	shalt  }
0x45: {  	_ =	shalt  }
0x46: {  	_ =	shalt  }
0x47: {  	_ =	shalt  }
0x48: {  	_ =	shalt  }
0x49: {  	_ =	shalt  }
0x4a: {  	_ =	shalt  }
0x4b: {  	_ =	shalt  }
0x4c: {  	_ =	shalt  }
0x4d: {  	_ =	shalt  }
0x4e: {  	_ =	shalt  }
0x4f: {  	_ =	shalt  }
0x50: {  	_ =	shalt  }
0x51: {  	_ =	shalt  }
0x52: {  	_ =	shalt  }
0x53: {  	_ =	shalt  }
0x54: {  	_ =	shalt  }
0x55: {  	_ =	shalt  }
0x56: {  	_ =	shalt  }
0x57: {  	_ =	shalt  }
0x58: {  	_ =	shalt  }
0x59: {  	_ =	shalt  }
0x5a: {  	_ =	shalt  }
0x5b: {  	_ =	shalt  }
0x5c: {  	_ =	shalt  }
0x5d: {  	_ =	shalt  }
0x5e: {  	_ =	shalt  }
0x5f: {  	_ =	shalt  }
0x60: {  	_ =	shalt  }
0x61: {  	_ =	shalt  }
0x62: {  	_ =	shalt  }
0x63: {  	_ =	shalt  }
0x64: {  	_ =	shalt  }
0x65: {  	_ =	shalt  }
0x66: {  	_ =	shalt  }
0x67: {  	_ =	shalt  }
0x68: {  	_ =	shalt  }
0x69: {  	_ =	shalt  }
0x6a: {  	_ =	shalt  }
0x6b: {  	_ =	shalt  }
0x6c: {  	_ =	shalt  }
0x6d: {  	_ =	shalt  }
0x6e: {  	_ =	shalt  }
0x6f: {  	_ =	shalt  }
0x70: {  	_ =	shalt  }
0x71: {  	_ =	shalt  }
0x72: {  	_ =	shalt  }
0x73: {  	_ =	shalt  }
0x74: {  	_ =	shalt  }
0x75: {  	_ =	shalt  }
0x76: {  	_ =	shalt  }
0x77: {  	_ =	shalt  }
0x78: {  	_ =	shalt  }
0x79: {  	_ =	shalt  }
0x7a: {  	_ =	shalt  }
0x7b: {  	_ =	shalt  }
0x7c: {  	_ =	shalt  }
0x7d: {  	_ =	shalt  }
0x7e: {  	_ =	shalt  }
0x7f: {  	_ =	shalt  }
0x80: {  	_ =	shalt  }
0x81: {  	_ =	shalt  }
0x82: {  	_ =	shalt  }
0x83: {  	_ =	shalt  }
0x84: {  	_ =	shalt  }
0x85: {  	_ =	shalt  }
0x86: {  	_ =	shalt  }
0x87: {  	_ =	shalt  }
.Lfunc_end0:
.L_simem_size_0:
called_computation.2_lowered:
.L_overlay_start_0:
0x88: {  	s2 =	sld [smem:$0x3FD9]  }
0x89: {  	s3 =	sld [smem:$0x3FFE];
	_ =	sdelay $0x1  }
0x8a: {  	s1 =	srdreg.scid  }
0x8b: {  	s0 =	sand.u32 $0x1, s1  }
0x8c: {  	s17 =	sshll.u32 s0, $0xA;
	s2 =	sadd.s32 s3, s2  }
0x8d: {  	s2 =	sadd.s32 s2, s17  }
0x8e: {  	[smem:$0x3F69] =	sst s2  }
0x8f: {  	_ = 	snop  }
0x90: {  	s2 =	sld [smem:$0x3FD0];
	(tm) =	ssettm $0x1  }
0x91: {  	s18 =	sld [smem:$0x3FFB];
	_ =	sdelay $0x3  }
0x92: {  	_ =	strace s18  }
0x93: {  	s3 =	sld [smem:$0x3FFC];
	_ =	sdelay $0x3  }
0x94: {  	_ =	strace s3  }
0x95: {  	s3 =	sld [smem:$0x3FFD];
	_ =	sdelay $0x3  }
0x96: {  	_ =	strace s3  }
0x97: {  	_ =	strace $0x8FFFFFFF  }
0x98: {  	s19 =	sld [smem:$0x3FDB];
	_ =	sdelay $0x1  }
0x99: {  	s4 =	simm.s32 $_scs_section_size  }
0x9a: {  	s5 =	simm.s32 $_size__tile_overlayer_lowered;
	s6 =	simm.s32 $_tile_overlayer_lowered  }
0x9b: {  	s22 =	simm.s32 $0x1BFF;
	s21 =	sshll.u32 s6, $0x1;
	s3 =	sadd.s32 s4, s19  }
0x9c: {  	s7 =	simm.s32 $0x0;
	s20 =	sshll.u32 s5, $0x1;
	s5 =	sadd.s32 s21, s3  }
0x9d: {  	[timem:s7], [sflag:s22] =	dma.local [hbm:s5], s20  }
0x9e: {  	_ =	swait.ge [sflag:s22], s20  }
0x9f: {  	s4 =	ssub.s32 $0x0, s20;
	[sflag:s22] =	ssyncset.done $0x0  }
0xa0: {  	[sflag:s22] =	ssyncadd.s32 s4;
	_ =	sdelay $0x1  }
0xa1: {  	s23 =	simm.s32 $0x1B8B  }
0xa2: {  	_ =	swait.ge [sflag:s23], $0x1  }
0xa3: {  	[sflag:s23] =	ssyncset.done $0x0  }
0xa4: {  	s25 =	simm.s32 $0x1B8E;
	s24 =	sld [smem:$0x3FFE];
	[sflag:s23] =	ssyncadd.s32 $0xFFFFFFFF  }
0xa5: {  	s26 =	simm.s32 $execute0_lowered;
	[smem:$0x3FD2] =	sst s25  }
0xa6: {  	s5 =	sshll.u32 s26, $0x1;
	_ =	strace $0x8000004C;
	[dreg:$0x1] =	wrdreg $0xFFFFFFFF  }
0xa7: {  	s28 =	simm.s32 $_size_execute0_lowered;
	s3 =	sadd.s32 s3, s5;
	[dreg:$0x0] =	wrdreg $0x0  }
0xa8: {  	s5 =	sshll.u32 s28, $0x1;
	[dreg:$0x2] =	wrdreg s3  }
0xa9: {  	[dreg:$0x3] =	wrdreg s5  }
0xaa: {  	[dreg:$0x4] =	wrdreg $0xC0  }
0xab: {  	_ =	task [dreg:s7], $0x5FFFF  }
0xac: {  	[dreg:$0x1] =	wrdreg $0xFFFFFFFF  }
0xad: {  	[dreg:$0x0] =	wrdreg $0x60  }
0xae: {  	[dreg:$0x2] =	wrdreg s24  }
0xaf: {  	[dreg:$0x3] =	wrdreg s2  }
0xb0: {  	[dreg:$0x4] =	wrdreg $0x9  }
0xb1: {  	_ =	task.clear_ibuf [dreg:s7], $0x5FFFF;
	_ =	strace $0x9000004C  }
0xb2: {  	s29 =	simm.s32 $0x9;
	_ =	strace $0x8000004E  }
0xb3: {  	_ =	swait.ge [sflag:s29], $0x1  }
0xb4: {  	[sflag:s29] =	ssyncadd.s32 $0xFFFFFFFF  }
0xb5: {  	_ =	strace $0x9000004E  }
0xb6: {  	_ =	sfence  }
0xb7: {  	s30 =	sld [smem:$0x0];
	_ =	sdelay $0x2  }
0xb8: {  	s31 =	sshll.u32 s1, $0xD;
	s1 =	sshrl.u32 s1, $0x2  }
0xb9: {  	s3 =	sand.u32 $0x4000, s31;
	s1 =	sadd.s32 s1, s30  }
0xba: {  	s0 =	sor.u32 s3, s0;
	s1 =	sshll.u32 s1, $0x11  }
0xbb: {  	s0 =	sor.u32 s1, s0  }
0xbc: {  	s0 =	sadd.s32 $0x8F2B, s0  }
0xbd: {  	[sflag:s0] =	ssyncadd.remote.s32 $0x1  }
0xbe: {  	_ =	sfence.sel $0xFFFF  }
0xbf: {  	[dreg:$0x0] =	wrdreg $0xFFFFFFFF;
	(pc) =	sbr.abs _section_cstart, $3  }
0xc0: {  	[dreg:$0x1] =	wrdreg $0xFFFFFFFF  }
0xc1: {  	_ =	task.clear_ibuf [dreg:s7], $0x2FFFF;
	_ =	strace $0x9FFFFFFF  }
0xc2: {  	(tm) =	ssettm $0x7FFFFFFF  }
0xc3: {  	_ =	shalt  }
tec
execute0_lowered:
.L_overlay_start_1:
0x0: {  	(tag) =	ssettag $0x1  }
0x1: {  	s4 =	rddreg [dreg:$0x0]  }
0x2: {  	s5 =	rddreg [dreg:$0x1]  }
0x3: {  	s0 =	rddreg [dreg:$0x2]  }
0x4: {  	s2 =	simm.s32 $0x0;
	s1 =	stileid.u32;
	s3 =	srdreg.scid  }
0x5: {  	s12 =	simm.s32 $0x2080;
	s13 =	simm.s32 $0x2880;
	s14 =	simm.s32 $0x3080  }
0x6: {  	s15 =	simm.s32 $0x3880;
	s16 =	simm.s32 $0x4080;
	s17 =	simm.s32 $0x4880  }
0x7: {  	s18 =	simm.s32 $0x5080;
	s19 =	simm.s32 $0x5880;
	s20 =	simm.s32 $0x6080  }
0x8: {  	s21 =	simm.s32 $0x6880;
	s22 =	simm.s32 $0x7080;
	s23 =	simm.s32 $0x7880  }
0x9: {  	s24 =	simm.s32 $0x1;
	s25 =	simm.s32 $0x0;
	s6 =	smul.u32 $0xA0000, s1  }
0xa: {  	[smem:$0x7FF] =	sst s2;
	s7 =	sand.u32 $0x1, s3;
	s11 =	smul.u32 $0xA00, s1  }
0xb: {  	s3 =	sadd.s32 $0xA66A00, s4;
	s8 =	ssub.s32 $0x2, s7;
	s9 =	smul.u32 $0x50000, s7  }
0xc: {  	_ =	strace $0x8000004D;
	s7 =	smul.u32 $0x500, s7;
	s10 =	sshrl.u32 s8, $0x1  }
0xd: {  	s6 =	sadd.s32 s6, s4;
	s31 =	sadd.s32 s11, s5;
	s11 =	simm.s32 $0x1880  }
0xe: {  	v2 =	vlaneseq.u32;
	s30 =	ssub.s32 s8, s10;
	s6 =	sadd.s32 s9, s6;
	s8 =	simm.s32 $0x80  }
0xf: {  	vm0 =	vmmov $0xffff;
	v1 =	vshrl.u32 v2, $0x3;
	s9 =	simm.s32 $0x880;
	s10 =	simm.s32 $0x1080;
	s4 =	smax.u32 s30, $0x1  }
0x10: {  	v0 =	vand.u32 $0x7, v2;
	v2 =	vor.u32 $0x8, v2;
	v1 =	vmul.u32 $0x8, v1;
	s5 =	sadd.s32 $0x11400, s6;
	s6 =	sadd.s32 s7, s31;
	s7 =	simm.s32 $0x2  }
.LBB2_1:
0x11: {  	s26 =	smov.u32 s5;
	s28 =	simm.s32 $0x0  }
.LBB2_2:
0x12: {  	s29 =	sadd.s32 s28, s6  }
0x13: {  	[tilespmem:s2], [sflag:$0x2] =	stream.linear.gather [hbm4b:s29+s2], $0x80, $0x38;
	[tilespmem:$0x8080] =	vst v63  }
0x14: {  	_ =	swait.ge [sflag:s7], $0x80  }
0x15: {  	[sflag:s7] =	ssyncset.done $0x0  }
0x16: {  	[sflag:s7] =	ssyncadd.s32 $0xFFFFFF80  }
0x17: {  	v3 =	vld [tilespmem:$0x0];
	_ =	sdelay $0x4  }
0x18: {  	v4 =	vshll.u32 v3, $0x1  }
0x19: {  	v3 =	vand.u32 $0x7, v3;
	v4 =	vand.u32 $0xFFFFFFF0, v4  }
0x1a: {  	v3 =	vor.u32 v3, v4  }
0x1b: {  	v4 =	vperm.xlane v3, v0;
	_ =	sdelay $0x1  }
0x1c: {  	v3 =	vperm.xlane v3, v2;
	v4 =	vadd.s32 v1, v4;
	_ =	sdelay $0x1  }
0x1d: {  	v3 =	vadd.s32 v1, v3;
	_ =	sdelay $0x2  }
0x1e: {  	[tilespmem:s8], [sflag:$0x1] =	stream.indirect_vreg.gather [hbm4b:s3+s2], $0x80, v4, vm0, $0xb8;
	[tilespmem:$0x8080] =	vst v63  }
0x1f: {  	_ = 	snop  }
0x20: {  	[tilespmem:s9], [sflag:$0x1] =	stream.indirect_vreg.gather [hbm4b:s3+s2], $0x80, v3, vm0, $0xb8;
	[tilespmem:$0x8080] =	vst v63  }
0x21: {  	v3 =	vld [tilespmem:$0x10];
	_ =	sdelay $0x4  }
0x22: {  	v57 =	vshll.u32 v3, $0x1  }
0x23: {  	v3 =	vand.u32 $0x7, v3;
	v4 =	vand.u32 $0xFFFFFFF0, v57  }
0x24: {  	v3 =	vor.u32 v3, v4  }
0x25: {  	v4 =	vperm.xlane v3, v0;
	_ =	sdelay $0x1  }
0x26: {  	v3 =	vperm.xlane v3, v2;
	v4 =	vadd.s32 v1, v4;
	_ =	sdelay $0x1  }
0x27: {  	v3 =	vadd.s32 v1, v3;
	_ =	sdelay $0x2  }
0x28: {  	[tilespmem:s10], [sflag:$0x1] =	stream.indirect_vreg.gather [hbm4b:s3+s2], $0x80, v4, vm0, $0xb8;
	[tilespmem:$0x8080] =	vst v63  }
0x29: {  	_ = 	snop  }
0x2a: {  	[tilespmem:s11], [sflag:$0x1] =	stream.indirect_vreg.gather [hbm4b:s3+s2], $0x80, v3, vm0, $0xb8;
	[tilespmem:$0x8080] =	vst v63  }
0x2b: {  	v3 =	vld [tilespmem:$0x20];
	_ =	sdelay $0x4  }
0x2c: {  	v58 =	vshll.u32 v3, $0x1  }
0x2d: {  	v3 =	vand.u32 $0x7, v3;
	v4 =	vand.u32 $0xFFFFFFF0, v58  }
0x2e: {  	v3 =	vor.u32 v3, v4  }
0x2f: {  	v4 =	vperm.xlane v3, v0;
	_ =	sdelay $0x1  }
0x30: {  	v3 =	vperm.xlane v3, v2;
	v4 =	vadd.s32 v1, v4;
	_ =	sdelay $0x1  }
0x31: {  	v3 =	vadd.s32 v1, v3;
	_ =	sdelay $0x2  }
0x32: {  	[tilespmem:s12], [sflag:$0x1] =	stream.indirect_vreg.gather [hbm4b:s3+s2], $0x80, v4, vm0, $0xb8;
	[tilespmem:$0x8080] =	vst v63  }
0x33: {  	_ = 	snop  }
0x34: {  	[tilespmem:s13], [sflag:$0x1] =	stream.indirect_vreg.gather [hbm4b:s3+s2], $0x80, v3, vm0, $0xb8;
	[tilespmem:$0x8080] =	vst v63  }
0x35: {  	v3 =	vld [tilespmem:$0x30];
	_ =	sdelay $0x4  }
0x36: {  	v59 =	vshll.u32 v3, $0x1  }
0x37: {  	v3 =	vand.u32 $0x7, v3;
	v4 =	vand.u32 $0xFFFFFFF0, v59  }
0x38: {  	v3 =	vor.u32 v3, v4  }
0x39: {  	v4 =	vperm.xlane v3, v0;
	_ =	sdelay $0x1  }
0x3a: {  	v3 =	vperm.xlane v3, v2;
	v4 =	vadd.s32 v1, v4;
	_ =	sdelay $0x1  }
0x3b: {  	v3 =	vadd.s32 v1, v3;
	_ =	sdelay $0x2  }
0x3c: {  	[tilespmem:s14], [sflag:$0x1] =	stream.indirect_vreg.gather [hbm4b:s3+s2], $0x80, v4, vm0, $0xb8;
	[tilespmem:$0x8080] =	vst v63  }
0x3d: {  	_ = 	snop  }
0x3e: {  	[tilespmem:s15], [sflag:$0x1] =	stream.indirect_vreg.gather [hbm4b:s3+s2], $0x80, v3, vm0, $0xb8;
	[tilespmem:$0x8080] =	vst v63  }
0x3f: {  	v3 =	vld [tilespmem:$0x40];
	_ =	sdelay $0x4  }
0x40: {  	v60 =	vshll.u32 v3, $0x1  }
0x41: {  	v3 =	vand.u32 $0x7, v3;
	v4 =	vand.u32 $0xFFFFFFF0, v60  }
0x42: {  	v3 =	vor.u32 v3, v4  }
0x43: {  	v4 =	vperm.xlane v3, v0;
	_ =	sdelay $0x1  }
0x44: {  	v3 =	vperm.xlane v3, v2;
	v4 =	vadd.s32 v1, v4;
	_ =	sdelay $0x1  }
0x45: {  	v3 =	vadd.s32 v1, v3;
	_ =	sdelay $0x2  }
0x46: {  	[tilespmem:s16], [sflag:$0x1] =	stream.indirect_vreg.gather [hbm4b:s3+s2], $0x80, v4, vm0, $0xb8;
	[tilespmem:$0x8080] =	vst v63  }
0x47: {  	_ = 	snop  }
0x48: {  	[tilespmem:s17], [sflag:$0x1] =	stream.indirect_vreg.gather [hbm4b:s3+s2], $0x80, v3, vm0, $0xb8;
	[tilespmem:$0x8080] =	vst v63  }
0x49: {  	v3 =	vld [tilespmem:$0x50];
	_ =	sdelay $0x4  }
0x4a: {  	v61 =	vshll.u32 v3, $0x1  }
0x4b: {  	v3 =	vand.u32 $0x7, v3;
	v4 =	vand.u32 $0xFFFFFFF0, v61  }
0x4c: {  	v3 =	vor.u32 v3, v4  }
0x4d: {  	v4 =	vperm.xlane v3, v0;
	_ =	sdelay $0x1  }
0x4e: {  	v3 =	vperm.xlane v3, v2;
	v4 =	vadd.s32 v1, v4;
	_ =	sdelay $0x1  }
0x4f: {  	v3 =	vadd.s32 v1, v3;
	_ =	sdelay $0x2  }
0x50: {  	[tilespmem:s18], [sflag:$0x1] =	stream.indirect_vreg.gather [hbm4b:s3+s2], $0x80, v4, vm0, $0xb8;
	[tilespmem:$0x8080] =	vst v63  }
0x51: {  	_ = 	snop  }
0x52: {  	[tilespmem:s19], [sflag:$0x1] =	stream.indirect_vreg.gather [hbm4b:s3+s2], $0x80, v3, vm0, $0xb8;
	[tilespmem:$0x8080] =	vst v63  }
0x53: {  	v3 =	vld [tilespmem:$0x60];
	_ =	sdelay $0x4  }
0x54: {  	v62 =	vshll.u32 v3, $0x1  }
0x55: {  	v3 =	vand.u32 $0x7, v3;
	v4 =	vand.u32 $0xFFFFFFF0, v62  }
0x56: {  	v3 =	vor.u32 v3, v4  }
0x57: {  	v4 =	vperm.xlane v3, v0;
	_ =	sdelay $0x1  }
0x58: {  	v3 =	vperm.xlane v3, v2;
	v4 =	vadd.s32 v1, v4;
	_ =	sdelay $0x1  }
0x59: {  	v3 =	vadd.s32 v1, v3;
	_ =	sdelay $0x2  }
0x5a: {  	[tilespmem:s20], [sflag:$0x1] =	stream.indirect_vreg.gather [hbm4b:s3+s2], $0x80, v4, vm0, $0xb8;
	[tilespmem:$0x8080] =	vst v63  }
0x5b: {  	_ = 	snop  }
0x5c: {  	[tilespmem:s21], [sflag:$0x1] =	stream.indirect_vreg.gather [hbm4b:s3+s2], $0x80, v3, vm0, $0xb8;
	[tilespmem:$0x8080] =	vst v63  }
0x5d: {  	v3 =	vld [tilespmem:$0x70];
	_ =	sdelay $0x4  }
0x5e: {  	v63 =	vshll.u32 v3, $0x1  }
0x5f: {  	v3 =	vand.u32 $0x7, v3;
	v4 =	vand.u32 $0xFFFFFFF0, v63  }
0x60: {  	v3 =	vor.u32 v3, v4  }
0x61: {  	v4 =	vperm.xlane v3, v0;
	_ =	sdelay $0x1  }
0x62: {  	v3 =	vperm.xlane v3, v2;
	v4 =	vadd.s32 v1, v4;
	_ =	sdelay $0x1  }
0x63: {  	v3 =	vadd.s32 v1, v3;
	_ =	sdelay $0x2  }
0x64: {  	[tilespmem:s22], [sflag:$0x1] =	stream.indirect_vreg.gather [hbm4b:s3+s2], $0x80, v4, vm0, $0xb8;
	[tilespmem:$0x8080] =	vst v63  }
0x65: {  	_ = 	snop  }
0x66: {  	[tilespmem:s23], [sflag:$0x1] =	stream.indirect_vreg.gather [hbm4b:s3+s2], $0x80, v3, vm0, $0xb8;
	[tilespmem:$0x8080] =	vst v63  }
0x67: {  	_ =	swait.ge [sflag:s24], $0x8000  }
0x68: {  	p0 =	sne.s32 s28, $0x4F0;
	[sflag:s24] =	ssyncset.done $0x0  }
.Ltmp0:
0x69: {  	[sflag:s24] =	ssyncadd.s32 $0xFFFF8000;
	(pc) =	sbr.rel @p0 .LBB2_2-.Ltmp0, $4  }
0x6a: {  	[hbm4b:s26+s2] =	stream.linear.scatter [tilespmem:s8], [sflag:$0x2], $0x8000, $0x38;
	[tilespmem:$0x8080] =	vst v63  }
0x6b: {  	_ =	swait.ge [sflag:s7], $0x8000  }
0x6c: {  	[sflag:s7] =	ssyncset.done $0x0  }
0x6d: {  	s28 =	sadd.s32 $0x10, s28;
	s26 =	sadd.s32 $0x1000, s26;
	[sflag:s7] =	ssyncadd.s32 $0xFFFF8000  }
0x6e: {  	s25 =	sadd.s32 $0x1, s25  }
0x6f: {  	p0 =	sne.s32 s25, s4  }
.Ltmp1:
0x70: {  	_ = 	snop;
	(pc) =	sbr.rel @p0 .LBB2_1-.Ltmp1, $1  }
0x71: {  	_ =	sdelay $0x3  }
0x72: {  	_ =	sfence.sel $0x180000  }
0x73: {  	[bflag:$0x0] =	sbarrier.arrive $0xFFFF  }
0x74: {  	p0 =	sne.s32 s1, $0x0;
	_ =	strace $0x9000004D  }
0x75: {  	s0 =	sadd.s32 @!p0 $0x100000, s0;
	[bflag:$0x2] =	sbarrier.arrive $0xFFFF  }
0x76: {  	[sflag:s0] =	ssyncadd.tile.s32 @!p0 $0x1;
	_ =	shalt  }
.Lfunc_end2:
_tile_overlayer_lowered:
.L_overlay_start_2:
0x77: {  	(tag) =	ssettag $0x2  }
0x78: {  	s0 =	rddreg [dreg:$0x0];
	s2 =	stileid.u32  }
0x79: {  	s1 =	rddreg [dreg:$0x1];
	p0 =	sne.s32 s2, $0x0  }
0x7a: {  	s3 =	rddreg [dreg:$0x2];
	[bflag:$0x3] =	sbarrier.arrive $0xFFFF;
	s2 =	simm.s32 @!p0 $0x1C02  }
0x7b: {  	[timem:s3], [sflag:s2] =	dma.local @!p0 [hbm:s0], s1  }
0x7c: {  	s0 =	simm.s32 @!p0 $0x2  }
0x7d: {  	_ =	swait.ge @!p0 [sflag:s0], s1  }
0x7e: {  	s1 =	ssub.s32 @!p0 $0x0, s1;
	[sflag:s0] =	ssyncset.done @!p0 $0x0  }
0x7f: {  	[sflag:s0] =	ssyncadd.s32 @!p0 s1  }
0x80: {  	[bflag:$0x3] =	sbarrier.arrive $0xFFFF  }
0x81: {  	_ =	shalt  }

// kernel: kernel.29.cloned.1.call-start
scs
__scs_entry_jumppad:
0x0: {  	(pc) =	sbr.rel $0x88, $3  }
0x1: {  	(tag) =	ssettag $0x0;
	lr =	simm.s32 $0x1  }
0x2: {  	[smem:$0x3F42] =	sst lr;
	_ =	strace $0xD0000000  }
0x3: {  	_ = 	snop  }
0x4: {  	_ = 	snop  }
0x5: {  	_ = 	snop  }
0x6: {  	_ = 	snop  }
0x7: {  	_ = 	snop  }
__scs_overlays_trampoline_lowered:
0x8: {  	[smem:$0x3F51] =	sst s0  }
0x9: {  	[smem:$0x3F52] =	sst s1  }
0xa: {  	[smem:$0x3F53] =	sst s2  }
0xb: {  	[smem:$0x3F54] =	sst s3  }
0xc: {  	[smem:$0x3F55] =	sst s4  }
0xd: {  	[smem:$0x3F56] =	sst s5  }
0xe: {  	[smem:$0x3F57] =	sst s6  }
0xf: {  	[smem:$0x3F58] =	sst s7  }
0x10: {  	[smem:$0x3F59] =	sst s8  }
0x11: {  	[smem:$0x3F5A] =	sst s9;
	s0 =	simm.s32 @!p0 $0x0  }
0x12: {  	s1 =	sld [smem:$0x3F40];
	s0 =	simm.s32 @p0 $0x1  }
0x13: {  	[smem:$0x3F5B] =	sst s0;
	s0 =	simm.s32 @!p1 $0x0  }
0x14: {  	s2 =	sld [smem:$0x3F3F];
	s0 =	simm.s32 @p1 $0x1  }
0x15: {  	[smem:$0x3F5C] =	sst s0;
	s0 =	simm.s32 @!p2 $0x0  }
0x16: {  	s3 =	sld [smem:$0x3FDB];
	s0 =	simm.s32 @p2 $0x1  }
0x17: {  	s4 =	simm.s32 $0x1BF5;
	[smem:$0x3F5E] =	sst s0  }
0x18: {  	s0 =	sld [smem:$0x3F41];
	_ =	swait.ge [sflag:s4], $0x0  }
0x19: {  	s7 =	sld [smem:$0x3F42]  }
0x1a: {  	s8 =	sadd.s32 $0xFFFFE003, lr  }
0x1b: {  	s9 =	sadd.s32 $0xFFFFFEF7, lr;
	s5 =	simm.s32 $0xFFFFFFFF;
	p2 =	slt.u32 s8, $0xFFFFF086  }
0x1c: {  	p1 =	slt.u32 s9, $0xF7A;
	s5 =	simm.s32 @!p2 $0x0  }
0x1d: {  	s5 =	simm.s32 @p1 $0x1;
	p0 =	seq.s32 s7, s2  }
0x1e: {  	s7 =	smul.u32 @!p0 $0xF7A, s2;
	p2 =	seq.s32 @!p0 s5, $0x0  }
0x1f: {  	s9 =	smul.u32 $0xF7A, s1;
	s8 =	simm.s32 @!p0 $0x1BF5;
	p2 =	por !p2, p0  }
0x20: {  	[sflag:s8] =	ssyncset.s32 @!p0 $0xFFFFF086;
	s6 =	sadd.s32 @!p0 s3, s7;
	s7 =	simm.s32 @!p0 $0x108  }
0x21: {  	s3 =	sadd.s32 s3, s9;
	s6 =	sadd.s32 @!p0 $0x88, s6;
	s7 =	simm.s32 @p2 $0x1082  }
0x22: {  	[simem:s7], [sflag:s8] =	dma.local @!p0 [hbm:s6], $0xF7A  }
0x23: {  	s9 =	sor.u32 $0xD0000000, s2;
	s6 =	simm.s32 $0x108;
	_ =	swait.ge @!p0 [sflag:s8], $0x0  }
0x24: {  	s3 =	sadd.s32 $0x88, s3;
	s6 =	simm.s32 @!p1 $0x1082;
	[sflag:s4] =	ssyncset.s32 $0xFFFFF086  }
0x25: {  	[simem:s6], [sflag:s4] =	dma.local [hbm:s3], $0xF7A  }
0x26: {  	[smem:$0x3F42] =	sst s1;
	(tag) =	ssettag s2;
	_ =	strace s9  }
0x27: {  	s1 =	sld [smem:$0x3F52]  }
0x28: {  	s2 =	sld [smem:$0x3F53]  }
0x29: {  	s4 =	sld [smem:$0x3F55]  }
0x2a: {  	p0 =	seq.s32 s5, $0x0;
	s5 =	sld [smem:$0x3F56]  }
0x2b: {  	s6 =	sld [smem:$0x3F57]  }
0x2c: {  	s7 =	sld [smem:$0x3F58]  }
0x2d: {  	s3 =	simm.s32 $0x108;
	s8 =	sld [smem:$0x3F59]  }
0x2e: {  	s3 =	simm.s32 @!p0 $0x1082;
	s9 =	sld [smem:$0x3F5A]  }
0x2f: {  	lr =	sadd.s32 s0, s3;
	s0 =	sld [smem:$0x3F51]  }
0x30: {  	s3 =	sld [smem:$0x3F54]  }
0x31: {  	[smem:$0x3F5D] =	sst s10  }
0x32: {  	s10 =	sld [smem:$0x3F5B];
	_ =	sdelay $0x3  }
0x33: {  	p0 =	seq.s32 s10, $0x1;
	s10 =	sld [smem:$0x3F5D];
	_ =	sdelay $0x3  }
0x34: {  	[smem:$0x3F5D] =	sst s10  }
0x35: {  	s10 =	sld [smem:$0x3F5C];
	_ =	sdelay $0x3  }
0x36: {  	p1 =	seq.s32 s10, $0x1;
	s10 =	sld [smem:$0x3F5D];
	_ =	sdelay $0x3  }
0x37: {  	[smem:$0x3F5D] =	sst s10  }
0x38: {  	s10 =	sld [smem:$0x3F5E]  }
0x39: {  	_ = 	snop;
	(pc) =	sbr.ind lr, $3  }
0x3a: {  	_ = 	snop  }
0x3b: {  	_ = 	snop  }
0x3c: {  	p2 =	seq.s32 s10, $0x1;
	s10 =	sld [smem:$0x3F5D]  }
0x3d: {  	_ =	shalt  }
0x3e: {  	_ =	shalt  }
0x3f: {  	_ =	shalt  }
0x40: {  	_ =	shalt  }
0x41: {  	_ =	shalt  }
0x42: {  	_ =	shalt  }
0x43: {  	_ =	shalt  }
0x44: {  	_ =	shalt  }
0x45: {  	_ =	shalt  }
0x46: {  	_ =	shalt  }
0x47: {  	_ =	shalt  }
0x48: {  	_ =	shalt  }
0x49: {  	_ =	shalt  }
0x4a: {  	_ =	shalt  }
0x4b: {  	_ =	shalt  }
0x4c: {  	_ =	shalt  }
0x4d: {  	_ =	shalt  }
0x4e: {  	_ =	shalt  }
0x4f: {  	_ =	shalt  }
0x50: {  	_ =	shalt  }
0x51: {  	_ =	shalt  }
0x52: {  	_ =	shalt  }
0x53: {  	_ =	shalt  }
0x54: {  	_ =	shalt  }
0x55: {  	_ =	shalt  }
0x56: {  	_ =	shalt  }
0x57: {  	_ =	shalt  }
0x58: {  	_ =	shalt  }
0x59: {  	_ =	shalt  }
0x5a: {  	_ =	shalt  }
0x5b: {  	_ =	shalt  }
0x5c: {  	_ =	shalt  }
0x5d: {  	_ =	shalt  }
0x5e: {  	_ =	shalt  }
0x5f: {  	_ =	shalt  }
0x60: {  	_ =	shalt  }
0x61: {  	_ =	shalt  }
0x62: {  	_ =	shalt  }
0x63: {  	_ =	shalt  }
0x64: {  	_ =	shalt  }
0x65: {  	_ =	shalt  }
0x66: {  	_ =	shalt  }
0x67: {  	_ =	shalt  }
0x68: {  	_ =	shalt  }
0x69: {  	_ =	shalt  }
0x6a: {  	_ =	shalt  }
0x6b: {  	_ =	shalt  }
0x6c: {  	_ =	shalt  }
0x6d: {  	_ =	shalt  }
0x6e: {  	_ =	shalt  }
0x6f: {  	_ =	shalt  }
0x70: {  	_ =	shalt  }
0x71: {  	_ =	shalt  }
0x72: {  	_ =	shalt  }
0x73: {  	_ =	shalt  }
0x74: {  	_ =	shalt  }
0x75: {  	_ =	shalt  }
0x76: {  	_ =	shalt  }
0x77: {  	_ =	shalt  }
0x78: {  	_ =	shalt  }
0x79: {  	_ =	shalt  }
0x7a: {  	_ =	shalt  }
0x7b: {  	_ =	shalt  }
0x7c: {  	_ =	shalt  }
0x7d: {  	_ =	shalt  }
0x7e: {  	_ =	shalt  }
0x7f: {  	_ =	shalt  }
0x80: {  	_ =	shalt  }
0x81: {  	_ =	shalt  }
0x82: {  	_ =	shalt  }
0x83: {  	_ =	shalt  }
0x84: {  	_ =	shalt  }
0x85: {  	_ =	shalt  }
0x86: {  	_ =	shalt  }
0x87: {  	_ =	shalt  }
.Lfunc_end0:
.L_simem_size_0:
called_computation.3_lowered:
.L_overlay_start_0:
0x88: {  	s2 =	sld [smem:$0x3FD9]  }
0x89: {  	s3 =	sld [smem:$0x3FFE];
	_ =	sdelay $0x1  }
0x8a: {  	s1 =	srdreg.scid  }
0x8b: {  	s0 =	sand.u32 $0x1, s1  }
0x8c: {  	s16 =	sshll.u32 s0, $0xA;
	s2 =	sadd.s32 s3, s2  }
0x8d: {  	s2 =	sadd.s32 s2, s16  }
0x8e: {  	[smem:$0x3F69] =	sst s2  }
0x8f: {  	_ = 	snop  }
0x90: {  	(tm) =	ssettm $0x1  }
0x91: {  	s17 =	sld [smem:$0x3FFB];
	_ =	sdelay $0x3  }
0x92: {  	_ =	strace s17  }
0x93: {  	s2 =	sld [smem:$0x3FFC];
	_ =	sdelay $0x3  }
0x94: {  	_ =	strace s2  }
0x95: {  	s2 =	sld [smem:$0x3FFD];
	_ =	sdelay $0x3  }
0x96: {  	_ =	strace s2  }
0x97: {  	_ =	strace $0x8FFFFFFF  }
0x98: {  	s18 =	sld [smem:$0x3FDB];
	_ =	sdelay $0x1  }
0x99: {  	s19 =	simm.s32 $_scs_section_size  }
0x9a: {  	s4 =	simm.s32 $_size__tile_overlayer_lowered;
	s5 =	simm.s32 $_tile_overlayer_lowered  }
0x9b: {  	s22 =	simm.s32 $0x1BFF;
	s21 =	sshll.u32 s5, $0x1;
	s2 =	sadd.s32 s19, s18  }
0x9c: {  	s6 =	simm.s32 $0x0;
	s20 =	sshll.u32 s4, $0x1;
	s4 =	sadd.s32 s21, s2  }
0x9d: {  	[timem:s6], [sflag:s22] =	dma.local [hbm:s4], s20  }
0x9e: {  	_ =	swait.ge [sflag:s22], s20  }
0x9f: {  	s3 =	ssub.s32 $0x0, s20;
	[sflag:s22] =	ssyncset.done $0x0  }
0xa0: {  	[sflag:s22] =	ssyncadd.s32 s3;
	_ =	sdelay $0x1  }
0xa1: {  	s23 =	simm.s32 $0x1B8B  }
0xa2: {  	_ =	swait.ge [sflag:s23], $0x1  }
0xa3: {  	[sflag:s23] =	ssyncset.done $0x0  }
0xa4: {  	s25 =	simm.s32 $0x1B8E;
	s24 =	sld [smem:$0x3FFE];
	[sflag:s23] =	ssyncadd.s32 $0xFFFFFFFF  }
0xa5: {  	s26 =	simm.s32 $execute0_lowered;
	[smem:$0x3FD2] =	sst s25  }
0xa6: {  	s4 =	sshll.u32 s26, $0x1;
	_ =	strace $0x8000004F;
	[dreg:$0x1] =	wrdreg $0xFFFFFFFF  }
0xa7: {  	s28 =	simm.s32 $_size_execute0_lowered;
	s2 =	sadd.s32 s2, s4;
	[dreg:$0x0] =	wrdreg $0x0  }
0xa8: {  	s4 =	sshll.u32 s28, $0x1;
	[dreg:$0x2] =	wrdreg s2  }
0xa9: {  	[dreg:$0x3] =	wrdreg s4  }
0xaa: {  	[dreg:$0x4] =	wrdreg $0xC0  }
0xab: {  	_ =	task [dreg:s6], $0x5FFFF  }
0xac: {  	[dreg:$0x1] =	wrdreg $0xFFFFFFFF  }
0xad: {  	[dreg:$0x0] =	wrdreg $0x60  }
0xae: {  	[dreg:$0x2] =	wrdreg s24  }
0xaf: {  	[dreg:$0x3] =	wrdreg $0x9  }
0xb0: {  	_ =	task.clear_ibuf [dreg:s6], $0x4FFFF;
	_ =	strace $0x9000004F  }
0xb1: {  	s29 =	simm.s32 $0x9;
	_ =	strace $0x80000051  }
0xb2: {  	_ =	swait.ge [sflag:s29], $0x1  }
0xb3: {  	[sflag:s29] =	ssyncadd.s32 $0xFFFFFFFF  }
0xb4: {  	_ =	strace $0x90000051  }
0xb5: {  	_ =	sfence  }
0xb6: {  	s30 =	sld [smem:$0x0];
	_ =	sdelay $0x2  }
0xb7: {  	s31 =	sshll.u32 s1, $0xD;
	s1 =	sshrl.u32 s1, $0x2  }
0xb8: {  	s3 =	sand.u32 $0x4000, s31;
	s1 =	sadd.s32 s1, s30  }
0xb9: {  	s0 =	sor.u32 s3, s0;
	s1 =	sshll.u32 s1, $0x11  }
0xba: {  	s0 =	sor.u32 s1, s0  }
0xbb: {  	s0 =	sadd.s32 $0x8F2B, s0  }
0xbc: {  	[sflag:s0] =	ssyncadd.remote.s32 $0x1  }
0xbd: {  	_ =	sfence.sel $0xFFFF  }
0xbe: {  	[dreg:$0x0] =	wrdreg $0xFFFFFFFF;
	(pc) =	sbr.abs _section_cstart, $3  }
0xbf: {  	[dreg:$0x1] =	wrdreg $0xFFFFFFFF  }
0xc0: {  	_ =	task.clear_ibuf [dreg:s6], $0x2FFFF;
	_ =	strace $0x9FFFFFFF  }
0xc1: {  	(tm) =	ssettm $0x7FFFFFFF  }
tec
execute0_lowered:
.L_overlay_start_1:
0x0: {  	(tag) =	ssettag $0x1  }
0x1: {  	s0 =	srdreg.scid;
	s2 =	stileid.u32  }
0x2: {  	s1 =	rddreg [dreg:$0x0];
	s8 =	simm.s32 $0x2;
	s28 =	simm.s32 $0x800  }
0x3: {  	s29 =	simm.s32 $0x1000;
	s30 =	simm.s32 $0x1800;
	s31 =	simm.s32 $0x2000  }
0x4: {  	s7 =	simm.s32 $0x3800;
	s9 =	simm.s32 $0x4000;
	s10 =	simm.s32 $0x4800  }
0x5: {  	s11 =	simm.s32 $0x5000;
	s12 =	simm.s32 $0x5800;
	s13 =	simm.s32 $0x6000  }
0x6: {  	s14 =	simm.s32 $0x6800;
	s15 =	simm.s32 $0x7000;
	s16 =	simm.s32 $0x7800  }
0x7: {  	s18 =	simm.s32 $0x0;
	s0 =	sand.u32 $0x1, s0;
	s3 =	sshll.u32 s2, $0x1  }
0x8: {  	s2 =	simm.s32 $0x0;
	s4 =	sadd.s32 $0x511400, s1;
	s6 =	sor.u32 s0, s3  }
0x9: {  	[smem:$0x7FF] =	sst s2;
	s0 =	ssub.s32 $0x2, s0;
	s5 =	smul.u32 $0x52000, s6  }
0xa: {  	s3 =	sadd.s32 $0x11400, s1;
	_ =	strace $0x80000050;
	s26 =	sshrl.u32 s0, $0x1  }
0xb: {  	v3 =	vlaneseq.u32;
	s6 =	smul.u32 $0x28, s6;
	s0 =	ssub.s32 s0, s26;
	s1 =	sadd.s32 s5, s1  }
0xc: {  	v0 =	vimm.f32 $0.0e+00;
	vm0 =	vmmov $0xffff;
	v2 =	vshrl.u32 v3, $0x3;
	s26 =	simm.s32 $0x1;
	s0 =	smax.u32 s0, $0x1;
	s5 =	sadd.s32 $0x1452A00, s1  }
0xd: {  	v1 =	vand.u32 $0x7, v3;
	v3 =	vor.u32 $0x8, v3;
	v2 =	vmul.u32 $0x8, v2;
	[dreg:$0x2] =	wrdreg s0;
	s1 =	simm.s32 $0x2800;
	s0 =	simm.s32 $0x3000  }
.LBB2_1:
0xe: {  	s17 =	simm.s32 $0x0  }
0xf: {  	s24 =	sand.u32 $0x400, s2;
	s19 =	simm.s32 $0x0;
	s17 =	sand.u32 $0x7800, s17  }
0x10: {  	s19 =	sand.u32 $0x380, s19;
	s17 =	sor.u32 s24, s17  }
0x11: {  	s25 =	sand.u32 $0x70, s2;
	s17 =	sor.u32 s19, s17  }
0x12: {  	[dreg:$0x3] =	wrdreg s18;
	s17 =	sor.u32 s25, s17  }
0x13: {  	s18 =	simm.s32 $0x1;
	s20 =	simm.s32 $0x0;
	s19 =	simm.s32 $0x80;
	[tilespmem:s17+$0x0] =	vst v0  }
.LBB2_2:
0x14: {  	s17 =	sshll.u32 s18, $0x4;
	p0 =	sne.s32 s18, $0x7FF  }
0x15: {  	s21 =	smov.u32 s18;
	s18 =	sadd.s32 $0x1, s18;
	s22 =	sand.u32 $0x400, s19  }
.Ltmp0:
0x16: {  	s17 =	sand.u32 $0x7800, s17;
	s21 =	sshll.u32 s21, $0x3;
	(pc) =	sbr.rel @p0 .LBB2_2-.Ltmp0, $4  }
0x17: {  	s20 =	sadd.s32 $0x10, s20;
	s21 =	sand.u32 $0x380, s21;
	s17 =	sor.u32 s22, s17  }
0x18: {  	s22 =	sand.u32 $0x70, s20;
	s17 =	sor.u32 s21, s17  }
0x19: {  	s17 =	sor.u32 s22, s17  }
0x1a: {  	s19 =	sadd.s32 $0x80, s19;
	[tilespmem:s17+$0x0] =	vst v0;
	s17 =	simm.s32 $0x0  }
0x1b: {  	s18 =	sadd.s32 $0x0, s5  }
0x1c: {  	[hbm4b:s18+s17] =	stream.linear.scatter [tilespmem:s17], [sflag:$0x2], $0x8000, $0x38;
	[tilespmem:$0x10080] =	vst v63  }
0x1d: {  	_ =	swait.ge [sflag:s8], $0x8000  }
0x1e: {  	s18 =	simm.s32 $0x1000;
	[sflag:s8] =	ssyncset.done $0x0  }
.LBB2_4:
0x1f: {  	s19 =	sadd.s32 s18, s5;
	[sflag:s8] =	ssyncadd.s32 $0xFFFF8000;
	p0 =	sne.s32 s18, $0x4F000  }
0x20: {  	[hbm4b:s19+s17] =	stream.linear.scatter [tilespmem:s17], [sflag:$0x2], $0x8000, $0x38;
	[tilespmem:$0x10080] =	vst v63  }
.Ltmp1:
0x21: {  	_ = 	snop;
	(pc) =	sbr.rel @p0 .LBB2_4-.Ltmp1, $4  }
0x22: {  	_ = 	snop  }
0x23: {  	s18 =	sadd.s32 $0x1000, s18  }
0x24: {  	_ =	swait.ge [sflag:s8], $0x8000  }
0x25: {  	[sflag:s8] =	ssyncset.done $0x0  }
0x26: {  	[sflag:s8] =	ssyncadd.s32 $0xFFFF8000  }
.LBB2_6:
0x27: {  	s19 =	sadd.s32 s6, s17  }
0x28: {  	s18 =	sshll.u32 s19, $0x4  }
0x29: {  	s21 =	simm.s32 $0x10000;
	s20 =	sadd.s32 s4, s18;
	s18 =	simm.s32 $0x0  }
0x2a: {  	[tilespmem:s21], [sflag:$0x2] =	stream.linear.gather [hbm4b:s20+s18], $0x80, $0x38;
	[tilespmem:$0x10080] =	vst v63  }
0x2b: {  	_ =	swait.ge [sflag:s8], $0x80  }
0x2c: {  	s19 =	sshll.u32 s19, $0xC;
	[sflag:s8] =	ssyncset.done $0x0  }
0x2d: {  	s19 =	sadd.s32 s3, s19;
	[sflag:s8] =	ssyncadd.s32 $0xFFFFFF80  }
0x2e: {  	[tilespmem:s18], [sflag:$0x2] =	stream.linear.gather [hbm4b:s19+s18], $0x8000, $0x38;
	[tilespmem:$0x10080] =	vst v63  }
0x2f: {  	_ =	swait.ge [sflag:s8], $0x8000  }
0x30: {  	[sflag:s8] =	ssyncset.done $0x0  }
0x31: {  	[sflag:s8] =	ssyncadd.s32 $0xFFFF8000  }
0x32: {  	v4 =	vld [tilespmem:$0x10000];
	_ =	sdelay $0x4  }
0x33: {  	v5 =	vshll.u32 v4, $0x1  }
0x34: {  	v4 =	vand.u32 $0x7, v4;
	v5 =	vand.u32 $0xFFFFFFF0, v5  }
0x35: {  	v4 =	vor.u32 v4, v5  }
0x36: {  	v5 =	vperm.xlane v4, v1;
	_ =	sdelay $0x1  }
0x37: {  	v4 =	vperm.xlane v4, v3;
	v5 =	vadd.s32 v2, v5;
	_ =	sdelay $0x1  }
0x38: {  	v4 =	vadd.s32 v2, v4;
	_ =	sdelay $0x1  }
0x39: {  	s23 =	simm.s32 $0x8000  }
0x3a: {  	[tilespmem:s23], [sflag:$0x1] =	stream.indirect_vreg.gather [hbm4b:s5+s18], $0x80, v5, vm0, $0xb8;
	[tilespmem:$0x10080] =	vst v63  }
0x3b: {  	s24 =	simm.s32 $0x8800  }
0x3c: {  	[tilespmem:s24], [sflag:$0x1] =	stream.indirect_vreg.gather [hbm4b:s5+s18], $0x80, v4, vm0, $0xb8;
	[tilespmem:$0x10080] =	vst v63  }
0x3d: {  	v4 =	vld [tilespmem:$0x10010];
	_ =	sdelay $0x4  }
0x3e: {  	v5 =	vshll.u32 v4, $0x1  }
0x3f: {  	v4 =	vand.u32 $0x7, v4;
	v5 =	vand.u32 $0xFFFFFFF0, v5  }
0x40: {  	v4 =	vor.u32 v4, v5  }
0x41: {  	v5 =	vperm.xlane v4, v1;
	_ =	sdelay $0x1  }
0x42: {  	v4 =	vperm.xlane v4, v3;
	v5 =	vadd.s32 v2, v5;
	_ =	sdelay $0x1  }
0x43: {  	v4 =	vadd.s32 v2, v4;
	_ =	sdelay $0x1  }
0x44: {  	s25 =	simm.s32 $0x9000  }
0x45: {  	[tilespmem:s25], [sflag:$0x1] =	stream.indirect_vreg.gather [hbm4b:s5+s18], $0x80, v5, vm0, $0xb8;
	[tilespmem:$0x10080] =	vst v63  }
0x46: {  	s20 =	simm.s32 $0x9800  }
0x47: {  	[tilespmem:s20], [sflag:$0x1] =	stream.indirect_vreg.gather [hbm4b:s5+s18], $0x80, v4, vm0, $0xb8;
	[tilespmem:$0x10080] =	vst v63  }
0x48: {  	v4 =	vld [tilespmem:$0x10020];
	_ =	sdelay $0x4  }
0x49: {  	v5 =	vshll.u32 v4, $0x1  }
0x4a: {  	v4 =	vand.u32 $0x7, v4;
	v5 =	vand.u32 $0xFFFFFFF0, v5  }
0x4b: {  	v4 =	vor.u32 v4, v5  }
0x4c: {  	v5 =	vperm.xlane v4, v1;
	_ =	sdelay $0x1  }
0x4d: {  	v4 =	vperm.xlane v4, v3;
	v5 =	vadd.s32 v2, v5;
	_ =	sdelay $0x1  }
0x4e: {  	v4 =	vadd.s32 v2, v4;
	_ =	sdelay $0x1  }
0x4f: {  	s21 =	simm.s32 $0xA000  }
0x50: {  	[tilespmem:s21], [sflag:$0x1] =	stream.indirect_vreg.gather [hbm4b:s5+s18], $0x80, v5, vm0, $0xb8;
	[tilespmem:$0x10080] =	vst v63  }
0x51: {  	s22 =	simm.s32 $0xA800  }
0x52: {  	[tilespmem:s22], [sflag:$0x1] =	stream.indirect_vreg.gather [hbm4b:s5+s18], $0x80, v4, vm0, $0xb8;
	[tilespmem:$0x10080] =	vst v63  }
0x53: {  	v4 =	vld [tilespmem:$0x10030];
	_ =	sdelay $0x4  }
0x54: {  	v5 =	vshll.u32 v4, $0x1  }
0x55: {  	v4 =	vand.u32 $0x7, v4;
	v5 =	vand.u32 $0xFFFFFFF0, v5  }
0x56: {  	v4 =	vor.u32 v4, v5  }
0x57: {  	v5 =	vperm.xlane v4, v1;
	_ =	sdelay $0x1  }
0x58: {  	v4 =	vperm.xlane v4, v3;
	v5 =	vadd.s32 v2, v5;
	_ =	sdelay $0x1  }
0x59: {  	v4 =	vadd.s32 v2, v4;
	_ =	sdelay $0x1  }
0x5a: {  	s23 =	simm.s32 $0xB000  }
0x5b: {  	[tilespmem:s23], [sflag:$0x1] =	stream.indirect_vreg.gather [hbm4b:s5+s18], $0x80, v5, vm0, $0xb8;
	[tilespmem:$0x10080] =	vst v63  }
0x5c: {  	s24 =	simm.s32 $0xB800  }
0x5d: {  	[tilespmem:s24], [sflag:$0x1] =	stream.indirect_vreg.gather [hbm4b:s5+s18], $0x80, v4, vm0, $0xb8;
	[tilespmem:$0x10080] =	vst v63  }
0x5e: {  	v4 =	vld [tilespmem:$0x10040];
	_ =	sdelay $0x4  }
0x5f: {  	v5 =	vshll.u32 v4, $0x1  }
0x60: {  	v4 =	vand.u32 $0x7, v4;
	v5 =	vand.u32 $0xFFFFFFF0, v5  }
0x61: {  	v4 =	vor.u32 v4, v5  }
0x62: {  	v5 =	vperm.xlane v4, v1;
	_ =	sdelay $0x1  }
0x63: {  	v4 =	vperm.xlane v4, v3;
	v5 =	vadd.s32 v2, v5;
	_ =	sdelay $0x1  }
0x64: {  	v4 =	vadd.s32 v2, v4;
	_ =	sdelay $0x1  }
0x65: {  	s25 =	simm.s32 $0xC000  }
0x66: {  	[tilespmem:s25], [sflag:$0x1] =	stream.indirect_vreg.gather [hbm4b:s5+s18], $0x80, v5, vm0, $0xb8;
	[tilespmem:$0x10080] =	vst v63  }
0x67: {  	s20 =	simm.s32 $0xC800  }
0x68: {  	[tilespmem:s20], [sflag:$0x1] =	stream.indirect_vreg.gather [hbm4b:s5+s18], $0x80, v4, vm0, $0xb8;
	[tilespmem:$0x10080] =	vst v63  }
0x69: {  	v4 =	vld [tilespmem:$0x10050];
	_ =	sdelay $0x4  }
0x6a: {  	v5 =	vshll.u32 v4, $0x1  }
0x6b: {  	v4 =	vand.u32 $0x7, v4;
	v5 =	vand.u32 $0xFFFFFFF0, v5  }
0x6c: {  	v4 =	vor.u32 v4, v5  }
0x6d: {  	v5 =	vperm.xlane v4, v1;
	_ =	sdelay $0x1  }
0x6e: {  	v4 =	vperm.xlane v4, v3;
	v5 =	vadd.s32 v2, v5;
	_ =	sdelay $0x1  }
0x6f: {  	v4 =	vadd.s32 v2, v4;
	_ =	sdelay $0x1  }
0x70: {  	s21 =	simm.s32 $0xD000  }
0x71: {  	[tilespmem:s21], [sflag:$0x1] =	stream.indirect_vreg.gather [hbm4b:s5+s18], $0x80, v5, vm0, $0xb8;
	[tilespmem:$0x10080] =	vst v63  }
0x72: {  	s22 =	simm.s32 $0xD800  }
0x73: {  	[tilespmem:s22], [sflag:$0x1] =	stream.indirect_vreg.gather [hbm4b:s5+s18], $0x80, v4, vm0, $0xb8;
	[tilespmem:$0x10080] =	vst v63  }
0x74: {  	v4 =	vld [tilespmem:$0x10060];
	_ =	sdelay $0x4  }
0x75: {  	v5 =	vshll.u32 v4, $0x1  }
0x76: {  	v4 =	vand.u32 $0x7, v4;
	v5 =	vand.u32 $0xFFFFFFF0, v5  }
0x77: {  	v4 =	vor.u32 v4, v5  }
0x78: {  	v5 =	vperm.xlane v4, v1;
	_ =	sdelay $0x1  }
0x79: {  	v4 =	vperm.xlane v4, v3;
	v5 =	vadd.s32 v2, v5;
	_ =	sdelay $0x1  }
0x7a: {  	v4 =	vadd.s32 v2, v4;
	_ =	sdelay $0x1  }
0x7b: {  	s23 =	simm.s32 $0xE000  }
0x7c: {  	[tilespmem:s23], [sflag:$0x1] =	stream.indirect_vreg.gather [hbm4b:s5+s18], $0x80, v5, vm0, $0xb8;
	[tilespmem:$0x10080] =	vst v63  }
0x7d: {  	s24 =	simm.s32 $0xE800  }
0x7e: {  	[tilespmem:s24], [sflag:$0x1] =	stream.indirect_vreg.gather [hbm4b:s5+s18], $0x80, v4, vm0, $0xb8;
	[tilespmem:$0x10080] =	vst v63  }
0x7f: {  	v4 =	vld [tilespmem:$0x10070];
	_ =	sdelay $0x4  }
0x80: {  	v5 =	vshll.u32 v4, $0x1  }
0x81: {  	v4 =	vand.u32 $0x7, v4;
	v5 =	vand.u32 $0xFFFFFFF0, v5  }
0x82: {  	v4 =	vor.u32 v4, v5  }
0x83: {  	v5 =	vperm.xlane v4, v1;
	_ =	sdelay $0x1  }
0x84: {  	v4 =	vperm.xlane v4, v3;
	v5 =	vadd.s32 v2, v5;
	_ =	sdelay $0x1  }
0x85: {  	v4 =	vadd.s32 v2, v4;
	_ =	sdelay $0x1  }
0x86: {  	s25 =	simm.s32 $0xF000  }
0x87: {  	[tilespmem:s25], [sflag:$0x1] =	stream.indirect_vreg.gather [hbm4b:s5+s18], $0x80, v5, vm0, $0xb8;
	[tilespmem:$0x10080] =	vst v63  }
0x88: {  	s20 =	simm.s32 $0xF800;
	s21 =	sand.u32 $0x70, s18  }
0x89: {  	[tilespmem:s20], [sflag:$0x1] =	stream.indirect_vreg.gather [hbm4b:s5+s18], $0x80, v4, vm0, $0xb8;
	[tilespmem:$0x10080] =	vst v63  }
0x8a: {  	s22 =	simm.s32 $0x0;
	s23 =	simm.s32 $0x0;
	s18 =	sand.u32 $0x400, s18  }
0x8b: {  	s20 =	sand.u32 $0x7800, s22;
	_ =	swait.ge [sflag:s26], $0x8000;
	s18 =	sor.u32 s18, s21  }
0x8c: {  	s24 =	sand.u32 $0x380, s23;
	[sflag:s26] =	ssyncset.done $0x0;
	s18 =	sor.u32 s20, s18  }
0x8d: {  	[sflag:s26] =	ssyncadd.s32 $0xFFFF8000;
	s18 =	sor.u32 s24, s18  }
0x8e: {  	v4 =	vld [tilespmem:s18+$0x8000]  }
0x8f: {  	v5 =	vld [tilespmem:s18+$0x0];
	_ =	sdelay $0x1  }
0x90: {  	s19 =	simm.s32 $0x10;
	s23 =	simm.s32 $0x10;
	s20 =	simm.s32 $0x80  }
0x91: {  	s23 =	sand.u32 $0x7800, s23;
	s25 =	sand.u32 $0x70, s19;
	s24 =	sand.u32 $0x400, s20  }
0x92: {  	s22 =	simm.s32 $0x8;
	s21 =	simm.s32 $0x2;
	s24 =	sor.u32 s24, s25  }
.LBB2_7:
0x93: {  	p0 =	sne.s32 s21, $0x7FF;
	s22 =	sand.u32 $0x380, s22;
	s23 =	sor.u32 s23, s24;
	v5 =	vadd.f32 v4, v5  }
0x94: {  	s22 =	sor.u32 s22, s23  }
0x95: {  	v4 =	vld [tilespmem:s22+$0x8000];
	[tilespmem:s18+$0x0] =	vst v5;
	s18 =	smov.u32 s22  }
.Ltmp2:
0x96: {  	v5 =	vld [tilespmem:s18+$0x0];
	(pc) =	sbr.rel @p0 .LBB2_7-.Ltmp2, $4  }
0x97: {  	_ = 	snop  }
0x98: {  	s19 =	sadd.s32 $0x10, s19;
	s20 =	sadd.s32 $0x80, s20;
	s22 =	sshll.u32 s21, $0x3  }
0x99: {  	s24 =	sand.u32 $0x70, s19;
	s23 =	sshll.u32 s21, $0x4;
	s25 =	sand.u32 $0x400, s20  }
0x9a: {  	s23 =	sand.u32 $0x7800, s23;
	s24 =	sor.u32 s25, s24;
	s21 =	sadd.s32 $0x1, s21  }
0x9b: {  	s19 =	sand.u32 $0x380, s22;
	s20 =	sor.u32 s23, s24;
	v4 =	vadd.f32 v4, v5  }
0x9c: {  	s19 =	sor.u32 s19, s20  }
0x9d: {  	v5 =	vld [tilespmem:s19+$0x8000];
	[tilespmem:s18+$0x0] =	vst v4  }
0x9e: {  	v4 =	vld [tilespmem:s19+$0x0];
	_ =	sdelay $0x4  }
0x9f: {  	v4 =	vadd.f32 v5, v4;
	_ =	sdelay $0x1  }
0xa0: {  	[tilespmem:s19+$0x0] =	vst v4  }
0xa1: {  	v4 =	vld [tilespmem:$0x10000];
	_ =	sdelay $0x4  }
0xa2: {  	v5 =	vshll.u32 v4, $0x1  }
0xa3: {  	v4 =	vand.u32 $0x7, v4;
	v5 =	vand.u32 $0xFFFFFFF0, v5  }
0xa4: {  	v4 =	vor.u32 v4, v5  }
0xa5: {  	v5 =	vperm.xlane v4, v1;
	_ =	sdelay $0x1  }
0xa6: {  	v4 =	vperm.xlane v4, v3;
	v5 =	vadd.s32 v2, v5;
	_ =	sdelay $0x1  }
0xa7: {  	v4 =	vadd.s32 v2, v4;
	_ =	sdelay $0x2  }
0xa8: {  	[hbm4b:s5+s2] =	stream.indirect_vreg.scatter [tilespmem:s2], [sflag:$0x2], $0x80, v5, vm0, $0xb8;
	[tilespmem:$0x10080] =	vst v63  }
0xa9: {  	_ = 	snop  }
0xaa: {  	[hbm4b:s5+s2] =	stream.indirect_vreg.scatter [tilespmem:s28], [sflag:$0x2], $0x80, v4, vm0, $0xb8;
	[tilespmem:$0x10080] =	vst v63  }
0xab: {  	v4 =	vld [tilespmem:$0x10010];
	_ =	sdelay $0x4  }
0xac: {  	v5 =	vshll.u32 v4, $0x1  }
0xad: {  	v4 =	vand.u32 $0x7, v4;
	v5 =	vand.u32 $0xFFFFFFF0, v5  }
0xae: {  	v4 =	vor.u32 v4, v5  }
0xaf: {  	v5 =	vperm.xlane v4, v1;
	_ =	sdelay $0x1  }
0xb0: {  	v4 =	vperm.xlane v4, v3;
	v5 =	vadd.s32 v2, v5;
	_ =	sdelay $0x1  }
0xb1: {  	v4 =	vadd.s32 v2, v4;
	_ =	sdelay $0x2  }
0xb2: {  	[hbm4b:s5+s2] =	stream.indirect_vreg.scatter [tilespmem:s29], [sflag:$0x2], $0x80, v5, vm0, $0xb8;
	[tilespmem:$0x10080] =	vst v63  }
0xb3: {  	_ = 	snop  }
0xb4: {  	[hbm4b:s5+s2] =	stream.indirect_vreg.scatter [tilespmem:s30], [sflag:$0x2], $0x80, v4, vm0, $0xb8;
	[tilespmem:$0x10080] =	vst v63  }
0xb5: {  	v4 =	vld [tilespmem:$0x10020];
	_ =	sdelay $0x4  }
0xb6: {  	v5 =	vshll.u32 v4, $0x1  }
0xb7: {  	v4 =	vand.u32 $0x7, v4;
	v5 =	vand.u32 $0xFFFFFFF0, v5  }
0xb8: {  	v4 =	vor.u32 v4, v5  }
0xb9: {  	v5 =	vperm.xlane v4, v1;
	_ =	sdelay $0x1  }
0xba: {  	v4 =	vperm.xlane v4, v3;
	v5 =	vadd.s32 v2, v5;
	_ =	sdelay $0x1  }
0xbb: {  	v4 =	vadd.s32 v2, v4;
	_ =	sdelay $0x2  }
0xbc: {  	[hbm4b:s5+s2] =	stream.indirect_vreg.scatter [tilespmem:s31], [sflag:$0x2], $0x80, v5, vm0, $0xb8;
	[tilespmem:$0x10080] =	vst v63  }
0xbd: {  	_ = 	snop  }
0xbe: {  	[hbm4b:s5+s2] =	stream.indirect_vreg.scatter [tilespmem:s1], [sflag:$0x2], $0x80, v4, vm0, $0xb8;
	[tilespmem:$0x10080] =	vst v63  }
0xbf: {  	v4 =	vld [tilespmem:$0x10030];
	_ =	sdelay $0x4  }
0xc0: {  	v5 =	vshll.u32 v4, $0x1  }
0xc1: {  	v4 =	vand.u32 $0x7, v4;
	v5 =	vand.u32 $0xFFFFFFF0, v5  }
0xc2: {  	v4 =	vor.u32 v4, v5  }
0xc3: {  	v5 =	vperm.xlane v4, v1;
	_ =	sdelay $0x1  }
0xc4: {  	v4 =	vperm.xlane v4, v3;
	v5 =	vadd.s32 v2, v5;
	_ =	sdelay $0x1  }
0xc5: {  	v4 =	vadd.s32 v2, v4;
	_ =	sdelay $0x2  }
0xc6: {  	[hbm4b:s5+s2] =	stream.indirect_vreg.scatter [tilespmem:s0], [sflag:$0x2], $0x80, v5, vm0, $0xb8;
	[tilespmem:$0x10080] =	vst v63  }
0xc7: {  	_ = 	snop  }
0xc8: {  	[hbm4b:s5+s2] =	stream.indirect_vreg.scatter [tilespmem:s7], [sflag:$0x2], $0x80, v4, vm0, $0xb8;
	[tilespmem:$0x10080] =	vst v63  }
0xc9: {  	v4 =	vld [tilespmem:$0x10040];
	_ =	sdelay $0x4  }
0xca: {  	v5 =	vshll.u32 v4, $0x1  }
0xcb: {  	v4 =	vand.u32 $0x7, v4;
	v5 =	vand.u32 $0xFFFFFFF0, v5  }
0xcc: {  	v4 =	vor.u32 v4, v5  }
0xcd: {  	v5 =	vperm.xlane v4, v1;
	_ =	sdelay $0x1  }
0xce: {  	v4 =	vperm.xlane v4, v3;
	v5 =	vadd.s32 v2, v5;
	_ =	sdelay $0x1  }
0xcf: {  	v4 =	vadd.s32 v2, v4;
	_ =	sdelay $0x2  }
0xd0: {  	[hbm4b:s5+s2] =	stream.indirect_vreg.scatter [tilespmem:s9], [sflag:$0x2], $0x80, v5, vm0, $0xb8;
	[tilespmem:$0x10080] =	vst v63  }
0xd1: {  	_ = 	snop  }
0xd2: {  	[hbm4b:s5+s2] =	stream.indirect_vreg.scatter [tilespmem:s10], [sflag:$0x2], $0x80, v4, vm0, $0xb8;
	[tilespmem:$0x10080] =	vst v63  }
0xd3: {  	v4 =	vld [tilespmem:$0x10050];
	_ =	sdelay $0x4  }
0xd4: {  	v5 =	vshll.u32 v4, $0x1  }
0xd5: {  	v4 =	vand.u32 $0x7, v4;
	v5 =	vand.u32 $0xFFFFFFF0, v5  }
0xd6: {  	v4 =	vor.u32 v4, v5  }
0xd7: {  	v5 =	vperm.xlane v4, v1;
	_ =	sdelay $0x1  }
0xd8: {  	v4 =	vperm.xlane v4, v3;
	v5 =	vadd.s32 v2, v5;
	_ =	sdelay $0x1  }
0xd9: {  	v4 =	vadd.s32 v2, v4;
	_ =	sdelay $0x2  }
0xda: {  	[hbm4b:s5+s2] =	stream.indirect_vreg.scatter [tilespmem:s11], [sflag:$0x2], $0x80, v5, vm0, $0xb8;
	[tilespmem:$0x10080] =	vst v63  }
0xdb: {  	_ = 	snop  }
0xdc: {  	[hbm4b:s5+s2] =	stream.indirect_vreg.scatter [tilespmem:s12], [sflag:$0x2], $0x80, v4, vm0, $0xb8;
	[tilespmem:$0x10080] =	vst v63  }
0xdd: {  	v4 =	vld [tilespmem:$0x10060];
	_ =	sdelay $0x4  }
0xde: {  	v5 =	vshll.u32 v4, $0x1  }
0xdf: {  	v4 =	vand.u32 $0x7, v4;
	v5 =	vand.u32 $0xFFFFFFF0, v5  }
0xe0: {  	v4 =	vor.u32 v4, v5  }
0xe1: {  	v5 =	vperm.xlane v4, v1;
	_ =	sdelay $0x1  }
0xe2: {  	v4 =	vperm.xlane v4, v3;
	v5 =	vadd.s32 v2, v5;
	_ =	sdelay $0x1  }
0xe3: {  	v4 =	vadd.s32 v2, v4;
	_ =	sdelay $0x2  }
0xe4: {  	[hbm4b:s5+s2] =	stream.indirect_vreg.scatter [tilespmem:s13], [sflag:$0x2], $0x80, v5, vm0, $0xb8;
	[tilespmem:$0x10080] =	vst v63  }
0xe5: {  	_ = 	snop  }
0xe6: {  	[hbm4b:s5+s2] =	stream.indirect_vreg.scatter [tilespmem:s14], [sflag:$0x2], $0x80, v4, vm0, $0xb8;
	[tilespmem:$0x10080] =	vst v63  }
0xe7: {  	v4 =	vld [tilespmem:$0x10070];
	_ =	sdelay $0x4  }
0xe8: {  	v5 =	vshll.u32 v4, $0x1  }
0xe9: {  	v4 =	vand.u32 $0x7, v4;
	v5 =	vand.u32 $0xFFFFFFF0, v5  }
0xea: {  	v4 =	vor.u32 v4, v5  }
0xeb: {  	v5 =	vperm.xlane v4, v1;
	_ =	sdelay $0x1  }
0xec: {  	v4 =	vperm.xlane v4, v3;
	v5 =	vadd.s32 v2, v5;
	_ =	sdelay $0x1  }
0xed: {  	v4 =	vadd.s32 v2, v4  }
0xee: {  	s17 =	sadd.s32 $0x1, s17  }
0xef: {  	p0 =	sne.s32 s17, $0x28  }
0xf0: {  	[hbm4b:s5+s2] =	stream.indirect_vreg.scatter [tilespmem:s15], [sflag:$0x2], $0x80, v5, vm0, $0xb8;
	[tilespmem:$0x10080] =	vst v63  }
.Ltmp3:
0xf1: {  	_ = 	snop;
	(pc) =	sbr.rel @p0 .LBB2_6-.Ltmp3, $4  }
0xf2: {  	[hbm4b:s5+s2] =	stream.indirect_vreg.scatter [tilespmem:s16], [sflag:$0x2], $0x80, v4, vm0, $0xb8;
	[tilespmem:$0x10080] =	vst v63  }
0xf3: {  	_ =	swait.ge [sflag:s8], $0x8000  }
0xf4: {  	[sflag:s8] =	ssyncset.done $0x0  }
0xf5: {  	[sflag:s8] =	ssyncadd.s32 $0xFFFF8000  }
0xf6: {  	s18 =	rddreg [dreg:$0x3]  }
0xf7: {  	s17 =	rddreg [dreg:$0x2];
	s18 =	sadd.s32 $0x1, s18  }
0xf8: {  	p0 =	sne.s32 s18, s17  }
.Ltmp4:
0xf9: {  	_ = 	snop;
	(pc) =	sbr.rel @p0 .LBB2_1-.Ltmp4, $1  }
0xfa: {  	_ =	sdelay $0x3  }
0xfb: {  	_ =	sfence.sel $0x180000  }
0xfc: {  	[bflag:$0x0] =	sbarrier.arrive $0xFFFF  }
0xfd: {  	_ =	strace $0x90000050  }
0xfe: {  	s0 =	stileid.u32;
	[bflag:$0x2] =	sbarrier.arrive $0xFFFF  }
0xff: {  	p0 =	sne.s32 s0, $0x0;
	s0 =	rddreg [dreg:$0x1]  }
0x100: {  	s0 =	sadd.s32 @!p0 $0x100000, s0  }
0x101: {  	[sflag:s0] =	ssyncadd.tile.s32 @!p0 $0x1;
	_ =	shalt  }
.Lfunc_end2:
_tile_overlayer_lowered:
.L_overlay_start_2:
0x102: {  	(tag) =	ssettag $0x2  }
0x103: {  	s0 =	rddreg [dreg:$0x0];
	s2 =	stileid.u32  }
0x104: {  	s1 =	rddreg [dreg:$0x1];
	p0 =	sne.s32 s2, $0x0  }
0x105: {  	s3 =	rddreg [dreg:$0x2];
	[bflag:$0x3] =	sbarrier.arrive $0xFFFF;
	s2 =	simm.s32 @!p0 $0x1C02  }
0x106: {  	[timem:s3], [sflag:s2] =	dma.local @!p0 [hbm:s0], s1  }
0x107: {  	s0 =	simm.s32 @!p0 $0x2  }
0x108: {  	_ =	swait.ge @!p0 [sflag:s0], s1  }
0x109: {  	s1 =	ssub.s32 @!p0 $0x0, s1;
	[sflag:s0] =	ssyncset.done @!p0 $0x0  }
0x10a: {  	[sflag:s0] =	ssyncadd.s32 @!p0 s1  }
0x10b: {  	[bflag:$0x3] =	sbarrier.arrive $0xFFFF  }
0x10c: {  	_ =	shalt  }

// kernel: kernel.32.cloned.1.call-start
scs
__scs_entry_jumppad:
0x0: {  	(pc) =	sbr.rel $0x88, $3  }
0x1: {  	(tag) =	ssettag $0x0;
	lr =	simm.s32 $0x1  }
0x2: {  	[smem:$0x3F42] =	sst lr;
	_ =	strace $0xD0000000  }
0x3: {  	_ = 	snop  }
0x4: {  	_ = 	snop  }
0x5: {  	_ = 	snop  }
0x6: {  	_ = 	snop  }
0x7: {  	_ = 	snop  }
__scs_overlays_trampoline_lowered:
0x8: {  	[smem:$0x3F51] =	sst s0  }
0x9: {  	[smem:$0x3F52] =	sst s1  }
0xa: {  	[smem:$0x3F53] =	sst s2  }
0xb: {  	[smem:$0x3F54] =	sst s3  }
0xc: {  	[smem:$0x3F55] =	sst s4  }
0xd: {  	[smem:$0x3F56] =	sst s5  }
0xe: {  	[smem:$0x3F57] =	sst s6  }
0xf: {  	[smem:$0x3F58] =	sst s7  }
0x10: {  	[smem:$0x3F59] =	sst s8  }
0x11: {  	[smem:$0x3F5A] =	sst s9;
	s0 =	simm.s32 @!p0 $0x0  }
0x12: {  	s1 =	sld [smem:$0x3F40];
	s0 =	simm.s32 @p0 $0x1  }
0x13: {  	[smem:$0x3F5B] =	sst s0;
	s0 =	simm.s32 @!p1 $0x0  }
0x14: {  	s2 =	sld [smem:$0x3F3F];
	s0 =	simm.s32 @p1 $0x1  }
0x15: {  	[smem:$0x3F5C] =	sst s0;
	s0 =	simm.s32 @!p2 $0x0  }
0x16: {  	s3 =	sld [smem:$0x3FDB];
	s0 =	simm.s32 @p2 $0x1  }
0x17: {  	s4 =	simm.s32 $0x1BF5;
	[smem:$0x3F5E] =	sst s0  }
0x18: {  	s0 =	sld [smem:$0x3F41];
	_ =	swait.ge [sflag:s4], $0x0  }
0x19: {  	s7 =	sld [smem:$0x3F42]  }
0x1a: {  	s8 =	sadd.s32 $0xFFFFE003, lr  }
0x1b: {  	s9 =	sadd.s32 $0xFFFFFEF7, lr;
	s5 =	simm.s32 $0xFFFFFFFF;
	p2 =	slt.u32 s8, $0xFFFFF086  }
0x1c: {  	p1 =	slt.u32 s9, $0xF7A;
	s5 =	simm.s32 @!p2 $0x0  }
0x1d: {  	s5 =	simm.s32 @p1 $0x1;
	p0 =	seq.s32 s7, s2  }
0x1e: {  	s7 =	smul.u32 @!p0 $0xF7A, s2;
	p2 =	seq.s32 @!p0 s5, $0x0  }
0x1f: {  	s9 =	smul.u32 $0xF7A, s1;
	s8 =	simm.s32 @!p0 $0x1BF5;
	p2 =	por !p2, p0  }
0x20: {  	[sflag:s8] =	ssyncset.s32 @!p0 $0xFFFFF086;
	s6 =	sadd.s32 @!p0 s3, s7;
	s7 =	simm.s32 @!p0 $0x108  }
0x21: {  	s3 =	sadd.s32 s3, s9;
	s6 =	sadd.s32 @!p0 $0x88, s6;
	s7 =	simm.s32 @p2 $0x1082  }
0x22: {  	[simem:s7], [sflag:s8] =	dma.local @!p0 [hbm:s6], $0xF7A  }
0x23: {  	s9 =	sor.u32 $0xD0000000, s2;
	s6 =	simm.s32 $0x108;
	_ =	swait.ge @!p0 [sflag:s8], $0x0  }
0x24: {  	s3 =	sadd.s32 $0x88, s3;
	s6 =	simm.s32 @!p1 $0x1082;
	[sflag:s4] =	ssyncset.s32 $0xFFFFF086  }
0x25: {  	[simem:s6], [sflag:s4] =	dma.local [hbm:s3], $0xF7A  }
0x26: {  	[smem:$0x3F42] =	sst s1;
	(tag) =	ssettag s2;
	_ =	strace s9  }
0x27: {  	s1 =	sld [smem:$0x3F52]  }
0x28: {  	s2 =	sld [smem:$0x3F53]  }
0x29: {  	s4 =	sld [smem:$0x3F55]  }
0x2a: {  	p0 =	seq.s32 s5, $0x0;
	s5 =	sld [smem:$0x3F56]  }
0x2b: {  	s6 =	sld [smem:$0x3F57]  }
0x2c: {  	s7 =	sld [smem:$0x3F58]  }
0x2d: {  	s3 =	simm.s32 $0x108;
	s8 =	sld [smem:$0x3F59]  }
0x2e: {  	s3 =	simm.s32 @!p0 $0x1082;
	s9 =	sld [smem:$0x3F5A]  }
0x2f: {  	lr =	sadd.s32 s0, s3;
	s0 =	sld [smem:$0x3F51]  }
0x30: {  	s3 =	sld [smem:$0x3F54]  }
0x31: {  	[smem:$0x3F5D] =	sst s10  }
0x32: {  	s10 =	sld [smem:$0x3F5B];
	_ =	sdelay $0x3  }
0x33: {  	p0 =	seq.s32 s10, $0x1;
	s10 =	sld [smem:$0x3F5D];
	_ =	sdelay $0x3  }
0x34: {  	[smem:$0x3F5D] =	sst s10  }
0x35: {  	s10 =	sld [smem:$0x3F5C];
	_ =	sdelay $0x3  }
0x36: {  	p1 =	seq.s32 s10, $0x1;
	s10 =	sld [smem:$0x3F5D];
	_ =	sdelay $0x3  }
0x37: {  	[smem:$0x3F5D] =	sst s10  }
0x38: {  	s10 =	sld [smem:$0x3F5E]  }
0x39: {  	_ = 	snop;
	(pc) =	sbr.ind lr, $3  }
0x3a: {  	_ = 	snop  }
0x3b: {  	_ = 	snop  }
0x3c: {  	p2 =	seq.s32 s10, $0x1;
	s10 =	sld [smem:$0x3F5D]  }
0x3d: {  	_ =	shalt  }
0x3e: {  	_ =	shalt  }
0x3f: {  	_ =	shalt  }
0x40: {  	_ =	shalt  }
0x41: {  	_ =	shalt  }
0x42: {  	_ =	shalt  }
0x43: {  	_ =	shalt  }
0x44: {  	_ =	shalt  }
0x45: {  	_ =	shalt  }
0x46: {  	_ =	shalt  }
0x47: {  	_ =	shalt  }
0x48: {  	_ =	shalt  }
0x49: {  	_ =	shalt  }
0x4a: {  	_ =	shalt  }
0x4b: {  	_ =	shalt  }
0x4c: {  	_ =	shalt  }
0x4d: {  	_ =	shalt  }
0x4e: {  	_ =	shalt  }
0x4f: {  	_ =	shalt  }
0x50: {  	_ =	shalt  }
0x51: {  	_ =	shalt  }
0x52: {  	_ =	shalt  }
0x53: {  	_ =	shalt  }
0x54: {  	_ =	shalt  }
0x55: {  	_ =	shalt  }
0x56: {  	_ =	shalt  }
0x57: {  	_ =	shalt  }
0x58: {  	_ =	shalt  }
0x59: {  	_ =	shalt  }
0x5a: {  	_ =	shalt  }
0x5b: {  	_ =	shalt  }
0x5c: {  	_ =	shalt  }
0x5d: {  	_ =	shalt  }
0x5e: {  	_ =	shalt  }
0x5f: {  	_ =	shalt  }
0x60: {  	_ =	shalt  }
0x61: {  	_ =	shalt  }
0x62: {  	_ =	shalt  }
0x63: {  	_ =	shalt  }
0x64: {  	_ =	shalt  }
0x65: {  	_ =	shalt  }
0x66: {  	_ =	shalt  }
0x67: {  	_ =	shalt  }
0x68: {  	_ =	shalt  }
0x69: {  	_ =	shalt  }
0x6a: {  	_ =	shalt  }
0x6b: {  	_ =	shalt  }
0x6c: {  	_ =	shalt  }
0x6d: {  	_ =	shalt  }
0x6e: {  	_ =	shalt  }
0x6f: {  	_ =	shalt  }
0x70: {  	_ =	shalt  }
0x71: {  	_ =	shalt  }
0x72: {  	_ =	shalt  }
0x73: {  	_ =	shalt  }
0x74: {  	_ =	shalt  }
0x75: {  	_ =	shalt  }
0x76: {  	_ =	shalt  }
0x77: {  	_ =	shalt  }
0x78: {  	_ =	shalt  }
0x79: {  	_ =	shalt  }
0x7a: {  	_ =	shalt  }
0x7b: {  	_ =	shalt  }
0x7c: {  	_ =	shalt  }
0x7d: {  	_ =	shalt  }
0x7e: {  	_ =	shalt  }
0x7f: {  	_ =	shalt  }
0x80: {  	_ =	shalt  }
0x81: {  	_ =	shalt  }
0x82: {  	_ =	shalt  }
0x83: {  	_ =	shalt  }
0x84: {  	_ =	shalt  }
0x85: {  	_ =	shalt  }
0x86: {  	_ =	shalt  }
0x87: {  	_ =	shalt  }
.Lfunc_end0:
.L_simem_size_0:
called_computation.4_lowered:
.L_overlay_start_0:
0x88: {  	s2 =	sld [smem:$0x3FD9]  }
0x89: {  	s3 =	sld [smem:$0x3FFE];
	_ =	sdelay $0x1  }
0x8a: {  	s1 =	srdreg.scid  }
0x8b: {  	s0 =	sand.u32 $0x1, s1  }
0x8c: {  	s17 =	sshll.u32 s0, $0xA;
	s2 =	sadd.s32 s3, s2  }
0x8d: {  	s2 =	sadd.s32 s2, s17  }
0x8e: {  	[smem:$0x3F69] =	sst s2  }
0x8f: {  	_ = 	snop  }
0x90: {  	s2 =	sld [smem:$0x3FD0];
	(tm) =	ssettm $0x1  }
0x91: {  	s18 =	sld [smem:$0x3FFB];
	_ =	sdelay $0x3  }
0x92: {  	_ =	strace s18  }
0x93: {  	s3 =	sld [smem:$0x3FFC];
	_ =	sdelay $0x3  }
0x94: {  	_ =	strace s3  }
0x95: {  	s3 =	sld [smem:$0x3FFD];
	_ =	sdelay $0x3  }
0x96: {  	_ =	strace s3  }
0x97: {  	_ =	strace $0x8FFFFFFF  }
0x98: {  	s19 =	sld [smem:$0x3FDB];
	_ =	sdelay $0x1  }
0x99: {  	s4 =	simm.s32 $_scs_section_size  }
0x9a: {  	s5 =	simm.s32 $_size__tile_overlayer_lowered;
	s6 =	simm.s32 $_tile_overlayer_lowered  }
0x9b: {  	s22 =	simm.s32 $0x1BFF;
	s21 =	sshll.u32 s6, $0x1;
	s3 =	sadd.s32 s4, s19  }
0x9c: {  	s7 =	simm.s32 $0x0;
	s20 =	sshll.u32 s5, $0x1;
	s5 =	sadd.s32 s21, s3  }
0x9d: {  	[timem:s7], [sflag:s22] =	dma.local [hbm:s5], s20  }
0x9e: {  	_ =	swait.ge [sflag:s22], s20  }
0x9f: {  	s4 =	ssub.s32 $0x0, s20;
	[sflag:s22] =	ssyncset.done $0x0  }
0xa0: {  	[sflag:s22] =	ssyncadd.s32 s4;
	_ =	sdelay $0x1  }
0xa1: {  	s23 =	simm.s32 $0x1B8B  }
0xa2: {  	_ =	swait.ge [sflag:s23], $0x1  }
0xa3: {  	[sflag:s23] =	ssyncset.done $0x0  }
0xa4: {  	s25 =	simm.s32 $0x1B8E;
	s24 =	sld [smem:$0x3FFE];
	[sflag:s23] =	ssyncadd.s32 $0xFFFFFFFF  }
0xa5: {  	s26 =	simm.s32 $execute0_lowered;
	[smem:$0x3FD2] =	sst s25  }
0xa6: {  	s5 =	sshll.u32 s26, $0x1;
	_ =	strace $0x80000052;
	[dreg:$0x1] =	wrdreg $0xFFFFFFFF  }
0xa7: {  	s28 =	simm.s32 $_size_execute0_lowered;
	s3 =	sadd.s32 s3, s5;
	[dreg:$0x0] =	wrdreg $0x0  }
0xa8: {  	s5 =	sshll.u32 s28, $0x1;
	[dreg:$0x2] =	wrdreg s3  }
0xa9: {  	[dreg:$0x3] =	wrdreg s5  }
0xaa: {  	[dreg:$0x4] =	wrdreg $0xC0  }
0xab: {  	_ =	task [dreg:s7], $0x5FFFF  }
0xac: {  	[dreg:$0x1] =	wrdreg $0xFFFFFFFF  }
0xad: {  	[dreg:$0x0] =	wrdreg $0x60  }
0xae: {  	[dreg:$0x2] =	wrdreg s24  }
0xaf: {  	[dreg:$0x3] =	wrdreg s2  }
0xb0: {  	[dreg:$0x4] =	wrdreg $0x9  }
0xb1: {  	_ =	task.clear_ibuf [dreg:s7], $0x5FFFF;
	_ =	strace $0x90000052  }
0xb2: {  	s29 =	simm.s32 $0x9;
	_ =	strace $0x80000054  }
0xb3: {  	_ =	swait.ge [sflag:s29], $0x1  }
0xb4: {  	[sflag:s29] =	ssyncadd.s32 $0xFFFFFFFF  }
0xb5: {  	_ =	strace $0x90000054  }
0xb6: {  	_ =	sfence  }
0xb7: {  	s30 =	sld [smem:$0x0];
	_ =	sdelay $0x2  }
0xb8: {  	s31 =	sshll.u32 s1, $0xD;
	s1 =	sshrl.u32 s1, $0x2  }
0xb9: {  	s3 =	sand.u32 $0x4000, s31;
	s1 =	sadd.s32 s1, s30  }
0xba: {  	s0 =	sor.u32 s3, s0;
	s1 =	sshll.u32 s1, $0x11  }
0xbb: {  	s0 =	sor.u32 s1, s0  }
0xbc: {  	s0 =	sadd.s32 $0x8F2B, s0  }
0xbd: {  	[sflag:s0] =	ssyncadd.remote.s32 $0x1  }
0xbe: {  	_ =	sfence.sel $0xFFFF  }
0xbf: {  	[dreg:$0x0] =	wrdreg $0xFFFFFFFF;
	(pc) =	sbr.abs _section_cstart, $3  }
0xc0: {  	[dreg:$0x1] =	wrdreg $0xFFFFFFFF  }
0xc1: {  	_ =	task.clear_ibuf [dreg:s7], $0x2FFFF;
	_ =	strace $0x9FFFFFFF  }
0xc2: {  	(tm) =	ssettm $0x7FFFFFFF  }
0xc3: {  	_ =	shalt  }
tec
execute0_lowered:
.L_overlay_start_1:
0x0: {  	(tag) =	ssettag $0x1  }
0x1: {  	s4 =	rddreg [dreg:$0x0]  }
0x2: {  	s5 =	rddreg [dreg:$0x1]  }
0x3: {  	s0 =	rddreg [dreg:$0x2]  }
0x4: {  	s2 =	simm.s32 $0x0;
	s1 =	stileid.u32;
	s3 =	srdreg.scid  }
0x5: {  	s12 =	simm.s32 $0x2080;
	s13 =	simm.s32 $0x2880;
	s14 =	simm.s32 $0x3080  }
0x6: {  	s15 =	simm.s32 $0x3880;
	s16 =	simm.s32 $0x4080;
	s17 =	simm.s32 $0x4880  }
0x7: {  	s18 =	simm.s32 $0x5080;
	s19 =	simm.s32 $0x5880;
	s20 =	simm.s32 $0x6080  }
0x8: {  	s21 =	simm.s32 $0x6880;
	s22 =	simm.s32 $0x7080;
	s23 =	simm.s32 $0x7880  }
0x9: {  	s24 =	simm.s32 $0x1;
	s25 =	simm.s32 $0x0;
	s6 =	smul.u32 $0xA0000, s1  }
0xa: {  	[smem:$0x7FF] =	sst s2;
	s7 =	sand.u32 $0x1, s3;
	s11 =	smul.u32 $0xA00, s1  }
0xb: {  	s3 =	sadd.s32 $0xA66A00, s4;
	s8 =	ssub.s32 $0x2, s7;
	s9 =	smul.u32 $0x50000, s7  }
0xc: {  	_ =	strace $0x80000053;
	s7 =	smul.u32 $0x500, s7;
	s10 =	sshrl.u32 s8, $0x1  }
0xd: {  	s6 =	sadd.s32 s6, s4;
	s31 =	sadd.s32 s11, s5;
	s11 =	simm.s32 $0x1880  }
0xe: {  	v2 =	vlaneseq.u32;
	s30 =	ssub.s32 s8, s10;
	s6 =	sadd.s32 s9, s6;
	s8 =	simm.s32 $0x80  }
0xf: {  	vm0 =	vmmov $0xffff;
	v1 =	vshrl.u32 v2, $0x3;
	s9 =	simm.s32 $0x880;
	s10 =	simm.s32 $0x1080;
	s4 =	smax.u32 s30, $0x1  }
0x10: {  	v0 =	vand.u32 $0x7, v2;
	v2 =	vor.u32 $0x8, v2;
	v1 =	vmul.u32 $0x8, v1;
	s5 =	sadd.s32 $0x11400, s6;
	s6 =	sadd.s32 s7, s31;
	s7 =	simm.s32 $0x2  }
.LBB2_1:
0x11: {  	s26 =	smov.u32 s5;
	s28 =	simm.s32 $0x0  }
.LBB2_2:
0x12: {  	s29 =	sadd.s32 s28, s6  }
0x13: {  	[tilespmem:s2], [sflag:$0x2] =	stream.linear.gather [hbm4b:s29+s2], $0x80, $0x38;
	[tilespmem:$0x8080] =	vst v63  }
0x14: {  	_ =	swait.ge [sflag:s7], $0x80  }
0x15: {  	[sflag:s7] =	ssyncset.done $0x0  }
0x16: {  	[sflag:s7] =	ssyncadd.s32 $0xFFFFFF80  }
0x17: {  	v3 =	vld [tilespmem:$0x0];
	_ =	sdelay $0x4  }
0x18: {  	v4 =	vshll.u32 v3, $0x1  }
0x19: {  	v3 =	vand.u32 $0x7, v3;
	v4 =	vand.u32 $0xFFFFFFF0, v4  }
0x1a: {  	v3 =	vor.u32 v3, v4  }
0x1b: {  	v4 =	vperm.xlane v3, v0;
	_ =	sdelay $0x1  }
0x1c: {  	v3 =	vperm.xlane v3, v2;
	v4 =	vadd.s32 v1, v4;
	_ =	sdelay $0x1  }
0x1d: {  	v3 =	vadd.s32 v1, v3;
	_ =	sdelay $0x2  }
0x1e: {  	[tilespmem:s8], [sflag:$0x1] =	stream.indirect_vreg.gather [hbm4b:s3+s2], $0x80, v4, vm0, $0xb8;
	[tilespmem:$0x8080] =	vst v63  }
0x1f: {  	_ = 	snop  }
0x20: {  	[tilespmem:s9], [sflag:$0x1] =	stream.indirect_vreg.gather [hbm4b:s3+s2], $0x80, v3, vm0, $0xb8;
	[tilespmem:$0x8080] =	vst v63  }
0x21: {  	v3 =	vld [tilespmem:$0x10];
	_ =	sdelay $0x4  }
0x22: {  	v57 =	vshll.u32 v3, $0x1  }
0x23: {  	v3 =	vand.u32 $0x7, v3;
	v4 =	vand.u32 $0xFFFFFFF0, v57  }
0x24: {  	v3 =	vor.u32 v3, v4  }
0x25: {  	v4 =	vperm.xlane v3, v0;
	_ =	sdelay $0x1  }
0x26: {  	v3 =	vperm.xlane v3, v2;
	v4 =	vadd.s32 v1, v4;
	_ =	sdelay $0x1  }
0x27: {  	v3 =	vadd.s32 v1, v3;
	_ =	sdelay $0x2  }
0x28: {  	[tilespmem:s10], [sflag:$0x1] =	stream.indirect_vreg.gather [hbm4b:s3+s2], $0x80, v4, vm0, $0xb8;
	[tilespmem:$0x8080] =	vst v63  }
0x29: {  	_ = 	snop  }
0x2a: {  	[tilespmem:s11], [sflag:$0x1] =	stream.indirect_vreg.gather [hbm4b:s3+s2], $0x80, v3, vm0, $0xb8;
	[tilespmem:$0x8080] =	vst v63  }
0x2b: {  	v3 =	vld [tilespmem:$0x20];
	_ =	sdelay $0x4  }
0x2c: {  	v58 =	vshll.u32 v3, $0x1  }
0x2d: {  	v3 =	vand.u32 $0x7, v3;
	v4 =	vand.u32 $0xFFFFFFF0, v58  }
0x2e: {  	v3 =	vor.u32 v3, v4  }
0x2f: {  	v4 =	vperm.xlane v3, v0;
	_ =	sdelay $0x1  }
0x30: {  	v3 =	vperm.xlane v3, v2;
	v4 =	vadd.s32 v1, v4;
	_ =	sdelay $0x1  }
0x31: {  	v3 =	vadd.s32 v1, v3;
	_ =	sdelay $0x2  }
0x32: {  	[tilespmem:s12], [sflag:$0x1] =	stream.indirect_vreg.gather [hbm4b:s3+s2], $0x80, v4, vm0, $0xb8;
	[tilespmem:$0x8080] =	vst v63  }
0x33: {  	_ = 	snop  }
0x34: {  	[tilespmem:s13], [sflag:$0x1] =	stream.indirect_vreg.gather [hbm4b:s3+s2], $0x80, v3, vm0, $0xb8;
	[tilespmem:$0x8080] =	vst v63  }
0x35: {  	v3 =	vld [tilespmem:$0x30];
	_ =	sdelay $0x4  }
0x36: {  	v59 =	vshll.u32 v3, $0x1  }
0x37: {  	v3 =	vand.u32 $0x7, v3;
	v4 =	vand.u32 $0xFFFFFFF0, v59  }
0x38: {  	v3 =	vor.u32 v3, v4  }
0x39: {  	v4 =	vperm.xlane v3, v0;
	_ =	sdelay $0x1  }
0x3a: {  	v3 =	vperm.xlane v3, v2;
	v4 =	vadd.s32 v1, v4;
	_ =	sdelay $0x1  }
0x3b: {  	v3 =	vadd.s32 v1, v3;
	_ =	sdelay $0x2  }
0x3c: {  	[tilespmem:s14], [sflag:$0x1] =	stream.indirect_vreg.gather [hbm4b:s3+s2], $0x80, v4, vm0, $0xb8;
	[tilespmem:$0x8080] =	vst v63  }
0x3d: {  	_ = 	snop  }
0x3e: {  	[tilespmem:s15], [sflag:$0x1] =	stream.indirect_vreg.gather [hbm4b:s3+s2], $0x80, v3, vm0, $0xb8;
	[tilespmem:$0x8080] =	vst v63  }
0x3f: {  	v3 =	vld [tilespmem:$0x40];
	_ =	sdelay $0x4  }
0x40: {  	v60 =	vshll.u32 v3, $0x1  }
0x41: {  	v3 =	vand.u32 $0x7, v3;
	v4 =	vand.u32 $0xFFFFFFF0, v60  }
0x42: {  	v3 =	vor.u32 v3, v4  }
0x43: {  	v4 =	vperm.xlane v3, v0;
	_ =	sdelay $0x1  }
0x44: {  	v3 =	vperm.xlane v3, v2;
	v4 =	vadd.s32 v1, v4;
	_ =	sdelay $0x1  }
0x45: {  	v3 =	vadd.s32 v1, v3;
	_ =	sdelay $0x2  }
0x46: {  	[tilespmem:s16], [sflag:$0x1] =	stream.indirect_vreg.gather [hbm4b:s3+s2], $0x80, v4, vm0, $0xb8;
	[tilespmem:$0x8080] =	vst v63  }
0x47: {  	_ = 	snop  }
0x48: {  	[tilespmem:s17], [sflag:$0x1] =	stream.indirect_vreg.gather [hbm4b:s3+s2], $0x80, v3, vm0, $0xb8;
	[tilespmem:$0x8080] =	vst v63  }
0x49: {  	v3 =	vld [tilespmem:$0x50];
	_ =	sdelay $0x4  }
0x4a: {  	v61 =	vshll.u32 v3, $0x1  }
0x4b: {  	v3 =	vand.u32 $0x7, v3;
	v4 =	vand.u32 $0xFFFFFFF0, v61  }
0x4c: {  	v3 =	vor.u32 v3, v4  }
0x4d: {  	v4 =	vperm.xlane v3, v0;
	_ =	sdelay $0x1  }
0x4e: {  	v3 =	vperm.xlane v3, v2;
	v4 =	vadd.s32 v1, v4;
	_ =	sdelay $0x1  }
0x4f: {  	v3 =	vadd.s32 v1, v3;
	_ =	sdelay $0x2  }
0x50: {  	[tilespmem:s18], [sflag:$0x1] =	stream.indirect_vreg.gather [hbm4b:s3+s2], $0x80, v4, vm0, $0xb8;
	[tilespmem:$0x8080] =	vst v63  }
0x51: {  	_ = 	snop  }
0x52: {  	[tilespmem:s19], [sflag:$0x1] =	stream.indirect_vreg.gather [hbm4b:s3+s2], $0x80, v3, vm0, $0xb8;
	[tilespmem:$0x8080] =	vst v63  }
0x53: {  	v3 =	vld [tilespmem:$0x60];
	_ =	sdelay $0x4  }
0x54: {  	v62 =	vshll.u32 v3, $0x1  }
0x55: {  	v3 =	vand.u32 $0x7, v3;
	v4 =	vand.u32 $0xFFFFFFF0, v62  }
0x56: {  	v3 =	vor.u32 v3, v4  }
0x57: {  	v4 =	vperm.xlane v3, v0;
	_ =	sdelay $0x1  }
0x58: {  	v3 =	vperm.xlane v3, v2;
	v4 =	vadd.s32 v1, v4;
	_ =	sdelay $0x1  }
0x59: {  	v3 =	vadd.s32 v1, v3;
	_ =	sdelay $0x2  }
0x5a: {  	[tilespmem:s20], [sflag:$0x1] =	stream.indirect_vreg.gather [hbm4b:s3+s2], $0x80, v4, vm0, $0xb8;
	[tilespmem:$0x8080] =	vst v63  }
0x5b: {  	_ = 	snop  }
0x5c: {  	[tilespmem:s21], [sflag:$0x1] =	stream.indirect_vreg.gather [hbm4b:s3+s2], $0x80, v3, vm0, $0xb8;
	[tilespmem:$0x8080] =	vst v63  }
0x5d: {  	v3 =	vld [tilespmem:$0x70];
	_ =	sdelay $0x4  }
0x5e: {  	v63 =	vshll.u32 v3, $0x1  }
0x5f: {  	v3 =	vand.u32 $0x7, v3;
	v4 =	vand.u32 $0xFFFFFFF0, v63  }
0x60: {  	v3 =	vor.u32 v3, v4  }
0x61: {  	v4 =	vperm.xlane v3, v0;
	_ =	sdelay $0x1  }
0x62: {  	v3 =	vperm.xlane v3, v2;
	v4 =	vadd.s32 v1, v4;
	_ =	sdelay $0x1  }
0x63: {  	v3 =	vadd.s32 v1, v3;
	_ =	sdelay $0x2  }
0x64: {  	[tilespmem:s22], [sflag:$0x1] =	stream.indirect_vreg.gather [hbm4b:s3+s2], $0x80, v4, vm0, $0xb8;
	[tilespmem:$0x8080] =	vst v63  }
0x65: {  	_ = 	snop  }
0x66: {  	[tilespmem:s23], [sflag:$0x1] =	stream.indirect_vreg.gather [hbm4b:s3+s2], $0x80, v3, vm0, $0xb8;
	[tilespmem:$0x8080] =	vst v63  }
0x67: {  	_ =	swait.ge [sflag:s24], $0x8000  }
0x68: {  	p0 =	sne.s32 s28, $0x4F0;
	[sflag:s24] =	ssyncset.done $0x0  }
.Ltmp0:
0x69: {  	[sflag:s24] =	ssyncadd.s32 $0xFFFF8000;
	(pc) =	sbr.rel @p0 .LBB2_2-.Ltmp0, $4  }
0x6a: {  	[hbm4b:s26+s2] =	stream.linear.scatter [tilespmem:s8], [sflag:$0x2], $0x8000, $0x38;
	[tilespmem:$0x8080] =	vst v63  }
0x6b: {  	_ =	swait.ge [sflag:s7], $0x8000  }
0x6c: {  	[sflag:s7] =	ssyncset.done $0x0  }
0x6d: {  	s28 =	sadd.s32 $0x10, s28;
	s26 =	sadd.s32 $0x1000, s26;
	[sflag:s7] =	ssyncadd.s32 $0xFFFF8000  }
0x6e: {  	s25 =	sadd.s32 $0x1, s25  }
0x6f: {  	p0 =	sne.s32 s25, s4  }
.Ltmp1:
0x70: {  	_ = 	snop;
	(pc) =	sbr.rel @p0 .LBB2_1-.Ltmp1, $1  }
0x71: {  	_ =	sdelay $0x3  }
0x72: {  	_ =	sfence.sel $0x180000  }
0x73: {  	[bflag:$0x0] =	sbarrier.arrive $0xFFFF  }
0x74: {  	p0 =	sne.s32 s1, $0x0;
	_ =	strace $0x90000053  }
0x75: {  	s0 =	sadd.s32 @!p0 $0x100000, s0;
	[bflag:$0x2] =	sbarrier.arrive $0xFFFF  }
0x76: {  	[sflag:s0] =	ssyncadd.tile.s32 @!p0 $0x1;
	_ =	shalt  }
.Lfunc_end2:
_tile_overlayer_lowered:
.L_overlay_start_2:
0x77: {  	(tag) =	ssettag $0x2  }
0x78: {  	s0 =	rddreg [dreg:$0x0];
	s2 =	stileid.u32  }
0x79: {  	s1 =	rddreg [dreg:$0x1];
	p0 =	sne.s32 s2, $0x0  }
0x7a: {  	s3 =	rddreg [dreg:$0x2];
	[bflag:$0x3] =	sbarrier.arrive $0xFFFF;
	s2 =	simm.s32 @!p0 $0x1C02  }
0x7b: {  	[timem:s3], [sflag:s2] =	dma.local @!p0 [hbm:s0], s1  }
0x7c: {  	s0 =	simm.s32 @!p0 $0x2  }
0x7d: {  	_ =	swait.ge @!p0 [sflag:s0], s1  }
0x7e: {  	s1 =	ssub.s32 @!p0 $0x0, s1;
	[sflag:s0] =	ssyncset.done @!p0 $0x0  }
0x7f: {  	[sflag:s0] =	ssyncadd.s32 @!p0 s1  }
0x80: {  	[bflag:$0x3] =	sbarrier.arrive $0xFFFF  }
0x81: {  	_ =	shalt  }

// kernel: kernel.35.cloned.1.call-start
scs
__scs_entry_jumppad:
0x0: {  	(pc) =	sbr.rel $0x88, $3  }
0x1: {  	(tag) =	ssettag $0x0;
	lr =	simm.s32 $0x1  }
0x2: {  	[smem:$0x3F42] =	sst lr;
	_ =	strace $0xD0000000  }
0x3: {  	_ = 	snop  }
0x4: {  	_ = 	snop  }
0x5: {  	_ = 	snop  }
0x6: {  	_ = 	snop  }
0x7: {  	_ = 	snop  }
__scs_overlays_trampoline_lowered:
0x8: {  	[smem:$0x3F51] =	sst s0  }
0x9: {  	[smem:$0x3F52] =	sst s1  }
0xa: {  	[smem:$0x3F53] =	sst s2  }
0xb: {  	[smem:$0x3F54] =	sst s3  }
0xc: {  	[smem:$0x3F55] =	sst s4  }
0xd: {  	[smem:$0x3F56] =	sst s5  }
0xe: {  	[smem:$0x3F57] =	sst s6  }
0xf: {  	[smem:$0x3F58] =	sst s7  }
0x10: {  	[smem:$0x3F59] =	sst s8  }
0x11: {  	[smem:$0x3F5A] =	sst s9;
	s0 =	simm.s32 @!p0 $0x0  }
0x12: {  	s1 =	sld [smem:$0x3F40];
	s0 =	simm.s32 @p0 $0x1  }
0x13: {  	[smem:$0x3F5B] =	sst s0;
	s0 =	simm.s32 @!p1 $0x0  }
0x14: {  	s2 =	sld [smem:$0x3F3F];
	s0 =	simm.s32 @p1 $0x1  }
0x15: {  	[smem:$0x3F5C] =	sst s0;
	s0 =	simm.s32 @!p2 $0x0  }
0x16: {  	s3 =	sld [smem:$0x3FDB];
	s0 =	simm.s32 @p2 $0x1  }
0x17: {  	s4 =	simm.s32 $0x1BF5;
	[smem:$0x3F5E] =	sst s0  }
0x18: {  	s0 =	sld [smem:$0x3F41];
	_ =	swait.ge [sflag:s4], $0x0  }
0x19: {  	s7 =	sld [smem:$0x3F42]  }
0x1a: {  	s8 =	sadd.s32 $0xFFFFE003, lr  }
0x1b: {  	s9 =	sadd.s32 $0xFFFFFEF7, lr;
	s5 =	simm.s32 $0xFFFFFFFF;
	p2 =	slt.u32 s8, $0xFFFFF086  }
0x1c: {  	p1 =	slt.u32 s9, $0xF7A;
	s5 =	simm.s32 @!p2 $0x0  }
0x1d: {  	s5 =	simm.s32 @p1 $0x1;
	p0 =	seq.s32 s7, s2  }
0x1e: {  	s7 =	smul.u32 @!p0 $0xF7A, s2;
	p2 =	seq.s32 @!p0 s5, $0x0  }
0x1f: {  	s9 =	smul.u32 $0xF7A, s1;
	s8 =	simm.s32 @!p0 $0x1BF5;
	p2 =	por !p2, p0  }
0x20: {  	[sflag:s8] =	ssyncset.s32 @!p0 $0xFFFFF086;
	s6 =	sadd.s32 @!p0 s3, s7;
	s7 =	simm.s32 @!p0 $0x108  }
0x21: {  	s3 =	sadd.s32 s3, s9;
	s6 =	sadd.s32 @!p0 $0x88, s6;
	s7 =	simm.s32 @p2 $0x1082  }
0x22: {  	[simem:s7], [sflag:s8] =	dma.local @!p0 [hbm:s6], $0xF7A  }
0x23: {  	s9 =	sor.u32 $0xD0000000, s2;
	s6 =	simm.s32 $0x108;
	_ =	swait.ge @!p0 [sflag:s8], $0x0  }
0x24: {  	s3 =	sadd.s32 $0x88, s3;
	s6 =	simm.s32 @!p1 $0x1082;
	[sflag:s4] =	ssyncset.s32 $0xFFFFF086  }
0x25: {  	[simem:s6], [sflag:s4] =	dma.local [hbm:s3], $0xF7A  }
0x26: {  	[smem:$0x3F42] =	sst s1;
	(tag) =	ssettag s2;
	_ =	strace s9  }
0x27: {  	s1 =	sld [smem:$0x3F52]  }
0x28: {  	s2 =	sld [smem:$0x3F53]  }
0x29: {  	s4 =	sld [smem:$0x3F55]  }
0x2a: {  	p0 =	seq.s32 s5, $0x0;
	s5 =	sld [smem:$0x3F56]  }
0x2b: {  	s6 =	sld [smem:$0x3F57]  }
0x2c: {  	s7 =	sld [smem:$0x3F58]  }
0x2d: {  	s3 =	simm.s32 $0x108;
	s8 =	sld [smem:$0x3F59]  }
0x2e: {  	s3 =	simm.s32 @!p0 $0x1082;
	s9 =	sld [smem:$0x3F5A]  }
0x2f: {  	lr =	sadd.s32 s0, s3;
	s0 =	sld [smem:$0x3F51]  }
0x30: {  	s3 =	sld [smem:$0x3F54]  }
0x31: {  	[smem:$0x3F5D] =	sst s10  }
0x32: {  	s10 =	sld [smem:$0x3F5B];
	_ =	sdelay $0x3  }
0x33: {  	p0 =	seq.s32 s10, $0x1;
	s10 =	sld [smem:$0x3F5D];
	_ =	sdelay $0x3  }
0x34: {  	[smem:$0x3F5D] =	sst s10  }
0x35: {  	s10 =	sld [smem:$0x3F5C];
	_ =	sdelay $0x3  }
0x36: {  	p1 =	seq.s32 s10, $0x1;
	s10 =	sld [smem:$0x3F5D];
	_ =	sdelay $0x3  }
0x37: {  	[smem:$0x3F5D] =	sst s10  }
0x38: {  	s10 =	sld [smem:$0x3F5E]  }
0x39: {  	_ = 	snop;
	(pc) =	sbr.ind lr, $3  }
0x3a: {  	_ = 	snop  }
0x3b: {  	_ = 	snop  }
0x3c: {  	p2 =	seq.s32 s10, $0x1;
	s10 =	sld [smem:$0x3F5D]  }
0x3d: {  	_ =	shalt  }
0x3e: {  	_ =	shalt  }
0x3f: {  	_ =	shalt  }
0x40: {  	_ =	shalt  }
0x41: {  	_ =	shalt  }
0x42: {  	_ =	shalt  }
0x43: {  	_ =	shalt  }
0x44: {  	_ =	shalt  }
0x45: {  	_ =	shalt  }
0x46: {  	_ =	shalt  }
0x47: {  	_ =	shalt  }
0x48: {  	_ =	shalt  }
0x49: {  	_ =	shalt  }
0x4a: {  	_ =	shalt  }
0x4b: {  	_ =	shalt  }
0x4c: {  	_ =	shalt  }
0x4d: {  	_ =	shalt  }
0x4e: {  	_ =	shalt  }
0x4f: {  	_ =	shalt  }
0x50: {  	_ =	shalt  }
0x51: {  	_ =	shalt  }
0x52: {  	_ =	shalt  }
0x53: {  	_ =	shalt  }
0x54: {  	_ =	shalt  }
0x55: {  	_ =	shalt  }
0x56: {  	_ =	shalt  }
0x57: {  	_ =	shalt  }
0x58: {  	_ =	shalt  }
0x59: {  	_ =	shalt  }
0x5a: {  	_ =	shalt  }
0x5b: {  	_ =	shalt  }
0x5c: {  	_ =	shalt  }
0x5d: {  	_ =	shalt  }
0x5e: {  	_ =	shalt  }
0x5f: {  	_ =	shalt  }
0x60: {  	_ =	shalt  }
0x61: {  	_ =	shalt  }
0x62: {  	_ =	shalt  }
0x63: {  	_ =	shalt  }
0x64: {  	_ =	shalt  }
0x65: {  	_ =	shalt  }
0x66: {  	_ =	shalt  }
0x67: {  	_ =	shalt  }
0x68: {  	_ =	shalt  }
0x69: {  	_ =	shalt  }
0x6a: {  	_ =	shalt  }
0x6b: {  	_ =	shalt  }
0x6c: {  	_ =	shalt  }
0x6d: {  	_ =	shalt  }
0x6e: {  	_ =	shalt  }
0x6f: {  	_ =	shalt  }
0x70: {  	_ =	shalt  }
0x71: {  	_ =	shalt  }
0x72: {  	_ =	shalt  }
0x73: {  	_ =	shalt  }
0x74: {  	_ =	shalt  }
0x75: {  	_ =	shalt  }
0x76: {  	_ =	shalt  }
0x77: {  	_ =	shalt  }
0x78: {  	_ =	shalt  }
0x79: {  	_ =	shalt  }
0x7a: {  	_ =	shalt  }
0x7b: {  	_ =	shalt  }
0x7c: {  	_ =	shalt  }
0x7d: {  	_ =	shalt  }
0x7e: {  	_ =	shalt  }
0x7f: {  	_ =	shalt  }
0x80: {  	_ =	shalt  }
0x81: {  	_ =	shalt  }
0x82: {  	_ =	shalt  }
0x83: {  	_ =	shalt  }
0x84: {  	_ =	shalt  }
0x85: {  	_ =	shalt  }
0x86: {  	_ =	shalt  }
0x87: {  	_ =	shalt  }
.Lfunc_end0:
.L_simem_size_0:
called_computation.5_lowered:
.L_overlay_start_0:
0x88: {  	s2 =	sld [smem:$0x3FD9]  }
0x89: {  	s3 =	sld [smem:$0x3FFE];
	_ =	sdelay $0x1  }
0x8a: {  	s1 =	srdreg.scid  }
0x8b: {  	s0 =	sand.u32 $0x1, s1  }
0x8c: {  	s17 =	sshll.u32 s0, $0xA;
	s2 =	sadd.s32 s3, s2  }
0x8d: {  	s2 =	sadd.s32 s2, s17  }
0x8e: {  	[smem:$0x3F69] =	sst s2  }
0x8f: {  	_ = 	snop  }
0x90: {  	s2 =	sld [smem:$0x3FD0];
	(tm) =	ssettm $0x1  }
0x91: {  	s18 =	sld [smem:$0x3FFB];
	_ =	sdelay $0x3  }
0x92: {  	_ =	strace s18  }
0x93: {  	s3 =	sld [smem:$0x3FFC];
	_ =	sdelay $0x3  }
0x94: {  	_ =	strace s3  }
0x95: {  	s3 =	sld [smem:$0x3FFD];
	_ =	sdelay $0x3  }
0x96: {  	_ =	strace s3  }
0x97: {  	_ =	strace $0x8FFFFFFF  }
0x98: {  	s19 =	sld [smem:$0x3FDB];
	_ =	sdelay $0x1  }
0x99: {  	s4 =	simm.s32 $_scs_section_size  }
0x9a: {  	s5 =	simm.s32 $_size__tile_overlayer_lowered;
	s6 =	simm.s32 $_tile_overlayer_lowered  }
0x9b: {  	s22 =	simm.s32 $0x1BFF;
	s21 =	sshll.u32 s6, $0x1;
	s3 =	sadd.s32 s4, s19  }
0x9c: {  	s7 =	simm.s32 $0x0;
	s20 =	sshll.u32 s5, $0x1;
	s5 =	sadd.s32 s21, s3  }
0x9d: {  	[timem:s7], [sflag:s22] =	dma.local [hbm:s5], s20  }
0x9e: {  	_ =	swait.ge [sflag:s22], s20  }
0x9f: {  	s4 =	ssub.s32 $0x0, s20;
	[sflag:s22] =	ssyncset.done $0x0  }
0xa0: {  	[sflag:s22] =	ssyncadd.s32 s4;
	_ =	sdelay $0x1  }
0xa1: {  	s23 =	simm.s32 $0x1B8B  }
0xa2: {  	_ =	swait.ge [sflag:s23], $0x1  }
0xa3: {  	[sflag:s23] =	ssyncset.done $0x0  }
0xa4: {  	s25 =	simm.s32 $0x1B8E;
	s24 =	sld [smem:$0x3FFE];
	[sflag:s23] =	ssyncadd.s32 $0xFFFFFFFF  }
0xa5: {  	s26 =	simm.s32 $execute0_lowered;
	[smem:$0x3FD2] =	sst s25  }
0xa6: {  	s5 =	sshll.u32 s26, $0x1;
	_ =	strace $0x80000055;
	[dreg:$0x1] =	wrdreg $0xFFFFFFFF  }
0xa7: {  	s28 =	simm.s32 $_size_execute0_lowered;
	s3 =	sadd.s32 s3, s5;
	[dreg:$0x0] =	wrdreg $0x0  }
0xa8: {  	s5 =	sshll.u32 s28, $0x1;
	[dreg:$0x2] =	wrdreg s3  }
0xa9: {  	[dreg:$0x3] =	wrdreg s5  }
0xaa: {  	[dreg:$0x4] =	wrdreg $0xC0  }
0xab: {  	_ =	task [dreg:s7], $0x5FFFF  }
0xac: {  	[dreg:$0x1] =	wrdreg $0xFFFFFFFF  }
0xad: {  	[dreg:$0x0] =	wrdreg $0x60  }
0xae: {  	[dreg:$0x2] =	wrdreg s24  }
0xaf: {  	[dreg:$0x3] =	wrdreg s2  }
0xb0: {  	[dreg:$0x4] =	wrdreg $0x9  }
0xb1: {  	_ =	task.clear_ibuf [dreg:s7], $0x5FFFF;
	_ =	strace $0x90000055  }
0xb2: {  	s29 =	simm.s32 $0x9;
	_ =	strace $0x80000057  }
0xb3: {  	_ =	swait.ge [sflag:s29], $0x1  }
0xb4: {  	[sflag:s29] =	ssyncadd.s32 $0xFFFFFFFF  }
0xb5: {  	_ =	strace $0x90000057  }
0xb6: {  	_ =	sfence  }
0xb7: {  	s30 =	sld [smem:$0x0];
	_ =	sdelay $0x2  }
0xb8: {  	s31 =	sshll.u32 s1, $0xD;
	s1 =	sshrl.u32 s1, $0x2  }
0xb9: {  	s3 =	sand.u32 $0x4000, s31;
	s1 =	sadd.s32 s1, s30  }
0xba: {  	s0 =	sor.u32 s3, s0;
	s1 =	sshll.u32 s1, $0x11  }
0xbb: {  	s0 =	sor.u32 s1, s0  }
0xbc: {  	s0 =	sadd.s32 $0x8F2B, s0  }
0xbd: {  	[sflag:s0] =	ssyncadd.remote.s32 $0x1  }
0xbe: {  	_ =	sfence.sel $0xFFFF  }
0xbf: {  	[dreg:$0x0] =	wrdreg $0xFFFFFFFF;
	(pc) =	sbr.abs _section_cstart, $3  }
0xc0: {  	[dreg:$0x1] =	wrdreg $0xFFFFFFFF  }
0xc1: {  	_ =	task.clear_ibuf [dreg:s7], $0x2FFFF;
	_ =	strace $0x9FFFFFFF  }
0xc2: {  	(tm) =	ssettm $0x7FFFFFFF  }
0xc3: {  	_ =	shalt  }
tec
execute0_lowered:
.L_overlay_start_1:
0x0: {  	(tag) =	ssettag $0x1  }
0x1: {  	s0 =	rddreg [dreg:$0x0];
	s1 =	srdreg.scid  }
0x2: {  	s2 =	stileid.u32;
	s3 =	simm.s32 $0x0;
	s8 =	simm.s32 $0x2  }
0x3: {  	s28 =	simm.s32 $0x800;
	s29 =	simm.s32 $0x1000;
	s30 =	simm.s32 $0x1800  }
0x4: {  	s31 =	simm.s32 $0x2000;
	s7 =	simm.s32 $0x3800;
	s9 =	simm.s32 $0x4800  }
0x5: {  	s10 =	simm.s32 $0x5000;
	s11 =	simm.s32 $0x5800;
	s12 =	simm.s32 $0x6000  }
0x6: {  	s13 =	simm.s32 $0x6800;
	s14 =	simm.s32 $0x7000;
	s15 =	simm.s32 $0x7800  }
0x7: {  	s17 =	simm.s32 $0x0;
	s1 =	sand.u32 $0x1, s1;
	s2 =	sshll.u32 s2, $0x1  }
0x8: {  	[smem:$0x7FF] =	sst s3;
	s4 =	sadd.s32 $0x11400, s0;
	s2 =	sor.u32 s1, s2  }
0x9: {  	_ =	strace $0x80000056;
	s1 =	ssub.s32 $0x2, s1;
	s5 =	smul.u32 $0x52000, s2  }
0xa: {  	s25 =	sshrl.u32 s1, $0x1;
	s6 =	smul.u32 $0x28, s2;
	s2 =	simm.s32 $0x4000  }
0xb: {  	v3 =	vlaneseq.u32;
	s1 =	ssub.s32 s1, s25;
	s25 =	simm.s32 $0xF800;
	s0 =	sadd.s32 s5, s0  }
0xc: {  	v0 =	vimm.f32 $0.0e+00;
	vm0 =	vmmov $0xffff;
	v2 =	vshrl.u32 v3, $0x3;
	s26 =	smax.u32 s1, $0x1;
	s1 =	simm.s32 $0x2800;
	s5 =	sadd.s32 $0xAB6A00, s0  }
0xd: {  	v1 =	vand.u32 $0x7, v3;
	v3 =	vor.u32 $0x8, v3;
	v2 =	vmul.u32 $0x8, v2;
	[dreg:$0x3] =	wrdreg s26;
	s26 =	simm.s32 $0x1;
	s0 =	simm.s32 $0x3000  }
.LBB2_1:
0xe: {  	s16 =	simm.s32 $0x0  }
0xf: {  	s23 =	sand.u32 $0x400, s3;
	s18 =	simm.s32 $0x0;
	s16 =	sand.u32 $0x7800, s16  }
0x10: {  	s18 =	sand.u32 $0x380, s18;
	s16 =	sor.u32 s23, s16  }
0x11: {  	s24 =	sand.u32 $0x70, s3;
	s16 =	sor.u32 s18, s16  }
0x12: {  	[dreg:$0x4] =	wrdreg s17;
	s16 =	sor.u32 s24, s16  }
0x13: {  	s17 =	simm.s32 $0x1;
	s19 =	simm.s32 $0x0;
	s18 =	simm.s32 $0x80;
	[tilespmem:s16+$0x0] =	vst v0  }
.LBB2_2:
0x14: {  	s16 =	sshll.u32 s17, $0x4;
	p0 =	sne.s32 s17, $0x7FF  }
0x15: {  	s20 =	smov.u32 s17;
	s17 =	sadd.s32 $0x1, s17;
	s21 =	sand.u32 $0x400, s18  }
.Ltmp0:
0x16: {  	s16 =	sand.u32 $0x7800, s16;
	s20 =	sshll.u32 s20, $0x3;
	(pc) =	sbr.rel @p0 .LBB2_2-.Ltmp0, $4  }
0x17: {  	s19 =	sadd.s32 $0x10, s19;
	s20 =	sand.u32 $0x380, s20;
	s16 =	sor.u32 s21, s16  }
0x18: {  	s21 =	sand.u32 $0x70, s19;
	s16 =	sor.u32 s20, s16  }
0x19: {  	s16 =	sor.u32 s21, s16  }
0x1a: {  	s18 =	sadd.s32 $0x80, s18;
	[tilespmem:s16+$0x0] =	vst v0;
	s16 =	simm.s32 $0x0  }
0x1b: {  	s17 =	sadd.s32 $0x0, s5  }
0x1c: {  	[hbm4b:s17+s16] =	stream.linear.scatter [tilespmem:s16], [sflag:$0x2], $0x8000, $0x38;
	[tilespmem:$0x10080] =	vst v63  }
0x1d: {  	_ =	swait.ge [sflag:s8], $0x8000  }
0x1e: {  	s17 =	simm.s32 $0x1000;
	[sflag:s8] =	ssyncset.done $0x0  }
.LBB2_4:
0x1f: {  	s18 =	sadd.s32 s17, s5;
	[sflag:s8] =	ssyncadd.s32 $0xFFFF8000;
	p0 =	sne.s32 s17, $0x4F000  }
0x20: {  	[hbm4b:s18+s16] =	stream.linear.scatter [tilespmem:s16], [sflag:$0x2], $0x8000, $0x38;
	[tilespmem:$0x10080] =	vst v63  }
.Ltmp1:
0x21: {  	_ = 	snop;
	(pc) =	sbr.rel @p0 .LBB2_4-.Ltmp1, $4  }
0x22: {  	_ = 	snop  }
0x23: {  	s17 =	sadd.s32 $0x1000, s17  }
0x24: {  	_ =	swait.ge [sflag:s8], $0x8000  }
0x25: {  	[sflag:s8] =	ssyncset.done $0x0  }
0x26: {  	[sflag:s8] =	ssyncadd.s32 $0xFFFF8000  }
.LBB2_6:
0x27: {  	s18 =	sadd.s32 s6, s16  }
0x28: {  	s19 =	rddreg [dreg:$0x1];
	s17 =	sshll.u32 s18, $0x4  }
0x29: {  	s20 =	simm.s32 $0x10000;
	s19 =	sadd.s32 s19, s17;
	s17 =	simm.s32 $0x0  }
0x2a: {  	[tilespmem:s20], [sflag:$0x2] =	stream.linear.gather [hbm4b:s19+s17], $0x80, $0x38;
	[tilespmem:$0x10080] =	vst v63  }
0x2b: {  	_ =	swait.ge [sflag:s8], $0x80  }
0x2c: {  	s18 =	sshll.u32 s18, $0xC;
	[sflag:s8] =	ssyncset.done $0x0  }
0x2d: {  	s18 =	sadd.s32 s4, s18;
	[sflag:s8] =	ssyncadd.s32 $0xFFFFFF80  }
0x2e: {  	[tilespmem:s17], [sflag:$0x2] =	stream.linear.gather [hbm4b:s18+s17], $0x8000, $0x38;
	[tilespmem:$0x10080] =	vst v63  }
0x2f: {  	_ =	swait.ge [sflag:s8], $0x8000  }
0x30: {  	[sflag:s8] =	ssyncset.done $0x0  }
0x31: {  	[sflag:s8] =	ssyncadd.s32 $0xFFFF8000  }
0x32: {  	v4 =	vld [tilespmem:$0x10000];
	_ =	sdelay $0x4  }
0x33: {  	v5 =	vshll.u32 v4, $0x1  }
0x34: {  	v4 =	vand.u32 $0x7, v4;
	v5 =	vand.u32 $0xFFFFFFF0, v5  }
0x35: {  	v4 =	vor.u32 v4, v5  }
0x36: {  	v5 =	vperm.xlane v4, v1;
	_ =	sdelay $0x1  }
0x37: {  	v4 =	vperm.xlane v4, v3;
	v5 =	vadd.s32 v2, v5;
	_ =	sdelay $0x1  }
0x38: {  	v4 =	vadd.s32 v2, v4;
	_ =	sdelay $0x1  }
0x39: {  	s23 =	simm.s32 $0x8000  }
0x3a: {  	[tilespmem:s23], [sflag:$0x1] =	stream.indirect_vreg.gather [hbm4b:s5+s17], $0x80, v5, vm0, $0xb8;
	[tilespmem:$0x10080] =	vst v63  }
0x3b: {  	s24 =	simm.s32 $0x8800  }
0x3c: {  	[tilespmem:s24], [sflag:$0x1] =	stream.indirect_vreg.gather [hbm4b:s5+s17], $0x80, v4, vm0, $0xb8;
	[tilespmem:$0x10080] =	vst v63  }
0x3d: {  	v4 =	vld [tilespmem:$0x10010];
	_ =	sdelay $0x4  }
0x3e: {  	v5 =	vshll.u32 v4, $0x1  }
0x3f: {  	v4 =	vand.u32 $0x7, v4;
	v5 =	vand.u32 $0xFFFFFFF0, v5  }
0x40: {  	v4 =	vor.u32 v4, v5  }
0x41: {  	v5 =	vperm.xlane v4, v1;
	_ =	sdelay $0x1  }
0x42: {  	v4 =	vperm.xlane v4, v3;
	v5 =	vadd.s32 v2, v5;
	_ =	sdelay $0x1  }
0x43: {  	v4 =	vadd.s32 v2, v4;
	_ =	sdelay $0x1  }
0x44: {  	s19 =	simm.s32 $0x9000  }
0x45: {  	[tilespmem:s19], [sflag:$0x1] =	stream.indirect_vreg.gather [hbm4b:s5+s17], $0x80, v5, vm0, $0xb8;
	[tilespmem:$0x10080] =	vst v63  }
0x46: {  	s20 =	simm.s32 $0x9800  }
0x47: {  	[tilespmem:s20], [sflag:$0x1] =	stream.indirect_vreg.gather [hbm4b:s5+s17], $0x80, v4, vm0, $0xb8;
	[tilespmem:$0x10080] =	vst v63  }
0x48: {  	v4 =	vld [tilespmem:$0x10020];
	_ =	sdelay $0x4  }
0x49: {  	v5 =	vshll.u32 v4, $0x1  }
0x4a: {  	v4 =	vand.u32 $0x7, v4;
	v5 =	vand.u32 $0xFFFFFFF0, v5  }
0x4b: {  	v4 =	vor.u32 v4, v5  }
0x4c: {  	v5 =	vperm.xlane v4, v1;
	_ =	sdelay $0x1  }
0x4d: {  	v4 =	vperm.xlane v4, v3;
	v5 =	vadd.s32 v2, v5;
	_ =	sdelay $0x1  }
0x4e: {  	v4 =	vadd.s32 v2, v4;
	_ =	sdelay $0x1  }
0x4f: {  	s21 =	simm.s32 $0xA000  }
0x50: {  	[tilespmem:s21], [sflag:$0x1] =	stream.indirect_vreg.gather [hbm4b:s5+s17], $0x80, v5, vm0, $0xb8;
	[tilespmem:$0x10080] =	vst v63  }
0x51: {  	s22 =	simm.s32 $0xA800  }
0x52: {  	[tilespmem:s22], [sflag:$0x1] =	stream.indirect_vreg.gather [hbm4b:s5+s17], $0x80, v4, vm0, $0xb8;
	[tilespmem:$0x10080] =	vst v63  }
0x53: {  	v4 =	vld [tilespmem:$0x10030];
	_ =	sdelay $0x4  }
0x54: {  	v5 =	vshll.u32 v4, $0x1  }
0x55: {  	v4 =	vand.u32 $0x7, v4;
	v5 =	vand.u32 $0xFFFFFFF0, v5  }
0x56: {  	v4 =	vor.u32 v4, v5  }
0x57: {  	v5 =	vperm.xlane v4, v1;
	_ =	sdelay $0x1  }
0x58: {  	v4 =	vperm.xlane v4, v3;
	v5 =	vadd.s32 v2, v5;
	_ =	sdelay $0x1  }
0x59: {  	v4 =	vadd.s32 v2, v4;
	_ =	sdelay $0x1  }
0x5a: {  	s23 =	simm.s32 $0xB000  }
0x5b: {  	[tilespmem:s23], [sflag:$0x1] =	stream.indirect_vreg.gather [hbm4b:s5+s17], $0x80, v5, vm0, $0xb8;
	[tilespmem:$0x10080] =	vst v63  }
0x5c: {  	s24 =	simm.s32 $0xB800  }
0x5d: {  	[tilespmem:s24], [sflag:$0x1] =	stream.indirect_vreg.gather [hbm4b:s5+s17], $0x80, v4, vm0, $0xb8;
	[tilespmem:$0x10080] =	vst v63  }
0x5e: {  	v4 =	vld [tilespmem:$0x10040];
	_ =	sdelay $0x4  }
0x5f: {  	v5 =	vshll.u32 v4, $0x1  }
0x60: {  	v4 =	vand.u32 $0x7, v4;
	v5 =	vand.u32 $0xFFFFFFF0, v5  }
0x61: {  	v4 =	vor.u32 v4, v5  }
0x62: {  	v5 =	vperm.xlane v4, v1;
	_ =	sdelay $0x1  }
0x63: {  	v4 =	vperm.xlane v4, v3;
	v5 =	vadd.s32 v2, v5;
	_ =	sdelay $0x1  }
0x64: {  	v4 =	vadd.s32 v2, v4;
	_ =	sdelay $0x1  }
0x65: {  	s19 =	simm.s32 $0xC000  }
0x66: {  	[tilespmem:s19], [sflag:$0x1] =	stream.indirect_vreg.gather [hbm4b:s5+s17], $0x80, v5, vm0, $0xb8;
	[tilespmem:$0x10080] =	vst v63  }
0x67: {  	s20 =	simm.s32 $0xC800  }
0x68: {  	[tilespmem:s20], [sflag:$0x1] =	stream.indirect_vreg.gather [hbm4b:s5+s17], $0x80, v4, vm0, $0xb8;
	[tilespmem:$0x10080] =	vst v63  }
0x69: {  	v4 =	vld [tilespmem:$0x10050];
	_ =	sdelay $0x4  }
0x6a: {  	v5 =	vshll.u32 v4, $0x1  }
0x6b: {  	v4 =	vand.u32 $0x7, v4;
	v5 =	vand.u32 $0xFFFFFFF0, v5  }
0x6c: {  	v4 =	vor.u32 v4, v5  }
0x6d: {  	v5 =	vperm.xlane v4, v1;
	_ =	sdelay $0x1  }
0x6e: {  	v4 =	vperm.xlane v4, v3;
	v5 =	vadd.s32 v2, v5;
	_ =	sdelay $0x1  }
0x6f: {  	v4 =	vadd.s32 v2, v4;
	_ =	sdelay $0x1  }
0x70: {  	s21 =	simm.s32 $0xD000  }
0x71: {  	[tilespmem:s21], [sflag:$0x1] =	stream.indirect_vreg.gather [hbm4b:s5+s17], $0x80, v5, vm0, $0xb8;
	[tilespmem:$0x10080] =	vst v63  }
0x72: {  	s22 =	simm.s32 $0xD800  }
0x73: {  	[tilespmem:s22], [sflag:$0x1] =	stream.indirect_vreg.gather [hbm4b:s5+s17], $0x80, v4, vm0, $0xb8;
	[tilespmem:$0x10080] =	vst v63  }
0x74: {  	v4 =	vld [tilespmem:$0x10060];
	_ =	sdelay $0x4  }
0x75: {  	v5 =	vshll.u32 v4, $0x1  }
0x76: {  	v4 =	vand.u32 $0x7, v4;
	v5 =	vand.u32 $0xFFFFFFF0, v5  }
0x77: {  	v4 =	vor.u32 v4, v5  }
0x78: {  	v5 =	vperm.xlane v4, v1;
	_ =	sdelay $0x1  }
0x79: {  	v4 =	vperm.xlane v4, v3;
	v5 =	vadd.s32 v2, v5;
	_ =	sdelay $0x1  }
0x7a: {  	v4 =	vadd.s32 v2, v4;
	_ =	sdelay $0x1  }
0x7b: {  	s23 =	simm.s32 $0xE000  }
0x7c: {  	[tilespmem:s23], [sflag:$0x1] =	stream.indirect_vreg.gather [hbm4b:s5+s17], $0x80, v5, vm0, $0xb8;
	[tilespmem:$0x10080] =	vst v63  }
0x7d: {  	s24 =	simm.s32 $0xE800  }
0x7e: {  	[tilespmem:s24], [sflag:$0x1] =	stream.indirect_vreg.gather [hbm4b:s5+s17], $0x80, v4, vm0, $0xb8;
	[tilespmem:$0x10080] =	vst v63  }
0x7f: {  	v4 =	vld [tilespmem:$0x10070];
	_ =	sdelay $0x4  }
0x80: {  	v5 =	vshll.u32 v4, $0x1  }
0x81: {  	v4 =	vand.u32 $0x7, v4;
	v5 =	vand.u32 $0xFFFFFFF0, v5  }
0x82: {  	v4 =	vor.u32 v4, v5  }
0x83: {  	v5 =	vperm.xlane v4, v1;
	_ =	sdelay $0x1  }
0x84: {  	v4 =	vperm.xlane v4, v3;
	v5 =	vadd.s32 v2, v5;
	_ =	sdelay $0x1  }
0x85: {  	v4 =	vadd.s32 v2, v4;
	_ =	sdelay $0x1  }
0x86: {  	s19 =	simm.s32 $0xF000  }
0x87: {  	[tilespmem:s19], [sflag:$0x1] =	stream.indirect_vreg.gather [hbm4b:s5+s17], $0x80, v5, vm0, $0xb8;
	[tilespmem:$0x10080] =	vst v63  }
0x88: {  	s20 =	sand.u32 $0x70, s17  }
0x89: {  	[tilespmem:s25], [sflag:$0x1] =	stream.indirect_vreg.gather [hbm4b:s5+s17], $0x80, v4, vm0, $0xb8;
	[tilespmem:$0x10080] =	vst v63  }
0x8a: {  	s21 =	simm.s32 $0x0;
	s22 =	simm.s32 $0x0;
	s17 =	sand.u32 $0x400, s17  }
0x8b: {  	s19 =	sand.u32 $0x7800, s21;
	_ =	swait.ge [sflag:s26], $0x8000;
	s17 =	sor.u32 s17, s20  }
0x8c: {  	s23 =	sand.u32 $0x380, s22;
	[sflag:s26] =	ssyncset.done $0x0;
	s17 =	sor.u32 s19, s17  }
0x8d: {  	[sflag:s26] =	ssyncadd.s32 $0xFFFF8000;
	s17 =	sor.u32 s23, s17  }
0x8e: {  	v4 =	vld [tilespmem:s17+$0x8000]  }
0x8f: {  	v5 =	vld [tilespmem:s17+$0x0];
	_ =	sdelay $0x1  }
0x90: {  	s18 =	simm.s32 $0x10;
	s22 =	simm.s32 $0x10;
	s19 =	simm.s32 $0x80  }
0x91: {  	s22 =	sand.u32 $0x7800, s22;
	s24 =	sand.u32 $0x70, s18;
	s23 =	sand.u32 $0x400, s19  }
0x92: {  	s21 =	simm.s32 $0x8;
	s20 =	simm.s32 $0x2;
	s23 =	sor.u32 s23, s24  }
.LBB2_7:
0x93: {  	p0 =	sne.s32 s20, $0x7FF;
	s21 =	sand.u32 $0x380, s21;
	s22 =	sor.u32 s22, s23;
	v5 =	vadd.f32 v4, v5  }
0x94: {  	s21 =	sor.u32 s21, s22  }
0x95: {  	v4 =	vld [tilespmem:s21+$0x8000];
	[tilespmem:s17+$0x0] =	vst v5;
	s17 =	smov.u32 s21  }
.Ltmp2:
0x96: {  	v5 =	vld [tilespmem:s17+$0x0];
	(pc) =	sbr.rel @p0 .LBB2_7-.Ltmp2, $4  }
0x97: {  	_ = 	snop  }
0x98: {  	s18 =	sadd.s32 $0x10, s18;
	s19 =	sadd.s32 $0x80, s19;
	s21 =	sshll.u32 s20, $0x3  }
0x99: {  	s23 =	sand.u32 $0x70, s18;
	s22 =	sshll.u32 s20, $0x4;
	s24 =	sand.u32 $0x400, s19  }
0x9a: {  	s22 =	sand.u32 $0x7800, s22;
	s23 =	sor.u32 s24, s23;
	s20 =	sadd.s32 $0x1, s20  }
0x9b: {  	s18 =	sand.u32 $0x380, s21;
	s19 =	sor.u32 s22, s23;
	v4 =	vadd.f32 v4, v5  }
0x9c: {  	s18 =	sor.u32 s18, s19  }
0x9d: {  	v5 =	vld [tilespmem:s18+$0x8000];
	[tilespmem:s17+$0x0] =	vst v4  }
0x9e: {  	v4 =	vld [tilespmem:s18+$0x0];
	_ =	sdelay $0x4  }
0x9f: {  	v4 =	vadd.f32 v5, v4;
	_ =	sdelay $0x1  }
0xa0: {  	[tilespmem:s18+$0x0] =	vst v4  }
0xa1: {  	v4 =	vld [tilespmem:$0x10000];
	_ =	sdelay $0x4  }
0xa2: {  	v5 =	vshll.u32 v4, $0x1  }
0xa3: {  	v4 =	vand.u32 $0x7, v4;
	v5 =	vand.u32 $0xFFFFFFF0, v5  }
0xa4: {  	v4 =	vor.u32 v4, v5  }
0xa5: {  	v5 =	vperm.xlane v4, v1;
	_ =	sdelay $0x1  }
0xa6: {  	v4 =	vperm.xlane v4, v3;
	v5 =	vadd.s32 v2, v5;
	_ =	sdelay $0x1  }
0xa7: {  	v4 =	vadd.s32 v2, v4;
	_ =	sdelay $0x2  }
0xa8: {  	[hbm4b:s5+s3] =	stream.indirect_vreg.scatter [tilespmem:s3], [sflag:$0x2], $0x80, v5, vm0, $0xb8;
	[tilespmem:$0x10080] =	vst v63  }
0xa9: {  	_ = 	snop  }
0xaa: {  	[hbm4b:s5+s3] =	stream.indirect_vreg.scatter [tilespmem:s28], [sflag:$0x2], $0x80, v4, vm0, $0xb8;
	[tilespmem:$0x10080] =	vst v63  }
0xab: {  	v4 =	vld [tilespmem:$0x10010];
	_ =	sdelay $0x4  }
0xac: {  	v5 =	vshll.u32 v4, $0x1  }
0xad: {  	v4 =	vand.u32 $0x7, v4;
	v5 =	vand.u32 $0xFFFFFFF0, v5  }
0xae: {  	v4 =	vor.u32 v4, v5  }
0xaf: {  	v5 =	vperm.xlane v4, v1;
	_ =	sdelay $0x1  }
0xb0: {  	v4 =	vperm.xlane v4, v3;
	v5 =	vadd.s32 v2, v5;
	_ =	sdelay $0x1  }
0xb1: {  	v4 =	vadd.s32 v2, v4;
	_ =	sdelay $0x2  }
0xb2: {  	[hbm4b:s5+s3] =	stream.indirect_vreg.scatter [tilespmem:s29], [sflag:$0x2], $0x80, v5, vm0, $0xb8;
	[tilespmem:$0x10080] =	vst v63  }
0xb3: {  	_ = 	snop  }
0xb4: {  	[hbm4b:s5+s3] =	stream.indirect_vreg.scatter [tilespmem:s30], [sflag:$0x2], $0x80, v4, vm0, $0xb8;
	[tilespmem:$0x10080] =	vst v63  }
0xb5: {  	v4 =	vld [tilespmem:$0x10020];
	_ =	sdelay $0x4  }
0xb6: {  	v5 =	vshll.u32 v4, $0x1  }
0xb7: {  	v4 =	vand.u32 $0x7, v4;
	v5 =	vand.u32 $0xFFFFFFF0, v5  }
0xb8: {  	v4 =	vor.u32 v4, v5  }
0xb9: {  	v5 =	vperm.xlane v4, v1;
	_ =	sdelay $0x1  }
0xba: {  	v4 =	vperm.xlane v4, v3;
	v5 =	vadd.s32 v2, v5;
	_ =	sdelay $0x1  }
0xbb: {  	v4 =	vadd.s32 v2, v4;
	_ =	sdelay $0x2  }
0xbc: {  	[hbm4b:s5+s3] =	stream.indirect_vreg.scatter [tilespmem:s31], [sflag:$0x2], $0x80, v5, vm0, $0xb8;
	[tilespmem:$0x10080] =	vst v63  }
0xbd: {  	_ = 	snop  }
0xbe: {  	[hbm4b:s5+s3] =	stream.indirect_vreg.scatter [tilespmem:s1], [sflag:$0x2], $0x80, v4, vm0, $0xb8;
	[tilespmem:$0x10080] =	vst v63  }
0xbf: {  	v4 =	vld [tilespmem:$0x10030];
	_ =	sdelay $0x4  }
0xc0: {  	v5 =	vshll.u32 v4, $0x1  }
0xc1: {  	v4 =	vand.u32 $0x7, v4;
	v5 =	vand.u32 $0xFFFFFFF0, v5  }
0xc2: {  	v4 =	vor.u32 v4, v5  }
0xc3: {  	v5 =	vperm.xlane v4, v1;
	_ =	sdelay $0x1  }
0xc4: {  	v4 =	vperm.xlane v4, v3;
	v5 =	vadd.s32 v2, v5;
	_ =	sdelay $0x1  }
0xc5: {  	v4 =	vadd.s32 v2, v4;
	_ =	sdelay $0x2  }
0xc6: {  	[hbm4b:s5+s3] =	stream.indirect_vreg.scatter [tilespmem:s0], [sflag:$0x2], $0x80, v5, vm0, $0xb8;
	[tilespmem:$0x10080] =	vst v63  }
0xc7: {  	_ = 	snop  }
0xc8: {  	[hbm4b:s5+s3] =	stream.indirect_vreg.scatter [tilespmem:s7], [sflag:$0x2], $0x80, v4, vm0, $0xb8;
	[tilespmem:$0x10080] =	vst v63  }
0xc9: {  	v4 =	vld [tilespmem:$0x10040];
	_ =	sdelay $0x4  }
0xca: {  	v5 =	vshll.u32 v4, $0x1  }
0xcb: {  	v4 =	vand.u32 $0x7, v4;
	v5 =	vand.u32 $0xFFFFFFF0, v5  }
0xcc: {  	v4 =	vor.u32 v4, v5  }
0xcd: {  	v5 =	vperm.xlane v4, v1;
	_ =	sdelay $0x1  }
0xce: {  	v4 =	vperm.xlane v4, v3;
	v5 =	vadd.s32 v2, v5;
	_ =	sdelay $0x1  }
0xcf: {  	v4 =	vadd.s32 v2, v4;
	_ =	sdelay $0x2  }
0xd0: {  	[hbm4b:s5+s3] =	stream.indirect_vreg.scatter [tilespmem:s2], [sflag:$0x2], $0x80, v5, vm0, $0xb8;
	[tilespmem:$0x10080] =	vst v63  }
0xd1: {  	_ = 	snop  }
0xd2: {  	[hbm4b:s5+s3] =	stream.indirect_vreg.scatter [tilespmem:s9], [sflag:$0x2], $0x80, v4, vm0, $0xb8;
	[tilespmem:$0x10080] =	vst v63  }
0xd3: {  	v4 =	vld [tilespmem:$0x10050];
	_ =	sdelay $0x4  }
0xd4: {  	v5 =	vshll.u32 v4, $0x1  }
0xd5: {  	v4 =	vand.u32 $0x7, v4;
	v5 =	vand.u32 $0xFFFFFFF0, v5  }
0xd6: {  	v4 =	vor.u32 v4, v5  }
0xd7: {  	v5 =	vperm.xlane v4, v1;
	_ =	sdelay $0x1  }
0xd8: {  	v4 =	vperm.xlane v4, v3;
	v5 =	vadd.s32 v2, v5;
	_ =	sdelay $0x1  }
0xd9: {  	v4 =	vadd.s32 v2, v4;
	_ =	sdelay $0x2  }
0xda: {  	[hbm4b:s5+s3] =	stream.indirect_vreg.scatter [tilespmem:s10], [sflag:$0x2], $0x80, v5, vm0, $0xb8;
	[tilespmem:$0x10080] =	vst v63  }
0xdb: {  	_ = 	snop  }
0xdc: {  	[hbm4b:s5+s3] =	stream.indirect_vreg.scatter [tilespmem:s11], [sflag:$0x2], $0x80, v4, vm0, $0xb8;
	[tilespmem:$0x10080] =	vst v63  }
0xdd: {  	v4 =	vld [tilespmem:$0x10060];
	_ =	sdelay $0x4  }
0xde: {  	v5 =	vshll.u32 v4, $0x1  }
0xdf: {  	v4 =	vand.u32 $0x7, v4;
	v5 =	vand.u32 $0xFFFFFFF0, v5  }
0xe0: {  	v4 =	vor.u32 v4, v5  }
0xe1: {  	v5 =	vperm.xlane v4, v1;
	_ =	sdelay $0x1  }
0xe2: {  	v4 =	vperm.xlane v4, v3;
	v5 =	vadd.s32 v2, v5;
	_ =	sdelay $0x1  }
0xe3: {  	v4 =	vadd.s32 v2, v4;
	_ =	sdelay $0x2  }
0xe4: {  	[hbm4b:s5+s3] =	stream.indirect_vreg.scatter [tilespmem:s12], [sflag:$0x2], $0x80, v5, vm0, $0xb8;
	[tilespmem:$0x10080] =	vst v63  }
0xe5: {  	_ = 	snop  }
0xe6: {  	[hbm4b:s5+s3] =	stream.indirect_vreg.scatter [tilespmem:s13], [sflag:$0x2], $0x80, v4, vm0, $0xb8;
	[tilespmem:$0x10080] =	vst v63  }
0xe7: {  	v4 =	vld [tilespmem:$0x10070];
	_ =	sdelay $0x4  }
0xe8: {  	v5 =	vshll.u32 v4, $0x1  }
0xe9: {  	v4 =	vand.u32 $0x7, v4;
	v5 =	vand.u32 $0xFFFFFFF0, v5  }
0xea: {  	v4 =	vor.u32 v4, v5  }
0xeb: {  	v5 =	vperm.xlane v4, v1;
	_ =	sdelay $0x1  }
0xec: {  	v4 =	vperm.xlane v4, v3;
	v5 =	vadd.s32 v2, v5;
	_ =	sdelay $0x1  }
0xed: {  	v4 =	vadd.s32 v2, v4  }
0xee: {  	s16 =	sadd.s32 $0x1, s16  }
0xef: {  	p0 =	sne.s32 s16, $0x28  }
0xf0: {  	[hbm4b:s5+s3] =	stream.indirect_vreg.scatter [tilespmem:s14], [sflag:$0x2], $0x80, v5, vm0, $0xb8;
	[tilespmem:$0x10080] =	vst v63  }
.Ltmp3:
0xf1: {  	_ = 	snop;
	(pc) =	sbr.rel @p0 .LBB2_6-.Ltmp3, $4  }
0xf2: {  	[hbm4b:s5+s3] =	stream.indirect_vreg.scatter [tilespmem:s15], [sflag:$0x2], $0x80, v4, vm0, $0xb8;
	[tilespmem:$0x10080] =	vst v63  }
0xf3: {  	_ =	swait.ge [sflag:s8], $0x8000  }
0xf4: {  	[sflag:s8] =	ssyncset.done $0x0  }
0xf5: {  	[sflag:s8] =	ssyncadd.s32 $0xFFFF8000  }
0xf6: {  	s17 =	rddreg [dreg:$0x4]  }
0xf7: {  	s16 =	rddreg [dreg:$0x3];
	s17 =	sadd.s32 $0x1, s17  }
0xf8: {  	p0 =	sne.s32 s17, s16  }
.Ltmp4:
0xf9: {  	_ = 	snop;
	(pc) =	sbr.rel @p0 .LBB2_1-.Ltmp4, $1  }
0xfa: {  	_ =	sdelay $0x3  }
0xfb: {  	_ =	sfence.sel $0x180000  }
0xfc: {  	[bflag:$0x0] =	sbarrier.arrive $0xFFFF  }
0xfd: {  	_ =	strace $0x90000056  }
0xfe: {  	s0 =	stileid.u32;
	[bflag:$0x2] =	sbarrier.arrive $0xFFFF  }
0xff: {  	p0 =	sne.s32 s0, $0x0;
	s0 =	rddreg [dreg:$0x2]  }
0x100: {  	s0 =	sadd.s32 @!p0 $0x100000, s0  }
0x101: {  	[sflag:s0] =	ssyncadd.tile.s32 @!p0 $0x1;
	_ =	shalt  }
.Lfunc_end2:
_tile_overlayer_lowered:
.L_overlay_start_2:
0x102: {  	(tag) =	ssettag $0x2  }
0x103: {  	s0 =	rddreg [dreg:$0x0];
	s2 =	stileid.u32  }
0x104: {  	s1 =	rddreg [dreg:$0x1];
	p0 =	sne.s32 s2, $0x0  }
0x105: {  	s3 =	rddreg [dreg:$0x2];
	[bflag:$0x3] =	sbarrier.arrive $0xFFFF;
	s2 =	simm.s32 @!p0 $0x1C02  }
0x106: {  	[timem:s3], [sflag:s2] =	dma.local @!p0 [hbm:s0], s1  }
0x107: {  	s0 =	simm.s32 @!p0 $0x2  }
0x108: {  	_ =	swait.ge @!p0 [sflag:s0], s1  }
0x109: {  	s1 =	ssub.s32 @!p0 $0x0, s1;
	[sflag:s0] =	ssyncset.done @!p0 $0x0  }
0x10a: {  	[sflag:s0] =	ssyncadd.s32 @!p0 s1  }
0x10b: {  	[bflag:$0x3] =	sbarrier.arrive $0xFFFF  }
0x10c: {  	_ =	shalt  }

</sc_bundles>
